<compile_context>
chip_gen: v7x
topology: tpu7x:2x2x1
jax: 0.10.2.dev20260603
libtpu: 0.0.44.dev20260713+nightly
codegen_flags: <defaults>
</compile_context>

<pallas_src>
import jax
import jax.numpy as jnp
from jax import lax
from jax.experimental import pallas as pl
from jax.experimental.pallas import tpu as pltpu
from jax.experimental.pallas import tpu_sc as plsc

N, C, H, W = 64, 128, 64, 64
FH, FW = 32, 32
NC, NS, L = 2, 16, 16
NW = NC * NS
HW = H * W
PIX_CAP = FH * FW
NCHUNK = PIX_CAP // 128
CK_ROWS = 256
CK_PER_IMG = HW // CK_ROWS
NBUF = 3
NG = N // L


def _lanes():
    return lax.iota(jnp.int32, L)


def _bcast(x):
    return lax.broadcast(jnp.int32(x) if isinstance(x, int) else x, (L,))


def _extract(vec, lane):
    return jnp.sum(jnp.where(_lanes() == lane, vec, jnp.int32(0)))


def _body(front_h, back_h, rois_h, out_h, rois_v, sidx, didx, rows_v,
          buf0, buf1, buf2, si0, si1, si2, so0, so1, so2, sem_g, sem_s):
    bufs = (buf0, buf1, buf2)
    isems = (si0, si1, si2)
    osems = (so0, so1, so2)
    wid = lax.axis_index("s") * NC + lax.axis_index("c")
    pltpu.sync_copy(rois_h, rois_v)
    lanes = _lanes()

    face, facei = [], []
    for g in range(NG):
        base = (lanes + g * L) * 4
        x1c = plsc.load_gather(rois_v, [base])
        x2c = plsc.load_gather(rois_v, [base + 2])
        f = (x1c != 0) | (x2c != 0)
        face.append(f)
        facei.append(jnp.where(f, jnp.int32(1), jnp.int32(0)))
    counts = [jnp.sum(fi) for fi in facei]
    nf_total = counts[0]
    for g in range(1, NG):
        nf_total = nf_total + counts[g]
    ranks = []
    cf = jnp.int32(0)
    cn = jnp.int32(0)
    for g in range(NG):
        exclf = plsc.cumsum(facei[g]) - facei[g]
        nfi = 1 - facei[g]
        excln = plsc.cumsum(nfi) - nfi
        ranks.append(jnp.where(face[g], cf + exclf, nf_total + cn + excln))
        cf = cf + counts[g]
        cn = cn + (L - counts[g])

    grp = (2 * wid) // L
    grpv = _bcast(grp)
    rank_sel = ranks[NG - 1]
    for g in range(NG - 2, -1, -1):
        rank_sel = jnp.where(grpv == g, ranks[g], rank_sel)
    colbase = (lanes + grp * L) * 4
    col = [plsc.load_gather(rois_v, [colbase + c]) for c in range(4)]
    l0 = 2 * wid - grp * L

    params = []
    for img in range(2):
        ln = l0 + img
        x1 = _extract(col[0], ln)
        y1 = _extract(col[1], ln)
        x2 = _extract(col[2], ln)
        y2 = _extract(col[3], ln)
        rank = _extract(rank_sel, ln)
        h = y2 - y1
        w = x2 - x1
        hs = jnp.maximum(h, 1)
        ws = jnp.maximum(w, 1)
        hw = h * w
        dst0 = rank * HW + y1 * W + x1
        params.append((hs, ws, hw, dst0, rank))

    for img in range(2):
        hs, ws, hw, dst0, _ = params[img]
        hv, wv = _bcast(hs), _bcast(ws)
        hwv, d0v = _bcast(hw), _bcast(dst0)

        def idx_body(g, carry, hv=hv, wv=wv, hwv=hwv, d0v=d0v, img=img):
            p = lanes + g * L
            k = lax.div(p, wv)
            k2 = p - k * wv
            valid = p < hwv
            iy = lax.div(k * FH, hv)
            ix = lax.div(k2 * FW, wv)
            src = jnp.where(valid, iy * FW + ix, jnp.int32(0))
            dst = jnp.where(valid, d0v + k * W + k2, d0v)
            row = img * NCHUNK + lax.div(g, 8)
            cb = lax.rem(g, 8) * L
            sidx[row, pl.ds(cb, L)] = src
            didx[row, pl.ds(cb, L)] = dst
            return carry

        lax.fori_loop(0, PIX_CAP // L, idx_body, jnp.int32(0))

    T = 2 * CK_PER_IMG

    def in_src(t):
        img, ck = divmod(t, CK_PER_IMG)
        i = 2 * wid + img
        return back_h.at[pl.ds(i * HW + ck * CK_ROWS, CK_ROWS)]

    def out_dst(t):
        img, ck = divmod(t, CK_PER_IMG)
        rank = params[img][4]
        return out_h.at[pl.ds(rank * HW + ck * CK_ROWS, CK_ROWS)]

    in_d = {}
    out_d = {}
    for t in range(T + 2):
        if t < T:
            b = t % NBUF
            if t >= NBUF:
                out_d[t - NBUF].wait()
            in_d[t] = pltpu.async_copy(in_src(t), bufs[b], isems[b])
        if t >= 2:
            t2 = t - 2
            in_d[t2].wait()
            out_d[t2] = pltpu.async_copy(bufs[t2 % NBUF], out_dst(t2),
                                         osems[t2 % NBUF])
    for t2 in range(T - NBUF, T):
        out_d[t2].wait()

    for img in range(2):
        hw = params[img][2]
        for j in range(NCHUNK):
            @pl.when(j * 128 < hw)
            def _paste(j=j, img=img):
                pltpu.async_copy(
                    front_h.at[sidx.at[img * NCHUNK + j]], rows_v, sem_g
                ).wait()
                pltpu.async_copy(
                    rows_v, out_h.at[didx.at[img * NCHUNK + j]], sem_s
                ).wait()


def kernel(front, back, rois):
    rois32 = rois.astype(jnp.int32).reshape(N * 4)
    front_rows = front.transpose(1, 2, 0).reshape(FH * FW, C)
    back_rows = back.transpose(0, 2, 3, 1).reshape(N * HW, C)
    mesh = plsc.VectorSubcoreMesh(core_axis_name="c", subcore_axis_name="s")
    out = pl.kernel(
        _body,
        out_type=jax.ShapeDtypeStruct((N * HW, C), jnp.float32),
        mesh=mesh,
        compiler_params=pltpu.CompilerParams(needs_layout_passes=False),
        scratch_types=[
            pltpu.VMEM((N * 4,), jnp.int32),
            pltpu.VMEM((2 * NCHUNK, 128), jnp.int32),
            pltpu.VMEM((2 * NCHUNK, 128), jnp.int32),
            pltpu.VMEM((128, C), jnp.float32),
            pltpu.VMEM((CK_ROWS, C), jnp.float32),
            pltpu.VMEM((CK_ROWS, C), jnp.float32),
            pltpu.VMEM((CK_ROWS, C), jnp.float32),
            pltpu.SemaphoreType.DMA,
            pltpu.SemaphoreType.DMA,
            pltpu.SemaphoreType.DMA,
            pltpu.SemaphoreType.DMA,
            pltpu.SemaphoreType.DMA,
            pltpu.SemaphoreType.DMA,
            pltpu.SemaphoreType.DMA,
            pltpu.SemaphoreType.DMA,
        ],
    )(front_rows, back_rows, rois32)
    return out.reshape(N, H, W, C).transpose(0, 3, 1, 2)

# --- scband reference (transcript-rebuilt; emitter-appended) ---
"""Pipeline reference for scband-ro-iputin-15547781612120 (READ-ONLY COPY).

The authoritative reference and input builder live on the scoring server;
editing this copy changes nothing except your own understanding.
"""

import jax, jax.numpy as jnp
import numpy as np

FRONT_H = 32
FRONT_W = 32
N = 64
C = 128
H = 64
W = 64


def setup_inputs(seed: int = 0) -> dict:
    key = jax.random.key(seed)
    k1, k2 = jax.random.split(key)
    front = jax.random.normal(k1, (C, FRONT_H, FRONT_W), dtype=jnp.float32)
    back = jax.random.normal(k2, (N, C, H, W), dtype=jnp.float32)
    rng = np.random.default_rng(0)
    rois = np.zeros((N, 4), dtype=np.int64)
    for i in range(N):
        if i % 4 == 3:
            # 'no-face' row: x1 == 0 and x2 == 0 sentinel
            continue
        w = int(rng.integers(8, 33))
        h = int(rng.integers(8, 33))
        x1 = int(rng.integers(0, W - w))
        y1 = int(rng.integers(0, H - h))
        rois[i, 0] = x1
        rois[i, 1] = y1
        rois[i, 2] = x1 + w  # always > 0, so never mistaken for no-face
        rois[i, 3] = y1 + h
    return {"front": front, "back": back, "rois": jnp.asarray(rois)}


def _roi_putin(front, back_face, rois_face):
    # Paste nearest-neighbor-resized `front` (front_height x front_width)
    # into each selected back image at its ROI box.
    fh = front.shape[-2]
    fw = front.shape[-1]
    hh = back_face.shape[-2]
    ww = back_face.shape[-1]
    ys = jnp.arange(hh)
    xs = jnp.arange(ww)

    def paste(img, roi):
        x1 = roi[0]
        y1 = roi[1]
        x2 = roi[2]
        y2 = roi[3]
        h = y2 - y1
        w = x2 - x1
        hs = jnp.maximum(h, 1)
        ws = jnp.maximum(w, 1)
        iy = jnp.clip(((ys - y1) * fh) // hs, 0, fh - 1)
        ix = jnp.clip(((xs - x1) * fw) // ws, 0, fw - 1)
        patch = front[:, iy, :][:, :, ix]  # gather (nearest resize) [C, hh, ww]
        mask = ((ys >= y1) & (ys < y2))[:, None] & ((xs >= x1) & (xs < x2))[None, :]
        return jnp.where(mask[None, :, :], patch, img)

    return jax.vmap(paste)(back_face, rois_face)


def reference(front, back, rois):
    pasted = _roi_putin(front, back, rois)
    noface = (rois[:, 0] == 0) & (rois[:, 2] == 0)
    order = jnp.argsort(noface.astype(jnp.int32), stable=True)
    return jnp.take(pasted, order, axis=0)

if __name__ == "__main__":
    import jax
    _d = setup_inputs()
    print(jax.jit(kernel)(*tuple(_d.values())))

</pallas_src>

<mosaic_0001>
#map = affine_map<(d0, d1) -> (0, 0)>
#map1 = affine_map<(d0, d1) -> (0)>
module attributes {stable_mosaic.version = 14 : i64} {
  func.func @_body(%arg0: i32, %arg1: i32, %arg2: memref<1024x128xf32, #tpu.memory_space<hbm>>, %arg3: memref<262144x128xf32, #tpu.memory_space<hbm>>, %arg4: memref<256xi32, #tpu.memory_space<hbm>>, %arg5: memref<262144x128xf32, #tpu.memory_space<hbm>>, %arg6: memref<256xi32, #tpu.memory_space<vmem>>, %arg7: memref<16x128xi32, #tpu.memory_space<vmem>>, %arg8: memref<16x128xi32, #tpu.memory_space<vmem>>, %arg9: memref<128x128xf32, #tpu.memory_space<vmem>>, %arg10: memref<256x128xf32, #tpu.memory_space<vmem>>, %arg11: memref<256x128xf32, #tpu.memory_space<vmem>>, %arg12: memref<256x128xf32, #tpu.memory_space<vmem>>, %arg13: memref<!tpu.dma_semaphore, #tpu.memory_space<semaphore_mem>>, %arg14: memref<!tpu.dma_semaphore, #tpu.memory_space<semaphore_mem>>, %arg15: memref<!tpu.dma_semaphore, #tpu.memory_space<semaphore_mem>>, %arg16: memref<!tpu.dma_semaphore, #tpu.memory_space<semaphore_mem>>, %arg17: memref<!tpu.dma_semaphore, #tpu.memory_space<semaphore_mem>>, %arg18: memref<!tpu.dma_semaphore, #tpu.memory_space<semaphore_mem>>, %arg19: memref<!tpu.dma_semaphore, #tpu.memory_space<semaphore_mem>>, %arg20: memref<!tpu.dma_semaphore, #tpu.memory_space<semaphore_mem>>) attributes {dimension_semantics = [#tpu.dimension_semantics<core_parallel>, #tpu.dimension_semantics<subcore_parallel>], iteration_bounds = array<i64: 2, 16>, scalar_prefetch = 0 : i64, scratch_operands = 15 : i64, tpu.core_type = #tpu.core_type<sc_vector_subcore>, window_params = [{transform_indices = #map}, {transform_indices = #map}, {transform_indices = #map1}, {transform_indices = #map}]} {
    %mul3A = arith.constant 2 : i32
    %mul3A_0 = arith.muli %arg1, %mul3A : i32
    %add3A = arith.addi %mul3A_0, %arg0 : i32
    "tpu.region"() ({
      %run_scoped3A = tpu.sem_alloc : memref<!tpu.dma_semaphore, #tpu.memory_space<semaphore_mem>>
      tpu.enqueue_dma source(%arg4 : memref<256xi32, #tpu.memory_space<hbm>>) target(%arg6 : memref<256xi32, #tpu.memory_space<vmem>>) target_semaphore(%run_scoped3A : memref<!tpu.dma_semaphore, #tpu.memory_space<semaphore_mem>>)
      tpu.wait_dma2 semaphore(%run_scoped3A : memref<!tpu.dma_semaphore, #tpu.memory_space<semaphore_mem>>) src(%arg4 : memref<256xi32, #tpu.memory_space<hbm>>) dst(%arg6 : memref<256xi32, #tpu.memory_space<vmem>>)
      tpu.yield
    }) : () -> ()
    %iota3A = tpu.iota {dimensions = array<i32: 0>} : vector<16xi32>
    %add3A_1 = arith.constant 0 : i32
    %add3A_2 = vector.broadcast %add3A_1 : i32 to vector<16xi32>
    %add3A_3 = arith.addi %iota3A, %add3A_2 : vector<16xi32>
    %mul3A_4 = arith.constant 4 : i32
    %mul3A_5 = vector.broadcast %mul3A_4 : i32 to vector<16xi32>
    %mul3A_6 = arith.muli %add3A_3, %mul3A_5 : vector<16xi32>
    %gather3A = tpu.vector_load_idx %arg6[%mul3A_6] : memref<256xi32, #tpu.memory_space<vmem>>[vector<16xi32>], vector<16xi32>,
    %add3A_7 = arith.constant 2 : i32
    %add3A_8 = vector.broadcast %add3A_7 : i32 to vector<16xi32>
    %add3A_9 = arith.addi %mul3A_6, %add3A_8 : vector<16xi32>
    %gather3A_10 = tpu.vector_load_idx %arg6[%add3A_9] : memref<256xi32, #tpu.memory_space<vmem>>[vector<16xi32>], vector<16xi32>,
    %ne3A = arith.constant 0 : i32
    %ne3A_11 = vector.broadcast %ne3A : i32 to vector<16xi32>
    %ne3A_12 = arith.cmpi ne, %gather3A, %ne3A_11 : vector<16xi32>
    %ne3A_13 = arith.constant 0 : i32
    %ne3A_14 = vector.broadcast %ne3A_13 : i32 to vector<16xi32>
    %ne3A_15 = arith.cmpi ne, %gather3A_10, %ne3A_14 : vector<16xi32>
    %or3A = arith.ori %ne3A_12, %ne3A_15 : vector<16xi1>
    %jit3A = arith.constant 1 : i32
    %jit3A_16 = arith.constant 0 : i32
    %broadcast_in_dim3A = vector.broadcast %jit3A : i32 to vector<16xi32>
    %broadcast_in_dim3A_17 = vector.broadcast %jit3A_16 : i32 to vector<16xi32>
    %select_n3A = arith.select %or3A, %broadcast_in_dim3A, %broadcast_in_dim3A_17 : vector<16xi1>, vector<16xi32>
    %add3A_18 = arith.constant 16 : i32
    %add3A_19 = vector.broadcast %add3A_18 : i32 to vector<16xi32>
    %add3A_20 = arith.addi %iota3A, %add3A_19 : vector<16xi32>
    %mul3A_21 = arith.constant 4 : i32
    %mul3A_22 = vector.broadcast %mul3A_21 : i32 to vector<16xi32>
    %mul3A_23 = arith.muli %add3A_20, %mul3A_22 : vector<16xi32>
    %gather3A_24 = tpu.vector_load_idx %arg6[%mul3A_23] : memref<256xi32, #tpu.memory_space<vmem>>[vector<16xi32>], vector<16xi32>,
    %add3A_25 = arith.constant 2 : i32
    %add3A_26 = vector.broadcast %add3A_25 : i32 to vector<16xi32>
    %add3A_27 = arith.addi %mul3A_23, %add3A_26 : vector<16xi32>
    %gather3A_28 = tpu.vector_load_idx %arg6[%add3A_27] : memref<256xi32, #tpu.memory_space<vmem>>[vector<16xi32>], vector<16xi32>,
    %ne3A_29 = arith.constant 0 : i32
    %ne3A_30 = vector.broadcast %ne3A_29 : i32 to vector<16xi32>
    %ne3A_31 = arith.cmpi ne, %gather3A_24, %ne3A_30 : vector<16xi32>
    %ne3A_32 = arith.constant 0 : i32
    %ne3A_33 = vector.broadcast %ne3A_32 : i32 to vector<16xi32>
    %ne3A_34 = arith.cmpi ne, %gather3A_28, %ne3A_33 : vector<16xi32>
    %or3A_35 = arith.ori %ne3A_31, %ne3A_34 : vector<16xi1>
    %jit3A_36 = arith.constant 1 : i32
    %jit3A_37 = arith.constant 0 : i32
    %broadcast_in_dim3A_38 = vector.broadcast %jit3A_36 : i32 to vector<16xi32>
    %broadcast_in_dim3A_39 = vector.broadcast %jit3A_37 : i32 to vector<16xi32>
    %select_n3A_40 = arith.select %or3A_35, %broadcast_in_dim3A_38, %broadcast_in_dim3A_39 : vector<16xi1>, vector<16xi32>
    %add3A_41 = arith.constant 32 : i32
    %add3A_42 = vector.broadcast %add3A_41 : i32 to vector<16xi32>
    %add3A_43 = arith.addi %iota3A, %add3A_42 : vector<16xi32>
    %mul3A_44 = arith.constant 4 : i32
    %mul3A_45 = vector.broadcast %mul3A_44 : i32 to vector<16xi32>
    %mul3A_46 = arith.muli %add3A_43, %mul3A_45 : vector<16xi32>
    %gather3A_47 = tpu.vector_load_idx %arg6[%mul3A_46] : memref<256xi32, #tpu.memory_space<vmem>>[vector<16xi32>], vector<16xi32>,
    %add3A_48 = arith.constant 2 : i32
    %add3A_49 = vector.broadcast %add3A_48 : i32 to vector<16xi32>
    %add3A_50 = arith.addi %mul3A_46, %add3A_49 : vector<16xi32>
    %gather3A_51 = tpu.vector_load_idx %arg6[%add3A_50] : memref<256xi32, #tpu.memory_space<vmem>>[vector<16xi32>], vector<16xi32>,
    %ne3A_52 = arith.constant 0 : i32
    %ne3A_53 = vector.broadcast %ne3A_52 : i32 to vector<16xi32>
    %ne3A_54 = arith.cmpi ne, %gather3A_47, %ne3A_53 : vector<16xi32>
    %ne3A_55 = arith.constant 0 : i32
    %ne3A_56 = vector.broadcast %ne3A_55 : i32 to vector<16xi32>
    %ne3A_57 = arith.cmpi ne, %gather3A_51, %ne3A_56 : vector<16xi32>
    %or3A_58 = arith.ori %ne3A_54, %ne3A_57 : vector<16xi1>
    %jit3A_59 = arith.constant 1 : i32
    %jit3A_60 = arith.constant 0 : i32
    %broadcast_in_dim3A_61 = vector.broadcast %jit3A_59 : i32 to vector<16xi32>
    %broadcast_in_dim3A_62 = vector.broadcast %jit3A_60 : i32 to vector<16xi32>
    %select_n3A_63 = arith.select %or3A_58, %broadcast_in_dim3A_61, %broadcast_in_dim3A_62 : vector<16xi1>, vector<16xi32>
    %add3A_64 = arith.constant 48 : i32
    %add3A_65 = vector.broadcast %add3A_64 : i32 to vector<16xi32>
    %add3A_66 = arith.addi %iota3A, %add3A_65 : vector<16xi32>
    %mul3A_67 = arith.constant 4 : i32
    %mul3A_68 = vector.broadcast %mul3A_67 : i32 to vector<16xi32>
    %mul3A_69 = arith.muli %add3A_66, %mul3A_68 : vector<16xi32>
    %gather3A_70 = tpu.vector_load_idx %arg6[%mul3A_69] : memref<256xi32, #tpu.memory_space<vmem>>[vector<16xi32>], vector<16xi32>,
    %add3A_71 = arith.constant 2 : i32
    %add3A_72 = vector.broadcast %add3A_71 : i32 to vector<16xi32>
    %add3A_73 = arith.addi %mul3A_69, %add3A_72 : vector<16xi32>
    %gather3A_74 = tpu.vector_load_idx %arg6[%add3A_73] : memref<256xi32, #tpu.memory_space<vmem>>[vector<16xi32>], vector<16xi32>,
    %ne3A_75 = arith.constant 0 : i32
    %ne3A_76 = vector.broadcast %ne3A_75 : i32 to vector<16xi32>
    %ne3A_77 = arith.cmpi ne, %gather3A_70, %ne3A_76 : vector<16xi32>
    %ne3A_78 = arith.constant 0 : i32
    %ne3A_79 = vector.broadcast %ne3A_78 : i32 to vector<16xi32>
    %ne3A_80 = arith.cmpi ne, %gather3A_74, %ne3A_79 : vector<16xi32>
    %or3A_81 = arith.ori %ne3A_77, %ne3A_80 : vector<16xi1>
    %jit3A_82 = arith.constant 1 : i32
    %jit3A_83 = arith.constant 0 : i32
    %broadcast_in_dim3A_84 = vector.broadcast %jit3A_82 : i32 to vector<16xi32>
    %broadcast_in_dim3A_85 = vector.broadcast %jit3A_83 : i32 to vector<16xi32>
    %select_n3A_86 = arith.select %or3A_81, %broadcast_in_dim3A_84, %broadcast_in_dim3A_85 : vector<16xi1>, vector<16xi32>
    %reduce_sum3A = arith.constant true
    %reduce_sum3A_87 = vector.broadcast %reduce_sum3A : i1 to vector<16xi1>
    %reduce_sum3A_88 = tpu.scan <sum>, %select_n3A masked %reduce_sum3A_87 : vector<16xi32>, vector<16xi1> -> vector<16xi32>
    %reduce_sum3A_89 = vector.extract %reduce_sum3A_88[15] : i32 from vector<16xi32>
    %reduce_sum3A_90 = arith.constant true
    %reduce_sum3A_91 = vector.broadcast %reduce_sum3A_90 : i1 to vector<16xi1>
    %reduce_sum3A_92 = tpu.scan <sum>, %select_n3A_40 masked %reduce_sum3A_91 : vector<16xi32>, vector<16xi1> -> vector<16xi32>
    %reduce_sum3A_93 = vector.extract %reduce_sum3A_92[15] : i32 from vector<16xi32>
    %reduce_sum3A_94 = arith.constant true
    %reduce_sum3A_95 = vector.broadcast %reduce_sum3A_94 : i1 to vector<16xi1>
    %reduce_sum3A_96 = tpu.scan <sum>, %select_n3A_63 masked %reduce_sum3A_95 : vector<16xi32>, vector<16xi1> -> vector<16xi32>
    %reduce_sum3A_97 = vector.extract %reduce_sum3A_96[15] : i32 from vector<16xi32>
    %reduce_sum3A_98 = arith.constant true
    %reduce_sum3A_99 = vector.broadcast %reduce_sum3A_98 : i1 to vector<16xi1>
    %reduce_sum3A_100 = tpu.scan <sum>, %select_n3A_86 masked %reduce_sum3A_99 : vector<16xi32>, vector<16xi1> -> vector<16xi32>
    %reduce_sum3A_101 = vector.extract %reduce_sum3A_100[15] : i32 from vector<16xi32>
    %add3A_102 = arith.addi %reduce_sum3A_89, %reduce_sum3A_93 : i32
    %add3A_103 = arith.addi %add3A_102, %reduce_sum3A_97 : i32
    %add3A_104 = arith.addi %add3A_103, %reduce_sum3A_101 : i32
    %broadcast_in_dim3A_105 = arith.constant true
    %broadcast_in_dim3A_106 = vector.broadcast %broadcast_in_dim3A_105 : i1 to vector<16xi1>
    %masked_cumsum3A = tpu.scan <sum>, %select_n3A masked %broadcast_in_dim3A_106 : vector<16xi32>, vector<16xi1> -> vector<16xi32>
    %sub3A = arith.subi %masked_cumsum3A, %select_n3A : vector<16xi32>
    %sub3A_107 = arith.constant 1 : i32
    %sub3A_108 = vector.broadcast %sub3A_107 : i32 to vector<16xi32>
    %sub3A_109 = arith.subi %sub3A_108, %select_n3A : vector<16xi32>
    %broadcast_in_dim3A_110 = arith.constant true
    %broadcast_in_dim3A_111 = vector.broadcast %broadcast_in_dim3A_110 : i1 to vector<16xi1>
    %masked_cumsum3A_112 = tpu.scan <sum>, %sub3A_109 masked %broadcast_in_dim3A_111 : vector<16xi32>, vector<16xi1> -> vector<16xi32>
    %sub3A_113 = arith.subi %masked_cumsum3A_112, %sub3A_109 : vector<16xi32>
    %add3A_114 = arith.constant 0 : i32
    %add3A_115 = vector.broadcast %add3A_114 : i32 to vector<16xi32>
    %add3A_116 = arith.addi %add3A_115, %sub3A : vector<16xi32>
    %add3A_117 = arith.constant 0 : i32
    %add3A_118 = arith.addi %add3A_104, %add3A_117 : i32
    %add3A_119 = vector.broadcast %add3A_118 : i32 to vector<16xi32>
    %add3A_120 = arith.addi %add3A_119, %sub3A_113 : vector<16xi32>
    %select_n3A_121 = arith.select %or3A, %add3A_116, %add3A_120 : vector<16xi1>, vector<16xi32>
    %add3A_122 = arith.constant 0 : i32
    %add3A_123 = arith.addi %add3A_122, %reduce_sum3A_89 : i32
    %sub3A_124 = arith.constant 16 : i32
    %sub3A_125 = arith.subi %sub3A_124, %reduce_sum3A_89 : i32
    %add3A_126 = arith.constant 0 : i32
    %add3A_127 = arith.addi %add3A_126, %sub3A_125 : i32
    %broadcast_in_dim3A_128 = arith.constant true
    %broadcast_in_dim3A_129 = vector.broadcast %broadcast_in_dim3A_128 : i1 to vector<16xi1>
    %masked_cumsum3A_130 = tpu.scan <sum>, %select_n3A_40 masked %broadcast_in_dim3A_129 : vector<16xi32>, vector<16xi1> -> vector<16xi32>
    %sub3A_131 = arith.subi %masked_cumsum3A_130, %select_n3A_40 : vector<16xi32>
    %sub3A_132 = arith.constant 1 : i32
    %sub3A_133 = vector.broadcast %sub3A_132 : i32 to vector<16xi32>
    %sub3A_134 = arith.subi %sub3A_133, %select_n3A_40 : vector<16xi32>
    %broadcast_in_dim3A_135 = arith.constant true
    %broadcast_in_dim3A_136 = vector.broadcast %broadcast_in_dim3A_135 : i1 to vector<16xi1>
    %masked_cumsum3A_137 = tpu.scan <sum>, %sub3A_134 masked %broadcast_in_dim3A_136 : vector<16xi32>, vector<16xi1> -> vector<16xi32>
    %sub3A_138 = arith.subi %masked_cumsum3A_137, %sub3A_134 : vector<16xi32>
    %add3A_139 = vector.broadcast %add3A_123 : i32 to vector<16xi32>
    %add3A_140 = arith.addi %add3A_139, %sub3A_131 : vector<16xi32>
    %add3A_141 = arith.addi %add3A_104, %add3A_127 : i32
    %add3A_142 = vector.broadcast %add3A_141 : i32 to vector<16xi32>
    %add3A_143 = arith.addi %add3A_142, %sub3A_138 : vector<16xi32>
    %select_n3A_144 = arith.select %or3A_35, %add3A_140, %add3A_143 : vector<16xi1>, vector<16xi32>
    %add3A_145 = arith.addi %add3A_123, %reduce_sum3A_93 : i32
    %sub3A_146 = arith.constant 16 : i32
    %sub3A_147 = arith.subi %sub3A_146, %reduce_sum3A_93 : i32
    %add3A_148 = arith.addi %add3A_127, %sub3A_147 : i32
    %broadcast_in_dim3A_149 = arith.constant true
    %broadcast_in_dim3A_150 = vector.broadcast %broadcast_in_dim3A_149 : i1 to vector<16xi1>
    %masked_cumsum3A_151 = tpu.scan <sum>, %select_n3A_63 masked %broadcast_in_dim3A_150 : vector<16xi32>, vector<16xi1> -> vector<16xi32>
    %sub3A_152 = arith.subi %masked_cumsum3A_151, %select_n3A_63 : vector<16xi32>
    %sub3A_153 = arith.constant 1 : i32
    %sub3A_154 = vector.broadcast %sub3A_153 : i32 to vector<16xi32>
    %sub3A_155 = arith.subi %sub3A_154, %select_n3A_63 : vector<16xi32>
    %broadcast_in_dim3A_156 = arith.constant true
    %broadcast_in_dim3A_157 = vector.broadcast %broadcast_in_dim3A_156 : i1 to vector<16xi1>
    %masked_cumsum3A_158 = tpu.scan <sum>, %sub3A_155 masked %broadcast_in_dim3A_157 : vector<16xi32>, vector<16xi1> -> vector<16xi32>
    %sub3A_159 = arith.subi %masked_cumsum3A_158, %sub3A_155 : vector<16xi32>
    %add3A_160 = vector.broadcast %add3A_145 : i32 to vector<16xi32>
    %add3A_161 = arith.addi %add3A_160, %sub3A_152 : vector<16xi32>
    %add3A_162 = arith.addi %add3A_104, %add3A_148 : i32
    %add3A_163 = vector.broadcast %add3A_162 : i32 to vector<16xi32>
    %add3A_164 = arith.addi %add3A_163, %sub3A_159 : vector<16xi32>
    %select_n3A_165 = arith.select %or3A_58, %add3A_161, %add3A_164 : vector<16xi1>, vector<16xi32>
    %add3A_166 = arith.addi %add3A_145, %reduce_sum3A_97 : i32
    %sub3A_167 = arith.constant 16 : i32
    %sub3A_168 = arith.subi %sub3A_167, %reduce_sum3A_97 : i32
    %add3A_169 = arith.addi %add3A_148, %sub3A_168 : i32
    %broadcast_in_dim3A_170 = arith.constant true
    %broadcast_in_dim3A_171 = vector.broadcast %broadcast_in_dim3A_170 : i1 to vector<16xi1>
    %masked_cumsum3A_172 = tpu.scan <sum>, %select_n3A_86 masked %broadcast_in_dim3A_171 : vector<16xi32>, vector<16xi1> -> vector<16xi32>
    %sub3A_173 = arith.subi %masked_cumsum3A_172, %select_n3A_86 : vector<16xi32>
    %sub3A_174 = arith.constant 1 : i32
    %sub3A_175 = vector.broadcast %sub3A_174 : i32 to vector<16xi32>
    %sub3A_176 = arith.subi %sub3A_175, %select_n3A_86 : vector<16xi32>
    %broadcast_in_dim3A_177 = arith.constant true
    %broadcast_in_dim3A_178 = vector.broadcast %broadcast_in_dim3A_177 : i1 to vector<16xi1>
    %masked_cumsum3A_179 = tpu.scan <sum>, %sub3A_176 masked %broadcast_in_dim3A_178 : vector<16xi32>, vector<16xi1> -> vector<16xi32>
    %sub3A_180 = arith.subi %masked_cumsum3A_179, %sub3A_176 : vector<16xi32>
    %add3A_181 = vector.broadcast %add3A_166 : i32 to vector<16xi32>
    %add3A_182 = arith.addi %add3A_181, %sub3A_173 : vector<16xi32>
    %add3A_183 = arith.addi %add3A_104, %add3A_169 : i32
    %add3A_184 = vector.broadcast %add3A_183 : i32 to vector<16xi32>
    %add3A_185 = arith.addi %add3A_184, %sub3A_180 : vector<16xi32>
    %select_n3A_186 = arith.select %or3A_81, %add3A_182, %add3A_185 : vector<16xi1>, vector<16xi32>
    %add3A_187 = arith.addi %add3A_166, %reduce_sum3A_101 : i32
    %sub3A_188 = arith.constant 16 : i32
    %sub3A_189 = arith.subi %sub3A_188, %reduce_sum3A_101 : i32
    %add3A_190 = arith.addi %add3A_169, %sub3A_189 : i32
    %mul3A_191 = arith.constant 2 : i32
    %mul3A_192 = arith.muli %mul3A_191, %add3A : i32
    %jit3A_193 = arith.constant 16 : i32
    %div3A = arith.divsi %mul3A_192, %jit3A_193 : i32
    %sign3A = arith.constant 0 : i32
    %sign3A_194 = arith.cmpi sgt, %mul3A_192, %sign3A : i32
    %sign3A_195 = arith.extui %sign3A_194 : i1 to i32
    %sign3A_196 = arith.constant 0 : i32
    %sign3A_197 = arith.cmpi slt, %mul3A_192, %sign3A_196 : i32
    %sign3A_198 = arith.extui %sign3A_197 : i1 to i32
    %sign3A_199 = arith.subi %sign3A_195, %sign3A_198 : i32
    %sign3A_200 = arith.constant 0 : i32
    %sign3A_201 = arith.cmpi sgt, %jit3A_193, %sign3A_200 : i32
    %sign3A_202 = arith.extui %sign3A_201 : i1 to i32
    %sign3A_203 = arith.constant 0 : i32
    %sign3A_204 = arith.cmpi slt, %jit3A_193, %sign3A_203 : i32
    %sign3A_205 = arith.extui %sign3A_204 : i1 to i32
    %sign3A_206 = arith.subi %sign3A_202, %sign3A_205 : i32
    %ne3A_207 = arith.cmpi ne, %sign3A_199, %sign3A_206 : i32
    %rem3A = arith.remsi %mul3A_192, %jit3A_193 : i32
    %ne3A_208 = arith.constant 0 : i32
    %ne3A_209 = arith.cmpi ne, %rem3A, %ne3A_208 : i32
    %and3A = arith.andi %ne3A_207, %ne3A_209 : i1
    %sub3A_210 = arith.constant 1 : i32
    %sub3A_211 = arith.subi %div3A, %sub3A_210 : i32
    %select_n3A_212 = arith.select %and3A, %sub3A_211, %div3A : i32
    %broadcast_in_dim3A_213 = vector.broadcast %select_n3A_212 : i32 to vector<16xi32>
    %eq3A = arith.constant 2 : i32
    %eq3A_214 = vector.broadcast %eq3A : i32 to vector<16xi32>
    %eq3A_215 = arith.cmpi eq, %broadcast_in_dim3A_213, %eq3A_214 : vector<16xi32>
    %select_n3A_216 = arith.select %eq3A_215, %select_n3A_165, %select_n3A_186 : vector<16xi1>, vector<16xi32>
    %eq3A_217 = arith.constant 1 : i32
    %eq3A_218 = vector.broadcast %eq3A_217 : i32 to vector<16xi32>
    %eq3A_219 = arith.cmpi eq, %broadcast_in_dim3A_213, %eq3A_218 : vector<16xi32>
    %select_n3A_220 = arith.select %eq3A_219, %select_n3A_144, %select_n3A_216 : vector<16xi1>, vector<16xi32>
    %eq3A_221 = arith.constant 0 : i32
    %eq3A_222 = vector.broadcast %eq3A_221 : i32 to vector<16xi32>
    %eq3A_223 = arith.cmpi eq, %broadcast_in_dim3A_213, %eq3A_222 : vector<16xi32>
    %select_n3A_224 = arith.select %eq3A_223, %select_n3A_121, %select_n3A_220 : vector<16xi1>, vector<16xi32>
    %mul3A_225 = arith.constant 16 : i32
    %mul3A_226 = arith.muli %select_n3A_212, %mul3A_225 : i32
    %add3A_227 = vector.broadcast %mul3A_226 : i32 to vector<16xi32>
    %add3A_228 = arith.addi %iota3A, %add3A_227 : vector<16xi32>
    %mul3A_229 = arith.constant 4 : i32
    %mul3A_230 = vector.broadcast %mul3A_229 : i32 to vector<16xi32>
    %mul3A_231 = arith.muli %add3A_228, %mul3A_230 : vector<16xi32>
    %add3A_232 = arith.constant 0 : i32
    %add3A_233 = vector.broadcast %add3A_232 : i32 to vector<16xi32>
    %add3A_234 = arith.addi %mul3A_231, %add3A_233 : vector<16xi32>
    %gather3A_235 = tpu.vector_load_idx %arg6[%add3A_234] : memref<256xi32, #tpu.memory_space<vmem>>[vector<16xi32>], vector<16xi32>,
    %add3A_236 = arith.constant 1 : i32
    %add3A_237 = vector.broadcast %add3A_236 : i32 to vector<16xi32>
    %add3A_238 = arith.addi %mul3A_231, %add3A_237 : vector<16xi32>
    %gather3A_239 = tpu.vector_load_idx %arg6[%add3A_238] : memref<256xi32, #tpu.memory_space<vmem>>[vector<16xi32>], vector<16xi32>,
    %add3A_240 = arith.constant 2 : i32
    %add3A_241 = vector.broadcast %add3A_240 : i32 to vector<16xi32>
    %add3A_242 = arith.addi %mul3A_231, %add3A_241 : vector<16xi32>
    %gather3A_243 = tpu.vector_load_idx %arg6[%add3A_242] : memref<256xi32, #tpu.memory_space<vmem>>[vector<16xi32>], vector<16xi32>,
    %add3A_244 = arith.constant 3 : i32
    %add3A_245 = vector.broadcast %add3A_244 : i32 to vector<16xi32>
    %add3A_246 = arith.addi %mul3A_231, %add3A_245 : vector<16xi32>
    %gather3A_247 = tpu.vector_load_idx %arg6[%add3A_246] : memref<256xi32, #tpu.memory_space<vmem>>[vector<16xi32>], vector<16xi32>,
    %mul3A_248 = arith.constant 2 : i32
    %mul3A_249 = arith.muli %mul3A_248, %add3A : i32
    %mul3A_250 = arith.constant 16 : i32
    %mul3A_251 = arith.muli %select_n3A_212, %mul3A_250 : i32
    %sub3A_252 = arith.subi %mul3A_249, %mul3A_251 : i32
    %add3A_253 = arith.constant 0 : i32
    %add3A_254 = arith.addi %sub3A_252, %add3A_253 : i32
    %iota3A_255 = tpu.iota {dimensions = array<i32: 0>} : vector<16xi32>
    %eq3A_256 = vector.broadcast %add3A_254 : i32 to vector<16xi32>
    %eq3A_257 = arith.cmpi eq, %iota3A_255, %eq3A_256 : vector<16xi32>
    %jit3A_258 = arith.constant 0 : i32
    %broadcast_in_dim3A_259 = vector.broadcast %jit3A_258 : i32 to vector<16xi32>
    %select_n3A_260 = arith.select %eq3A_257, %gather3A_235, %broadcast_in_dim3A_259 : vector<16xi1>, vector<16xi32>
    %reduce_sum3A_261 = arith.constant true
    %reduce_sum3A_262 = vector.broadcast %reduce_sum3A_261 : i1 to vector<16xi1>
    %reduce_sum3A_263 = tpu.scan <sum>, %select_n3A_260 masked %reduce_sum3A_262 : vector<16xi32>, vector<16xi1> -> vector<16xi32>
    %reduce_sum3A_264 = vector.extract %reduce_sum3A_263[15] : i32 from vector<16xi32>
    %iota3A_265 = tpu.iota {dimensions = array<i32: 0>} : vector<16xi32>
    %eq3A_266 = vector.broadcast %add3A_254 : i32 to vector<16xi32>
    %eq3A_267 = arith.cmpi eq, %iota3A_265, %eq3A_266 : vector<16xi32>
    %jit3A_268 = arith.constant 0 : i32
    %broadcast_in_dim3A_269 = vector.broadcast %jit3A_268 : i32 to vector<16xi32>
    %select_n3A_270 = arith.select %eq3A_267, %gather3A_239, %broadcast_in_dim3A_269 : vector<16xi1>, vector<16xi32>
    %reduce_sum3A_271 = arith.constant true
    %reduce_sum3A_272 = vector.broadcast %reduce_sum3A_271 : i1 to vector<16xi1>
    %reduce_sum3A_273 = tpu.scan <sum>, %select_n3A_270 masked %reduce_sum3A_272 : vector<16xi32>, vector<16xi1> -> vector<16xi32>
    %reduce_sum3A_274 = vector.extract %reduce_sum3A_273[15] : i32 from vector<16xi32>
    %iota3A_275 = tpu.iota {dimensions = array<i32: 0>} : vector<16xi32>
    %eq3A_276 = vector.broadcast %add3A_254 : i32 to vector<16xi32>
    %eq3A_277 = arith.cmpi eq, %iota3A_275, %eq3A_276 : vector<16xi32>
    %jit3A_278 = arith.constant 0 : i32
    %broadcast_in_dim3A_279 = vector.broadcast %jit3A_278 : i32 to vector<16xi32>
    %select_n3A_280 = arith.select %eq3A_277, %gather3A_243, %broadcast_in_dim3A_279 : vector<16xi1>, vector<16xi32>
    %reduce_sum3A_281 = arith.constant true
    %reduce_sum3A_282 = vector.broadcast %reduce_sum3A_281 : i1 to vector<16xi1>
    %reduce_sum3A_283 = tpu.scan <sum>, %select_n3A_280 masked %reduce_sum3A_282 : vector<16xi32>, vector<16xi1> -> vector<16xi32>
    %reduce_sum3A_284 = vector.extract %reduce_sum3A_283[15] : i32 from vector<16xi32>
    %iota3A_285 = tpu.iota {dimensions = array<i32: 0>} : vector<16xi32>
    %eq3A_286 = vector.broadcast %add3A_254 : i32 to vector<16xi32>
    %eq3A_287 = arith.cmpi eq, %iota3A_285, %eq3A_286 : vector<16xi32>
    %jit3A_288 = arith.constant 0 : i32
    %broadcast_in_dim3A_289 = vector.broadcast %jit3A_288 : i32 to vector<16xi32>
    %select_n3A_290 = arith.select %eq3A_287, %gather3A_247, %broadcast_in_dim3A_289 : vector<16xi1>, vector<16xi32>
    %reduce_sum3A_291 = arith.constant true
    %reduce_sum3A_292 = vector.broadcast %reduce_sum3A_291 : i1 to vector<16xi1>
    %reduce_sum3A_293 = tpu.scan <sum>, %select_n3A_290 masked %reduce_sum3A_292 : vector<16xi32>, vector<16xi1> -> vector<16xi32>
    %reduce_sum3A_294 = vector.extract %reduce_sum3A_293[15] : i32 from vector<16xi32>
    %iota3A_295 = tpu.iota {dimensions = array<i32: 0>} : vector<16xi32>
    %eq3A_296 = vector.broadcast %add3A_254 : i32 to vector<16xi32>
    %eq3A_297 = arith.cmpi eq, %iota3A_295, %eq3A_296 : vector<16xi32>
    %jit3A_298 = arith.constant 0 : i32
    %broadcast_in_dim3A_299 = vector.broadcast %jit3A_298 : i32 to vector<16xi32>
    %select_n3A_300 = arith.select %eq3A_297, %select_n3A_224, %broadcast_in_dim3A_299 : vector<16xi1>, vector<16xi32>
    %reduce_sum3A_301 = arith.constant true
    %reduce_sum3A_302 = vector.broadcast %reduce_sum3A_301 : i1 to vector<16xi1>
    %reduce_sum3A_303 = tpu.scan <sum>, %select_n3A_300 masked %reduce_sum3A_302 : vector<16xi32>, vector<16xi1> -> vector<16xi32>
    %reduce_sum3A_304 = vector.extract %reduce_sum3A_303[15] : i32 from vector<16xi32>
    %sub3A_305 = arith.subi %reduce_sum3A_294, %reduce_sum3A_274 : i32
    %sub3A_306 = arith.subi %reduce_sum3A_284, %reduce_sum3A_264 : i32
    %max3A = arith.constant 1 : i32
    %max3A_307 = arith.maxsi %sub3A_305, %max3A : i32
    %max3A_308 = arith.constant 1 : i32
    %max3A_309 = arith.maxsi %sub3A_306, %max3A_308 : i32
    %mul3A_310 = arith.muli %sub3A_305, %sub3A_306 : i32
    %mul3A_311 = arith.constant 4096 : i32
    %mul3A_312 = arith.muli %reduce_sum3A_304, %mul3A_311 : i32
    %mul3A_313 = arith.constant 64 : i32
    %mul3A_314 = arith.muli %reduce_sum3A_274, %mul3A_313 : i32
    %add3A_315 = arith.addi %mul3A_312, %mul3A_314 : i32
    %add3A_316 = arith.addi %add3A_315, %reduce_sum3A_264 : i32
    %add3A_317 = arith.constant 1 : i32
    %add3A_318 = arith.addi %sub3A_252, %add3A_317 : i32
    %iota3A_319 = tpu.iota {dimensions = array<i32: 0>} : vector<16xi32>
    %eq3A_320 = vector.broadcast %add3A_318 : i32 to vector<16xi32>
    %eq3A_321 = arith.cmpi eq, %iota3A_319, %eq3A_320 : vector<16xi32>
    %jit3A_322 = arith.constant 0 : i32
    %broadcast_in_dim3A_323 = vector.broadcast %jit3A_322 : i32 to vector<16xi32>
    %select_n3A_324 = arith.select %eq3A_321, %gather3A_235, %broadcast_in_dim3A_323 : vector<16xi1>, vector<16xi32>
    %reduce_sum3A_325 = arith.constant true
    %reduce_sum3A_326 = vector.broadcast %reduce_sum3A_325 : i1 to vector<16xi1>
    %reduce_sum3A_327 = tpu.scan <sum>, %select_n3A_324 masked %reduce_sum3A_326 : vector<16xi32>, vector<16xi1> -> vector<16xi32>
    %reduce_sum3A_328 = vector.extract %reduce_sum3A_327[15] : i32 from vector<16xi32>
    %iota3A_329 = tpu.iota {dimensions = array<i32: 0>} : vector<16xi32>
    %eq3A_330 = vector.broadcast %add3A_318 : i32 to vector<16xi32>
    %eq3A_331 = arith.cmpi eq, %iota3A_329, %eq3A_330 : vector<16xi32>
    %jit3A_332 = arith.constant 0 : i32
    %broadcast_in_dim3A_333 = vector.broadcast %jit3A_332 : i32 to vector<16xi32>
    %select_n3A_334 = arith.select %eq3A_331, %gather3A_239, %broadcast_in_dim3A_333 : vector<16xi1>, vector<16xi32>
    %reduce_sum3A_335 = arith.constant true
    %reduce_sum3A_336 = vector.broadcast %reduce_sum3A_335 : i1 to vector<16xi1>
    %reduce_sum3A_337 = tpu.scan <sum>, %select_n3A_334 masked %reduce_sum3A_336 : vector<16xi32>, vector<16xi1> -> vector<16xi32>
    %reduce_sum3A_338 = vector.extract %reduce_sum3A_337[15] : i32 from vector<16xi32>
    %iota3A_339 = tpu.iota {dimensions = array<i32: 0>} : vector<16xi32>
    %eq3A_340 = vector.broadcast %add3A_318 : i32 to vector<16xi32>
    %eq3A_341 = arith.cmpi eq, %iota3A_339, %eq3A_340 : vector<16xi32>
    %jit3A_342 = arith.constant 0 : i32
    %broadcast_in_dim3A_343 = vector.broadcast %jit3A_342 : i32 to vector<16xi32>
    %select_n3A_344 = arith.select %eq3A_341, %gather3A_243, %broadcast_in_dim3A_343 : vector<16xi1>, vector<16xi32>
    %reduce_sum3A_345 = arith.constant true
    %reduce_sum3A_346 = vector.broadcast %reduce_sum3A_345 : i1 to vector<16xi1>
    %reduce_sum3A_347 = tpu.scan <sum>, %select_n3A_344 masked %reduce_sum3A_346 : vector<16xi32>, vector<16xi1> -> vector<16xi32>
    %reduce_sum3A_348 = vector.extract %reduce_sum3A_347[15] : i32 from vector<16xi32>
    %iota3A_349 = tpu.iota {dimensions = array<i32: 0>} : vector<16xi32>
    %eq3A_350 = vector.broadcast %add3A_318 : i32 to vector<16xi32>
    %eq3A_351 = arith.cmpi eq, %iota3A_349, %eq3A_350 : vector<16xi32>
    %jit3A_352 = arith.constant 0 : i32
    %broadcast_in_dim3A_353 = vector.broadcast %jit3A_352 : i32 to vector<16xi32>
    %select_n3A_354 = arith.select %eq3A_351, %gather3A_247, %broadcast_in_dim3A_353 : vector<16xi1>, vector<16xi32>
    %reduce_sum3A_355 = arith.constant true
    %reduce_sum3A_356 = vector.broadcast %reduce_sum3A_355 : i1 to vector<16xi1>
    %reduce_sum3A_357 = tpu.scan <sum>, %select_n3A_354 masked %reduce_sum3A_356 : vector<16xi32>, vector<16xi1> -> vector<16xi32>
    %reduce_sum3A_358 = vector.extract %reduce_sum3A_357[15] : i32 from vector<16xi32>
    %iota3A_359 = tpu.iota {dimensions = array<i32: 0>} : vector<16xi32>
    %eq3A_360 = vector.broadcast %add3A_318 : i32 to vector<16xi32>
    %eq3A_361 = arith.cmpi eq, %iota3A_359, %eq3A_360 : vector<16xi32>
    %jit3A_362 = arith.constant 0 : i32
    %broadcast_in_dim3A_363 = vector.broadcast %jit3A_362 : i32 to vector<16xi32>
    %select_n3A_364 = arith.select %eq3A_361, %select_n3A_224, %broadcast_in_dim3A_363 : vector<16xi1>, vector<16xi32>
    %reduce_sum3A_365 = arith.constant true
    %reduce_sum3A_366 = vector.broadcast %reduce_sum3A_365 : i1 to vector<16xi1>
    %reduce_sum3A_367 = tpu.scan <sum>, %select_n3A_364 masked %reduce_sum3A_366 : vector<16xi32>, vector<16xi1> -> vector<16xi32>
    %reduce_sum3A_368 = vector.extract %reduce_sum3A_367[15] : i32 from vector<16xi32>
    %sub3A_369 = arith.subi %reduce_sum3A_358, %reduce_sum3A_338 : i32
    %sub3A_370 = arith.subi %reduce_sum3A_348, %reduce_sum3A_328 : i32
    %max3A_371 = arith.constant 1 : i32
    %max3A_372 = arith.maxsi %sub3A_369, %max3A_371 : i32
    %max3A_373 = arith.constant 1 : i32
    %max3A_374 = arith.maxsi %sub3A_370, %max3A_373 : i32
    %mul3A_375 = arith.muli %sub3A_369, %sub3A_370 : i32
    %mul3A_376 = arith.constant 4096 : i32
    %mul3A_377 = arith.muli %reduce_sum3A_368, %mul3A_376 : i32
    %mul3A_378 = arith.constant 64 : i32
    %mul3A_379 = arith.muli %reduce_sum3A_338, %mul3A_378 : i32
    %add3A_380 = arith.addi %mul3A_377, %mul3A_379 : i32
    %add3A_381 = arith.addi %add3A_380, %reduce_sum3A_328 : i32
    %broadcast_in_dim3A_382 = vector.broadcast %max3A_307 : i32 to vector<16xi32>
    %broadcast_in_dim3A_383 = vector.broadcast %max3A_309 : i32 to vector<16xi32>
    %broadcast_in_dim3A_384 = vector.broadcast %mul3A_310 : i32 to vector<16xi32>
    %broadcast_in_dim3A_385 = vector.broadcast %add3A_316 : i32 to vector<16xi32>
    %scan3A = arith.constant 0 : i32
    %scan3A_386 = arith.constant 0 : i32
    %scan3A_387 = arith.constant 64 : i32
    %scan3A_388 = arith.addi %scan3A_386, %scan3A_387 : i32
    %scan3A_389 = arith.constant 1 : i32
    scf.for %scan3A_1372 = %scan3A_386 to %scan3A_388 step %scan3A_389  : i32 {
      %mul3A_1373 = arith.constant 16 : i32
      %mul3A_1374 = arith.muli %scan3A_1372, %mul3A_1373 : i32
      %add3A_1375 = vector.broadcast %mul3A_1374 : i32 to vector<16xi32>
      %add3A_1376 = arith.addi %iota3A, %add3A_1375 : vector<16xi32>
      %div3A_1377 = arith.divsi %add3A_1376, %broadcast_in_dim3A_383 : vector<16xi32>
      %mul3A_1378 = arith.muli %div3A_1377, %broadcast_in_dim3A_383 : vector<16xi32>
      %sub3A_1379 = arith.subi %add3A_1376, %mul3A_1378 : vector<16xi32>
      %lt3A = arith.cmpi slt, %add3A_1376, %broadcast_in_dim3A_384 : vector<16xi32>
      %mul3A_1380 = arith.constant 32 : i32
      %mul3A_1381 = vector.broadcast %mul3A_1380 : i32 to vector<16xi32>
      %mul3A_1382 = arith.muli %div3A_1377, %mul3A_1381 : vector<16xi32>
      %div3A_1383 = arith.divsi %mul3A_1382, %broadcast_in_dim3A_382 : vector<16xi32>
      %mul3A_1384 = arith.constant 32 : i32
      %mul3A_1385 = vector.broadcast %mul3A_1384 : i32 to vector<16xi32>
      %mul3A_1386 = arith.muli %sub3A_1379, %mul3A_1385 : vector<16xi32>
      %div3A_1387 = arith.divsi %mul3A_1386, %broadcast_in_dim3A_383 : vector<16xi32>
      %mul3A_1388 = arith.constant 32 : i32
      %mul3A_1389 = vector.broadcast %mul3A_1388 : i32 to vector<16xi32>
      %mul3A_1390 = arith.muli %div3A_1383, %mul3A_1389 : vector<16xi32>
      %add3A_1391 = arith.addi %mul3A_1390, %div3A_1387 : vector<16xi32>
      %jit3A_1392 = arith.constant 0 : i32
      %broadcast_in_dim3A_1393 = vector.broadcast %jit3A_1392 : i32 to vector<16xi32>
      %select_n3A_1394 = arith.select %lt3A, %add3A_1391, %broadcast_in_dim3A_1393 : vector<16xi1>, vector<16xi32>
      %mul3A_1395 = arith.constant 64 : i32
      %mul3A_1396 = vector.broadcast %mul3A_1395 : i32 to vector<16xi32>
      %mul3A_1397 = arith.muli %div3A_1377, %mul3A_1396 : vector<16xi32>
      %add3A_1398 = arith.addi %broadcast_in_dim3A_385, %mul3A_1397 : vector<16xi32>
      %add3A_1399 = arith.addi %add3A_1398, %sub3A_1379 : vector<16xi32>
      %select_n3A_1400 = arith.select %lt3A, %add3A_1399, %broadcast_in_dim3A_385 : vector<16xi1>, vector<16xi32>
      %div3A_1401 = arith.constant 8 : i32
      %div3A_1402 = arith.divsi %scan3A_1372, %div3A_1401 : i32
      %add3A_1403 = arith.constant 0 : i32
      %add3A_1404 = arith.addi %add3A_1403, %div3A_1402 : i32
      %rem3A_1405 = arith.constant 8 : i32
      %rem3A_1406 = arith.remsi %scan3A_1372, %rem3A_1405 : i32
      %mul3A_1407 = arith.constant 16 : i32
      %mul3A_1408 = arith.muli %rem3A_1406, %mul3A_1407 : i32
      %swap3A = arith.index_cast %add3A_1404 : i32 to index
      %swap3A_1409 = arith.index_cast %mul3A_1408 : i32 to index
      %swap3A_1410 = tpu.vector_load %arg7[%swap3A, %swap3A_1409] {strides = array<i32>} : memref<16x128xi32, #tpu.memory_space<vmem>>, vector<16xi32>,
      tpu.vector_store %arg7[%swap3A, %swap3A_1409], %select_n3A_1394 {strides = array<i32>} : memref<16x128xi32, #tpu.memory_space<vmem>>, vector<16xi32>,
      %swap3A_1411 = arith.index_cast %add3A_1404 : i32 to index
      %swap3A_1412 = arith.index_cast %mul3A_1408 : i32 to index
      %swap3A_1413 = tpu.vector_load %arg8[%swap3A_1411, %swap3A_1412] {strides = array<i32>} : memref<16x128xi32, #tpu.memory_space<vmem>>, vector<16xi32>,
      tpu.vector_store %arg8[%swap3A_1411, %swap3A_1412], %select_n3A_1400 {strides = array<i32>} : memref<16x128xi32, #tpu.memory_space<vmem>>, vector<16xi32>,
    }
    %scan3A_390 = arith.constant 64 : i32
    %broadcast_in_dim3A_391 = vector.broadcast %max3A_372 : i32 to vector<16xi32>
    %broadcast_in_dim3A_392 = vector.broadcast %max3A_374 : i32 to vector<16xi32>
    %broadcast_in_dim3A_393 = vector.broadcast %mul3A_375 : i32 to vector<16xi32>
    %broadcast_in_dim3A_394 = vector.broadcast %add3A_381 : i32 to vector<16xi32>
    %scan3A_395 = arith.constant 0 : i32
    %scan3A_396 = arith.constant 0 : i32
    %scan3A_397 = arith.constant 64 : i32
    %scan3A_398 = arith.addi %scan3A_396, %scan3A_397 : i32
    %scan3A_399 = arith.constant 1 : i32
    scf.for %scan3A_1372 = %scan3A_396 to %scan3A_398 step %scan3A_399  : i32 {
      %mul3A_1373 = arith.constant 16 : i32
      %mul3A_1374 = arith.muli %scan3A_1372, %mul3A_1373 : i32
      %add3A_1375 = vector.broadcast %mul3A_1374 : i32 to vector<16xi32>
      %add3A_1376 = arith.addi %iota3A, %add3A_1375 : vector<16xi32>
      %div3A_1377 = arith.divsi %add3A_1376, %broadcast_in_dim3A_392 : vector<16xi32>
      %mul3A_1378 = arith.muli %div3A_1377, %broadcast_in_dim3A_392 : vector<16xi32>
      %sub3A_1379 = arith.subi %add3A_1376, %mul3A_1378 : vector<16xi32>
      %lt3A = arith.cmpi slt, %add3A_1376, %broadcast_in_dim3A_393 : vector<16xi32>
      %mul3A_1380 = arith.constant 32 : i32
      %mul3A_1381 = vector.broadcast %mul3A_1380 : i32 to vector<16xi32>
      %mul3A_1382 = arith.muli %div3A_1377, %mul3A_1381 : vector<16xi32>
      %div3A_1383 = arith.divsi %mul3A_1382, %broadcast_in_dim3A_391 : vector<16xi32>
      %mul3A_1384 = arith.constant 32 : i32
      %mul3A_1385 = vector.broadcast %mul3A_1384 : i32 to vector<16xi32>
      %mul3A_1386 = arith.muli %sub3A_1379, %mul3A_1385 : vector<16xi32>
      %div3A_1387 = arith.divsi %mul3A_1386, %broadcast_in_dim3A_392 : vector<16xi32>
      %mul3A_1388 = arith.constant 32 : i32
      %mul3A_1389 = vector.broadcast %mul3A_1388 : i32 to vector<16xi32>
      %mul3A_1390 = arith.muli %div3A_1383, %mul3A_1389 : vector<16xi32>
      %add3A_1391 = arith.addi %mul3A_1390, %div3A_1387 : vector<16xi32>
      %jit3A_1392 = arith.constant 0 : i32
      %broadcast_in_dim3A_1393 = vector.broadcast %jit3A_1392 : i32 to vector<16xi32>
      %select_n3A_1394 = arith.select %lt3A, %add3A_1391, %broadcast_in_dim3A_1393 : vector<16xi1>, vector<16xi32>
      %mul3A_1395 = arith.constant 64 : i32
      %mul3A_1396 = vector.broadcast %mul3A_1395 : i32 to vector<16xi32>
      %mul3A_1397 = arith.muli %div3A_1377, %mul3A_1396 : vector<16xi32>
      %add3A_1398 = arith.addi %broadcast_in_dim3A_394, %mul3A_1397 : vector<16xi32>
      %add3A_1399 = arith.addi %add3A_1398, %sub3A_1379 : vector<16xi32>
      %select_n3A_1400 = arith.select %lt3A, %add3A_1399, %broadcast_in_dim3A_394 : vector<16xi1>, vector<16xi32>
      %div3A_1401 = arith.constant 8 : i32
      %div3A_1402 = arith.divsi %scan3A_1372, %div3A_1401 : i32
      %add3A_1403 = arith.constant 8 : i32
      %add3A_1404 = arith.addi %add3A_1403, %div3A_1402 : i32
      %rem3A_1405 = arith.constant 8 : i32
      %rem3A_1406 = arith.remsi %scan3A_1372, %rem3A_1405 : i32
      %mul3A_1407 = arith.constant 16 : i32
      %mul3A_1408 = arith.muli %rem3A_1406, %mul3A_1407 : i32
      %swap3A = arith.index_cast %add3A_1404 : i32 to index
      %swap3A_1409 = arith.index_cast %mul3A_1408 : i32 to index
      %swap3A_1410 = tpu.vector_load %arg7[%swap3A, %swap3A_1409] {strides = array<i32>} : memref<16x128xi32, #tpu.memory_space<vmem>>, vector<16xi32>,
      tpu.vector_store %arg7[%swap3A, %swap3A_1409], %select_n3A_1394 {strides = array<i32>} : memref<16x128xi32, #tpu.memory_space<vmem>>, vector<16xi32>,
      %swap3A_1411 = arith.index_cast %add3A_1404 : i32 to index
      %swap3A_1412 = arith.index_cast %mul3A_1408 : i32 to index
      %swap3A_1413 = tpu.vector_load %arg8[%swap3A_1411, %swap3A_1412] {strides = array<i32>} : memref<16x128xi32, #tpu.memory_space<vmem>>, vector<16xi32>,
      tpu.vector_store %arg8[%swap3A_1411, %swap3A_1412], %select_n3A_1400 {strides = array<i32>} : memref<16x128xi32, #tpu.memory_space<vmem>>, vector<16xi32>,
    }
    %scan3A_400 = arith.constant 64 : i32
    %mul3A_401 = arith.constant 2 : i32
    %mul3A_402 = arith.muli %mul3A_401, %add3A : i32
    %add3A_403 = arith.constant 0 : i32
    %add3A_404 = arith.addi %mul3A_402, %add3A_403 : i32
    %mul3A_405 = arith.constant 4096 : i32
    %mul3A_406 = arith.muli %add3A_404, %mul3A_405 : i32
    %add3A_407 = arith.constant 0 : i32
    %add3A_408 = arith.addi %mul3A_406, %add3A_407 : i32
    %dma_start3A = arith.constant 0 : i32
    %dma_start3A_409 = tpu.memref_slice %arg3[%add3A_408, %dma_start3A] : memref<262144x128xf32, #tpu.memory_space<hbm>> -> memref<256x128xf32, #tpu.memory_space<hbm>>
    %dma_start3A_410 = arith.constant 0 : i32
    %dma_start3A_411 = tpu.memref_slice %arg3[%add3A_408, %dma_start3A_410] : memref<262144x128xf32, #tpu.memory_space<hbm>> -> memref<256x128xf32, #tpu.memory_space<hbm>>
    tpu.enqueue_dma source(%dma_start3A_411 : memref<256x128xf32, #tpu.memory_space<hbm>>) target(%arg10 : memref<256x128xf32, #tpu.memory_space<vmem>>) target_semaphore(%arg13 : memref<!tpu.dma_semaphore, #tpu.memory_space<semaphore_mem>>)
    %mul3A_412 = arith.constant 2 : i32
    %mul3A_413 = arith.muli %mul3A_412, %add3A : i32
    %add3A_414 = arith.constant 0 : i32
    %add3A_415 = arith.addi %mul3A_413, %add3A_414 : i32
    %mul3A_416 = arith.constant 4096 : i32
    %mul3A_417 = arith.muli %add3A_415, %mul3A_416 : i32
    %add3A_418 = arith.constant 256 : i32
    %add3A_419 = arith.addi %mul3A_417, %add3A_418 : i32
    %dma_start3A_420 = arith.constant 0 : i32
    %dma_start3A_421 = tpu.memref_slice %arg3[%add3A_419, %dma_start3A_420] : memref<262144x128xf32, #tpu.memory_space<hbm>> -> memref<256x128xf32, #tpu.memory_space<hbm>>
    %dma_start3A_422 = arith.constant 0 : i32
    %dma_start3A_423 = tpu.memref_slice %arg3[%add3A_419, %dma_start3A_422] : memref<262144x128xf32, #tpu.memory_space<hbm>> -> memref<256x128xf32, #tpu.memory_space<hbm>>
    tpu.enqueue_dma source(%dma_start3A_423 : memref<256x128xf32, #tpu.memory_space<hbm>>) target(%arg11 : memref<256x128xf32, #tpu.memory_space<vmem>>) target_semaphore(%arg14 : memref<!tpu.dma_semaphore, #tpu.memory_space<semaphore_mem>>)
    %mul3A_424 = arith.constant 2 : i32
    %mul3A_425 = arith.muli %mul3A_424, %add3A : i32
    %add3A_426 = arith.constant 0 : i32
    %add3A_427 = arith.addi %mul3A_425, %add3A_426 : i32
    %mul3A_428 = arith.constant 4096 : i32
    %mul3A_429 = arith.muli %add3A_427, %mul3A_428 : i32
    %add3A_430 = arith.constant 512 : i32
    %add3A_431 = arith.addi %mul3A_429, %add3A_430 : i32
    %dma_start3A_432 = arith.constant 0 : i32
    %dma_start3A_433 = tpu.memref_slice %arg3[%add3A_431, %dma_start3A_432] : memref<262144x128xf32, #tpu.memory_space<hbm>> -> memref<256x128xf32, #tpu.memory_space<hbm>>
    %dma_start3A_434 = arith.constant 0 : i32
    %dma_start3A_435 = tpu.memref_slice %arg3[%add3A_431, %dma_start3A_434] : memref<262144x128xf32, #tpu.memory_space<hbm>> -> memref<256x128xf32, #tpu.memory_space<hbm>>
    tpu.enqueue_dma source(%dma_start3A_435 : memref<256x128xf32, #tpu.memory_space<hbm>>) target(%arg12 : memref<256x128xf32, #tpu.memory_space<vmem>>) target_semaphore(%arg15 : memref<!tpu.dma_semaphore, #tpu.memory_space<semaphore_mem>>)
    %dma_wait3A = arith.constant 0 : i32
    %dma_wait3A_436 = tpu.memref_slice %arg3[%add3A_408, %dma_wait3A] : memref<262144x128xf32, #tpu.memory_space<hbm>> -> memref<256x128xf32, #tpu.memory_space<hbm>>
    %dma_wait3A_437 = arith.constant 0 : i32
    %dma_wait3A_438 = tpu.memref_slice %arg3[%add3A_408, %dma_wait3A_437] : memref<262144x128xf32, #tpu.memory_space<hbm>> -> memref<256x128xf32, #tpu.memory_space<hbm>>
    tpu.wait_dma2 semaphore(%arg13 : memref<!tpu.dma_semaphore, #tpu.memory_space<semaphore_mem>>) src(%dma_wait3A_438 : memref<256x128xf32, #tpu.memory_space<hbm>>) dst(%arg10 : memref<256x128xf32, #tpu.memory_space<vmem>>)
    %mul3A_439 = arith.constant 4096 : i32
    %mul3A_440 = arith.muli %reduce_sum3A_304, %mul3A_439 : i32
    %add3A_441 = arith.constant 0 : i32
    %add3A_442 = arith.addi %mul3A_440, %add3A_441 : i32
    %dma_start3A_443 = arith.constant 0 : i32
    %dma_start3A_444 = tpu.memref_slice %arg5[%add3A_442, %dma_start3A_443] : memref<262144x128xf32, #tpu.memory_space<hbm>> -> memref<256x128xf32, #tpu.memory_space<hbm>>
    %dma_start3A_445 = arith.constant 0 : i32
    %dma_start3A_446 = tpu.memref_slice %arg5[%add3A_442, %dma_start3A_445] : memref<262144x128xf32, #tpu.memory_space<hbm>> -> memref<256x128xf32, #tpu.memory_space<hbm>>
    tpu.enqueue_dma source(%arg10 : memref<256x128xf32, #tpu.memory_space<vmem>>) target(%dma_start3A_446 : memref<256x128xf32, #tpu.memory_space<hbm>>) target_semaphore(%arg16 : memref<!tpu.dma_semaphore, #tpu.memory_space<semaphore_mem>>)
    %dma_wait3A_447 = arith.constant 0 : i32
    %dma_wait3A_448 = tpu.memref_slice %arg5[%add3A_442, %dma_wait3A_447] : memref<262144x128xf32, #tpu.memory_space<hbm>> -> memref<256x128xf32, #tpu.memory_space<hbm>>
    %dma_wait3A_449 = arith.constant 0 : i32
    %dma_wait3A_450 = tpu.memref_slice %arg5[%add3A_442, %dma_wait3A_449] : memref<262144x128xf32, #tpu.memory_space<hbm>> -> memref<256x128xf32, #tpu.memory_space<hbm>>
    tpu.wait_dma2 semaphore(%arg16 : memref<!tpu.dma_semaphore, #tpu.memory_space<semaphore_mem>>) src(%arg10 : memref<256x128xf32, #tpu.memory_space<vmem>>) dst(%dma_wait3A_450 : memref<256x128xf32, #tpu.memory_space<hbm>>)
    %mul3A_451 = arith.constant 2 : i32
    %mul3A_452 = arith.muli %mul3A_451, %add3A : i32
    %add3A_453 = arith.constant 0 : i32
    %add3A_454 = arith.addi %mul3A_452, %add3A_453 : i32
    %mul3A_455 = arith.constant 4096 : i32
    %mul3A_456 = arith.muli %add3A_454, %mul3A_455 : i32
    %add3A_457 = arith.constant 768 : i32
    %add3A_458 = arith.addi %mul3A_456, %add3A_457 : i32
    %dma_start3A_459 = arith.constant 0 : i32
    %dma_start3A_460 = tpu.memref_slice %arg3[%add3A_458, %dma_start3A_459] : memref<262144x128xf32, #tpu.memory_space<hbm>> -> memref<256x128xf32, #tpu.memory_space<hbm>>
    %dma_start3A_461 = arith.constant 0 : i32
    %dma_start3A_462 = tpu.memref_slice %arg3[%add3A_458, %dma_start3A_461] : memref<262144x128xf32, #tpu.memory_space<hbm>> -> memref<256x128xf32, #tpu.memory_space<hbm>>
    tpu.enqueue_dma source(%dma_start3A_462 : memref<256x128xf32, #tpu.memory_space<hbm>>) target(%arg10 : memref<256x128xf32, #tpu.memory_space<vmem>>) target_semaphore(%arg13 : memref<!tpu.dma_semaphore, #tpu.memory_space<semaphore_mem>>)
    %dma_wait3A_463 = arith.constant 0 : i32
    %dma_wait3A_464 = tpu.memref_slice %arg3[%add3A_419, %dma_wait3A_463] : memref<262144x128xf32, #tpu.memory_space<hbm>> -> memref<256x128xf32, #tpu.memory_space<hbm>>
    %dma_wait3A_465 = arith.constant 0 : i32
    %dma_wait3A_466 = tpu.memref_slice %arg3[%add3A_419, %dma_wait3A_465] : memref<262144x128xf32, #tpu.memory_space<hbm>> -> memref<256x128xf32, #tpu.memory_space<hbm>>
    tpu.wait_dma2 semaphore(%arg14 : memref<!tpu.dma_semaphore, #tpu.memory_space<semaphore_mem>>) src(%dma_wait3A_466 : memref<256x128xf32, #tpu.memory_space<hbm>>) dst(%arg11 : memref<256x128xf32, #tpu.memory_space<vmem>>)
    %mul3A_467 = arith.constant 4096 : i32
    %mul3A_468 = arith.muli %reduce_sum3A_304, %mul3A_467 : i32
    %add3A_469 = arith.constant 256 : i32
    %add3A_470 = arith.addi %mul3A_468, %add3A_469 : i32
    %dma_start3A_471 = arith.constant 0 : i32
    %dma_start3A_472 = tpu.memref_slice %arg5[%add3A_470, %dma_start3A_471] : memref<262144x128xf32, #tpu.memory_space<hbm>> -> memref<256x128xf32, #tpu.memory_space<hbm>>
    %dma_start3A_473 = arith.constant 0 : i32
    %dma_start3A_474 = tpu.memref_slice %arg5[%add3A_470, %dma_start3A_473] : memref<262144x128xf32, #tpu.memory_space<hbm>> -> memref<256x128xf32, #tpu.memory_space<hbm>>
    tpu.enqueue_dma source(%arg11 : memref<256x128xf32, #tpu.memory_space<vmem>>) target(%dma_start3A_474 : memref<256x128xf32, #tpu.memory_space<hbm>>) target_semaphore(%arg17 : memref<!tpu.dma_semaphore, #tpu.memory_space<semaphore_mem>>)
    %dma_wait3A_475 = arith.constant 0 : i32
    %dma_wait3A_476 = tpu.memref_slice %arg5[%add3A_470, %dma_wait3A_475] : memref<262144x128xf32, #tpu.memory_space<hbm>> -> memref<256x128xf32, #tpu.memory_space<hbm>>
    %dma_wait3A_477 = arith.constant 0 : i32
    %dma_wait3A_478 = tpu.memref_slice %arg5[%add3A_470, %dma_wait3A_477] : memref<262144x128xf32, #tpu.memory_space<hbm>> -> memref<256x128xf32, #tpu.memory_space<hbm>>
    tpu.wait_dma2 semaphore(%arg17 : memref<!tpu.dma_semaphore, #tpu.memory_space<semaphore_mem>>) src(%arg11 : memref<256x128xf32, #tpu.memory_space<vmem>>) dst(%dma_wait3A_478 : memref<256x128xf32, #tpu.memory_space<hbm>>)
    %mul3A_479 = arith.constant 2 : i32
    %mul3A_480 = arith.muli %mul3A_479, %add3A : i32
    %add3A_481 = arith.constant 0 : i32
    %add3A_482 = arith.addi %mul3A_480, %add3A_481 : i32
    %mul3A_483 = arith.constant 4096 : i32
    %mul3A_484 = arith.muli %add3A_482, %mul3A_483 : i32
    %add3A_485 = arith.constant 1024 : i32
    %add3A_486 = arith.addi %mul3A_484, %add3A_485 : i32
    %dma_start3A_487 = arith.constant 0 : i32
    %dma_start3A_488 = tpu.memref_slice %arg3[%add3A_486, %dma_start3A_487] : memref<262144x128xf32, #tpu.memory_space<hbm>> -> memref<256x128xf32, #tpu.memory_space<hbm>>
    %dma_start3A_489 = arith.constant 0 : i32
    %dma_start3A_490 = tpu.memref_slice %arg3[%add3A_486, %dma_start3A_489] : memref<262144x128xf32, #tpu.memory_space<hbm>> -> memref<256x128xf32, #tpu.memory_space<hbm>>
    tpu.enqueue_dma source(%dma_start3A_490 : memref<256x128xf32, #tpu.memory_space<hbm>>) target(%arg11 : memref<256x128xf32, #tpu.memory_space<vmem>>) target_semaphore(%arg14 : memref<!tpu.dma_semaphore, #tpu.memory_space<semaphore_mem>>)
    %dma_wait3A_491 = arith.constant 0 : i32
    %dma_wait3A_492 = tpu.memref_slice %arg3[%add3A_431, %dma_wait3A_491] : memref<262144x128xf32, #tpu.memory_space<hbm>> -> memref<256x128xf32, #tpu.memory_space<hbm>>
    %dma_wait3A_493 = arith.constant 0 : i32
    %dma_wait3A_494 = tpu.memref_slice %arg3[%add3A_431, %dma_wait3A_493] : memref<262144x128xf32, #tpu.memory_space<hbm>> -> memref<256x128xf32, #tpu.memory_space<hbm>>
    tpu.wait_dma2 semaphore(%arg15 : memref<!tpu.dma_semaphore, #tpu.memory_space<semaphore_mem>>) src(%dma_wait3A_494 : memref<256x128xf32, #tpu.memory_space<hbm>>) dst(%arg12 : memref<256x128xf32, #tpu.memory_space<vmem>>)
    %mul3A_495 = arith.constant 4096 : i32
    %mul3A_496 = arith.muli %reduce_sum3A_304, %mul3A_495 : i32
    %add3A_497 = arith.constant 512 : i32
    %add3A_498 = arith.addi %mul3A_496, %add3A_497 : i32
    %dma_start3A_499 = arith.constant 0 : i32
    %dma_start3A_500 = tpu.memref_slice %arg5[%add3A_498, %dma_start3A_499] : memref<262144x128xf32, #tpu.memory_space<hbm>> -> memref<256x128xf32, #tpu.memory_space<hbm>>
    %dma_start3A_501 = arith.constant 0 : i32
    %dma_start3A_502 = tpu.memref_slice %arg5[%add3A_498, %dma_start3A_501] : memref<262144x128xf32, #tpu.memory_space<hbm>> -> memref<256x128xf32, #tpu.memory_space<hbm>>
    tpu.enqueue_dma source(%arg12 : memref<256x128xf32, #tpu.memory_space<vmem>>) target(%dma_start3A_502 : memref<256x128xf32, #tpu.memory_space<hbm>>) target_semaphore(%arg18 : memref<!tpu.dma_semaphore, #tpu.memory_space<semaphore_mem>>)
    %dma_wait3A_503 = arith.constant 0 : i32
    %dma_wait3A_504 = tpu.memref_slice %arg5[%add3A_498, %dma_wait3A_503] : memref<262144x128xf32, #tpu.memory_space<hbm>> -> memref<256x128xf32, #tpu.memory_space<hbm>>
    %dma_wait3A_505 = arith.constant 0 : i32
    %dma_wait3A_506 = tpu.memref_slice %arg5[%add3A_498, %dma_wait3A_505] : memref<262144x128xf32, #tpu.memory_space<hbm>> -> memref<256x128xf32, #tpu.memory_space<hbm>>
    tpu.wait_dma2 semaphore(%arg18 : memref<!tpu.dma_semaphore, #tpu.memory_space<semaphore_mem>>) src(%arg12 : memref<256x128xf32, #tpu.memory_space<vmem>>) dst(%dma_wait3A_506 : memref<256x128xf32, #tpu.memory_space<hbm>>)
    %mul3A_507 = arith.constant 2 : i32
    %mul3A_508 = arith.muli %mul3A_507, %add3A : i32
    %add3A_509 = arith.constant 0 : i32
    %add3A_510 = arith.addi %mul3A_508, %add3A_509 : i32
    %mul3A_511 = arith.constant 4096 : i32
    %mul3A_512 = arith.muli %add3A_510, %mul3A_511 : i32
    %add3A_513 = arith.constant 1280 : i32
    %add3A_514 = arith.addi %mul3A_512, %add3A_513 : i32
    %dma_start3A_515 = arith.constant 0 : i32
    %dma_start3A_516 = tpu.memref_slice %arg3[%add3A_514, %dma_start3A_515] : memref<262144x128xf32, #tpu.memory_space<hbm>> -> memref<256x128xf32, #tpu.memory_space<hbm>>
    %dma_start3A_517 = arith.constant 0 : i32
    %dma_start3A_518 = tpu.memref_slice %arg3[%add3A_514, %dma_start3A_517] : memref<262144x128xf32, #tpu.memory_space<hbm>> -> memref<256x128xf32, #tpu.memory_space<hbm>>
    tpu.enqueue_dma source(%dma_start3A_518 : memref<256x128xf32, #tpu.memory_space<hbm>>) target(%arg12 : memref<256x128xf32, #tpu.memory_space<vmem>>) target_semaphore(%arg15 : memref<!tpu.dma_semaphore, #tpu.memory_space<semaphore_mem>>)
    %dma_wait3A_519 = arith.constant 0 : i32
    %dma_wait3A_520 = tpu.memref_slice %arg3[%add3A_458, %dma_wait3A_519] : memref<262144x128xf32, #tpu.memory_space<hbm>> -> memref<256x128xf32, #tpu.memory_space<hbm>>
    %dma_wait3A_521 = arith.constant 0 : i32
    %dma_wait3A_522 = tpu.memref_slice %arg3[%add3A_458, %dma_wait3A_521] : memref<262144x128xf32, #tpu.memory_space<hbm>> -> memref<256x128xf32, #tpu.memory_space<hbm>>
    tpu.wait_dma2 semaphore(%arg13 : memref<!tpu.dma_semaphore, #tpu.memory_space<semaphore_mem>>) src(%dma_wait3A_522 : memref<256x128xf32, #tpu.memory_space<hbm>>) dst(%arg10 : memref<256x128xf32, #tpu.memory_space<vmem>>)
    %mul3A_523 = arith.constant 4096 : i32
    %mul3A_524 = arith.muli %reduce_sum3A_304, %mul3A_523 : i32
    %add3A_525 = arith.constant 768 : i32
    %add3A_526 = arith.addi %mul3A_524, %add3A_525 : i32
    %dma_start3A_527 = arith.constant 0 : i32
    %dma_start3A_528 = tpu.memref_slice %arg5[%add3A_526, %dma_start3A_527] : memref<262144x128xf32, #tpu.memory_space<hbm>> -> memref<256x128xf32, #tpu.memory_space<hbm>>
    %dma_start3A_529 = arith.constant 0 : i32
    %dma_start3A_530 = tpu.memref_slice %arg5[%add3A_526, %dma_start3A_529] : memref<262144x128xf32, #tpu.memory_space<hbm>> -> memref<256x128xf32, #tpu.memory_space<hbm>>
    tpu.enqueue_dma source(%arg10 : memref<256x128xf32, #tpu.memory_space<vmem>>) target(%dma_start3A_530 : memref<256x128xf32, #tpu.memory_space<hbm>>) target_semaphore(%arg16 : memref<!tpu.dma_semaphore, #tpu.memory_space<semaphore_mem>>)
    %dma_wait3A_531 = arith.constant 0 : i32
    %dma_wait3A_532 = tpu.memref_slice %arg5[%add3A_526, %dma_wait3A_531] : memref<262144x128xf32, #tpu.memory_space<hbm>> -> memref<256x128xf32, #tpu.memory_space<hbm>>
    %dma_wait3A_533 = arith.constant 0 : i32
    %dma_wait3A_534 = tpu.memref_slice %arg5[%add3A_526, %dma_wait3A_533] : memref<262144x128xf32, #tpu.memory_space<hbm>> -> memref<256x128xf32, #tpu.memory_space<hbm>>
    tpu.wait_dma2 semaphore(%arg16 : memref<!tpu.dma_semaphore, #tpu.memory_space<semaphore_mem>>) src(%arg10 : memref<256x128xf32, #tpu.memory_space<vmem>>) dst(%dma_wait3A_534 : memref<256x128xf32, #tpu.memory_space<hbm>>)
    %mul3A_535 = arith.constant 2 : i32
    %mul3A_536 = arith.muli %mul3A_535, %add3A : i32
    %add3A_537 = arith.constant 0 : i32
    %add3A_538 = arith.addi %mul3A_536, %add3A_537 : i32
    %mul3A_539 = arith.constant 4096 : i32
    %mul3A_540 = arith.muli %add3A_538, %mul3A_539 : i32
    %add3A_541 = arith.constant 1536 : i32
    %add3A_542 = arith.addi %mul3A_540, %add3A_541 : i32
    %dma_start3A_543 = arith.constant 0 : i32
    %dma_start3A_544 = tpu.memref_slice %arg3[%add3A_542, %dma_start3A_543] : memref<262144x128xf32, #tpu.memory_space<hbm>> -> memref<256x128xf32, #tpu.memory_space<hbm>>
    %dma_start3A_545 = arith.constant 0 : i32
    %dma_start3A_546 = tpu.memref_slice %arg3[%add3A_542, %dma_start3A_545] : memref<262144x128xf32, #tpu.memory_space<hbm>> -> memref<256x128xf32, #tpu.memory_space<hbm>>
    tpu.enqueue_dma source(%dma_start3A_546 : memref<256x128xf32, #tpu.memory_space<hbm>>) target(%arg10 : memref<256x128xf32, #tpu.memory_space<vmem>>) target_semaphore(%arg13 : memref<!tpu.dma_semaphore, #tpu.memory_space<semaphore_mem>>)
    %dma_wait3A_547 = arith.constant 0 : i32
    %dma_wait3A_548 = tpu.memref_slice %arg3[%add3A_486, %dma_wait3A_547] : memref<262144x128xf32, #tpu.memory_space<hbm>> -> memref<256x128xf32, #tpu.memory_space<hbm>>
    %dma_wait3A_549 = arith.constant 0 : i32
    %dma_wait3A_550 = tpu.memref_slice %arg3[%add3A_486, %dma_wait3A_549] : memref<262144x128xf32, #tpu.memory_space<hbm>> -> memref<256x128xf32, #tpu.memory_space<hbm>>
    tpu.wait_dma2 semaphore(%arg14 : memref<!tpu.dma_semaphore, #tpu.memory_space<semaphore_mem>>) src(%dma_wait3A_550 : memref<256x128xf32, #tpu.memory_space<hbm>>) dst(%arg11 : memref<256x128xf32, #tpu.memory_space<vmem>>)
    %mul3A_551 = arith.constant 4096 : i32
    %mul3A_552 = arith.muli %reduce_sum3A_304, %mul3A_551 : i32
    %add3A_553 = arith.constant 1024 : i32
    %add3A_554 = arith.addi %mul3A_552, %add3A_553 : i32
    %dma_start3A_555 = arith.constant 0 : i32
    %dma_start3A_556 = tpu.memref_slice %arg5[%add3A_554, %dma_start3A_555] : memref<262144x128xf32, #tpu.memory_space<hbm>> -> memref<256x128xf32, #tpu.memory_space<hbm>>
    %dma_start3A_557 = arith.constant 0 : i32
    %dma_start3A_558 = tpu.memref_slice %arg5[%add3A_554, %dma_start3A_557] : memref<262144x128xf32, #tpu.memory_space<hbm>> -> memref<256x128xf32, #tpu.memory_space<hbm>>
    tpu.enqueue_dma source(%arg11 : memref<256x128xf32, #tpu.memory_space<vmem>>) target(%dma_start3A_558 : memref<256x128xf32, #tpu.memory_space<hbm>>) target_semaphore(%arg17 : memref<!tpu.dma_semaphore, #tpu.memory_space<semaphore_mem>>)
    %dma_wait3A_559 = arith.constant 0 : i32
    %dma_wait3A_560 = tpu.memref_slice %arg5[%add3A_554, %dma_wait3A_559] : memref<262144x128xf32, #tpu.memory_space<hbm>> -> memref<256x128xf32, #tpu.memory_space<hbm>>
    %dma_wait3A_561 = arith.constant 0 : i32
    %dma_wait3A_562 = tpu.memref_slice %arg5[%add3A_554, %dma_wait3A_561] : memref<262144x128xf32, #tpu.memory_space<hbm>> -> memref<256x128xf32, #tpu.memory_space<hbm>>
    tpu.wait_dma2 semaphore(%arg17 : memref<!tpu.dma_semaphore, #tpu.memory_space<semaphore_mem>>) src(%arg11 : memref<256x128xf32, #tpu.memory_space<vmem>>) dst(%dma_wait3A_562 : memref<256x128xf32, #tpu.memory_space<hbm>>)
    %mul3A_563 = arith.constant 2 : i32
    %mul3A_564 = arith.muli %mul3A_563, %add3A : i32
    %add3A_565 = arith.constant 0 : i32
    %add3A_566 = arith.addi %mul3A_564, %add3A_565 : i32
    %mul3A_567 = arith.constant 4096 : i32
    %mul3A_568 = arith.muli %add3A_566, %mul3A_567 : i32
    %add3A_569 = arith.constant 1792 : i32
    %add3A_570 = arith.addi %mul3A_568, %add3A_569 : i32
    %dma_start3A_571 = arith.constant 0 : i32
    %dma_start3A_572 = tpu.memref_slice %arg3[%add3A_570, %dma_start3A_571] : memref<262144x128xf32, #tpu.memory_space<hbm>> -> memref<256x128xf32, #tpu.memory_space<hbm>>
    %dma_start3A_573 = arith.constant 0 : i32
    %dma_start3A_574 = tpu.memref_slice %arg3[%add3A_570, %dma_start3A_573] : memref<262144x128xf32, #tpu.memory_space<hbm>> -> memref<256x128xf32, #tpu.memory_space<hbm>>
    tpu.enqueue_dma source(%dma_start3A_574 : memref<256x128xf32, #tpu.memory_space<hbm>>) target(%arg11 : memref<256x128xf32, #tpu.memory_space<vmem>>) target_semaphore(%arg14 : memref<!tpu.dma_semaphore, #tpu.memory_space<semaphore_mem>>)
    %dma_wait3A_575 = arith.constant 0 : i32
    %dma_wait3A_576 = tpu.memref_slice %arg3[%add3A_514, %dma_wait3A_575] : memref<262144x128xf32, #tpu.memory_space<hbm>> -> memref<256x128xf32, #tpu.memory_space<hbm>>
    %dma_wait3A_577 = arith.constant 0 : i32
    %dma_wait3A_578 = tpu.memref_slice %arg3[%add3A_514, %dma_wait3A_577] : memref<262144x128xf32, #tpu.memory_space<hbm>> -> memref<256x128xf32, #tpu.memory_space<hbm>>
    tpu.wait_dma2 semaphore(%arg15 : memref<!tpu.dma_semaphore, #tpu.memory_space<semaphore_mem>>) src(%dma_wait3A_578 : memref<256x128xf32, #tpu.memory_space<hbm>>) dst(%arg12 : memref<256x128xf32, #tpu.memory_space<vmem>>)
    %mul3A_579 = arith.constant 4096 : i32
    %mul3A_580 = arith.muli %reduce_sum3A_304, %mul3A_579 : i32
    %add3A_581 = arith.constant 1280 : i32
    %add3A_582 = arith.addi %mul3A_580, %add3A_581 : i32
    %dma_start3A_583 = arith.constant 0 : i32
    %dma_start3A_584 = tpu.memref_slice %arg5[%add3A_582, %dma_start3A_583] : memref<262144x128xf32, #tpu.memory_space<hbm>> -> memref<256x128xf32, #tpu.memory_space<hbm>>
    %dma_start3A_585 = arith.constant 0 : i32
    %dma_start3A_586 = tpu.memref_slice %arg5[%add3A_582, %dma_start3A_585] : memref<262144x128xf32, #tpu.memory_space<hbm>> -> memref<256x128xf32, #tpu.memory_space<hbm>>
    tpu.enqueue_dma source(%arg12 : memref<256x128xf32, #tpu.memory_space<vmem>>) target(%dma_start3A_586 : memref<256x128xf32, #tpu.memory_space<hbm>>) target_semaphore(%arg18 : memref<!tpu.dma_semaphore, #tpu.memory_space<semaphore_mem>>)
    %dma_wait3A_587 = arith.constant 0 : i32
    %dma_wait3A_588 = tpu.memref_slice %arg5[%add3A_582, %dma_wait3A_587] : memref<262144x128xf32, #tpu.memory_space<hbm>> -> memref<256x128xf32, #tpu.memory_space<hbm>>
    %dma_wait3A_589 = arith.constant 0 : i32
    %dma_wait3A_590 = tpu.memref_slice %arg5[%add3A_582, %dma_wait3A_589] : memref<262144x128xf32, #tpu.memory_space<hbm>> -> memref<256x128xf32, #tpu.memory_space<hbm>>
    tpu.wait_dma2 semaphore(%arg18 : memref<!tpu.dma_semaphore, #tpu.memory_space<semaphore_mem>>) src(%arg12 : memref<256x128xf32, #tpu.memory_space<vmem>>) dst(%dma_wait3A_590 : memref<256x128xf32, #tpu.memory_space<hbm>>)
    %mul3A_591 = arith.constant 2 : i32
    %mul3A_592 = arith.muli %mul3A_591, %add3A : i32
    %add3A_593 = arith.constant 0 : i32
    %add3A_594 = arith.addi %mul3A_592, %add3A_593 : i32
    %mul3A_595 = arith.constant 4096 : i32
    %mul3A_596 = arith.muli %add3A_594, %mul3A_595 : i32
    %add3A_597 = arith.constant 2048 : i32
    %add3A_598 = arith.addi %mul3A_596, %add3A_597 : i32
    %dma_start3A_599 = arith.constant 0 : i32
    %dma_start3A_600 = tpu.memref_slice %arg3[%add3A_598, %dma_start3A_599] : memref<262144x128xf32, #tpu.memory_space<hbm>> -> memref<256x128xf32, #tpu.memory_space<hbm>>
    %dma_start3A_601 = arith.constant 0 : i32
    %dma_start3A_602 = tpu.memref_slice %arg3[%add3A_598, %dma_start3A_601] : memref<262144x128xf32, #tpu.memory_space<hbm>> -> memref<256x128xf32, #tpu.memory_space<hbm>>
    tpu.enqueue_dma source(%dma_start3A_602 : memref<256x128xf32, #tpu.memory_space<hbm>>) target(%arg12 : memref<256x128xf32, #tpu.memory_space<vmem>>) target_semaphore(%arg15 : memref<!tpu.dma_semaphore, #tpu.memory_space<semaphore_mem>>)
    %dma_wait3A_603 = arith.constant 0 : i32
    %dma_wait3A_604 = tpu.memref_slice %arg3[%add3A_542, %dma_wait3A_603] : memref<262144x128xf32, #tpu.memory_space<hbm>> -> memref<256x128xf32, #tpu.memory_space<hbm>>
    %dma_wait3A_605 = arith.constant 0 : i32
    %dma_wait3A_606 = tpu.memref_slice %arg3[%add3A_542, %dma_wait3A_605] : memref<262144x128xf32, #tpu.memory_space<hbm>> -> memref<256x128xf32, #tpu.memory_space<hbm>>
    tpu.wait_dma2 semaphore(%arg13 : memref<!tpu.dma_semaphore, #tpu.memory_space<semaphore_mem>>) src(%dma_wait3A_606 : memref<256x128xf32, #tpu.memory_space<hbm>>) dst(%arg10 : memref<256x128xf32, #tpu.memory_space<vmem>>)
    %mul3A_607 = arith.constant 4096 : i32
    %mul3A_608 = arith.muli %reduce_sum3A_304, %mul3A_607 : i32
    %add3A_609 = arith.constant 1536 : i32
    %add3A_610 = arith.addi %mul3A_608, %add3A_609 : i32
    %dma_start3A_611 = arith.constant 0 : i32
    %dma_start3A_612 = tpu.memref_slice %arg5[%add3A_610, %dma_start3A_611] : memref<262144x128xf32, #tpu.memory_space<hbm>> -> memref<256x128xf32, #tpu.memory_space<hbm>>
    %dma_start3A_613 = arith.constant 0 : i32
    %dma_start3A_614 = tpu.memref_slice %arg5[%add3A_610, %dma_start3A_613] : memref<262144x128xf32, #tpu.memory_space<hbm>> -> memref<256x128xf32, #tpu.memory_space<hbm>>
    tpu.enqueue_dma source(%arg10 : memref<256x128xf32, #tpu.memory_space<vmem>>) target(%dma_start3A_614 : memref<256x128xf32, #tpu.memory_space<hbm>>) target_semaphore(%arg16 : memref<!tpu.dma_semaphore, #tpu.memory_space<semaphore_mem>>)
    %dma_wait3A_615 = arith.constant 0 : i32
    %dma_wait3A_616 = tpu.memref_slice %arg5[%add3A_610, %dma_wait3A_615] : memref<262144x128xf32, #tpu.memory_space<hbm>> -> memref<256x128xf32, #tpu.memory_space<hbm>>
    %dma_wait3A_617 = arith.constant 0 : i32
    %dma_wait3A_618 = tpu.memref_slice %arg5[%add3A_610, %dma_wait3A_617] : memref<262144x128xf32, #tpu.memory_space<hbm>> -> memref<256x128xf32, #tpu.memory_space<hbm>>
    tpu.wait_dma2 semaphore(%arg16 : memref<!tpu.dma_semaphore, #tpu.memory_space<semaphore_mem>>) src(%arg10 : memref<256x128xf32, #tpu.memory_space<vmem>>) dst(%dma_wait3A_618 : memref<256x128xf32, #tpu.memory_space<hbm>>)
    %mul3A_619 = arith.constant 2 : i32
    %mul3A_620 = arith.muli %mul3A_619, %add3A : i32
    %add3A_621 = arith.constant 0 : i32
    %add3A_622 = arith.addi %mul3A_620, %add3A_621 : i32
    %mul3A_623 = arith.constant 4096 : i32
    %mul3A_624 = arith.muli %add3A_622, %mul3A_623 : i32
    %add3A_625 = arith.constant 2304 : i32
    %add3A_626 = arith.addi %mul3A_624, %add3A_625 : i32
    %dma_start3A_627 = arith.constant 0 : i32
    %dma_start3A_628 = tpu.memref_slice %arg3[%add3A_626, %dma_start3A_627] : memref<262144x128xf32, #tpu.memory_space<hbm>> -> memref<256x128xf32, #tpu.memory_space<hbm>>
    %dma_start3A_629 = arith.constant 0 : i32
    %dma_start3A_630 = tpu.memref_slice %arg3[%add3A_626, %dma_start3A_629] : memref<262144x128xf32, #tpu.memory_space<hbm>> -> memref<256x128xf32, #tpu.memory_space<hbm>>
    tpu.enqueue_dma source(%dma_start3A_630 : memref<256x128xf32, #tpu.memory_space<hbm>>) target(%arg10 : memref<256x128xf32, #tpu.memory_space<vmem>>) target_semaphore(%arg13 : memref<!tpu.dma_semaphore, #tpu.memory_space<semaphore_mem>>)
    %dma_wait3A_631 = arith.constant 0 : i32
    %dma_wait3A_632 = tpu.memref_slice %arg3[%add3A_570, %dma_wait3A_631] : memref<262144x128xf32, #tpu.memory_space<hbm>> -> memref<256x128xf32, #tpu.memory_space<hbm>>
    %dma_wait3A_633 = arith.constant 0 : i32
    %dma_wait3A_634 = tpu.memref_slice %arg3[%add3A_570, %dma_wait3A_633] : memref<262144x128xf32, #tpu.memory_space<hbm>> -> memref<256x128xf32, #tpu.memory_space<hbm>>
    tpu.wait_dma2 semaphore(%arg14 : memref<!tpu.dma_semaphore, #tpu.memory_space<semaphore_mem>>) src(%dma_wait3A_634 : memref<256x128xf32, #tpu.memory_space<hbm>>) dst(%arg11 : memref<256x128xf32, #tpu.memory_space<vmem>>)
    %mul3A_635 = arith.constant 4096 : i32
    %mul3A_636 = arith.muli %reduce_sum3A_304, %mul3A_635 : i32
    %add3A_637 = arith.constant 1792 : i32
    %add3A_638 = arith.addi %mul3A_636, %add3A_637 : i32
    %dma_start3A_639 = arith.constant 0 : i32
    %dma_start3A_640 = tpu.memref_slice %arg5[%add3A_638, %dma_start3A_639] : memref<262144x128xf32, #tpu.memory_space<hbm>> -> memref<256x128xf32, #tpu.memory_space<hbm>>
    %dma_start3A_641 = arith.constant 0 : i32
    %dma_start3A_642 = tpu.memref_slice %arg5[%add3A_638, %dma_start3A_641] : memref<262144x128xf32, #tpu.memory_space<hbm>> -> memref<256x128xf32, #tpu.memory_space<hbm>>
    tpu.enqueue_dma source(%arg11 : memref<256x128xf32, #tpu.memory_space<vmem>>) target(%dma_start3A_642 : memref<256x128xf32, #tpu.memory_space<hbm>>) target_semaphore(%arg17 : memref<!tpu.dma_semaphore, #tpu.memory_space<semaphore_mem>>)
    %dma_wait3A_643 = arith.constant 0 : i32
    %dma_wait3A_644 = tpu.memref_slice %arg5[%add3A_638, %dma_wait3A_643] : memref<262144x128xf32, #tpu.memory_space<hbm>> -> memref<256x128xf32, #tpu.memory_space<hbm>>
    %dma_wait3A_645 = arith.constant 0 : i32
    %dma_wait3A_646 = tpu.memref_slice %arg5[%add3A_638, %dma_wait3A_645] : memref<262144x128xf32, #tpu.memory_space<hbm>> -> memref<256x128xf32, #tpu.memory_space<hbm>>
    tpu.wait_dma2 semaphore(%arg17 : memref<!tpu.dma_semaphore, #tpu.memory_space<semaphore_mem>>) src(%arg11 : memref<256x128xf32, #tpu.memory_space<vmem>>) dst(%dma_wait3A_646 : memref<256x128xf32, #tpu.memory_space<hbm>>)
    %mul3A_647 = arith.constant 2 : i32
    %mul3A_648 = arith.muli %mul3A_647, %add3A : i32
    %add3A_649 = arith.constant 0 : i32
    %add3A_650 = arith.addi %mul3A_648, %add3A_649 : i32
    %mul3A_651 = arith.constant 4096 : i32
    %mul3A_652 = arith.muli %add3A_650, %mul3A_651 : i32
    %add3A_653 = arith.constant 2560 : i32
    %add3A_654 = arith.addi %mul3A_652, %add3A_653 : i32
    %dma_start3A_655 = arith.constant 0 : i32
    %dma_start3A_656 = tpu.memref_slice %arg3[%add3A_654, %dma_start3A_655] : memref<262144x128xf32, #tpu.memory_space<hbm>> -> memref<256x128xf32, #tpu.memory_space<hbm>>
    %dma_start3A_657 = arith.constant 0 : i32
    %dma_start3A_658 = tpu.memref_slice %arg3[%add3A_654, %dma_start3A_657] : memref<262144x128xf32, #tpu.memory_space<hbm>> -> memref<256x128xf32, #tpu.memory_space<hbm>>
    tpu.enqueue_dma source(%dma_start3A_658 : memref<256x128xf32, #tpu.memory_space<hbm>>) target(%arg11 : memref<256x128xf32, #tpu.memory_space<vmem>>) target_semaphore(%arg14 : memref<!tpu.dma_semaphore, #tpu.memory_space<semaphore_mem>>)
    %dma_wait3A_659 = arith.constant 0 : i32
    %dma_wait3A_660 = tpu.memref_slice %arg3[%add3A_598, %dma_wait3A_659] : memref<262144x128xf32, #tpu.memory_space<hbm>> -> memref<256x128xf32, #tpu.memory_space<hbm>>
    %dma_wait3A_661 = arith.constant 0 : i32
    %dma_wait3A_662 = tpu.memref_slice %arg3[%add3A_598, %dma_wait3A_661] : memref<262144x128xf32, #tpu.memory_space<hbm>> -> memref<256x128xf32, #tpu.memory_space<hbm>>
    tpu.wait_dma2 semaphore(%arg15 : memref<!tpu.dma_semaphore, #tpu.memory_space<semaphore_mem>>) src(%dma_wait3A_662 : memref<256x128xf32, #tpu.memory_space<hbm>>) dst(%arg12 : memref<256x128xf32, #tpu.memory_space<vmem>>)
    %mul3A_663 = arith.constant 4096 : i32
    %mul3A_664 = arith.muli %reduce_sum3A_304, %mul3A_663 : i32
    %add3A_665 = arith.constant 2048 : i32
    %add3A_666 = arith.addi %mul3A_664, %add3A_665 : i32
    %dma_start3A_667 = arith.constant 0 : i32
    %dma_start3A_668 = tpu.memref_slice %arg5[%add3A_666, %dma_start3A_667] : memref<262144x128xf32, #tpu.memory_space<hbm>> -> memref<256x128xf32, #tpu.memory_space<hbm>>
    %dma_start3A_669 = arith.constant 0 : i32
    %dma_start3A_670 = tpu.memref_slice %arg5[%add3A_666, %dma_start3A_669] : memref<262144x128xf32, #tpu.memory_space<hbm>> -> memref<256x128xf32, #tpu.memory_space<hbm>>
    tpu.enqueue_dma source(%arg12 : memref<256x128xf32, #tpu.memory_space<vmem>>) target(%dma_start3A_670 : memref<256x128xf32, #tpu.memory_space<hbm>>) target_semaphore(%arg18 : memref<!tpu.dma_semaphore, #tpu.memory_space<semaphore_mem>>)
    %dma_wait3A_671 = arith.constant 0 : i32
    %dma_wait3A_672 = tpu.memref_slice %arg5[%add3A_666, %dma_wait3A_671] : memref<262144x128xf32, #tpu.memory_space<hbm>> -> memref<256x128xf32, #tpu.memory_space<hbm>>
    %dma_wait3A_673 = arith.constant 0 : i32
    %dma_wait3A_674 = tpu.memref_slice %arg5[%add3A_666, %dma_wait3A_673] : memref<262144x128xf32, #tpu.memory_space<hbm>> -> memref<256x128xf32, #tpu.memory_space<hbm>>
    tpu.wait_dma2 semaphore(%arg18 : memref<!tpu.dma_semaphore, #tpu.memory_space<semaphore_mem>>) src(%arg12 : memref<256x128xf32, #tpu.memory_space<vmem>>) dst(%dma_wait3A_674 : memref<256x128xf32, #tpu.memory_space<hbm>>)
    %mul3A_675 = arith.constant 2 : i32
    %mul3A_676 = arith.muli %mul3A_675, %add3A : i32
    %add3A_677 = arith.constant 0 : i32
    %add3A_678 = arith.addi %mul3A_676, %add3A_677 : i32
    %mul3A_679 = arith.constant 4096 : i32
    %mul3A_680 = arith.muli %add3A_678, %mul3A_679 : i32
    %add3A_681 = arith.constant 2816 : i32
    %add3A_682 = arith.addi %mul3A_680, %add3A_681 : i32
    %dma_start3A_683 = arith.constant 0 : i32
    %dma_start3A_684 = tpu.memref_slice %arg3[%add3A_682, %dma_start3A_683] : memref<262144x128xf32, #tpu.memory_space<hbm>> -> memref<256x128xf32, #tpu.memory_space<hbm>>
    %dma_start3A_685 = arith.constant 0 : i32
    %dma_start3A_686 = tpu.memref_slice %arg3[%add3A_682, %dma_start3A_685] : memref<262144x128xf32, #tpu.memory_space<hbm>> -> memref<256x128xf32, #tpu.memory_space<hbm>>
    tpu.enqueue_dma source(%dma_start3A_686 : memref<256x128xf32, #tpu.memory_space<hbm>>) target(%arg12 : memref<256x128xf32, #tpu.memory_space<vmem>>) target_semaphore(%arg15 : memref<!tpu.dma_semaphore, #tpu.memory_space<semaphore_mem>>)
    %dma_wait3A_687 = arith.constant 0 : i32
    %dma_wait3A_688 = tpu.memref_slice %arg3[%add3A_626, %dma_wait3A_687] : memref<262144x128xf32, #tpu.memory_space<hbm>> -> memref<256x128xf32, #tpu.memory_space<hbm>>
    %dma_wait3A_689 = arith.constant 0 : i32
    %dma_wait3A_690 = tpu.memref_slice %arg3[%add3A_626, %dma_wait3A_689] : memref<262144x128xf32, #tpu.memory_space<hbm>> -> memref<256x128xf32, #tpu.memory_space<hbm>>
    tpu.wait_dma2 semaphore(%arg13 : memref<!tpu.dma_semaphore, #tpu.memory_space<semaphore_mem>>) src(%dma_wait3A_690 : memref<256x128xf32, #tpu.memory_space<hbm>>) dst(%arg10 : memref<256x128xf32, #tpu.memory_space<vmem>>)
    %mul3A_691 = arith.constant 4096 : i32
    %mul3A_692 = arith.muli %reduce_sum3A_304, %mul3A_691 : i32
    %add3A_693 = arith.constant 2304 : i32
    %add3A_694 = arith.addi %mul3A_692, %add3A_693 : i32
    %dma_start3A_695 = arith.constant 0 : i32
    %dma_start3A_696 = tpu.memref_slice %arg5[%add3A_694, %dma_start3A_695] : memref<262144x128xf32, #tpu.memory_space<hbm>> -> memref<256x128xf32, #tpu.memory_space<hbm>>
    %dma_start3A_697 = arith.constant 0 : i32
    %dma_start3A_698 = tpu.memref_slice %arg5[%add3A_694, %dma_start3A_697] : memref<262144x128xf32, #tpu.memory_space<hbm>> -> memref<256x128xf32, #tpu.memory_space<hbm>>
    tpu.enqueue_dma source(%arg10 : memref<256x128xf32, #tpu.memory_space<vmem>>) target(%dma_start3A_698 : memref<256x128xf32, #tpu.memory_space<hbm>>) target_semaphore(%arg16 : memref<!tpu.dma_semaphore, #tpu.memory_space<semaphore_mem>>)
    %dma_wait3A_699 = arith.constant 0 : i32
    %dma_wait3A_700 = tpu.memref_slice %arg5[%add3A_694, %dma_wait3A_699] : memref<262144x128xf32, #tpu.memory_space<hbm>> -> memref<256x128xf32, #tpu.memory_space<hbm>>
    %dma_wait3A_701 = arith.constant 0 : i32
    %dma_wait3A_702 = tpu.memref_slice %arg5[%add3A_694, %dma_wait3A_701] : memref<262144x128xf32, #tpu.memory_space<hbm>> -> memref<256x128xf32, #tpu.memory_space<hbm>>
    tpu.wait_dma2 semaphore(%arg16 : memref<!tpu.dma_semaphore, #tpu.memory_space<semaphore_mem>>) src(%arg10 : memref<256x128xf32, #tpu.memory_space<vmem>>) dst(%dma_wait3A_702 : memref<256x128xf32, #tpu.memory_space<hbm>>)
    %mul3A_703 = arith.constant 2 : i32
    %mul3A_704 = arith.muli %mul3A_703, %add3A : i32
    %add3A_705 = arith.constant 0 : i32
    %add3A_706 = arith.addi %mul3A_704, %add3A_705 : i32
    %mul3A_707 = arith.constant 4096 : i32
    %mul3A_708 = arith.muli %add3A_706, %mul3A_707 : i32
    %add3A_709 = arith.constant 3072 : i32
    %add3A_710 = arith.addi %mul3A_708, %add3A_709 : i32
    %dma_start3A_711 = arith.constant 0 : i32
    %dma_start3A_712 = tpu.memref_slice %arg3[%add3A_710, %dma_start3A_711] : memref<262144x128xf32, #tpu.memory_space<hbm>> -> memref<256x128xf32, #tpu.memory_space<hbm>>
    %dma_start3A_713 = arith.constant 0 : i32
    %dma_start3A_714 = tpu.memref_slice %arg3[%add3A_710, %dma_start3A_713] : memref<262144x128xf32, #tpu.memory_space<hbm>> -> memref<256x128xf32, #tpu.memory_space<hbm>>
    tpu.enqueue_dma source(%dma_start3A_714 : memref<256x128xf32, #tpu.memory_space<hbm>>) target(%arg10 : memref<256x128xf32, #tpu.memory_space<vmem>>) target_semaphore(%arg13 : memref<!tpu.dma_semaphore, #tpu.memory_space<semaphore_mem>>)
    %dma_wait3A_715 = arith.constant 0 : i32
    %dma_wait3A_716 = tpu.memref_slice %arg3[%add3A_654, %dma_wait3A_715] : memref<262144x128xf32, #tpu.memory_space<hbm>> -> memref<256x128xf32, #tpu.memory_space<hbm>>
    %dma_wait3A_717 = arith.constant 0 : i32
    %dma_wait3A_718 = tpu.memref_slice %arg3[%add3A_654, %dma_wait3A_717] : memref<262144x128xf32, #tpu.memory_space<hbm>> -> memref<256x128xf32, #tpu.memory_space<hbm>>
    tpu.wait_dma2 semaphore(%arg14 : memref<!tpu.dma_semaphore, #tpu.memory_space<semaphore_mem>>) src(%dma_wait3A_718 : memref<256x128xf32, #tpu.memory_space<hbm>>) dst(%arg11 : memref<256x128xf32, #tpu.memory_space<vmem>>)
    %mul3A_719 = arith.constant 4096 : i32
    %mul3A_720 = arith.muli %reduce_sum3A_304, %mul3A_719 : i32
    %add3A_721 = arith.constant 2560 : i32
    %add3A_722 = arith.addi %mul3A_720, %add3A_721 : i32
    %dma_start3A_723 = arith.constant 0 : i32
    %dma_start3A_724 = tpu.memref_slice %arg5[%add3A_722, %dma_start3A_723] : memref<262144x128xf32, #tpu.memory_space<hbm>> -> memref<256x128xf32, #tpu.memory_space<hbm>>
    %dma_start3A_725 = arith.constant 0 : i32
    %dma_start3A_726 = tpu.memref_slice %arg5[%add3A_722, %dma_start3A_725] : memref<262144x128xf32, #tpu.memory_space<hbm>> -> memref<256x128xf32, #tpu.memory_space<hbm>>
    tpu.enqueue_dma source(%arg11 : memref<256x128xf32, #tpu.memory_space<vmem>>) target(%dma_start3A_726 : memref<256x128xf32, #tpu.memory_space<hbm>>) target_semaphore(%arg17 : memref<!tpu.dma_semaphore, #tpu.memory_space<semaphore_mem>>)
    %dma_wait3A_727 = arith.constant 0 : i32
    %dma_wait3A_728 = tpu.memref_slice %arg5[%add3A_722, %dma_wait3A_727] : memref<262144x128xf32, #tpu.memory_space<hbm>> -> memref<256x128xf32, #tpu.memory_space<hbm>>
    %dma_wait3A_729 = arith.constant 0 : i32
    %dma_wait3A_730 = tpu.memref_slice %arg5[%add3A_722, %dma_wait3A_729] : memref<262144x128xf32, #tpu.memory_space<hbm>> -> memref<256x128xf32, #tpu.memory_space<hbm>>
    tpu.wait_dma2 semaphore(%arg17 : memref<!tpu.dma_semaphore, #tpu.memory_space<semaphore_mem>>) src(%arg11 : memref<256x128xf32, #tpu.memory_space<vmem>>) dst(%dma_wait3A_730 : memref<256x128xf32, #tpu.memory_space<hbm>>)
    %mul3A_731 = arith.constant 2 : i32
    %mul3A_732 = arith.muli %mul3A_731, %add3A : i32
    %add3A_733 = arith.constant 0 : i32
    %add3A_734 = arith.addi %mul3A_732, %add3A_733 : i32
    %mul3A_735 = arith.constant 4096 : i32
    %mul3A_736 = arith.muli %add3A_734, %mul3A_735 : i32
    %add3A_737 = arith.constant 3328 : i32
    %add3A_738 = arith.addi %mul3A_736, %add3A_737 : i32
    %dma_start3A_739 = arith.constant 0 : i32
    %dma_start3A_740 = tpu.memref_slice %arg3[%add3A_738, %dma_start3A_739] : memref<262144x128xf32, #tpu.memory_space<hbm>> -> memref<256x128xf32, #tpu.memory_space<hbm>>
    %dma_start3A_741 = arith.constant 0 : i32
    %dma_start3A_742 = tpu.memref_slice %arg3[%add3A_738, %dma_start3A_741] : memref<262144x128xf32, #tpu.memory_space<hbm>> -> memref<256x128xf32, #tpu.memory_space<hbm>>
    tpu.enqueue_dma source(%dma_start3A_742 : memref<256x128xf32, #tpu.memory_space<hbm>>) target(%arg11 : memref<256x128xf32, #tpu.memory_space<vmem>>) target_semaphore(%arg14 : memref<!tpu.dma_semaphore, #tpu.memory_space<semaphore_mem>>)
    %dma_wait3A_743 = arith.constant 0 : i32
    %dma_wait3A_744 = tpu.memref_slice %arg3[%add3A_682, %dma_wait3A_743] : memref<262144x128xf32, #tpu.memory_space<hbm>> -> memref<256x128xf32, #tpu.memory_space<hbm>>
    %dma_wait3A_745 = arith.constant 0 : i32
    %dma_wait3A_746 = tpu.memref_slice %arg3[%add3A_682, %dma_wait3A_745] : memref<262144x128xf32, #tpu.memory_space<hbm>> -> memref<256x128xf32, #tpu.memory_space<hbm>>
    tpu.wait_dma2 semaphore(%arg15 : memref<!tpu.dma_semaphore, #tpu.memory_space<semaphore_mem>>) src(%dma_wait3A_746 : memref<256x128xf32, #tpu.memory_space<hbm>>) dst(%arg12 : memref<256x128xf32, #tpu.memory_space<vmem>>)
    %mul3A_747 = arith.constant 4096 : i32
    %mul3A_748 = arith.muli %reduce_sum3A_304, %mul3A_747 : i32
    %add3A_749 = arith.constant 2816 : i32
    %add3A_750 = arith.addi %mul3A_748, %add3A_749 : i32
    %dma_start3A_751 = arith.constant 0 : i32
    %dma_start3A_752 = tpu.memref_slice %arg5[%add3A_750, %dma_start3A_751] : memref<262144x128xf32, #tpu.memory_space<hbm>> -> memref<256x128xf32, #tpu.memory_space<hbm>>
    %dma_start3A_753 = arith.constant 0 : i32
    %dma_start3A_754 = tpu.memref_slice %arg5[%add3A_750, %dma_start3A_753] : memref<262144x128xf32, #tpu.memory_space<hbm>> -> memref<256x128xf32, #tpu.memory_space<hbm>>
    tpu.enqueue_dma source(%arg12 : memref<256x128xf32, #tpu.memory_space<vmem>>) target(%dma_start3A_754 : memref<256x128xf32, #tpu.memory_space<hbm>>) target_semaphore(%arg18 : memref<!tpu.dma_semaphore, #tpu.memory_space<semaphore_mem>>)
    %dma_wait3A_755 = arith.constant 0 : i32
    %dma_wait3A_756 = tpu.memref_slice %arg5[%add3A_750, %dma_wait3A_755] : memref<262144x128xf32, #tpu.memory_space<hbm>> -> memref<256x128xf32, #tpu.memory_space<hbm>>
    %dma_wait3A_757 = arith.constant 0 : i32
    %dma_wait3A_758 = tpu.memref_slice %arg5[%add3A_750, %dma_wait3A_757] : memref<262144x128xf32, #tpu.memory_space<hbm>> -> memref<256x128xf32, #tpu.memory_space<hbm>>
    tpu.wait_dma2 semaphore(%arg18 : memref<!tpu.dma_semaphore, #tpu.memory_space<semaphore_mem>>) src(%arg12 : memref<256x128xf32, #tpu.memory_space<vmem>>) dst(%dma_wait3A_758 : memref<256x128xf32, #tpu.memory_space<hbm>>)
    %mul3A_759 = arith.constant 2 : i32
    %mul3A_760 = arith.muli %mul3A_759, %add3A : i32
    %add3A_761 = arith.constant 0 : i32
    %add3A_762 = arith.addi %mul3A_760, %add3A_761 : i32
    %mul3A_763 = arith.constant 4096 : i32
    %mul3A_764 = arith.muli %add3A_762, %mul3A_763 : i32
    %add3A_765 = arith.constant 3584 : i32
    %add3A_766 = arith.addi %mul3A_764, %add3A_765 : i32
    %dma_start3A_767 = arith.constant 0 : i32
    %dma_start3A_768 = tpu.memref_slice %arg3[%add3A_766, %dma_start3A_767] : memref<262144x128xf32, #tpu.memory_space<hbm>> -> memref<256x128xf32, #tpu.memory_space<hbm>>
    %dma_start3A_769 = arith.constant 0 : i32
    %dma_start3A_770 = tpu.memref_slice %arg3[%add3A_766, %dma_start3A_769] : memref<262144x128xf32, #tpu.memory_space<hbm>> -> memref<256x128xf32, #tpu.memory_space<hbm>>
    tpu.enqueue_dma source(%dma_start3A_770 : memref<256x128xf32, #tpu.memory_space<hbm>>) target(%arg12 : memref<256x128xf32, #tpu.memory_space<vmem>>) target_semaphore(%arg15 : memref<!tpu.dma_semaphore, #tpu.memory_space<semaphore_mem>>)
    %dma_wait3A_771 = arith.constant 0 : i32
    %dma_wait3A_772 = tpu.memref_slice %arg3[%add3A_710, %dma_wait3A_771] : memref<262144x128xf32, #tpu.memory_space<hbm>> -> memref<256x128xf32, #tpu.memory_space<hbm>>
    %dma_wait3A_773 = arith.constant 0 : i32
    %dma_wait3A_774 = tpu.memref_slice %arg3[%add3A_710, %dma_wait3A_773] : memref<262144x128xf32, #tpu.memory_space<hbm>> -> memref<256x128xf32, #tpu.memory_space<hbm>>
    tpu.wait_dma2 semaphore(%arg13 : memref<!tpu.dma_semaphore, #tpu.memory_space<semaphore_mem>>) src(%dma_wait3A_774 : memref<256x128xf32, #tpu.memory_space<hbm>>) dst(%arg10 : memref<256x128xf32, #tpu.memory_space<vmem>>)
    %mul3A_775 = arith.constant 4096 : i32
    %mul3A_776 = arith.muli %reduce_sum3A_304, %mul3A_775 : i32
    %add3A_777 = arith.constant 3072 : i32
    %add3A_778 = arith.addi %mul3A_776, %add3A_777 : i32
    %dma_start3A_779 = arith.constant 0 : i32
    %dma_start3A_780 = tpu.memref_slice %arg5[%add3A_778, %dma_start3A_779] : memref<262144x128xf32, #tpu.memory_space<hbm>> -> memref<256x128xf32, #tpu.memory_space<hbm>>
    %dma_start3A_781 = arith.constant 0 : i32
    %dma_start3A_782 = tpu.memref_slice %arg5[%add3A_778, %dma_start3A_781] : memref<262144x128xf32, #tpu.memory_space<hbm>> -> memref<256x128xf32, #tpu.memory_space<hbm>>
    tpu.enqueue_dma source(%arg10 : memref<256x128xf32, #tpu.memory_space<vmem>>) target(%dma_start3A_782 : memref<256x128xf32, #tpu.memory_space<hbm>>) target_semaphore(%arg16 : memref<!tpu.dma_semaphore, #tpu.memory_space<semaphore_mem>>)
    %dma_wait3A_783 = arith.constant 0 : i32
    %dma_wait3A_784 = tpu.memref_slice %arg5[%add3A_778, %dma_wait3A_783] : memref<262144x128xf32, #tpu.memory_space<hbm>> -> memref<256x128xf32, #tpu.memory_space<hbm>>
    %dma_wait3A_785 = arith.constant 0 : i32
    %dma_wait3A_786 = tpu.memref_slice %arg5[%add3A_778, %dma_wait3A_785] : memref<262144x128xf32, #tpu.memory_space<hbm>> -> memref<256x128xf32, #tpu.memory_space<hbm>>
    tpu.wait_dma2 semaphore(%arg16 : memref<!tpu.dma_semaphore, #tpu.memory_space<semaphore_mem>>) src(%arg10 : memref<256x128xf32, #tpu.memory_space<vmem>>) dst(%dma_wait3A_786 : memref<256x128xf32, #tpu.memory_space<hbm>>)
    %mul3A_787 = arith.constant 2 : i32
    %mul3A_788 = arith.muli %mul3A_787, %add3A : i32
    %add3A_789 = arith.constant 0 : i32
    %add3A_790 = arith.addi %mul3A_788, %add3A_789 : i32
    %mul3A_791 = arith.constant 4096 : i32
    %mul3A_792 = arith.muli %add3A_790, %mul3A_791 : i32
    %add3A_793 = arith.constant 3840 : i32
    %add3A_794 = arith.addi %mul3A_792, %add3A_793 : i32
    %dma_start3A_795 = arith.constant 0 : i32
    %dma_start3A_796 = tpu.memref_slice %arg3[%add3A_794, %dma_start3A_795] : memref<262144x128xf32, #tpu.memory_space<hbm>> -> memref<256x128xf32, #tpu.memory_space<hbm>>
    %dma_start3A_797 = arith.constant 0 : i32
    %dma_start3A_798 = tpu.memref_slice %arg3[%add3A_794, %dma_start3A_797] : memref<262144x128xf32, #tpu.memory_space<hbm>> -> memref<256x128xf32, #tpu.memory_space<hbm>>
    tpu.enqueue_dma source(%dma_start3A_798 : memref<256x128xf32, #tpu.memory_space<hbm>>) target(%arg10 : memref<256x128xf32, #tpu.memory_space<vmem>>) target_semaphore(%arg13 : memref<!tpu.dma_semaphore, #tpu.memory_space<semaphore_mem>>)
    %dma_wait3A_799 = arith.constant 0 : i32
    %dma_wait3A_800 = tpu.memref_slice %arg3[%add3A_738, %dma_wait3A_799] : memref<262144x128xf32, #tpu.memory_space<hbm>> -> memref<256x128xf32, #tpu.memory_space<hbm>>
    %dma_wait3A_801 = arith.constant 0 : i32
    %dma_wait3A_802 = tpu.memref_slice %arg3[%add3A_738, %dma_wait3A_801] : memref<262144x128xf32, #tpu.memory_space<hbm>> -> memref<256x128xf32, #tpu.memory_space<hbm>>
    tpu.wait_dma2 semaphore(%arg14 : memref<!tpu.dma_semaphore, #tpu.memory_space<semaphore_mem>>) src(%dma_wait3A_802 : memref<256x128xf32, #tpu.memory_space<hbm>>) dst(%arg11 : memref<256x128xf32, #tpu.memory_space<vmem>>)
    %mul3A_803 = arith.constant 4096 : i32
    %mul3A_804 = arith.muli %reduce_sum3A_304, %mul3A_803 : i32
    %add3A_805 = arith.constant 3328 : i32
    %add3A_806 = arith.addi %mul3A_804, %add3A_805 : i32
    %dma_start3A_807 = arith.constant 0 : i32
    %dma_start3A_808 = tpu.memref_slice %arg5[%add3A_806, %dma_start3A_807] : memref<262144x128xf32, #tpu.memory_space<hbm>> -> memref<256x128xf32, #tpu.memory_space<hbm>>
    %dma_start3A_809 = arith.constant 0 : i32
    %dma_start3A_810 = tpu.memref_slice %arg5[%add3A_806, %dma_start3A_809] : memref<262144x128xf32, #tpu.memory_space<hbm>> -> memref<256x128xf32, #tpu.memory_space<hbm>>
    tpu.enqueue_dma source(%arg11 : memref<256x128xf32, #tpu.memory_space<vmem>>) target(%dma_start3A_810 : memref<256x128xf32, #tpu.memory_space<hbm>>) target_semaphore(%arg17 : memref<!tpu.dma_semaphore, #tpu.memory_space<semaphore_mem>>)
    %dma_wait3A_811 = arith.constant 0 : i32
    %dma_wait3A_812 = tpu.memref_slice %arg5[%add3A_806, %dma_wait3A_811] : memref<262144x128xf32, #tpu.memory_space<hbm>> -> memref<256x128xf32, #tpu.memory_space<hbm>>
    %dma_wait3A_813 = arith.constant 0 : i32
    %dma_wait3A_814 = tpu.memref_slice %arg5[%add3A_806, %dma_wait3A_813] : memref<262144x128xf32, #tpu.memory_space<hbm>> -> memref<256x128xf32, #tpu.memory_space<hbm>>
    tpu.wait_dma2 semaphore(%arg17 : memref<!tpu.dma_semaphore, #tpu.memory_space<semaphore_mem>>) src(%arg11 : memref<256x128xf32, #tpu.memory_space<vmem>>) dst(%dma_wait3A_814 : memref<256x128xf32, #tpu.memory_space<hbm>>)
    %mul3A_815 = arith.constant 2 : i32
    %mul3A_816 = arith.muli %mul3A_815, %add3A : i32
    %add3A_817 = arith.constant 1 : i32
    %add3A_818 = arith.addi %mul3A_816, %add3A_817 : i32
    %mul3A_819 = arith.constant 4096 : i32
    %mul3A_820 = arith.muli %add3A_818, %mul3A_819 : i32
    %add3A_821 = arith.constant 0 : i32
    %add3A_822 = arith.addi %mul3A_820, %add3A_821 : i32
    %dma_start3A_823 = arith.constant 0 : i32
    %dma_start3A_824 = tpu.memref_slice %arg3[%add3A_822, %dma_start3A_823] : memref<262144x128xf32, #tpu.memory_space<hbm>> -> memref<256x128xf32, #tpu.memory_space<hbm>>
    %dma_start3A_825 = arith.constant 0 : i32
    %dma_start3A_826 = tpu.memref_slice %arg3[%add3A_822, %dma_start3A_825] : memref<262144x128xf32, #tpu.memory_space<hbm>> -> memref<256x128xf32, #tpu.memory_space<hbm>>
    tpu.enqueue_dma source(%dma_start3A_826 : memref<256x128xf32, #tpu.memory_space<hbm>>) target(%arg11 : memref<256x128xf32, #tpu.memory_space<vmem>>) target_semaphore(%arg14 : memref<!tpu.dma_semaphore, #tpu.memory_space<semaphore_mem>>)
    %dma_wait3A_827 = arith.constant 0 : i32
    %dma_wait3A_828 = tpu.memref_slice %arg3[%add3A_766, %dma_wait3A_827] : memref<262144x128xf32, #tpu.memory_space<hbm>> -> memref<256x128xf32, #tpu.memory_space<hbm>>
    %dma_wait3A_829 = arith.constant 0 : i32
    %dma_wait3A_830 = tpu.memref_slice %arg3[%add3A_766, %dma_wait3A_829] : memref<262144x128xf32, #tpu.memory_space<hbm>> -> memref<256x128xf32, #tpu.memory_space<hbm>>
    tpu.wait_dma2 semaphore(%arg15 : memref<!tpu.dma_semaphore, #tpu.memory_space<semaphore_mem>>) src(%dma_wait3A_830 : memref<256x128xf32, #tpu.memory_space<hbm>>) dst(%arg12 : memref<256x128xf32, #tpu.memory_space<vmem>>)
    %mul3A_831 = arith.constant 4096 : i32
    %mul3A_832 = arith.muli %reduce_sum3A_304, %mul3A_831 : i32
    %add3A_833 = arith.constant 3584 : i32
    %add3A_834 = arith.addi %mul3A_832, %add3A_833 : i32
    %dma_start3A_835 = arith.constant 0 : i32
    %dma_start3A_836 = tpu.memref_slice %arg5[%add3A_834, %dma_start3A_835] : memref<262144x128xf32, #tpu.memory_space<hbm>> -> memref<256x128xf32, #tpu.memory_space<hbm>>
    %dma_start3A_837 = arith.constant 0 : i32
    %dma_start3A_838 = tpu.memref_slice %arg5[%add3A_834, %dma_start3A_837] : memref<262144x128xf32, #tpu.memory_space<hbm>> -> memref<256x128xf32, #tpu.memory_space<hbm>>
    tpu.enqueue_dma source(%arg12 : memref<256x128xf32, #tpu.memory_space<vmem>>) target(%dma_start3A_838 : memref<256x128xf32, #tpu.memory_space<hbm>>) target_semaphore(%arg18 : memref<!tpu.dma_semaphore, #tpu.memory_space<semaphore_mem>>)
    %dma_wait3A_839 = arith.constant 0 : i32
    %dma_wait3A_840 = tpu.memref_slice %arg5[%add3A_834, %dma_wait3A_839] : memref<262144x128xf32, #tpu.memory_space<hbm>> -> memref<256x128xf32, #tpu.memory_space<hbm>>
    %dma_wait3A_841 = arith.constant 0 : i32
    %dma_wait3A_842 = tpu.memref_slice %arg5[%add3A_834, %dma_wait3A_841] : memref<262144x128xf32, #tpu.memory_space<hbm>> -> memref<256x128xf32, #tpu.memory_space<hbm>>
    tpu.wait_dma2 semaphore(%arg18 : memref<!tpu.dma_semaphore, #tpu.memory_space<semaphore_mem>>) src(%arg12 : memref<256x128xf32, #tpu.memory_space<vmem>>) dst(%dma_wait3A_842 : memref<256x128xf32, #tpu.memory_space<hbm>>)
    %mul3A_843 = arith.constant 2 : i32
    %mul3A_844 = arith.muli %mul3A_843, %add3A : i32
    %add3A_845 = arith.constant 1 : i32
    %add3A_846 = arith.addi %mul3A_844, %add3A_845 : i32
    %mul3A_847 = arith.constant 4096 : i32
    %mul3A_848 = arith.muli %add3A_846, %mul3A_847 : i32
    %add3A_849 = arith.constant 256 : i32
    %add3A_850 = arith.addi %mul3A_848, %add3A_849 : i32
    %dma_start3A_851 = arith.constant 0 : i32
    %dma_start3A_852 = tpu.memref_slice %arg3[%add3A_850, %dma_start3A_851] : memref<262144x128xf32, #tpu.memory_space<hbm>> -> memref<256x128xf32, #tpu.memory_space<hbm>>
    %dma_start3A_853 = arith.constant 0 : i32
    %dma_start3A_854 = tpu.memref_slice %arg3[%add3A_850, %dma_start3A_853] : memref<262144x128xf32, #tpu.memory_space<hbm>> -> memref<256x128xf32, #tpu.memory_space<hbm>>
    tpu.enqueue_dma source(%dma_start3A_854 : memref<256x128xf32, #tpu.memory_space<hbm>>) target(%arg12 : memref<256x128xf32, #tpu.memory_space<vmem>>) target_semaphore(%arg15 : memref<!tpu.dma_semaphore, #tpu.memory_space<semaphore_mem>>)
    %dma_wait3A_855 = arith.constant 0 : i32
    %dma_wait3A_856 = tpu.memref_slice %arg3[%add3A_794, %dma_wait3A_855] : memref<262144x128xf32, #tpu.memory_space<hbm>> -> memref<256x128xf32, #tpu.memory_space<hbm>>
    %dma_wait3A_857 = arith.constant 0 : i32
    %dma_wait3A_858 = tpu.memref_slice %arg3[%add3A_794, %dma_wait3A_857] : memref<262144x128xf32, #tpu.memory_space<hbm>> -> memref<256x128xf32, #tpu.memory_space<hbm>>
    tpu.wait_dma2 semaphore(%arg13 : memref<!tpu.dma_semaphore, #tpu.memory_space<semaphore_mem>>) src(%dma_wait3A_858 : memref<256x128xf32, #tpu.memory_space<hbm>>) dst(%arg10 : memref<256x128xf32, #tpu.memory_space<vmem>>)
    %mul3A_859 = arith.constant 4096 : i32
    %mul3A_860 = arith.muli %reduce_sum3A_304, %mul3A_859 : i32
    %add3A_861 = arith.constant 3840 : i32
    %add3A_862 = arith.addi %mul3A_860, %add3A_861 : i32
    %dma_start3A_863 = arith.constant 0 : i32
    %dma_start3A_864 = tpu.memref_slice %arg5[%add3A_862, %dma_start3A_863] : memref<262144x128xf32, #tpu.memory_space<hbm>> -> memref<256x128xf32, #tpu.memory_space<hbm>>
    %dma_start3A_865 = arith.constant 0 : i32
    %dma_start3A_866 = tpu.memref_slice %arg5[%add3A_862, %dma_start3A_865] : memref<262144x128xf32, #tpu.memory_space<hbm>> -> memref<256x128xf32, #tpu.memory_space<hbm>>
    tpu.enqueue_dma source(%arg10 : memref<256x128xf32, #tpu.memory_space<vmem>>) target(%dma_start3A_866 : memref<256x128xf32, #tpu.memory_space<hbm>>) target_semaphore(%arg16 : memref<!tpu.dma_semaphore, #tpu.memory_space<semaphore_mem>>)
    %dma_wait3A_867 = arith.constant 0 : i32
    %dma_wait3A_868 = tpu.memref_slice %arg5[%add3A_862, %dma_wait3A_867] : memref<262144x128xf32, #tpu.memory_space<hbm>> -> memref<256x128xf32, #tpu.memory_space<hbm>>
    %dma_wait3A_869 = arith.constant 0 : i32
    %dma_wait3A_870 = tpu.memref_slice %arg5[%add3A_862, %dma_wait3A_869] : memref<262144x128xf32, #tpu.memory_space<hbm>> -> memref<256x128xf32, #tpu.memory_space<hbm>>
    tpu.wait_dma2 semaphore(%arg16 : memref<!tpu.dma_semaphore, #tpu.memory_space<semaphore_mem>>) src(%arg10 : memref<256x128xf32, #tpu.memory_space<vmem>>) dst(%dma_wait3A_870 : memref<256x128xf32, #tpu.memory_space<hbm>>)
    %mul3A_871 = arith.constant 2 : i32
    %mul3A_872 = arith.muli %mul3A_871, %add3A : i32
    %add3A_873 = arith.constant 1 : i32
    %add3A_874 = arith.addi %mul3A_872, %add3A_873 : i32
    %mul3A_875 = arith.constant 4096 : i32
    %mul3A_876 = arith.muli %add3A_874, %mul3A_875 : i32
    %add3A_877 = arith.constant 512 : i32
    %add3A_878 = arith.addi %mul3A_876, %add3A_877 : i32
    %dma_start3A_879 = arith.constant 0 : i32
    %dma_start3A_880 = tpu.memref_slice %arg3[%add3A_878, %dma_start3A_879] : memref<262144x128xf32, #tpu.memory_space<hbm>> -> memref<256x128xf32, #tpu.memory_space<hbm>>
    %dma_start3A_881 = arith.constant 0 : i32
    %dma_start3A_882 = tpu.memref_slice %arg3[%add3A_878, %dma_start3A_881] : memref<262144x128xf32, #tpu.memory_space<hbm>> -> memref<256x128xf32, #tpu.memory_space<hbm>>
    tpu.enqueue_dma source(%dma_start3A_882 : memref<256x128xf32, #tpu.memory_space<hbm>>) target(%arg10 : memref<256x128xf32, #tpu.memory_space<vmem>>) target_semaphore(%arg13 : memref<!tpu.dma_semaphore, #tpu.memory_space<semaphore_mem>>)
    %dma_wait3A_883 = arith.constant 0 : i32
    %dma_wait3A_884 = tpu.memref_slice %arg3[%add3A_822, %dma_wait3A_883] : memref<262144x128xf32, #tpu.memory_space<hbm>> -> memref<256x128xf32, #tpu.memory_space<hbm>>
    %dma_wait3A_885 = arith.constant 0 : i32
    %dma_wait3A_886 = tpu.memref_slice %arg3[%add3A_822, %dma_wait3A_885] : memref<262144x128xf32, #tpu.memory_space<hbm>> -> memref<256x128xf32, #tpu.memory_space<hbm>>
    tpu.wait_dma2 semaphore(%arg14 : memref<!tpu.dma_semaphore, #tpu.memory_space<semaphore_mem>>) src(%dma_wait3A_886 : memref<256x128xf32, #tpu.memory_space<hbm>>) dst(%arg11 : memref<256x128xf32, #tpu.memory_space<vmem>>)
    %mul3A_887 = arith.constant 4096 : i32
    %mul3A_888 = arith.muli %reduce_sum3A_368, %mul3A_887 : i32
    %add3A_889 = arith.constant 0 : i32
    %add3A_890 = arith.addi %mul3A_888, %add3A_889 : i32
    %dma_start3A_891 = arith.constant 0 : i32
    %dma_start3A_892 = tpu.memref_slice %arg5[%add3A_890, %dma_start3A_891] : memref<262144x128xf32, #tpu.memory_space<hbm>> -> memref<256x128xf32, #tpu.memory_space<hbm>>
    %dma_start3A_893 = arith.constant 0 : i32
    %dma_start3A_894 = tpu.memref_slice %arg5[%add3A_890, %dma_start3A_893] : memref<262144x128xf32, #tpu.memory_space<hbm>> -> memref<256x128xf32, #tpu.memory_space<hbm>>
    tpu.enqueue_dma source(%arg11 : memref<256x128xf32, #tpu.memory_space<vmem>>) target(%dma_start3A_894 : memref<256x128xf32, #tpu.memory_space<hbm>>) target_semaphore(%arg17 : memref<!tpu.dma_semaphore, #tpu.memory_space<semaphore_mem>>)
    %dma_wait3A_895 = arith.constant 0 : i32
    %dma_wait3A_896 = tpu.memref_slice %arg5[%add3A_890, %dma_wait3A_895] : memref<262144x128xf32, #tpu.memory_space<hbm>> -> memref<256x128xf32, #tpu.memory_space<hbm>>
    %dma_wait3A_897 = arith.constant 0 : i32
    %dma_wait3A_898 = tpu.memref_slice %arg5[%add3A_890, %dma_wait3A_897] : memref<262144x128xf32, #tpu.memory_space<hbm>> -> memref<256x128xf32, #tpu.memory_space<hbm>>
    tpu.wait_dma2 semaphore(%arg17 : memref<!tpu.dma_semaphore, #tpu.memory_space<semaphore_mem>>) src(%arg11 : memref<256x128xf32, #tpu.memory_space<vmem>>) dst(%dma_wait3A_898 : memref<256x128xf32, #tpu.memory_space<hbm>>)
    %mul3A_899 = arith.constant 2 : i32
    %mul3A_900 = arith.muli %mul3A_899, %add3A : i32
    %add3A_901 = arith.constant 1 : i32
    %add3A_902 = arith.addi %mul3A_900, %add3A_901 : i32
    %mul3A_903 = arith.constant 4096 : i32
    %mul3A_904 = arith.muli %add3A_902, %mul3A_903 : i32
    %add3A_905 = arith.constant 768 : i32
    %add3A_906 = arith.addi %mul3A_904, %add3A_905 : i32
    %dma_start3A_907 = arith.constant 0 : i32
    %dma_start3A_908 = tpu.memref_slice %arg3[%add3A_906, %dma_start3A_907] : memref<262144x128xf32, #tpu.memory_space<hbm>> -> memref<256x128xf32, #tpu.memory_space<hbm>>
    %dma_start3A_909 = arith.constant 0 : i32
    %dma_start3A_910 = tpu.memref_slice %arg3[%add3A_906, %dma_start3A_909] : memref<262144x128xf32, #tpu.memory_space<hbm>> -> memref<256x128xf32, #tpu.memory_space<hbm>>
    tpu.enqueue_dma source(%dma_start3A_910 : memref<256x128xf32, #tpu.memory_space<hbm>>) target(%arg11 : memref<256x128xf32, #tpu.memory_space<vmem>>) target_semaphore(%arg14 : memref<!tpu.dma_semaphore, #tpu.memory_space<semaphore_mem>>)
    %dma_wait3A_911 = arith.constant 0 : i32
    %dma_wait3A_912 = tpu.memref_slice %arg3[%add3A_850, %dma_wait3A_911] : memref<262144x128xf32, #tpu.memory_space<hbm>> -> memref<256x128xf32, #tpu.memory_space<hbm>>
    %dma_wait3A_913 = arith.constant 0 : i32
    %dma_wait3A_914 = tpu.memref_slice %arg3[%add3A_850, %dma_wait3A_913] : memref<262144x128xf32, #tpu.memory_space<hbm>> -> memref<256x128xf32, #tpu.memory_space<hbm>>
    tpu.wait_dma2 semaphore(%arg15 : memref<!tpu.dma_semaphore, #tpu.memory_space<semaphore_mem>>) src(%dma_wait3A_914 : memref<256x128xf32, #tpu.memory_space<hbm>>) dst(%arg12 : memref<256x128xf32, #tpu.memory_space<vmem>>)
    %mul3A_915 = arith.constant 4096 : i32
    %mul3A_916 = arith.muli %reduce_sum3A_368, %mul3A_915 : i32
    %add3A_917 = arith.constant 256 : i32
    %add3A_918 = arith.addi %mul3A_916, %add3A_917 : i32
    %dma_start3A_919 = arith.constant 0 : i32
    %dma_start3A_920 = tpu.memref_slice %arg5[%add3A_918, %dma_start3A_919] : memref<262144x128xf32, #tpu.memory_space<hbm>> -> memref<256x128xf32, #tpu.memory_space<hbm>>
    %dma_start3A_921 = arith.constant 0 : i32
    %dma_start3A_922 = tpu.memref_slice %arg5[%add3A_918, %dma_start3A_921] : memref<262144x128xf32, #tpu.memory_space<hbm>> -> memref<256x128xf32, #tpu.memory_space<hbm>>
    tpu.enqueue_dma source(%arg12 : memref<256x128xf32, #tpu.memory_space<vmem>>) target(%dma_start3A_922 : memref<256x128xf32, #tpu.memory_space<hbm>>) target_semaphore(%arg18 : memref<!tpu.dma_semaphore, #tpu.memory_space<semaphore_mem>>)
    %dma_wait3A_923 = arith.constant 0 : i32
    %dma_wait3A_924 = tpu.memref_slice %arg5[%add3A_918, %dma_wait3A_923] : memref<262144x128xf32, #tpu.memory_space<hbm>> -> memref<256x128xf32, #tpu.memory_space<hbm>>
    %dma_wait3A_925 = arith.constant 0 : i32
    %dma_wait3A_926 = tpu.memref_slice %arg5[%add3A_918, %dma_wait3A_925] : memref<262144x128xf32, #tpu.memory_space<hbm>> -> memref<256x128xf32, #tpu.memory_space<hbm>>
    tpu.wait_dma2 semaphore(%arg18 : memref<!tpu.dma_semaphore, #tpu.memory_space<semaphore_mem>>) src(%arg12 : memref<256x128xf32, #tpu.memory_space<vmem>>) dst(%dma_wait3A_926 : memref<256x128xf32, #tpu.memory_space<hbm>>)
    %mul3A_927 = arith.constant 2 : i32
    %mul3A_928 = arith.muli %mul3A_927, %add3A : i32
    %add3A_929 = arith.constant 1 : i32
    %add3A_930 = arith.addi %mul3A_928, %add3A_929 : i32
    %mul3A_931 = arith.constant 4096 : i32
    %mul3A_932 = arith.muli %add3A_930, %mul3A_931 : i32
    %add3A_933 = arith.constant 1024 : i32
    %add3A_934 = arith.addi %mul3A_932, %add3A_933 : i32
    %dma_start3A_935 = arith.constant 0 : i32
    %dma_start3A_936 = tpu.memref_slice %arg3[%add3A_934, %dma_start3A_935] : memref<262144x128xf32, #tpu.memory_space<hbm>> -> memref<256x128xf32, #tpu.memory_space<hbm>>
    %dma_start3A_937 = arith.constant 0 : i32
    %dma_start3A_938 = tpu.memref_slice %arg3[%add3A_934, %dma_start3A_937] : memref<262144x128xf32, #tpu.memory_space<hbm>> -> memref<256x128xf32, #tpu.memory_space<hbm>>
    tpu.enqueue_dma source(%dma_start3A_938 : memref<256x128xf32, #tpu.memory_space<hbm>>) target(%arg12 : memref<256x128xf32, #tpu.memory_space<vmem>>) target_semaphore(%arg15 : memref<!tpu.dma_semaphore, #tpu.memory_space<semaphore_mem>>)
    %dma_wait3A_939 = arith.constant 0 : i32
    %dma_wait3A_940 = tpu.memref_slice %arg3[%add3A_878, %dma_wait3A_939] : memref<262144x128xf32, #tpu.memory_space<hbm>> -> memref<256x128xf32, #tpu.memory_space<hbm>>
    %dma_wait3A_941 = arith.constant 0 : i32
    %dma_wait3A_942 = tpu.memref_slice %arg3[%add3A_878, %dma_wait3A_941] : memref<262144x128xf32, #tpu.memory_space<hbm>> -> memref<256x128xf32, #tpu.memory_space<hbm>>
    tpu.wait_dma2 semaphore(%arg13 : memref<!tpu.dma_semaphore, #tpu.memory_space<semaphore_mem>>) src(%dma_wait3A_942 : memref<256x128xf32, #tpu.memory_space<hbm>>) dst(%arg10 : memref<256x128xf32, #tpu.memory_space<vmem>>)
    %mul3A_943 = arith.constant 4096 : i32
    %mul3A_944 = arith.muli %reduce_sum3A_368, %mul3A_943 : i32
    %add3A_945 = arith.constant 512 : i32
    %add3A_946 = arith.addi %mul3A_944, %add3A_945 : i32
    %dma_start3A_947 = arith.constant 0 : i32
    %dma_start3A_948 = tpu.memref_slice %arg5[%add3A_946, %dma_start3A_947] : memref<262144x128xf32, #tpu.memory_space<hbm>> -> memref<256x128xf32, #tpu.memory_space<hbm>>
    %dma_start3A_949 = arith.constant 0 : i32
    %dma_start3A_950 = tpu.memref_slice %arg5[%add3A_946, %dma_start3A_949] : memref<262144x128xf32, #tpu.memory_space<hbm>> -> memref<256x128xf32, #tpu.memory_space<hbm>>
    tpu.enqueue_dma source(%arg10 : memref<256x128xf32, #tpu.memory_space<vmem>>) target(%dma_start3A_950 : memref<256x128xf32, #tpu.memory_space<hbm>>) target_semaphore(%arg16 : memref<!tpu.dma_semaphore, #tpu.memory_space<semaphore_mem>>)
    %dma_wait3A_951 = arith.constant 0 : i32
    %dma_wait3A_952 = tpu.memref_slice %arg5[%add3A_946, %dma_wait3A_951] : memref<262144x128xf32, #tpu.memory_space<hbm>> -> memref<256x128xf32, #tpu.memory_space<hbm>>
    %dma_wait3A_953 = arith.constant 0 : i32
    %dma_wait3A_954 = tpu.memref_slice %arg5[%add3A_946, %dma_wait3A_953] : memref<262144x128xf32, #tpu.memory_space<hbm>> -> memref<256x128xf32, #tpu.memory_space<hbm>>
    tpu.wait_dma2 semaphore(%arg16 : memref<!tpu.dma_semaphore, #tpu.memory_space<semaphore_mem>>) src(%arg10 : memref<256x128xf32, #tpu.memory_space<vmem>>) dst(%dma_wait3A_954 : memref<256x128xf32, #tpu.memory_space<hbm>>)
    %mul3A_955 = arith.constant 2 : i32
    %mul3A_956 = arith.muli %mul3A_955, %add3A : i32
    %add3A_957 = arith.constant 1 : i32
    %add3A_958 = arith.addi %mul3A_956, %add3A_957 : i32
    %mul3A_959 = arith.constant 4096 : i32
    %mul3A_960 = arith.muli %add3A_958, %mul3A_959 : i32
    %add3A_961 = arith.constant 1280 : i32
    %add3A_962 = arith.addi %mul3A_960, %add3A_961 : i32
    %dma_start3A_963 = arith.constant 0 : i32
    %dma_start3A_964 = tpu.memref_slice %arg3[%add3A_962, %dma_start3A_963] : memref<262144x128xf32, #tpu.memory_space<hbm>> -> memref<256x128xf32, #tpu.memory_space<hbm>>
    %dma_start3A_965 = arith.constant 0 : i32
    %dma_start3A_966 = tpu.memref_slice %arg3[%add3A_962, %dma_start3A_965] : memref<262144x128xf32, #tpu.memory_space<hbm>> -> memref<256x128xf32, #tpu.memory_space<hbm>>
    tpu.enqueue_dma source(%dma_start3A_966 : memref<256x128xf32, #tpu.memory_space<hbm>>) target(%arg10 : memref<256x128xf32, #tpu.memory_space<vmem>>) target_semaphore(%arg13 : memref<!tpu.dma_semaphore, #tpu.memory_space<semaphore_mem>>)
    %dma_wait3A_967 = arith.constant 0 : i32
    %dma_wait3A_968 = tpu.memref_slice %arg3[%add3A_906, %dma_wait3A_967] : memref<262144x128xf32, #tpu.memory_space<hbm>> -> memref<256x128xf32, #tpu.memory_space<hbm>>
    %dma_wait3A_969 = arith.constant 0 : i32
    %dma_wait3A_970 = tpu.memref_slice %arg3[%add3A_906, %dma_wait3A_969] : memref<262144x128xf32, #tpu.memory_space<hbm>> -> memref<256x128xf32, #tpu.memory_space<hbm>>
    tpu.wait_dma2 semaphore(%arg14 : memref<!tpu.dma_semaphore, #tpu.memory_space<semaphore_mem>>) src(%dma_wait3A_970 : memref<256x128xf32, #tpu.memory_space<hbm>>) dst(%arg11 : memref<256x128xf32, #tpu.memory_space<vmem>>)
    %mul3A_971 = arith.constant 4096 : i32
    %mul3A_972 = arith.muli %reduce_sum3A_368, %mul3A_971 : i32
    %add3A_973 = arith.constant 768 : i32
    %add3A_974 = arith.addi %mul3A_972, %add3A_973 : i32
    %dma_start3A_975 = arith.constant 0 : i32
    %dma_start3A_976 = tpu.memref_slice %arg5[%add3A_974, %dma_start3A_975] : memref<262144x128xf32, #tpu.memory_space<hbm>> -> memref<256x128xf32, #tpu.memory_space<hbm>>
    %dma_start3A_977 = arith.constant 0 : i32
    %dma_start3A_978 = tpu.memref_slice %arg5[%add3A_974, %dma_start3A_977] : memref<262144x128xf32, #tpu.memory_space<hbm>> -> memref<256x128xf32, #tpu.memory_space<hbm>>
    tpu.enqueue_dma source(%arg11 : memref<256x128xf32, #tpu.memory_space<vmem>>) target(%dma_start3A_978 : memref<256x128xf32, #tpu.memory_space<hbm>>) target_semaphore(%arg17 : memref<!tpu.dma_semaphore, #tpu.memory_space<semaphore_mem>>)
    %dma_wait3A_979 = arith.constant 0 : i32
    %dma_wait3A_980 = tpu.memref_slice %arg5[%add3A_974, %dma_wait3A_979] : memref<262144x128xf32, #tpu.memory_space<hbm>> -> memref<256x128xf32, #tpu.memory_space<hbm>>
    %dma_wait3A_981 = arith.constant 0 : i32
    %dma_wait3A_982 = tpu.memref_slice %arg5[%add3A_974, %dma_wait3A_981] : memref<262144x128xf32, #tpu.memory_space<hbm>> -> memref<256x128xf32, #tpu.memory_space<hbm>>
    tpu.wait_dma2 semaphore(%arg17 : memref<!tpu.dma_semaphore, #tpu.memory_space<semaphore_mem>>) src(%arg11 : memref<256x128xf32, #tpu.memory_space<vmem>>) dst(%dma_wait3A_982 : memref<256x128xf32, #tpu.memory_space<hbm>>)
    %mul3A_983 = arith.constant 2 : i32
    %mul3A_984 = arith.muli %mul3A_983, %add3A : i32
    %add3A_985 = arith.constant 1 : i32
    %add3A_986 = arith.addi %mul3A_984, %add3A_985 : i32
    %mul3A_987 = arith.constant 4096 : i32
    %mul3A_988 = arith.muli %add3A_986, %mul3A_987 : i32
    %add3A_989 = arith.constant 1536 : i32
    %add3A_990 = arith.addi %mul3A_988, %add3A_989 : i32
    %dma_start3A_991 = arith.constant 0 : i32
    %dma_start3A_992 = tpu.memref_slice %arg3[%add3A_990, %dma_start3A_991] : memref<262144x128xf32, #tpu.memory_space<hbm>> -> memref<256x128xf32, #tpu.memory_space<hbm>>
    %dma_start3A_993 = arith.constant 0 : i32
    %dma_start3A_994 = tpu.memref_slice %arg3[%add3A_990, %dma_start3A_993] : memref<262144x128xf32, #tpu.memory_space<hbm>> -> memref<256x128xf32, #tpu.memory_space<hbm>>
    tpu.enqueue_dma source(%dma_start3A_994 : memref<256x128xf32, #tpu.memory_space<hbm>>) target(%arg11 : memref<256x128xf32, #tpu.memory_space<vmem>>) target_semaphore(%arg14 : memref<!tpu.dma_semaphore, #tpu.memory_space<semaphore_mem>>)
    %dma_wait3A_995 = arith.constant 0 : i32
    %dma_wait3A_996 = tpu.memref_slice %arg3[%add3A_934, %dma_wait3A_995] : memref<262144x128xf32, #tpu.memory_space<hbm>> -> memref<256x128xf32, #tpu.memory_space<hbm>>
    %dma_wait3A_997 = arith.constant 0 : i32
    %dma_wait3A_998 = tpu.memref_slice %arg3[%add3A_934, %dma_wait3A_997] : memref<262144x128xf32, #tpu.memory_space<hbm>> -> memref<256x128xf32, #tpu.memory_space<hbm>>
    tpu.wait_dma2 semaphore(%arg15 : memref<!tpu.dma_semaphore, #tpu.memory_space<semaphore_mem>>) src(%dma_wait3A_998 : memref<256x128xf32, #tpu.memory_space<hbm>>) dst(%arg12 : memref<256x128xf32, #tpu.memory_space<vmem>>)
    %mul3A_999 = arith.constant 4096 : i32
    %mul3A_1000 = arith.muli %reduce_sum3A_368, %mul3A_999 : i32
    %add3A_1001 = arith.constant 1024 : i32
    %add3A_1002 = arith.addi %mul3A_1000, %add3A_1001 : i32
    %dma_start3A_1003 = arith.constant 0 : i32
    %dma_start3A_1004 = tpu.memref_slice %arg5[%add3A_1002, %dma_start3A_1003] : memref<262144x128xf32, #tpu.memory_space<hbm>> -> memref<256x128xf32, #tpu.memory_space<hbm>>
    %dma_start3A_1005 = arith.constant 0 : i32
    %dma_start3A_1006 = tpu.memref_slice %arg5[%add3A_1002, %dma_start3A_1005] : memref<262144x128xf32, #tpu.memory_space<hbm>> -> memref<256x128xf32, #tpu.memory_space<hbm>>
    tpu.enqueue_dma source(%arg12 : memref<256x128xf32, #tpu.memory_space<vmem>>) target(%dma_start3A_1006 : memref<256x128xf32, #tpu.memory_space<hbm>>) target_semaphore(%arg18 : memref<!tpu.dma_semaphore, #tpu.memory_space<semaphore_mem>>)
    %dma_wait3A_1007 = arith.constant 0 : i32
    %dma_wait3A_1008 = tpu.memref_slice %arg5[%add3A_1002, %dma_wait3A_1007] : memref<262144x128xf32, #tpu.memory_space<hbm>> -> memref<256x128xf32, #tpu.memory_space<hbm>>
    %dma_wait3A_1009 = arith.constant 0 : i32
    %dma_wait3A_1010 = tpu.memref_slice %arg5[%add3A_1002, %dma_wait3A_1009] : memref<262144x128xf32, #tpu.memory_space<hbm>> -> memref<256x128xf32, #tpu.memory_space<hbm>>
    tpu.wait_dma2 semaphore(%arg18 : memref<!tpu.dma_semaphore, #tpu.memory_space<semaphore_mem>>) src(%arg12 : memref<256x128xf32, #tpu.memory_space<vmem>>) dst(%dma_wait3A_1010 : memref<256x128xf32, #tpu.memory_space<hbm>>)
    %mul3A_1011 = arith.constant 2 : i32
    %mul3A_1012 = arith.muli %mul3A_1011, %add3A : i32
    %add3A_1013 = arith.constant 1 : i32
    %add3A_1014 = arith.addi %mul3A_1012, %add3A_1013 : i32
    %mul3A_1015 = arith.constant 4096 : i32
    %mul3A_1016 = arith.muli %add3A_1014, %mul3A_1015 : i32
    %add3A_1017 = arith.constant 1792 : i32
    %add3A_1018 = arith.addi %mul3A_1016, %add3A_1017 : i32
    %dma_start3A_1019 = arith.constant 0 : i32
    %dma_start3A_1020 = tpu.memref_slice %arg3[%add3A_1018, %dma_start3A_1019] : memref<262144x128xf32, #tpu.memory_space<hbm>> -> memref<256x128xf32, #tpu.memory_space<hbm>>
    %dma_start3A_1021 = arith.constant 0 : i32
    %dma_start3A_1022 = tpu.memref_slice %arg3[%add3A_1018, %dma_start3A_1021] : memref<262144x128xf32, #tpu.memory_space<hbm>> -> memref<256x128xf32, #tpu.memory_space<hbm>>
    tpu.enqueue_dma source(%dma_start3A_1022 : memref<256x128xf32, #tpu.memory_space<hbm>>) target(%arg12 : memref<256x128xf32, #tpu.memory_space<vmem>>) target_semaphore(%arg15 : memref<!tpu.dma_semaphore, #tpu.memory_space<semaphore_mem>>)
    %dma_wait3A_1023 = arith.constant 0 : i32
    %dma_wait3A_1024 = tpu.memref_slice %arg3[%add3A_962, %dma_wait3A_1023] : memref<262144x128xf32, #tpu.memory_space<hbm>> -> memref<256x128xf32, #tpu.memory_space<hbm>>
    %dma_wait3A_1025 = arith.constant 0 : i32
    %dma_wait3A_1026 = tpu.memref_slice %arg3[%add3A_962, %dma_wait3A_1025] : memref<262144x128xf32, #tpu.memory_space<hbm>> -> memref<256x128xf32, #tpu.memory_space<hbm>>
    tpu.wait_dma2 semaphore(%arg13 : memref<!tpu.dma_semaphore, #tpu.memory_space<semaphore_mem>>) src(%dma_wait3A_1026 : memref<256x128xf32, #tpu.memory_space<hbm>>) dst(%arg10 : memref<256x128xf32, #tpu.memory_space<vmem>>)
    %mul3A_1027 = arith.constant 4096 : i32
    %mul3A_1028 = arith.muli %reduce_sum3A_368, %mul3A_1027 : i32
    %add3A_1029 = arith.constant 1280 : i32
    %add3A_1030 = arith.addi %mul3A_1028, %add3A_1029 : i32
    %dma_start3A_1031 = arith.constant 0 : i32
    %dma_start3A_1032 = tpu.memref_slice %arg5[%add3A_1030, %dma_start3A_1031] : memref<262144x128xf32, #tpu.memory_space<hbm>> -> memref<256x128xf32, #tpu.memory_space<hbm>>
    %dma_start3A_1033 = arith.constant 0 : i32
    %dma_start3A_1034 = tpu.memref_slice %arg5[%add3A_1030, %dma_start3A_1033] : memref<262144x128xf32, #tpu.memory_space<hbm>> -> memref<256x128xf32, #tpu.memory_space<hbm>>
    tpu.enqueue_dma source(%arg10 : memref<256x128xf32, #tpu.memory_space<vmem>>) target(%dma_start3A_1034 : memref<256x128xf32, #tpu.memory_space<hbm>>) target_semaphore(%arg16 : memref<!tpu.dma_semaphore, #tpu.memory_space<semaphore_mem>>)
    %dma_wait3A_1035 = arith.constant 0 : i32
    %dma_wait3A_1036 = tpu.memref_slice %arg5[%add3A_1030, %dma_wait3A_1035] : memref<262144x128xf32, #tpu.memory_space<hbm>> -> memref<256x128xf32, #tpu.memory_space<hbm>>
    %dma_wait3A_1037 = arith.constant 0 : i32
    %dma_wait3A_1038 = tpu.memref_slice %arg5[%add3A_1030, %dma_wait3A_1037] : memref<262144x128xf32, #tpu.memory_space<hbm>> -> memref<256x128xf32, #tpu.memory_space<hbm>>
    tpu.wait_dma2 semaphore(%arg16 : memref<!tpu.dma_semaphore, #tpu.memory_space<semaphore_mem>>) src(%arg10 : memref<256x128xf32, #tpu.memory_space<vmem>>) dst(%dma_wait3A_1038 : memref<256x128xf32, #tpu.memory_space<hbm>>)
    %mul3A_1039 = arith.constant 2 : i32
    %mul3A_1040 = arith.muli %mul3A_1039, %add3A : i32
    %add3A_1041 = arith.constant 1 : i32
    %add3A_1042 = arith.addi %mul3A_1040, %add3A_1041 : i32
    %mul3A_1043 = arith.constant 4096 : i32
    %mul3A_1044 = arith.muli %add3A_1042, %mul3A_1043 : i32
    %add3A_1045 = arith.constant 2048 : i32
    %add3A_1046 = arith.addi %mul3A_1044, %add3A_1045 : i32
    %dma_start3A_1047 = arith.constant 0 : i32
    %dma_start3A_1048 = tpu.memref_slice %arg3[%add3A_1046, %dma_start3A_1047] : memref<262144x128xf32, #tpu.memory_space<hbm>> -> memref<256x128xf32, #tpu.memory_space<hbm>>
    %dma_start3A_1049 = arith.constant 0 : i32
    %dma_start3A_1050 = tpu.memref_slice %arg3[%add3A_1046, %dma_start3A_1049] : memref<262144x128xf32, #tpu.memory_space<hbm>> -> memref<256x128xf32, #tpu.memory_space<hbm>>
    tpu.enqueue_dma source(%dma_start3A_1050 : memref<256x128xf32, #tpu.memory_space<hbm>>) target(%arg10 : memref<256x128xf32, #tpu.memory_space<vmem>>) target_semaphore(%arg13 : memref<!tpu.dma_semaphore, #tpu.memory_space<semaphore_mem>>)
    %dma_wait3A_1051 = arith.constant 0 : i32
    %dma_wait3A_1052 = tpu.memref_slice %arg3[%add3A_990, %dma_wait3A_1051] : memref<262144x128xf32, #tpu.memory_space<hbm>> -> memref<256x128xf32, #tpu.memory_space<hbm>>
    %dma_wait3A_1053 = arith.constant 0 : i32
    %dma_wait3A_1054 = tpu.memref_slice %arg3[%add3A_990, %dma_wait3A_1053] : memref<262144x128xf32, #tpu.memory_space<hbm>> -> memref<256x128xf32, #tpu.memory_space<hbm>>
    tpu.wait_dma2 semaphore(%arg14 : memref<!tpu.dma_semaphore, #tpu.memory_space<semaphore_mem>>) src(%dma_wait3A_1054 : memref<256x128xf32, #tpu.memory_space<hbm>>) dst(%arg11 : memref<256x128xf32, #tpu.memory_space<vmem>>)
    %mul3A_1055 = arith.constant 4096 : i32
    %mul3A_1056 = arith.muli %reduce_sum3A_368, %mul3A_1055 : i32
    %add3A_1057 = arith.constant 1536 : i32
    %add3A_1058 = arith.addi %mul3A_1056, %add3A_1057 : i32
    %dma_start3A_1059 = arith.constant 0 : i32
    %dma_start3A_1060 = tpu.memref_slice %arg5[%add3A_1058, %dma_start3A_1059] : memref<262144x128xf32, #tpu.memory_space<hbm>> -> memref<256x128xf32, #tpu.memory_space<hbm>>
    %dma_start3A_1061 = arith.constant 0 : i32
    %dma_start3A_1062 = tpu.memref_slice %arg5[%add3A_1058, %dma_start3A_1061] : memref<262144x128xf32, #tpu.memory_space<hbm>> -> memref<256x128xf32, #tpu.memory_space<hbm>>
    tpu.enqueue_dma source(%arg11 : memref<256x128xf32, #tpu.memory_space<vmem>>) target(%dma_start3A_1062 : memref<256x128xf32, #tpu.memory_space<hbm>>) target_semaphore(%arg17 : memref<!tpu.dma_semaphore, #tpu.memory_space<semaphore_mem>>)
    %dma_wait3A_1063 = arith.constant 0 : i32
    %dma_wait3A_1064 = tpu.memref_slice %arg5[%add3A_1058, %dma_wait3A_1063] : memref<262144x128xf32, #tpu.memory_space<hbm>> -> memref<256x128xf32, #tpu.memory_space<hbm>>
    %dma_wait3A_1065 = arith.constant 0 : i32
    %dma_wait3A_1066 = tpu.memref_slice %arg5[%add3A_1058, %dma_wait3A_1065] : memref<262144x128xf32, #tpu.memory_space<hbm>> -> memref<256x128xf32, #tpu.memory_space<hbm>>
    tpu.wait_dma2 semaphore(%arg17 : memref<!tpu.dma_semaphore, #tpu.memory_space<semaphore_mem>>) src(%arg11 : memref<256x128xf32, #tpu.memory_space<vmem>>) dst(%dma_wait3A_1066 : memref<256x128xf32, #tpu.memory_space<hbm>>)
    %mul3A_1067 = arith.constant 2 : i32
    %mul3A_1068 = arith.muli %mul3A_1067, %add3A : i32
    %add3A_1069 = arith.constant 1 : i32
    %add3A_1070 = arith.addi %mul3A_1068, %add3A_1069 : i32
    %mul3A_1071 = arith.constant 4096 : i32
    %mul3A_1072 = arith.muli %add3A_1070, %mul3A_1071 : i32
    %add3A_1073 = arith.constant 2304 : i32
    %add3A_1074 = arith.addi %mul3A_1072, %add3A_1073 : i32
    %dma_start3A_1075 = arith.constant 0 : i32
    %dma_start3A_1076 = tpu.memref_slice %arg3[%add3A_1074, %dma_start3A_1075] : memref<262144x128xf32, #tpu.memory_space<hbm>> -> memref<256x128xf32, #tpu.memory_space<hbm>>
    %dma_start3A_1077 = arith.constant 0 : i32
    %dma_start3A_1078 = tpu.memref_slice %arg3[%add3A_1074, %dma_start3A_1077] : memref<262144x128xf32, #tpu.memory_space<hbm>> -> memref<256x128xf32, #tpu.memory_space<hbm>>
    tpu.enqueue_dma source(%dma_start3A_1078 : memref<256x128xf32, #tpu.memory_space<hbm>>) target(%arg11 : memref<256x128xf32, #tpu.memory_space<vmem>>) target_semaphore(%arg14 : memref<!tpu.dma_semaphore, #tpu.memory_space<semaphore_mem>>)
    %dma_wait3A_1079 = arith.constant 0 : i32
    %dma_wait3A_1080 = tpu.memref_slice %arg3[%add3A_1018, %dma_wait3A_1079] : memref<262144x128xf32, #tpu.memory_space<hbm>> -> memref<256x128xf32, #tpu.memory_space<hbm>>
    %dma_wait3A_1081 = arith.constant 0 : i32
    %dma_wait3A_1082 = tpu.memref_slice %arg3[%add3A_1018, %dma_wait3A_1081] : memref<262144x128xf32, #tpu.memory_space<hbm>> -> memref<256x128xf32, #tpu.memory_space<hbm>>
    tpu.wait_dma2 semaphore(%arg15 : memref<!tpu.dma_semaphore, #tpu.memory_space<semaphore_mem>>) src(%dma_wait3A_1082 : memref<256x128xf32, #tpu.memory_space<hbm>>) dst(%arg12 : memref<256x128xf32, #tpu.memory_space<vmem>>)
    %mul3A_1083 = arith.constant 4096 : i32
    %mul3A_1084 = arith.muli %reduce_sum3A_368, %mul3A_1083 : i32
    %add3A_1085 = arith.constant 1792 : i32
    %add3A_1086 = arith.addi %mul3A_1084, %add3A_1085 : i32
    %dma_start3A_1087 = arith.constant 0 : i32
    %dma_start3A_1088 = tpu.memref_slice %arg5[%add3A_1086, %dma_start3A_1087] : memref<262144x128xf32, #tpu.memory_space<hbm>> -> memref<256x128xf32, #tpu.memory_space<hbm>>
    %dma_start3A_1089 = arith.constant 0 : i32
    %dma_start3A_1090 = tpu.memref_slice %arg5[%add3A_1086, %dma_start3A_1089] : memref<262144x128xf32, #tpu.memory_space<hbm>> -> memref<256x128xf32, #tpu.memory_space<hbm>>
    tpu.enqueue_dma source(%arg12 : memref<256x128xf32, #tpu.memory_space<vmem>>) target(%dma_start3A_1090 : memref<256x128xf32, #tpu.memory_space<hbm>>) target_semaphore(%arg18 : memref<!tpu.dma_semaphore, #tpu.memory_space<semaphore_mem>>)
    %dma_wait3A_1091 = arith.constant 0 : i32
    %dma_wait3A_1092 = tpu.memref_slice %arg5[%add3A_1086, %dma_wait3A_1091] : memref<262144x128xf32, #tpu.memory_space<hbm>> -> memref<256x128xf32, #tpu.memory_space<hbm>>
    %dma_wait3A_1093 = arith.constant 0 : i32
    %dma_wait3A_1094 = tpu.memref_slice %arg5[%add3A_1086, %dma_wait3A_1093] : memref<262144x128xf32, #tpu.memory_space<hbm>> -> memref<256x128xf32, #tpu.memory_space<hbm>>
    tpu.wait_dma2 semaphore(%arg18 : memref<!tpu.dma_semaphore, #tpu.memory_space<semaphore_mem>>) src(%arg12 : memref<256x128xf32, #tpu.memory_space<vmem>>) dst(%dma_wait3A_1094 : memref<256x128xf32, #tpu.memory_space<hbm>>)
    %mul3A_1095 = arith.constant 2 : i32
    %mul3A_1096 = arith.muli %mul3A_1095, %add3A : i32
    %add3A_1097 = arith.constant 1 : i32
    %add3A_1098 = arith.addi %mul3A_1096, %add3A_1097 : i32
    %mul3A_1099 = arith.constant 4096 : i32
    %mul3A_1100 = arith.muli %add3A_1098, %mul3A_1099 : i32
    %add3A_1101 = arith.constant 2560 : i32
    %add3A_1102 = arith.addi %mul3A_1100, %add3A_1101 : i32
    %dma_start3A_1103 = arith.constant 0 : i32
    %dma_start3A_1104 = tpu.memref_slice %arg3[%add3A_1102, %dma_start3A_1103] : memref<262144x128xf32, #tpu.memory_space<hbm>> -> memref<256x128xf32, #tpu.memory_space<hbm>>
    %dma_start3A_1105 = arith.constant 0 : i32
    %dma_start3A_1106 = tpu.memref_slice %arg3[%add3A_1102, %dma_start3A_1105] : memref<262144x128xf32, #tpu.memory_space<hbm>> -> memref<256x128xf32, #tpu.memory_space<hbm>>
    tpu.enqueue_dma source(%dma_start3A_1106 : memref<256x128xf32, #tpu.memory_space<hbm>>) target(%arg12 : memref<256x128xf32, #tpu.memory_space<vmem>>) target_semaphore(%arg15 : memref<!tpu.dma_semaphore, #tpu.memory_space<semaphore_mem>>)
    %dma_wait3A_1107 = arith.constant 0 : i32
    %dma_wait3A_1108 = tpu.memref_slice %arg3[%add3A_1046, %dma_wait3A_1107] : memref<262144x128xf32, #tpu.memory_space<hbm>> -> memref<256x128xf32, #tpu.memory_space<hbm>>
    %dma_wait3A_1109 = arith.constant 0 : i32
    %dma_wait3A_1110 = tpu.memref_slice %arg3[%add3A_1046, %dma_wait3A_1109] : memref<262144x128xf32, #tpu.memory_space<hbm>> -> memref<256x128xf32, #tpu.memory_space<hbm>>
    tpu.wait_dma2 semaphore(%arg13 : memref<!tpu.dma_semaphore, #tpu.memory_space<semaphore_mem>>) src(%dma_wait3A_1110 : memref<256x128xf32, #tpu.memory_space<hbm>>) dst(%arg10 : memref<256x128xf32, #tpu.memory_space<vmem>>)
    %mul3A_1111 = arith.constant 4096 : i32
    %mul3A_1112 = arith.muli %reduce_sum3A_368, %mul3A_1111 : i32
    %add3A_1113 = arith.constant 2048 : i32
    %add3A_1114 = arith.addi %mul3A_1112, %add3A_1113 : i32
    %dma_start3A_1115 = arith.constant 0 : i32
    %dma_start3A_1116 = tpu.memref_slice %arg5[%add3A_1114, %dma_start3A_1115] : memref<262144x128xf32, #tpu.memory_space<hbm>> -> memref<256x128xf32, #tpu.memory_space<hbm>>
    %dma_start3A_1117 = arith.constant 0 : i32
    %dma_start3A_1118 = tpu.memref_slice %arg5[%add3A_1114, %dma_start3A_1117] : memref<262144x128xf32, #tpu.memory_space<hbm>> -> memref<256x128xf32, #tpu.memory_space<hbm>>
    tpu.enqueue_dma source(%arg10 : memref<256x128xf32, #tpu.memory_space<vmem>>) target(%dma_start3A_1118 : memref<256x128xf32, #tpu.memory_space<hbm>>) target_semaphore(%arg16 : memref<!tpu.dma_semaphore, #tpu.memory_space<semaphore_mem>>)
    %dma_wait3A_1119 = arith.constant 0 : i32
    %dma_wait3A_1120 = tpu.memref_slice %arg5[%add3A_1114, %dma_wait3A_1119] : memref<262144x128xf32, #tpu.memory_space<hbm>> -> memref<256x128xf32, #tpu.memory_space<hbm>>
    %dma_wait3A_1121 = arith.constant 0 : i32
    %dma_wait3A_1122 = tpu.memref_slice %arg5[%add3A_1114, %dma_wait3A_1121] : memref<262144x128xf32, #tpu.memory_space<hbm>> -> memref<256x128xf32, #tpu.memory_space<hbm>>
    tpu.wait_dma2 semaphore(%arg16 : memref<!tpu.dma_semaphore, #tpu.memory_space<semaphore_mem>>) src(%arg10 : memref<256x128xf32, #tpu.memory_space<vmem>>) dst(%dma_wait3A_1122 : memref<256x128xf32, #tpu.memory_space<hbm>>)
    %mul3A_1123 = arith.constant 2 : i32
    %mul3A_1124 = arith.muli %mul3A_1123, %add3A : i32
    %add3A_1125 = arith.constant 1 : i32
    %add3A_1126 = arith.addi %mul3A_1124, %add3A_1125 : i32
    %mul3A_1127 = arith.constant 4096 : i32
    %mul3A_1128 = arith.muli %add3A_1126, %mul3A_1127 : i32
    %add3A_1129 = arith.constant 2816 : i32
    %add3A_1130 = arith.addi %mul3A_1128, %add3A_1129 : i32
    %dma_start3A_1131 = arith.constant 0 : i32
    %dma_start3A_1132 = tpu.memref_slice %arg3[%add3A_1130, %dma_start3A_1131] : memref<262144x128xf32, #tpu.memory_space<hbm>> -> memref<256x128xf32, #tpu.memory_space<hbm>>
    %dma_start3A_1133 = arith.constant 0 : i32
    %dma_start3A_1134 = tpu.memref_slice %arg3[%add3A_1130, %dma_start3A_1133] : memref<262144x128xf32, #tpu.memory_space<hbm>> -> memref<256x128xf32, #tpu.memory_space<hbm>>
    tpu.enqueue_dma source(%dma_start3A_1134 : memref<256x128xf32, #tpu.memory_space<hbm>>) target(%arg10 : memref<256x128xf32, #tpu.memory_space<vmem>>) target_semaphore(%arg13 : memref<!tpu.dma_semaphore, #tpu.memory_space<semaphore_mem>>)
    %dma_wait3A_1135 = arith.constant 0 : i32
    %dma_wait3A_1136 = tpu.memref_slice %arg3[%add3A_1074, %dma_wait3A_1135] : memref<262144x128xf32, #tpu.memory_space<hbm>> -> memref<256x128xf32, #tpu.memory_space<hbm>>
    %dma_wait3A_1137 = arith.constant 0 : i32
    %dma_wait3A_1138 = tpu.memref_slice %arg3[%add3A_1074, %dma_wait3A_1137] : memref<262144x128xf32, #tpu.memory_space<hbm>> -> memref<256x128xf32, #tpu.memory_space<hbm>>
    tpu.wait_dma2 semaphore(%arg14 : memref<!tpu.dma_semaphore, #tpu.memory_space<semaphore_mem>>) src(%dma_wait3A_1138 : memref<256x128xf32, #tpu.memory_space<hbm>>) dst(%arg11 : memref<256x128xf32, #tpu.memory_space<vmem>>)
    %mul3A_1139 = arith.constant 4096 : i32
    %mul3A_1140 = arith.muli %reduce_sum3A_368, %mul3A_1139 : i32
    %add3A_1141 = arith.constant 2304 : i32
    %add3A_1142 = arith.addi %mul3A_1140, %add3A_1141 : i32
    %dma_start3A_1143 = arith.constant 0 : i32
    %dma_start3A_1144 = tpu.memref_slice %arg5[%add3A_1142, %dma_start3A_1143] : memref<262144x128xf32, #tpu.memory_space<hbm>> -> memref<256x128xf32, #tpu.memory_space<hbm>>
    %dma_start3A_1145 = arith.constant 0 : i32
    %dma_start3A_1146 = tpu.memref_slice %arg5[%add3A_1142, %dma_start3A_1145] : memref<262144x128xf32, #tpu.memory_space<hbm>> -> memref<256x128xf32, #tpu.memory_space<hbm>>
    tpu.enqueue_dma source(%arg11 : memref<256x128xf32, #tpu.memory_space<vmem>>) target(%dma_start3A_1146 : memref<256x128xf32, #tpu.memory_space<hbm>>) target_semaphore(%arg17 : memref<!tpu.dma_semaphore, #tpu.memory_space<semaphore_mem>>)
    %dma_wait3A_1147 = arith.constant 0 : i32
    %dma_wait3A_1148 = tpu.memref_slice %arg5[%add3A_1142, %dma_wait3A_1147] : memref<262144x128xf32, #tpu.memory_space<hbm>> -> memref<256x128xf32, #tpu.memory_space<hbm>>
    %dma_wait3A_1149 = arith.constant 0 : i32
    %dma_wait3A_1150 = tpu.memref_slice %arg5[%add3A_1142, %dma_wait3A_1149] : memref<262144x128xf32, #tpu.memory_space<hbm>> -> memref<256x128xf32, #tpu.memory_space<hbm>>
    tpu.wait_dma2 semaphore(%arg17 : memref<!tpu.dma_semaphore, #tpu.memory_space<semaphore_mem>>) src(%arg11 : memref<256x128xf32, #tpu.memory_space<vmem>>) dst(%dma_wait3A_1150 : memref<256x128xf32, #tpu.memory_space<hbm>>)
    %mul3A_1151 = arith.constant 2 : i32
    %mul3A_1152 = arith.muli %mul3A_1151, %add3A : i32
    %add3A_1153 = arith.constant 1 : i32
    %add3A_1154 = arith.addi %mul3A_1152, %add3A_1153 : i32
    %mul3A_1155 = arith.constant 4096 : i32
    %mul3A_1156 = arith.muli %add3A_1154, %mul3A_1155 : i32
    %add3A_1157 = arith.constant 3072 : i32
    %add3A_1158 = arith.addi %mul3A_1156, %add3A_1157 : i32
    %dma_start3A_1159 = arith.constant 0 : i32
    %dma_start3A_1160 = tpu.memref_slice %arg3[%add3A_1158, %dma_start3A_1159] : memref<262144x128xf32, #tpu.memory_space<hbm>> -> memref<256x128xf32, #tpu.memory_space<hbm>>
    %dma_start3A_1161 = arith.constant 0 : i32
    %dma_start3A_1162 = tpu.memref_slice %arg3[%add3A_1158, %dma_start3A_1161] : memref<262144x128xf32, #tpu.memory_space<hbm>> -> memref<256x128xf32, #tpu.memory_space<hbm>>
    tpu.enqueue_dma source(%dma_start3A_1162 : memref<256x128xf32, #tpu.memory_space<hbm>>) target(%arg11 : memref<256x128xf32, #tpu.memory_space<vmem>>) target_semaphore(%arg14 : memref<!tpu.dma_semaphore, #tpu.memory_space<semaphore_mem>>)
    %dma_wait3A_1163 = arith.constant 0 : i32
    %dma_wait3A_1164 = tpu.memref_slice %arg3[%add3A_1102, %dma_wait3A_1163] : memref<262144x128xf32, #tpu.memory_space<hbm>> -> memref<256x128xf32, #tpu.memory_space<hbm>>
    %dma_wait3A_1165 = arith.constant 0 : i32
    %dma_wait3A_1166 = tpu.memref_slice %arg3[%add3A_1102, %dma_wait3A_1165] : memref<262144x128xf32, #tpu.memory_space<hbm>> -> memref<256x128xf32, #tpu.memory_space<hbm>>
    tpu.wait_dma2 semaphore(%arg15 : memref<!tpu.dma_semaphore, #tpu.memory_space<semaphore_mem>>) src(%dma_wait3A_1166 : memref<256x128xf32, #tpu.memory_space<hbm>>) dst(%arg12 : memref<256x128xf32, #tpu.memory_space<vmem>>)
    %mul3A_1167 = arith.constant 4096 : i32
    %mul3A_1168 = arith.muli %reduce_sum3A_368, %mul3A_1167 : i32
    %add3A_1169 = arith.constant 2560 : i32
    %add3A_1170 = arith.addi %mul3A_1168, %add3A_1169 : i32
    %dma_start3A_1171 = arith.constant 0 : i32
    %dma_start3A_1172 = tpu.memref_slice %arg5[%add3A_1170, %dma_start3A_1171] : memref<262144x128xf32, #tpu.memory_space<hbm>> -> memref<256x128xf32, #tpu.memory_space<hbm>>
    %dma_start3A_1173 = arith.constant 0 : i32
    %dma_start3A_1174 = tpu.memref_slice %arg5[%add3A_1170, %dma_start3A_1173] : memref<262144x128xf32, #tpu.memory_space<hbm>> -> memref<256x128xf32, #tpu.memory_space<hbm>>
    tpu.enqueue_dma source(%arg12 : memref<256x128xf32, #tpu.memory_space<vmem>>) target(%dma_start3A_1174 : memref<256x128xf32, #tpu.memory_space<hbm>>) target_semaphore(%arg18 : memref<!tpu.dma_semaphore, #tpu.memory_space<semaphore_mem>>)
    %dma_wait3A_1175 = arith.constant 0 : i32
    %dma_wait3A_1176 = tpu.memref_slice %arg5[%add3A_1170, %dma_wait3A_1175] : memref<262144x128xf32, #tpu.memory_space<hbm>> -> memref<256x128xf32, #tpu.memory_space<hbm>>
    %dma_wait3A_1177 = arith.constant 0 : i32
    %dma_wait3A_1178 = tpu.memref_slice %arg5[%add3A_1170, %dma_wait3A_1177] : memref<262144x128xf32, #tpu.memory_space<hbm>> -> memref<256x128xf32, #tpu.memory_space<hbm>>
    tpu.wait_dma2 semaphore(%arg18 : memref<!tpu.dma_semaphore, #tpu.memory_space<semaphore_mem>>) src(%arg12 : memref<256x128xf32, #tpu.memory_space<vmem>>) dst(%dma_wait3A_1178 : memref<256x128xf32, #tpu.memory_space<hbm>>)
    %mul3A_1179 = arith.constant 2 : i32
    %mul3A_1180 = arith.muli %mul3A_1179, %add3A : i32
    %add3A_1181 = arith.constant 1 : i32
    %add3A_1182 = arith.addi %mul3A_1180, %add3A_1181 : i32
    %mul3A_1183 = arith.constant 4096 : i32
    %mul3A_1184 = arith.muli %add3A_1182, %mul3A_1183 : i32
    %add3A_1185 = arith.constant 3328 : i32
    %add3A_1186 = arith.addi %mul3A_1184, %add3A_1185 : i32
    %dma_start3A_1187 = arith.constant 0 : i32
    %dma_start3A_1188 = tpu.memref_slice %arg3[%add3A_1186, %dma_start3A_1187] : memref<262144x128xf32, #tpu.memory_space<hbm>> -> memref<256x128xf32, #tpu.memory_space<hbm>>
    %dma_start3A_1189 = arith.constant 0 : i32
    %dma_start3A_1190 = tpu.memref_slice %arg3[%add3A_1186, %dma_start3A_1189] : memref<262144x128xf32, #tpu.memory_space<hbm>> -> memref<256x128xf32, #tpu.memory_space<hbm>>
    tpu.enqueue_dma source(%dma_start3A_1190 : memref<256x128xf32, #tpu.memory_space<hbm>>) target(%arg12 : memref<256x128xf32, #tpu.memory_space<vmem>>) target_semaphore(%arg15 : memref<!tpu.dma_semaphore, #tpu.memory_space<semaphore_mem>>)
    %dma_wait3A_1191 = arith.constant 0 : i32
    %dma_wait3A_1192 = tpu.memref_slice %arg3[%add3A_1130, %dma_wait3A_1191] : memref<262144x128xf32, #tpu.memory_space<hbm>> -> memref<256x128xf32, #tpu.memory_space<hbm>>
    %dma_wait3A_1193 = arith.constant 0 : i32
    %dma_wait3A_1194 = tpu.memref_slice %arg3[%add3A_1130, %dma_wait3A_1193] : memref<262144x128xf32, #tpu.memory_space<hbm>> -> memref<256x128xf32, #tpu.memory_space<hbm>>
    tpu.wait_dma2 semaphore(%arg13 : memref<!tpu.dma_semaphore, #tpu.memory_space<semaphore_mem>>) src(%dma_wait3A_1194 : memref<256x128xf32, #tpu.memory_space<hbm>>) dst(%arg10 : memref<256x128xf32, #tpu.memory_space<vmem>>)
    %mul3A_1195 = arith.constant 4096 : i32
    %mul3A_1196 = arith.muli %reduce_sum3A_368, %mul3A_1195 : i32
    %add3A_1197 = arith.constant 2816 : i32
    %add3A_1198 = arith.addi %mul3A_1196, %add3A_1197 : i32
    %dma_start3A_1199 = arith.constant 0 : i32
    %dma_start3A_1200 = tpu.memref_slice %arg5[%add3A_1198, %dma_start3A_1199] : memref<262144x128xf32, #tpu.memory_space<hbm>> -> memref<256x128xf32, #tpu.memory_space<hbm>>
    %dma_start3A_1201 = arith.constant 0 : i32
    %dma_start3A_1202 = tpu.memref_slice %arg5[%add3A_1198, %dma_start3A_1201] : memref<262144x128xf32, #tpu.memory_space<hbm>> -> memref<256x128xf32, #tpu.memory_space<hbm>>
    tpu.enqueue_dma source(%arg10 : memref<256x128xf32, #tpu.memory_space<vmem>>) target(%dma_start3A_1202 : memref<256x128xf32, #tpu.memory_space<hbm>>) target_semaphore(%arg16 : memref<!tpu.dma_semaphore, #tpu.memory_space<semaphore_mem>>)
    %dma_wait3A_1203 = arith.constant 0 : i32
    %dma_wait3A_1204 = tpu.memref_slice %arg5[%add3A_1198, %dma_wait3A_1203] : memref<262144x128xf32, #tpu.memory_space<hbm>> -> memref<256x128xf32, #tpu.memory_space<hbm>>
    %dma_wait3A_1205 = arith.constant 0 : i32
    %dma_wait3A_1206 = tpu.memref_slice %arg5[%add3A_1198, %dma_wait3A_1205] : memref<262144x128xf32, #tpu.memory_space<hbm>> -> memref<256x128xf32, #tpu.memory_space<hbm>>
    tpu.wait_dma2 semaphore(%arg16 : memref<!tpu.dma_semaphore, #tpu.memory_space<semaphore_mem>>) src(%arg10 : memref<256x128xf32, #tpu.memory_space<vmem>>) dst(%dma_wait3A_1206 : memref<256x128xf32, #tpu.memory_space<hbm>>)
    %mul3A_1207 = arith.constant 2 : i32
    %mul3A_1208 = arith.muli %mul3A_1207, %add3A : i32
    %add3A_1209 = arith.constant 1 : i32
    %add3A_1210 = arith.addi %mul3A_1208, %add3A_1209 : i32
    %mul3A_1211 = arith.constant 4096 : i32
    %mul3A_1212 = arith.muli %add3A_1210, %mul3A_1211 : i32
    %add3A_1213 = arith.constant 3584 : i32
    %add3A_1214 = arith.addi %mul3A_1212, %add3A_1213 : i32
    %dma_start3A_1215 = arith.constant 0 : i32
    %dma_start3A_1216 = tpu.memref_slice %arg3[%add3A_1214, %dma_start3A_1215] : memref<262144x128xf32, #tpu.memory_space<hbm>> -> memref<256x128xf32, #tpu.memory_space<hbm>>
    %dma_start3A_1217 = arith.constant 0 : i32
    %dma_start3A_1218 = tpu.memref_slice %arg3[%add3A_1214, %dma_start3A_1217] : memref<262144x128xf32, #tpu.memory_space<hbm>> -> memref<256x128xf32, #tpu.memory_space<hbm>>
    tpu.enqueue_dma source(%dma_start3A_1218 : memref<256x128xf32, #tpu.memory_space<hbm>>) target(%arg10 : memref<256x128xf32, #tpu.memory_space<vmem>>) target_semaphore(%arg13 : memref<!tpu.dma_semaphore, #tpu.memory_space<semaphore_mem>>)
    %dma_wait3A_1219 = arith.constant 0 : i32
    %dma_wait3A_1220 = tpu.memref_slice %arg3[%add3A_1158, %dma_wait3A_1219] : memref<262144x128xf32, #tpu.memory_space<hbm>> -> memref<256x128xf32, #tpu.memory_space<hbm>>
    %dma_wait3A_1221 = arith.constant 0 : i32
    %dma_wait3A_1222 = tpu.memref_slice %arg3[%add3A_1158, %dma_wait3A_1221] : memref<262144x128xf32, #tpu.memory_space<hbm>> -> memref<256x128xf32, #tpu.memory_space<hbm>>
    tpu.wait_dma2 semaphore(%arg14 : memref<!tpu.dma_semaphore, #tpu.memory_space<semaphore_mem>>) src(%dma_wait3A_1222 : memref<256x128xf32, #tpu.memory_space<hbm>>) dst(%arg11 : memref<256x128xf32, #tpu.memory_space<vmem>>)
    %mul3A_1223 = arith.constant 4096 : i32
    %mul3A_1224 = arith.muli %reduce_sum3A_368, %mul3A_1223 : i32
    %add3A_1225 = arith.constant 3072 : i32
    %add3A_1226 = arith.addi %mul3A_1224, %add3A_1225 : i32
    %dma_start3A_1227 = arith.constant 0 : i32
    %dma_start3A_1228 = tpu.memref_slice %arg5[%add3A_1226, %dma_start3A_1227] : memref<262144x128xf32, #tpu.memory_space<hbm>> -> memref<256x128xf32, #tpu.memory_space<hbm>>
    %dma_start3A_1229 = arith.constant 0 : i32
    %dma_start3A_1230 = tpu.memref_slice %arg5[%add3A_1226, %dma_start3A_1229] : memref<262144x128xf32, #tpu.memory_space<hbm>> -> memref<256x128xf32, #tpu.memory_space<hbm>>
    tpu.enqueue_dma source(%arg11 : memref<256x128xf32, #tpu.memory_space<vmem>>) target(%dma_start3A_1230 : memref<256x128xf32, #tpu.memory_space<hbm>>) target_semaphore(%arg17 : memref<!tpu.dma_semaphore, #tpu.memory_space<semaphore_mem>>)
    %dma_wait3A_1231 = arith.constant 0 : i32
    %dma_wait3A_1232 = tpu.memref_slice %arg5[%add3A_1226, %dma_wait3A_1231] : memref<262144x128xf32, #tpu.memory_space<hbm>> -> memref<256x128xf32, #tpu.memory_space<hbm>>
    %dma_wait3A_1233 = arith.constant 0 : i32
    %dma_wait3A_1234 = tpu.memref_slice %arg5[%add3A_1226, %dma_wait3A_1233] : memref<262144x128xf32, #tpu.memory_space<hbm>> -> memref<256x128xf32, #tpu.memory_space<hbm>>
    tpu.wait_dma2 semaphore(%arg17 : memref<!tpu.dma_semaphore, #tpu.memory_space<semaphore_mem>>) src(%arg11 : memref<256x128xf32, #tpu.memory_space<vmem>>) dst(%dma_wait3A_1234 : memref<256x128xf32, #tpu.memory_space<hbm>>)
    %mul3A_1235 = arith.constant 2 : i32
    %mul3A_1236 = arith.muli %mul3A_1235, %add3A : i32
    %add3A_1237 = arith.constant 1 : i32
    %add3A_1238 = arith.addi %mul3A_1236, %add3A_1237 : i32
    %mul3A_1239 = arith.constant 4096 : i32
    %mul3A_1240 = arith.muli %add3A_1238, %mul3A_1239 : i32
    %add3A_1241 = arith.constant 3840 : i32
    %add3A_1242 = arith.addi %mul3A_1240, %add3A_1241 : i32
    %dma_start3A_1243 = arith.constant 0 : i32
    %dma_start3A_1244 = tpu.memref_slice %arg3[%add3A_1242, %dma_start3A_1243] : memref<262144x128xf32, #tpu.memory_space<hbm>> -> memref<256x128xf32, #tpu.memory_space<hbm>>
    %dma_start3A_1245 = arith.constant 0 : i32
    %dma_start3A_1246 = tpu.memref_slice %arg3[%add3A_1242, %dma_start3A_1245] : memref<262144x128xf32, #tpu.memory_space<hbm>> -> memref<256x128xf32, #tpu.memory_space<hbm>>
    tpu.enqueue_dma source(%dma_start3A_1246 : memref<256x128xf32, #tpu.memory_space<hbm>>) target(%arg11 : memref<256x128xf32, #tpu.memory_space<vmem>>) target_semaphore(%arg14 : memref<!tpu.dma_semaphore, #tpu.memory_space<semaphore_mem>>)
    %dma_wait3A_1247 = arith.constant 0 : i32
    %dma_wait3A_1248 = tpu.memref_slice %arg3[%add3A_1186, %dma_wait3A_1247] : memref<262144x128xf32, #tpu.memory_space<hbm>> -> memref<256x128xf32, #tpu.memory_space<hbm>>
    %dma_wait3A_1249 = arith.constant 0 : i32
    %dma_wait3A_1250 = tpu.memref_slice %arg3[%add3A_1186, %dma_wait3A_1249] : memref<262144x128xf32, #tpu.memory_space<hbm>> -> memref<256x128xf32, #tpu.memory_space<hbm>>
    tpu.wait_dma2 semaphore(%arg15 : memref<!tpu.dma_semaphore, #tpu.memory_space<semaphore_mem>>) src(%dma_wait3A_1250 : memref<256x128xf32, #tpu.memory_space<hbm>>) dst(%arg12 : memref<256x128xf32, #tpu.memory_space<vmem>>)
    %mul3A_1251 = arith.constant 4096 : i32
    %mul3A_1252 = arith.muli %reduce_sum3A_368, %mul3A_1251 : i32
    %add3A_1253 = arith.constant 3328 : i32
    %add3A_1254 = arith.addi %mul3A_1252, %add3A_1253 : i32
    %dma_start3A_1255 = arith.constant 0 : i32
    %dma_start3A_1256 = tpu.memref_slice %arg5[%add3A_1254, %dma_start3A_1255] : memref<262144x128xf32, #tpu.memory_space<hbm>> -> memref<256x128xf32, #tpu.memory_space<hbm>>
    %dma_start3A_1257 = arith.constant 0 : i32
    %dma_start3A_1258 = tpu.memref_slice %arg5[%add3A_1254, %dma_start3A_1257] : memref<262144x128xf32, #tpu.memory_space<hbm>> -> memref<256x128xf32, #tpu.memory_space<hbm>>
    tpu.enqueue_dma source(%arg12 : memref<256x128xf32, #tpu.memory_space<vmem>>) target(%dma_start3A_1258 : memref<256x128xf32, #tpu.memory_space<hbm>>) target_semaphore(%arg18 : memref<!tpu.dma_semaphore, #tpu.memory_space<semaphore_mem>>)
    %dma_wait3A_1259 = arith.constant 0 : i32
    %dma_wait3A_1260 = tpu.memref_slice %arg3[%add3A_1214, %dma_wait3A_1259] : memref<262144x128xf32, #tpu.memory_space<hbm>> -> memref<256x128xf32, #tpu.memory_space<hbm>>
    %dma_wait3A_1261 = arith.constant 0 : i32
    %dma_wait3A_1262 = tpu.memref_slice %arg3[%add3A_1214, %dma_wait3A_1261] : memref<262144x128xf32, #tpu.memory_space<hbm>> -> memref<256x128xf32, #tpu.memory_space<hbm>>
    tpu.wait_dma2 semaphore(%arg13 : memref<!tpu.dma_semaphore, #tpu.memory_space<semaphore_mem>>) src(%dma_wait3A_1262 : memref<256x128xf32, #tpu.memory_space<hbm>>) dst(%arg10 : memref<256x128xf32, #tpu.memory_space<vmem>>)
    %mul3A_1263 = arith.constant 4096 : i32
    %mul3A_1264 = arith.muli %reduce_sum3A_368, %mul3A_1263 : i32
    %add3A_1265 = arith.constant 3584 : i32
    %add3A_1266 = arith.addi %mul3A_1264, %add3A_1265 : i32
    %dma_start3A_1267 = arith.constant 0 : i32
    %dma_start3A_1268 = tpu.memref_slice %arg5[%add3A_1266, %dma_start3A_1267] : memref<262144x128xf32, #tpu.memory_space<hbm>> -> memref<256x128xf32, #tpu.memory_space<hbm>>
    %dma_start3A_1269 = arith.constant 0 : i32
    %dma_start3A_1270 = tpu.memref_slice %arg5[%add3A_1266, %dma_start3A_1269] : memref<262144x128xf32, #tpu.memory_space<hbm>> -> memref<256x128xf32, #tpu.memory_space<hbm>>
    tpu.enqueue_dma source(%arg10 : memref<256x128xf32, #tpu.memory_space<vmem>>) target(%dma_start3A_1270 : memref<256x128xf32, #tpu.memory_space<hbm>>) target_semaphore(%arg16 : memref<!tpu.dma_semaphore, #tpu.memory_space<semaphore_mem>>)
    %dma_wait3A_1271 = arith.constant 0 : i32
    %dma_wait3A_1272 = tpu.memref_slice %arg3[%add3A_1242, %dma_wait3A_1271] : memref<262144x128xf32, #tpu.memory_space<hbm>> -> memref<256x128xf32, #tpu.memory_space<hbm>>
    %dma_wait3A_1273 = arith.constant 0 : i32
    %dma_wait3A_1274 = tpu.memref_slice %arg3[%add3A_1242, %dma_wait3A_1273] : memref<262144x128xf32, #tpu.memory_space<hbm>> -> memref<256x128xf32, #tpu.memory_space<hbm>>
    tpu.wait_dma2 semaphore(%arg14 : memref<!tpu.dma_semaphore, #tpu.memory_space<semaphore_mem>>) src(%dma_wait3A_1274 : memref<256x128xf32, #tpu.memory_space<hbm>>) dst(%arg11 : memref<256x128xf32, #tpu.memory_space<vmem>>)
    %mul3A_1275 = arith.constant 4096 : i32
    %mul3A_1276 = arith.muli %reduce_sum3A_368, %mul3A_1275 : i32
    %add3A_1277 = arith.constant 3840 : i32
    %add3A_1278 = arith.addi %mul3A_1276, %add3A_1277 : i32
    %dma_start3A_1279 = arith.constant 0 : i32
    %dma_start3A_1280 = tpu.memref_slice %arg5[%add3A_1278, %dma_start3A_1279] : memref<262144x128xf32, #tpu.memory_space<hbm>> -> memref<256x128xf32, #tpu.memory_space<hbm>>
    %dma_start3A_1281 = arith.constant 0 : i32
    %dma_start3A_1282 = tpu.memref_slice %arg5[%add3A_1278, %dma_start3A_1281] : memref<262144x128xf32, #tpu.memory_space<hbm>> -> memref<256x128xf32, #tpu.memory_space<hbm>>
    tpu.enqueue_dma source(%arg11 : memref<256x128xf32, #tpu.memory_space<vmem>>) target(%dma_start3A_1282 : memref<256x128xf32, #tpu.memory_space<hbm>>) target_semaphore(%arg17 : memref<!tpu.dma_semaphore, #tpu.memory_space<semaphore_mem>>)
    %dma_wait3A_1283 = arith.constant 0 : i32
    %dma_wait3A_1284 = tpu.memref_slice %arg5[%add3A_1254, %dma_wait3A_1283] : memref<262144x128xf32, #tpu.memory_space<hbm>> -> memref<256x128xf32, #tpu.memory_space<hbm>>
    %dma_wait3A_1285 = arith.constant 0 : i32
    %dma_wait3A_1286 = tpu.memref_slice %arg5[%add3A_1254, %dma_wait3A_1285] : memref<262144x128xf32, #tpu.memory_space<hbm>> -> memref<256x128xf32, #tpu.memory_space<hbm>>
    tpu.wait_dma2 semaphore(%arg18 : memref<!tpu.dma_semaphore, #tpu.memory_space<semaphore_mem>>) src(%arg12 : memref<256x128xf32, #tpu.memory_space<vmem>>) dst(%dma_wait3A_1286 : memref<256x128xf32, #tpu.memory_space<hbm>>)
    %dma_wait3A_1287 = arith.constant 0 : i32
    %dma_wait3A_1288 = tpu.memref_slice %arg5[%add3A_1266, %dma_wait3A_1287] : memref<262144x128xf32, #tpu.memory_space<hbm>> -> memref<256x128xf32, #tpu.memory_space<hbm>>
    %dma_wait3A_1289 = arith.constant 0 : i32
    %dma_wait3A_1290 = tpu.memref_slice %arg5[%add3A_1266, %dma_wait3A_1289] : memref<262144x128xf32, #tpu.memory_space<hbm>> -> memref<256x128xf32, #tpu.memory_space<hbm>>
    tpu.wait_dma2 semaphore(%arg16 : memref<!tpu.dma_semaphore, #tpu.memory_space<semaphore_mem>>) src(%arg10 : memref<256x128xf32, #tpu.memory_space<vmem>>) dst(%dma_wait3A_1290 : memref<256x128xf32, #tpu.memory_space<hbm>>)
    %dma_wait3A_1291 = arith.constant 0 : i32
    %dma_wait3A_1292 = tpu.memref_slice %arg5[%add3A_1278, %dma_wait3A_1291] : memref<262144x128xf32, #tpu.memory_space<hbm>> -> memref<256x128xf32, #tpu.memory_space<hbm>>
    %dma_wait3A_1293 = arith.constant 0 : i32
    %dma_wait3A_1294 = tpu.memref_slice %arg5[%add3A_1278, %dma_wait3A_1293] : memref<262144x128xf32, #tpu.memory_space<hbm>> -> memref<256x128xf32, #tpu.memory_space<hbm>>
    tpu.wait_dma2 semaphore(%arg17 : memref<!tpu.dma_semaphore, #tpu.memory_space<semaphore_mem>>) src(%arg11 : memref<256x128xf32, #tpu.memory_space<vmem>>) dst(%dma_wait3A_1294 : memref<256x128xf32, #tpu.memory_space<hbm>>)
    %gt3A = arith.constant 0 : i32
    %gt3A_1295 = arith.cmpi sgt, %mul3A_310, %gt3A : i32
    %convert_element_type3A = arith.extui %gt3A_1295 : i1 to i32
    %cond3A = arith.constant 0 : i32
    %cond3A_1296 = arith.cmpi ne, %convert_element_type3A, %cond3A : i32
    scf.if %cond3A_1296 {
      %dma_start3A_1372 = arith.constant 0 : i32
      %dma_start3A_1373 = arith.constant 0 : i32
      %dma_start3A_1374 = tpu.memref_slice %arg7[%dma_start3A_1372, %dma_start3A_1373] : memref<16x128xi32, #tpu.memory_space<vmem>> -> memref<1x128xi32, #tpu.memory_space<vmem>>
      %dma_start3A_1375 = tpu.memref_squeeze %dma_start3A_1374 : memref<1x128xi32, #tpu.memory_space<vmem>> -> memref<128xi32, #tpu.memory_space<vmem>>
      %dma_start3A_1376 = arith.constant 0 : i32
      %dma_start3A_1377 = arith.constant 0 : i32
      %dma_start3A_1378 = tpu.memref_slice %arg2[%dma_start3A_1376, %dma_start3A_1377] : memref<1024x128xf32, #tpu.memory_space<hbm>> -> memref<1024x128xf32, #tpu.memory_space<hbm>>
      tpu.enqueue_indirect_dma source(%dma_start3A_1378 : memref<1024x128xf32, #tpu.memory_space<hbm>>) target(%arg9 : memref<128x128xf32, #tpu.memory_space<vmem>>) offsets(%dma_start3A_1375 : memref<128xi32, #tpu.memory_space<vmem>>) semaphore(%arg19 : memref<!tpu.dma_semaphore, #tpu.memory_space<semaphore_mem>>)
      %dma_wait3A_1379 = arith.constant 0 : i32
      %dma_wait3A_1380 = arith.constant 0 : i32
      %dma_wait3A_1381 = tpu.memref_slice %arg7[%dma_wait3A_1379, %dma_wait3A_1380] : memref<16x128xi32, #tpu.memory_space<vmem>> -> memref<1x128xi32, #tpu.memory_space<vmem>>
      %dma_wait3A_1382 = tpu.memref_squeeze %dma_wait3A_1381 : memref<1x128xi32, #tpu.memory_space<vmem>> -> memref<128xi32, #tpu.memory_space<vmem>>
      %dma_wait3A_1383 = arith.constant 0 : i32
      %dma_wait3A_1384 = arith.constant 0 : i32
      %dma_wait3A_1385 = tpu.memref_slice %arg2[%dma_wait3A_1383, %dma_wait3A_1384] : memref<1024x128xf32, #tpu.memory_space<hbm>> -> memref<1024x128xf32, #tpu.memory_space<hbm>>
      tpu.wait_indirect_dma semaphore(%arg19 : memref<!tpu.dma_semaphore, #tpu.memory_space<semaphore_mem>>) src(%dma_wait3A_1385 : memref<1024x128xf32, #tpu.memory_space<hbm>>) dst(%arg9 : memref<128x128xf32, #tpu.memory_space<vmem>>)
      %dma_start3A_1386 = arith.constant 0 : i32
      %dma_start3A_1387 = arith.constant 0 : i32
      %dma_start3A_1388 = tpu.memref_slice %arg8[%dma_start3A_1386, %dma_start3A_1387] : memref<16x128xi32, #tpu.memory_space<vmem>> -> memref<1x128xi32, #tpu.memory_space<vmem>>
      %dma_start3A_1389 = tpu.memref_squeeze %dma_start3A_1388 : memref<1x128xi32, #tpu.memory_space<vmem>> -> memref<128xi32, #tpu.memory_space<vmem>>
      %dma_start3A_1390 = arith.constant 0 : i32
      %dma_start3A_1391 = arith.constant 0 : i32
      %dma_start3A_1392 = tpu.memref_slice %arg5[%dma_start3A_1390, %dma_start3A_1391] : memref<262144x128xf32, #tpu.memory_space<hbm>> -> memref<262144x128xf32, #tpu.memory_space<hbm>>
      tpu.enqueue_indirect_dma source(%arg9 : memref<128x128xf32, #tpu.memory_space<vmem>>) target(%dma_start3A_1392 : memref<262144x128xf32, #tpu.memory_space<hbm>>) offsets(%dma_start3A_1389 : memref<128xi32, #tpu.memory_space<vmem>>) semaphore(%arg20 : memref<!tpu.dma_semaphore, #tpu.memory_space<semaphore_mem>>)
      %dma_wait3A_1393 = arith.constant 0 : i32
      %dma_wait3A_1394 = arith.constant 0 : i32
      %dma_wait3A_1395 = tpu.memref_slice %arg8[%dma_wait3A_1393, %dma_wait3A_1394] : memref<16x128xi32, #tpu.memory_space<vmem>> -> memref<1x128xi32, #tpu.memory_space<vmem>>
      %dma_wait3A_1396 = tpu.memref_squeeze %dma_wait3A_1395 : memref<1x128xi32, #tpu.memory_space<vmem>> -> memref<128xi32, #tpu.memory_space<vmem>>
      %dma_wait3A_1397 = arith.constant 0 : i32
      %dma_wait3A_1398 = arith.constant 0 : i32
      %dma_wait3A_1399 = tpu.memref_slice %arg5[%dma_wait3A_1397, %dma_wait3A_1398] : memref<262144x128xf32, #tpu.memory_space<hbm>> -> memref<262144x128xf32, #tpu.memory_space<hbm>>
      tpu.wait_indirect_dma semaphore(%arg20 : memref<!tpu.dma_semaphore, #tpu.memory_space<semaphore_mem>>) src(%arg9 : memref<128x128xf32, #tpu.memory_space<vmem>>) dst(%dma_wait3A_1399 : memref<262144x128xf32, #tpu.memory_space<hbm>>)
    } else {
    }
    %gt3A_1297 = arith.constant 128 : i32
    %gt3A_1298 = arith.cmpi sgt, %mul3A_310, %gt3A_1297 : i32
    %convert_element_type3A_1299 = arith.extui %gt3A_1298 : i1 to i32
    %cond3A_1300 = arith.constant 0 : i32
    %cond3A_1301 = arith.cmpi ne, %convert_element_type3A_1299, %cond3A_1300 : i32
    scf.if %cond3A_1301 {
      %dma_start3A_1372 = arith.constant 1 : i32
      %dma_start3A_1373 = arith.constant 0 : i32
      %dma_start3A_1374 = tpu.memref_slice %arg7[%dma_start3A_1372, %dma_start3A_1373] : memref<16x128xi32, #tpu.memory_space<vmem>> -> memref<1x128xi32, #tpu.memory_space<vmem>>
      %dma_start3A_1375 = tpu.memref_squeeze %dma_start3A_1374 : memref<1x128xi32, #tpu.memory_space<vmem>> -> memref<128xi32, #tpu.memory_space<vmem>>
      %dma_start3A_1376 = arith.constant 0 : i32
      %dma_start3A_1377 = arith.constant 0 : i32
      %dma_start3A_1378 = tpu.memref_slice %arg2[%dma_start3A_1376, %dma_start3A_1377] : memref<1024x128xf32, #tpu.memory_space<hbm>> -> memref<1024x128xf32, #tpu.memory_space<hbm>>
      tpu.enqueue_indirect_dma source(%dma_start3A_1378 : memref<1024x128xf32, #tpu.memory_space<hbm>>) target(%arg9 : memref<128x128xf32, #tpu.memory_space<vmem>>) offsets(%dma_start3A_1375 : memref<128xi32, #tpu.memory_space<vmem>>) semaphore(%arg19 : memref<!tpu.dma_semaphore, #tpu.memory_space<semaphore_mem>>)
      %dma_wait3A_1379 = arith.constant 1 : i32
      %dma_wait3A_1380 = arith.constant 0 : i32
      %dma_wait3A_1381 = tpu.memref_slice %arg7[%dma_wait3A_1379, %dma_wait3A_1380] : memref<16x128xi32, #tpu.memory_space<vmem>> -> memref<1x128xi32, #tpu.memory_space<vmem>>
      %dma_wait3A_1382 = tpu.memref_squeeze %dma_wait3A_1381 : memref<1x128xi32, #tpu.memory_space<vmem>> -> memref<128xi32, #tpu.memory_space<vmem>>
      %dma_wait3A_1383 = arith.constant 0 : i32
      %dma_wait3A_1384 = arith.constant 0 : i32
      %dma_wait3A_1385 = tpu.memref_slice %arg2[%dma_wait3A_1383, %dma_wait3A_1384] : memref<1024x128xf32, #tpu.memory_space<hbm>> -> memref<1024x128xf32, #tpu.memory_space<hbm>>
      tpu.wait_indirect_dma semaphore(%arg19 : memref<!tpu.dma_semaphore, #tpu.memory_space<semaphore_mem>>) src(%dma_wait3A_1385 : memref<1024x128xf32, #tpu.memory_space<hbm>>) dst(%arg9 : memref<128x128xf32, #tpu.memory_space<vmem>>)
      %dma_start3A_1386 = arith.constant 1 : i32
      %dma_start3A_1387 = arith.constant 0 : i32
      %dma_start3A_1388 = tpu.memref_slice %arg8[%dma_start3A_1386, %dma_start3A_1387] : memref<16x128xi32, #tpu.memory_space<vmem>> -> memref<1x128xi32, #tpu.memory_space<vmem>>
      %dma_start3A_1389 = tpu.memref_squeeze %dma_start3A_1388 : memref<1x128xi32, #tpu.memory_space<vmem>> -> memref<128xi32, #tpu.memory_space<vmem>>
      %dma_start3A_1390 = arith.constant 0 : i32
      %dma_start3A_1391 = arith.constant 0 : i32
      %dma_start3A_1392 = tpu.memref_slice %arg5[%dma_start3A_1390, %dma_start3A_1391] : memref<262144x128xf32, #tpu.memory_space<hbm>> -> memref<262144x128xf32, #tpu.memory_space<hbm>>
      tpu.enqueue_indirect_dma source(%arg9 : memref<128x128xf32, #tpu.memory_space<vmem>>) target(%dma_start3A_1392 : memref<262144x128xf32, #tpu.memory_space<hbm>>) offsets(%dma_start3A_1389 : memref<128xi32, #tpu.memory_space<vmem>>) semaphore(%arg20 : memref<!tpu.dma_semaphore, #tpu.memory_space<semaphore_mem>>)
      %dma_wait3A_1393 = arith.constant 1 : i32
      %dma_wait3A_1394 = arith.constant 0 : i32
      %dma_wait3A_1395 = tpu.memref_slice %arg8[%dma_wait3A_1393, %dma_wait3A_1394] : memref<16x128xi32, #tpu.memory_space<vmem>> -> memref<1x128xi32, #tpu.memory_space<vmem>>
      %dma_wait3A_1396 = tpu.memref_squeeze %dma_wait3A_1395 : memref<1x128xi32, #tpu.memory_space<vmem>> -> memref<128xi32, #tpu.memory_space<vmem>>
      %dma_wait3A_1397 = arith.constant 0 : i32
      %dma_wait3A_1398 = arith.constant 0 : i32
      %dma_wait3A_1399 = tpu.memref_slice %arg5[%dma_wait3A_1397, %dma_wait3A_1398] : memref<262144x128xf32, #tpu.memory_space<hbm>> -> memref<262144x128xf32, #tpu.memory_space<hbm>>
      tpu.wait_indirect_dma semaphore(%arg20 : memref<!tpu.dma_semaphore, #tpu.memory_space<semaphore_mem>>) src(%arg9 : memref<128x128xf32, #tpu.memory_space<vmem>>) dst(%dma_wait3A_1399 : memref<262144x128xf32, #tpu.memory_space<hbm>>)
    } else {
    }
    %gt3A_1302 = arith.constant 256 : i32
    %gt3A_1303 = arith.cmpi sgt, %mul3A_310, %gt3A_1302 : i32
    %convert_element_type3A_1304 = arith.extui %gt3A_1303 : i1 to i32
    %cond3A_1305 = arith.constant 0 : i32
    %cond3A_1306 = arith.cmpi ne, %convert_element_type3A_1304, %cond3A_1305 : i32
    scf.if %cond3A_1306 {
      %dma_start3A_1372 = arith.constant 2 : i32
      %dma_start3A_1373 = arith.constant 0 : i32
      %dma_start3A_1374 = tpu.memref_slice %arg7[%dma_start3A_1372, %dma_start3A_1373] : memref<16x128xi32, #tpu.memory_space<vmem>> -> memref<1x128xi32, #tpu.memory_space<vmem>>
      %dma_start3A_1375 = tpu.memref_squeeze %dma_start3A_1374 : memref<1x128xi32, #tpu.memory_space<vmem>> -> memref<128xi32, #tpu.memory_space<vmem>>
      %dma_start3A_1376 = arith.constant 0 : i32
      %dma_start3A_1377 = arith.constant 0 : i32
      %dma_start3A_1378 = tpu.memref_slice %arg2[%dma_start3A_1376, %dma_start3A_1377] : memref<1024x128xf32, #tpu.memory_space<hbm>> -> memref<1024x128xf32, #tpu.memory_space<hbm>>
      tpu.enqueue_indirect_dma source(%dma_start3A_1378 : memref<1024x128xf32, #tpu.memory_space<hbm>>) target(%arg9 : memref<128x128xf32, #tpu.memory_space<vmem>>) offsets(%dma_start3A_1375 : memref<128xi32, #tpu.memory_space<vmem>>) semaphore(%arg19 : memref<!tpu.dma_semaphore, #tpu.memory_space<semaphore_mem>>)
      %dma_wait3A_1379 = arith.constant 2 : i32
      %dma_wait3A_1380 = arith.constant 0 : i32
      %dma_wait3A_1381 = tpu.memref_slice %arg7[%dma_wait3A_1379, %dma_wait3A_1380] : memref<16x128xi32, #tpu.memory_space<vmem>> -> memref<1x128xi32, #tpu.memory_space<vmem>>
      %dma_wait3A_1382 = tpu.memref_squeeze %dma_wait3A_1381 : memref<1x128xi32, #tpu.memory_space<vmem>> -> memref<128xi32, #tpu.memory_space<vmem>>
      %dma_wait3A_1383 = arith.constant 0 : i32
      %dma_wait3A_1384 = arith.constant 0 : i32
      %dma_wait3A_1385 = tpu.memref_slice %arg2[%dma_wait3A_1383, %dma_wait3A_1384] : memref<1024x128xf32, #tpu.memory_space<hbm>> -> memref<1024x128xf32, #tpu.memory_space<hbm>>
      tpu.wait_indirect_dma semaphore(%arg19 : memref<!tpu.dma_semaphore, #tpu.memory_space<semaphore_mem>>) src(%dma_wait3A_1385 : memref<1024x128xf32, #tpu.memory_space<hbm>>) dst(%arg9 : memref<128x128xf32, #tpu.memory_space<vmem>>)
      %dma_start3A_1386 = arith.constant 2 : i32
      %dma_start3A_1387 = arith.constant 0 : i32
      %dma_start3A_1388 = tpu.memref_slice %arg8[%dma_start3A_1386, %dma_start3A_1387] : memref<16x128xi32, #tpu.memory_space<vmem>> -> memref<1x128xi32, #tpu.memory_space<vmem>>
      %dma_start3A_1389 = tpu.memref_squeeze %dma_start3A_1388 : memref<1x128xi32, #tpu.memory_space<vmem>> -> memref<128xi32, #tpu.memory_space<vmem>>
      %dma_start3A_1390 = arith.constant 0 : i32
      %dma_start3A_1391 = arith.constant 0 : i32
      %dma_start3A_1392 = tpu.memref_slice %arg5[%dma_start3A_1390, %dma_start3A_1391] : memref<262144x128xf32, #tpu.memory_space<hbm>> -> memref<262144x128xf32, #tpu.memory_space<hbm>>
      tpu.enqueue_indirect_dma source(%arg9 : memref<128x128xf32, #tpu.memory_space<vmem>>) target(%dma_start3A_1392 : memref<262144x128xf32, #tpu.memory_space<hbm>>) offsets(%dma_start3A_1389 : memref<128xi32, #tpu.memory_space<vmem>>) semaphore(%arg20 : memref<!tpu.dma_semaphore, #tpu.memory_space<semaphore_mem>>)
      %dma_wait3A_1393 = arith.constant 2 : i32
      %dma_wait3A_1394 = arith.constant 0 : i32
      %dma_wait3A_1395 = tpu.memref_slice %arg8[%dma_wait3A_1393, %dma_wait3A_1394] : memref<16x128xi32, #tpu.memory_space<vmem>> -> memref<1x128xi32, #tpu.memory_space<vmem>>
      %dma_wait3A_1396 = tpu.memref_squeeze %dma_wait3A_1395 : memref<1x128xi32, #tpu.memory_space<vmem>> -> memref<128xi32, #tpu.memory_space<vmem>>
      %dma_wait3A_1397 = arith.constant 0 : i32
      %dma_wait3A_1398 = arith.constant 0 : i32
      %dma_wait3A_1399 = tpu.memref_slice %arg5[%dma_wait3A_1397, %dma_wait3A_1398] : memref<262144x128xf32, #tpu.memory_space<hbm>> -> memref<262144x128xf32, #tpu.memory_space<hbm>>
      tpu.wait_indirect_dma semaphore(%arg20 : memref<!tpu.dma_semaphore, #tpu.memory_space<semaphore_mem>>) src(%arg9 : memref<128x128xf32, #tpu.memory_space<vmem>>) dst(%dma_wait3A_1399 : memref<262144x128xf32, #tpu.memory_space<hbm>>)
    } else {
    }
    %gt3A_1307 = arith.constant 384 : i32
    %gt3A_1308 = arith.cmpi sgt, %mul3A_310, %gt3A_1307 : i32
    %convert_element_type3A_1309 = arith.extui %gt3A_1308 : i1 to i32
    %cond3A_1310 = arith.constant 0 : i32
    %cond3A_1311 = arith.cmpi ne, %convert_element_type3A_1309, %cond3A_1310 : i32
    scf.if %cond3A_1311 {
      %dma_start3A_1372 = arith.constant 3 : i32
      %dma_start3A_1373 = arith.constant 0 : i32
      %dma_start3A_1374 = tpu.memref_slice %arg7[%dma_start3A_1372, %dma_start3A_1373] : memref<16x128xi32, #tpu.memory_space<vmem>> -> memref<1x128xi32, #tpu.memory_space<vmem>>
      %dma_start3A_1375 = tpu.memref_squeeze %dma_start3A_1374 : memref<1x128xi32, #tpu.memory_space<vmem>> -> memref<128xi32, #tpu.memory_space<vmem>>
      %dma_start3A_1376 = arith.constant 0 : i32
      %dma_start3A_1377 = arith.constant 0 : i32
      %dma_start3A_1378 = tpu.memref_slice %arg2[%dma_start3A_1376, %dma_start3A_1377] : memref<1024x128xf32, #tpu.memory_space<hbm>> -> memref<1024x128xf32, #tpu.memory_space<hbm>>
      tpu.enqueue_indirect_dma source(%dma_start3A_1378 : memref<1024x128xf32, #tpu.memory_space<hbm>>) target(%arg9 : memref<128x128xf32, #tpu.memory_space<vmem>>) offsets(%dma_start3A_1375 : memref<128xi32, #tpu.memory_space<vmem>>) semaphore(%arg19 : memref<!tpu.dma_semaphore, #tpu.memory_space<semaphore_mem>>)
      %dma_wait3A_1379 = arith.constant 3 : i32
      %dma_wait3A_1380 = arith.constant 0 : i32
      %dma_wait3A_1381 = tpu.memref_slice %arg7[%dma_wait3A_1379, %dma_wait3A_1380] : memref<16x128xi32, #tpu.memory_space<vmem>> -> memref<1x128xi32, #tpu.memory_space<vmem>>
      %dma_wait3A_1382 = tpu.memref_squeeze %dma_wait3A_1381 : memref<1x128xi32, #tpu.memory_space<vmem>> -> memref<128xi32, #tpu.memory_space<vmem>>
      %dma_wait3A_1383 = arith.constant 0 : i32
      %dma_wait3A_1384 = arith.constant 0 : i32
      %dma_wait3A_1385 = tpu.memref_slice %arg2[%dma_wait3A_1383, %dma_wait3A_1384] : memref<1024x128xf32, #tpu.memory_space<hbm>> -> memref<1024x128xf32, #tpu.memory_space<hbm>>
      tpu.wait_indirect_dma semaphore(%arg19 : memref<!tpu.dma_semaphore, #tpu.memory_space<semaphore_mem>>) src(%dma_wait3A_1385 : memref<1024x128xf32, #tpu.memory_space<hbm>>) dst(%arg9 : memref<128x128xf32, #tpu.memory_space<vmem>>)
      %dma_start3A_1386 = arith.constant 3 : i32
      %dma_start3A_1387 = arith.constant 0 : i32
      %dma_start3A_1388 = tpu.memref_slice %arg8[%dma_start3A_1386, %dma_start3A_1387] : memref<16x128xi32, #tpu.memory_space<vmem>> -> memref<1x128xi32, #tpu.memory_space<vmem>>
      %dma_start3A_1389 = tpu.memref_squeeze %dma_start3A_1388 : memref<1x128xi32, #tpu.memory_space<vmem>> -> memref<128xi32, #tpu.memory_space<vmem>>
      %dma_start3A_1390 = arith.constant 0 : i32
      %dma_start3A_1391 = arith.constant 0 : i32
      %dma_start3A_1392 = tpu.memref_slice %arg5[%dma_start3A_1390, %dma_start3A_1391] : memref<262144x128xf32, #tpu.memory_space<hbm>> -> memref<262144x128xf32, #tpu.memory_space<hbm>>
      tpu.enqueue_indirect_dma source(%arg9 : memref<128x128xf32, #tpu.memory_space<vmem>>) target(%dma_start3A_1392 : memref<262144x128xf32, #tpu.memory_space<hbm>>) offsets(%dma_start3A_1389 : memref<128xi32, #tpu.memory_space<vmem>>) semaphore(%arg20 : memref<!tpu.dma_semaphore, #tpu.memory_space<semaphore_mem>>)
      %dma_wait3A_1393 = arith.constant 3 : i32
      %dma_wait3A_1394 = arith.constant 0 : i32
      %dma_wait3A_1395 = tpu.memref_slice %arg8[%dma_wait3A_1393, %dma_wait3A_1394] : memref<16x128xi32, #tpu.memory_space<vmem>> -> memref<1x128xi32, #tpu.memory_space<vmem>>
      %dma_wait3A_1396 = tpu.memref_squeeze %dma_wait3A_1395 : memref<1x128xi32, #tpu.memory_space<vmem>> -> memref<128xi32, #tpu.memory_space<vmem>>
      %dma_wait3A_1397 = arith.constant 0 : i32
      %dma_wait3A_1398 = arith.constant 0 : i32
      %dma_wait3A_1399 = tpu.memref_slice %arg5[%dma_wait3A_1397, %dma_wait3A_1398] : memref<262144x128xf32, #tpu.memory_space<hbm>> -> memref<262144x128xf32, #tpu.memory_space<hbm>>
      tpu.wait_indirect_dma semaphore(%arg20 : memref<!tpu.dma_semaphore, #tpu.memory_space<semaphore_mem>>) src(%arg9 : memref<128x128xf32, #tpu.memory_space<vmem>>) dst(%dma_wait3A_1399 : memref<262144x128xf32, #tpu.memory_space<hbm>>)
    } else {
    }
    %gt3A_1312 = arith.constant 512 : i32
    %gt3A_1313 = arith.cmpi sgt, %mul3A_310, %gt3A_1312 : i32
    %convert_element_type3A_1314 = arith.extui %gt3A_1313 : i1 to i32
    %cond3A_1315 = arith.constant 0 : i32
    %cond3A_1316 = arith.cmpi ne, %convert_element_type3A_1314, %cond3A_1315 : i32
    scf.if %cond3A_1316 {
      %dma_start3A_1372 = arith.constant 4 : i32
      %dma_start3A_1373 = arith.constant 0 : i32
      %dma_start3A_1374 = tpu.memref_slice %arg7[%dma_start3A_1372, %dma_start3A_1373] : memref<16x128xi32, #tpu.memory_space<vmem>> -> memref<1x128xi32, #tpu.memory_space<vmem>>
      %dma_start3A_1375 = tpu.memref_squeeze %dma_start3A_1374 : memref<1x128xi32, #tpu.memory_space<vmem>> -> memref<128xi32, #tpu.memory_space<vmem>>
      %dma_start3A_1376 = arith.constant 0 : i32
      %dma_start3A_1377 = arith.constant 0 : i32
      %dma_start3A_1378 = tpu.memref_slice %arg2[%dma_start3A_1376, %dma_start3A_1377] : memref<1024x128xf32, #tpu.memory_space<hbm>> -> memref<1024x128xf32, #tpu.memory_space<hbm>>
      tpu.enqueue_indirect_dma source(%dma_start3A_1378 : memref<1024x128xf32, #tpu.memory_space<hbm>>) target(%arg9 : memref<128x128xf32, #tpu.memory_space<vmem>>) offsets(%dma_start3A_1375 : memref<128xi32, #tpu.memory_space<vmem>>) semaphore(%arg19 : memref<!tpu.dma_semaphore, #tpu.memory_space<semaphore_mem>>)
      %dma_wait3A_1379 = arith.constant 4 : i32
      %dma_wait3A_1380 = arith.constant 0 : i32
      %dma_wait3A_1381 = tpu.memref_slice %arg7[%dma_wait3A_1379, %dma_wait3A_1380] : memref<16x128xi32, #tpu.memory_space<vmem>> -> memref<1x128xi32, #tpu.memory_space<vmem>>
      %dma_wait3A_1382 = tpu.memref_squeeze %dma_wait3A_1381 : memref<1x128xi32, #tpu.memory_space<vmem>> -> memref<128xi32, #tpu.memory_space<vmem>>
      %dma_wait3A_1383 = arith.constant 0 : i32
      %dma_wait3A_1384 = arith.constant 0 : i32
      %dma_wait3A_1385 = tpu.memref_slice %arg2[%dma_wait3A_1383, %dma_wait3A_1384] : memref<1024x128xf32, #tpu.memory_space<hbm>> -> memref<1024x128xf32, #tpu.memory_space<hbm>>
      tpu.wait_indirect_dma semaphore(%arg19 : memref<!tpu.dma_semaphore, #tpu.memory_space<semaphore_mem>>) src(%dma_wait3A_1385 : memref<1024x128xf32, #tpu.memory_space<hbm>>) dst(%arg9 : memref<128x128xf32, #tpu.memory_space<vmem>>)
      %dma_start3A_1386 = arith.constant 4 : i32
      %dma_start3A_1387 = arith.constant 0 : i32
      %dma_start3A_1388 = tpu.memref_slice %arg8[%dma_start3A_1386, %dma_start3A_1387] : memref<16x128xi32, #tpu.memory_space<vmem>> -> memref<1x128xi32, #tpu.memory_space<vmem>>
      %dma_start3A_1389 = tpu.memref_squeeze %dma_start3A_1388 : memref<1x128xi32, #tpu.memory_space<vmem>> -> memref<128xi32, #tpu.memory_space<vmem>>
      %dma_start3A_1390 = arith.constant 0 : i32
      %dma_start3A_1391 = arith.constant 0 : i32
      %dma_start3A_1392 = tpu.memref_slice %arg5[%dma_start3A_1390, %dma_start3A_1391] : memref<262144x128xf32, #tpu.memory_space<hbm>> -> memref<262144x128xf32, #tpu.memory_space<hbm>>
      tpu.enqueue_indirect_dma source(%arg9 : memref<128x128xf32, #tpu.memory_space<vmem>>) target(%dma_start3A_1392 : memref<262144x128xf32, #tpu.memory_space<hbm>>) offsets(%dma_start3A_1389 : memref<128xi32, #tpu.memory_space<vmem>>) semaphore(%arg20 : memref<!tpu.dma_semaphore, #tpu.memory_space<semaphore_mem>>)
      %dma_wait3A_1393 = arith.constant 4 : i32
      %dma_wait3A_1394 = arith.constant 0 : i32
      %dma_wait3A_1395 = tpu.memref_slice %arg8[%dma_wait3A_1393, %dma_wait3A_1394] : memref<16x128xi32, #tpu.memory_space<vmem>> -> memref<1x128xi32, #tpu.memory_space<vmem>>
      %dma_wait3A_1396 = tpu.memref_squeeze %dma_wait3A_1395 : memref<1x128xi32, #tpu.memory_space<vmem>> -> memref<128xi32, #tpu.memory_space<vmem>>
      %dma_wait3A_1397 = arith.constant 0 : i32
      %dma_wait3A_1398 = arith.constant 0 : i32
      %dma_wait3A_1399 = tpu.memref_slice %arg5[%dma_wait3A_1397, %dma_wait3A_1398] : memref<262144x128xf32, #tpu.memory_space<hbm>> -> memref<262144x128xf32, #tpu.memory_space<hbm>>
      tpu.wait_indirect_dma semaphore(%arg20 : memref<!tpu.dma_semaphore, #tpu.memory_space<semaphore_mem>>) src(%arg9 : memref<128x128xf32, #tpu.memory_space<vmem>>) dst(%dma_wait3A_1399 : memref<262144x128xf32, #tpu.memory_space<hbm>>)
    } else {
    }
    %gt3A_1317 = arith.constant 640 : i32
    %gt3A_1318 = arith.cmpi sgt, %mul3A_310, %gt3A_1317 : i32
    %convert_element_type3A_1319 = arith.extui %gt3A_1318 : i1 to i32
    %cond3A_1320 = arith.constant 0 : i32
    %cond3A_1321 = arith.cmpi ne, %convert_element_type3A_1319, %cond3A_1320 : i32
    scf.if %cond3A_1321 {
      %dma_start3A_1372 = arith.constant 5 : i32
      %dma_start3A_1373 = arith.constant 0 : i32
      %dma_start3A_1374 = tpu.memref_slice %arg7[%dma_start3A_1372, %dma_start3A_1373] : memref<16x128xi32, #tpu.memory_space<vmem>> -> memref<1x128xi32, #tpu.memory_space<vmem>>
      %dma_start3A_1375 = tpu.memref_squeeze %dma_start3A_1374 : memref<1x128xi32, #tpu.memory_space<vmem>> -> memref<128xi32, #tpu.memory_space<vmem>>
      %dma_start3A_1376 = arith.constant 0 : i32
      %dma_start3A_1377 = arith.constant 0 : i32
      %dma_start3A_1378 = tpu.memref_slice %arg2[%dma_start3A_1376, %dma_start3A_1377] : memref<1024x128xf32, #tpu.memory_space<hbm>> -> memref<1024x128xf32, #tpu.memory_space<hbm>>
      tpu.enqueue_indirect_dma source(%dma_start3A_1378 : memref<1024x128xf32, #tpu.memory_space<hbm>>) target(%arg9 : memref<128x128xf32, #tpu.memory_space<vmem>>) offsets(%dma_start3A_1375 : memref<128xi32, #tpu.memory_space<vmem>>) semaphore(%arg19 : memref<!tpu.dma_semaphore, #tpu.memory_space<semaphore_mem>>)
      %dma_wait3A_1379 = arith.constant 5 : i32
      %dma_wait3A_1380 = arith.constant 0 : i32
      %dma_wait3A_1381 = tpu.memref_slice %arg7[%dma_wait3A_1379, %dma_wait3A_1380] : memref<16x128xi32, #tpu.memory_space<vmem>> -> memref<1x128xi32, #tpu.memory_space<vmem>>
      %dma_wait3A_1382 = tpu.memref_squeeze %dma_wait3A_1381 : memref<1x128xi32, #tpu.memory_space<vmem>> -> memref<128xi32, #tpu.memory_space<vmem>>
      %dma_wait3A_1383 = arith.constant 0 : i32
      %dma_wait3A_1384 = arith.constant 0 : i32
      %dma_wait3A_1385 = tpu.memref_slice %arg2[%dma_wait3A_1383, %dma_wait3A_1384] : memref<1024x128xf32, #tpu.memory_space<hbm>> -> memref<1024x128xf32, #tpu.memory_space<hbm>>
      tpu.wait_indirect_dma semaphore(%arg19 : memref<!tpu.dma_semaphore, #tpu.memory_space<semaphore_mem>>) src(%dma_wait3A_1385 : memref<1024x128xf32, #tpu.memory_space<hbm>>) dst(%arg9 : memref<128x128xf32, #tpu.memory_space<vmem>>)
      %dma_start3A_1386 = arith.constant 5 : i32
      %dma_start3A_1387 = arith.constant 0 : i32
      %dma_start3A_1388 = tpu.memref_slice %arg8[%dma_start3A_1386, %dma_start3A_1387] : memref<16x128xi32, #tpu.memory_space<vmem>> -> memref<1x128xi32, #tpu.memory_space<vmem>>
      %dma_start3A_1389 = tpu.memref_squeeze %dma_start3A_1388 : memref<1x128xi32, #tpu.memory_space<vmem>> -> memref<128xi32, #tpu.memory_space<vmem>>
      %dma_start3A_1390 = arith.constant 0 : i32
      %dma_start3A_1391 = arith.constant 0 : i32
      %dma_start3A_1392 = tpu.memref_slice %arg5[%dma_start3A_1390, %dma_start3A_1391] : memref<262144x128xf32, #tpu.memory_space<hbm>> -> memref<262144x128xf32, #tpu.memory_space<hbm>>
      tpu.enqueue_indirect_dma source(%arg9 : memref<128x128xf32, #tpu.memory_space<vmem>>) target(%dma_start3A_1392 : memref<262144x128xf32, #tpu.memory_space<hbm>>) offsets(%dma_start3A_1389 : memref<128xi32, #tpu.memory_space<vmem>>) semaphore(%arg20 : memref<!tpu.dma_semaphore, #tpu.memory_space<semaphore_mem>>)
      %dma_wait3A_1393 = arith.constant 5 : i32
      %dma_wait3A_1394 = arith.constant 0 : i32
      %dma_wait3A_1395 = tpu.memref_slice %arg8[%dma_wait3A_1393, %dma_wait3A_1394] : memref<16x128xi32, #tpu.memory_space<vmem>> -> memref<1x128xi32, #tpu.memory_space<vmem>>
      %dma_wait3A_1396 = tpu.memref_squeeze %dma_wait3A_1395 : memref<1x128xi32, #tpu.memory_space<vmem>> -> memref<128xi32, #tpu.memory_space<vmem>>
      %dma_wait3A_1397 = arith.constant 0 : i32
      %dma_wait3A_1398 = arith.constant 0 : i32
      %dma_wait3A_1399 = tpu.memref_slice %arg5[%dma_wait3A_1397, %dma_wait3A_1398] : memref<262144x128xf32, #tpu.memory_space<hbm>> -> memref<262144x128xf32, #tpu.memory_space<hbm>>
      tpu.wait_indirect_dma semaphore(%arg20 : memref<!tpu.dma_semaphore, #tpu.memory_space<semaphore_mem>>) src(%arg9 : memref<128x128xf32, #tpu.memory_space<vmem>>) dst(%dma_wait3A_1399 : memref<262144x128xf32, #tpu.memory_space<hbm>>)
    } else {
    }
    %gt3A_1322 = arith.constant 768 : i32
    %gt3A_1323 = arith.cmpi sgt, %mul3A_310, %gt3A_1322 : i32
    %convert_element_type3A_1324 = arith.extui %gt3A_1323 : i1 to i32
    %cond3A_1325 = arith.constant 0 : i32
    %cond3A_1326 = arith.cmpi ne, %convert_element_type3A_1324, %cond3A_1325 : i32
    scf.if %cond3A_1326 {
      %dma_start3A_1372 = arith.constant 6 : i32
      %dma_start3A_1373 = arith.constant 0 : i32
      %dma_start3A_1374 = tpu.memref_slice %arg7[%dma_start3A_1372, %dma_start3A_1373] : memref<16x128xi32, #tpu.memory_space<vmem>> -> memref<1x128xi32, #tpu.memory_space<vmem>>
      %dma_start3A_1375 = tpu.memref_squeeze %dma_start3A_1374 : memref<1x128xi32, #tpu.memory_space<vmem>> -> memref<128xi32, #tpu.memory_space<vmem>>
      %dma_start3A_1376 = arith.constant 0 : i32
      %dma_start3A_1377 = arith.constant 0 : i32
      %dma_start3A_1378 = tpu.memref_slice %arg2[%dma_start3A_1376, %dma_start3A_1377] : memref<1024x128xf32, #tpu.memory_space<hbm>> -> memref<1024x128xf32, #tpu.memory_space<hbm>>
      tpu.enqueue_indirect_dma source(%dma_start3A_1378 : memref<1024x128xf32, #tpu.memory_space<hbm>>) target(%arg9 : memref<128x128xf32, #tpu.memory_space<vmem>>) offsets(%dma_start3A_1375 : memref<128xi32, #tpu.memory_space<vmem>>) semaphore(%arg19 : memref<!tpu.dma_semaphore, #tpu.memory_space<semaphore_mem>>)
      %dma_wait3A_1379 = arith.constant 6 : i32
      %dma_wait3A_1380 = arith.constant 0 : i32
      %dma_wait3A_1381 = tpu.memref_slice %arg7[%dma_wait3A_1379, %dma_wait3A_1380] : memref<16x128xi32, #tpu.memory_space<vmem>> -> memref<1x128xi32, #tpu.memory_space<vmem>>
      %dma_wait3A_1382 = tpu.memref_squeeze %dma_wait3A_1381 : memref<1x128xi32, #tpu.memory_space<vmem>> -> memref<128xi32, #tpu.memory_space<vmem>>
      %dma_wait3A_1383 = arith.constant 0 : i32
      %dma_wait3A_1384 = arith.constant 0 : i32
      %dma_wait3A_1385 = tpu.memref_slice %arg2[%dma_wait3A_1383, %dma_wait3A_1384] : memref<1024x128xf32, #tpu.memory_space<hbm>> -> memref<1024x128xf32, #tpu.memory_space<hbm>>
      tpu.wait_indirect_dma semaphore(%arg19 : memref<!tpu.dma_semaphore, #tpu.memory_space<semaphore_mem>>) src(%dma_wait3A_1385 : memref<1024x128xf32, #tpu.memory_space<hbm>>) dst(%arg9 : memref<128x128xf32, #tpu.memory_space<vmem>>)
      %dma_start3A_1386 = arith.constant 6 : i32
      %dma_start3A_1387 = arith.constant 0 : i32
      %dma_start3A_1388 = tpu.memref_slice %arg8[%dma_start3A_1386, %dma_start3A_1387] : memref<16x128xi32, #tpu.memory_space<vmem>> -> memref<1x128xi32, #tpu.memory_space<vmem>>
      %dma_start3A_1389 = tpu.memref_squeeze %dma_start3A_1388 : memref<1x128xi32, #tpu.memory_space<vmem>> -> memref<128xi32, #tpu.memory_space<vmem>>
      %dma_start3A_1390 = arith.constant 0 : i32
      %dma_start3A_1391 = arith.constant 0 : i32
      %dma_start3A_1392 = tpu.memref_slice %arg5[%dma_start3A_1390, %dma_start3A_1391] : memref<262144x128xf32, #tpu.memory_space<hbm>> -> memref<262144x128xf32, #tpu.memory_space<hbm>>
      tpu.enqueue_indirect_dma source(%arg9 : memref<128x128xf32, #tpu.memory_space<vmem>>) target(%dma_start3A_1392 : memref<262144x128xf32, #tpu.memory_space<hbm>>) offsets(%dma_start3A_1389 : memref<128xi32, #tpu.memory_space<vmem>>) semaphore(%arg20 : memref<!tpu.dma_semaphore, #tpu.memory_space<semaphore_mem>>)
      %dma_wait3A_1393 = arith.constant 6 : i32
      %dma_wait3A_1394 = arith.constant 0 : i32
      %dma_wait3A_1395 = tpu.memref_slice %arg8[%dma_wait3A_1393, %dma_wait3A_1394] : memref<16x128xi32, #tpu.memory_space<vmem>> -> memref<1x128xi32, #tpu.memory_space<vmem>>
      %dma_wait3A_1396 = tpu.memref_squeeze %dma_wait3A_1395 : memref<1x128xi32, #tpu.memory_space<vmem>> -> memref<128xi32, #tpu.memory_space<vmem>>
      %dma_wait3A_1397 = arith.constant 0 : i32
      %dma_wait3A_1398 = arith.constant 0 : i32
      %dma_wait3A_1399 = tpu.memref_slice %arg5[%dma_wait3A_1397, %dma_wait3A_1398] : memref<262144x128xf32, #tpu.memory_space<hbm>> -> memref<262144x128xf32, #tpu.memory_space<hbm>>
      tpu.wait_indirect_dma semaphore(%arg20 : memref<!tpu.dma_semaphore, #tpu.memory_space<semaphore_mem>>) src(%arg9 : memref<128x128xf32, #tpu.memory_space<vmem>>) dst(%dma_wait3A_1399 : memref<262144x128xf32, #tpu.memory_space<hbm>>)
    } else {
    }
    %gt3A_1327 = arith.constant 896 : i32
    %gt3A_1328 = arith.cmpi sgt, %mul3A_310, %gt3A_1327 : i32
    %convert_element_type3A_1329 = arith.extui %gt3A_1328 : i1 to i32
    %cond3A_1330 = arith.constant 0 : i32
    %cond3A_1331 = arith.cmpi ne, %convert_element_type3A_1329, %cond3A_1330 : i32
    scf.if %cond3A_1331 {
      %dma_start3A_1372 = arith.constant 7 : i32
      %dma_start3A_1373 = arith.constant 0 : i32
      %dma_start3A_1374 = tpu.memref_slice %arg7[%dma_start3A_1372, %dma_start3A_1373] : memref<16x128xi32, #tpu.memory_space<vmem>> -> memref<1x128xi32, #tpu.memory_space<vmem>>
      %dma_start3A_1375 = tpu.memref_squeeze %dma_start3A_1374 : memref<1x128xi32, #tpu.memory_space<vmem>> -> memref<128xi32, #tpu.memory_space<vmem>>
      %dma_start3A_1376 = arith.constant 0 : i32
      %dma_start3A_1377 = arith.constant 0 : i32
      %dma_start3A_1378 = tpu.memref_slice %arg2[%dma_start3A_1376, %dma_start3A_1377] : memref<1024x128xf32, #tpu.memory_space<hbm>> -> memref<1024x128xf32, #tpu.memory_space<hbm>>
      tpu.enqueue_indirect_dma source(%dma_start3A_1378 : memref<1024x128xf32, #tpu.memory_space<hbm>>) target(%arg9 : memref<128x128xf32, #tpu.memory_space<vmem>>) offsets(%dma_start3A_1375 : memref<128xi32, #tpu.memory_space<vmem>>) semaphore(%arg19 : memref<!tpu.dma_semaphore, #tpu.memory_space<semaphore_mem>>)
      %dma_wait3A_1379 = arith.constant 7 : i32
      %dma_wait3A_1380 = arith.constant 0 : i32
      %dma_wait3A_1381 = tpu.memref_slice %arg7[%dma_wait3A_1379, %dma_wait3A_1380] : memref<16x128xi32, #tpu.memory_space<vmem>> -> memref<1x128xi32, #tpu.memory_space<vmem>>
      %dma_wait3A_1382 = tpu.memref_squeeze %dma_wait3A_1381 : memref<1x128xi32, #tpu.memory_space<vmem>> -> memref<128xi32, #tpu.memory_space<vmem>>
      %dma_wait3A_1383 = arith.constant 0 : i32
      %dma_wait3A_1384 = arith.constant 0 : i32
      %dma_wait3A_1385 = tpu.memref_slice %arg2[%dma_wait3A_1383, %dma_wait3A_1384] : memref<1024x128xf32, #tpu.memory_space<hbm>> -> memref<1024x128xf32, #tpu.memory_space<hbm>>
      tpu.wait_indirect_dma semaphore(%arg19 : memref<!tpu.dma_semaphore, #tpu.memory_space<semaphore_mem>>) src(%dma_wait3A_1385 : memref<1024x128xf32, #tpu.memory_space<hbm>>) dst(%arg9 : memref<128x128xf32, #tpu.memory_space<vmem>>)
      %dma_start3A_1386 = arith.constant 7 : i32
      %dma_start3A_1387 = arith.constant 0 : i32
      %dma_start3A_1388 = tpu.memref_slice %arg8[%dma_start3A_1386, %dma_start3A_1387] : memref<16x128xi32, #tpu.memory_space<vmem>> -> memref<1x128xi32, #tpu.memory_space<vmem>>
      %dma_start3A_1389 = tpu.memref_squeeze %dma_start3A_1388 : memref<1x128xi32, #tpu.memory_space<vmem>> -> memref<128xi32, #tpu.memory_space<vmem>>
      %dma_start3A_1390 = arith.constant 0 : i32
      %dma_start3A_1391 = arith.constant 0 : i32
      %dma_start3A_1392 = tpu.memref_slice %arg5[%dma_start3A_1390, %dma_start3A_1391] : memref<262144x128xf32, #tpu.memory_space<hbm>> -> memref<262144x128xf32, #tpu.memory_space<hbm>>
      tpu.enqueue_indirect_dma source(%arg9 : memref<128x128xf32, #tpu.memory_space<vmem>>) target(%dma_start3A_1392 : memref<262144x128xf32, #tpu.memory_space<hbm>>) offsets(%dma_start3A_1389 : memref<128xi32, #tpu.memory_space<vmem>>) semaphore(%arg20 : memref<!tpu.dma_semaphore, #tpu.memory_space<semaphore_mem>>)
      %dma_wait3A_1393 = arith.constant 7 : i32
      %dma_wait3A_1394 = arith.constant 0 : i32
      %dma_wait3A_1395 = tpu.memref_slice %arg8[%dma_wait3A_1393, %dma_wait3A_1394] : memref<16x128xi32, #tpu.memory_space<vmem>> -> memref<1x128xi32, #tpu.memory_space<vmem>>
      %dma_wait3A_1396 = tpu.memref_squeeze %dma_wait3A_1395 : memref<1x128xi32, #tpu.memory_space<vmem>> -> memref<128xi32, #tpu.memory_space<vmem>>
      %dma_wait3A_1397 = arith.constant 0 : i32
      %dma_wait3A_1398 = arith.constant 0 : i32
      %dma_wait3A_1399 = tpu.memref_slice %arg5[%dma_wait3A_1397, %dma_wait3A_1398] : memref<262144x128xf32, #tpu.memory_space<hbm>> -> memref<262144x128xf32, #tpu.memory_space<hbm>>
      tpu.wait_indirect_dma semaphore(%arg20 : memref<!tpu.dma_semaphore, #tpu.memory_space<semaphore_mem>>) src(%arg9 : memref<128x128xf32, #tpu.memory_space<vmem>>) dst(%dma_wait3A_1399 : memref<262144x128xf32, #tpu.memory_space<hbm>>)
    } else {
    }
    %gt3A_1332 = arith.constant 0 : i32
    %gt3A_1333 = arith.cmpi sgt, %mul3A_375, %gt3A_1332 : i32
    %convert_element_type3A_1334 = arith.extui %gt3A_1333 : i1 to i32
    %cond3A_1335 = arith.constant 0 : i32
    %cond3A_1336 = arith.cmpi ne, %convert_element_type3A_1334, %cond3A_1335 : i32
    scf.if %cond3A_1336 {
      %dma_start3A_1372 = arith.constant 8 : i32
      %dma_start3A_1373 = arith.constant 0 : i32
      %dma_start3A_1374 = tpu.memref_slice %arg7[%dma_start3A_1372, %dma_start3A_1373] : memref<16x128xi32, #tpu.memory_space<vmem>> -> memref<1x128xi32, #tpu.memory_space<vmem>>
      %dma_start3A_1375 = tpu.memref_squeeze %dma_start3A_1374 : memref<1x128xi32, #tpu.memory_space<vmem>> -> memref<128xi32, #tpu.memory_space<vmem>>
      %dma_start3A_1376 = arith.constant 0 : i32
      %dma_start3A_1377 = arith.constant 0 : i32
      %dma_start3A_1378 = tpu.memref_slice %arg2[%dma_start3A_1376, %dma_start3A_1377] : memref<1024x128xf32, #tpu.memory_space<hbm>> -> memref<1024x128xf32, #tpu.memory_space<hbm>>
      tpu.enqueue_indirect_dma source(%dma_start3A_1378 : memref<1024x128xf32, #tpu.memory_space<hbm>>) target(%arg9 : memref<128x128xf32, #tpu.memory_space<vmem>>) offsets(%dma_start3A_1375 : memref<128xi32, #tpu.memory_space<vmem>>) semaphore(%arg19 : memref<!tpu.dma_semaphore, #tpu.memory_space<semaphore_mem>>)
      %dma_wait3A_1379 = arith.constant 8 : i32
      %dma_wait3A_1380 = arith.constant 0 : i32
      %dma_wait3A_1381 = tpu.memref_slice %arg7[%dma_wait3A_1379, %dma_wait3A_1380] : memref<16x128xi32, #tpu.memory_space<vmem>> -> memref<1x128xi32, #tpu.memory_space<vmem>>
      %dma_wait3A_1382 = tpu.memref_squeeze %dma_wait3A_1381 : memref<1x128xi32, #tpu.memory_space<vmem>> -> memref<128xi32, #tpu.memory_space<vmem>>
      %dma_wait3A_1383 = arith.constant 0 : i32
      %dma_wait3A_1384 = arith.constant 0 : i32
      %dma_wait3A_1385 = tpu.memref_slice %arg2[%dma_wait3A_1383, %dma_wait3A_1384] : memref<1024x128xf32, #tpu.memory_space<hbm>> -> memref<1024x128xf32, #tpu.memory_space<hbm>>
      tpu.wait_indirect_dma semaphore(%arg19 : memref<!tpu.dma_semaphore, #tpu.memory_space<semaphore_mem>>) src(%dma_wait3A_1385 : memref<1024x128xf32, #tpu.memory_space<hbm>>) dst(%arg9 : memref<128x128xf32, #tpu.memory_space<vmem>>)
      %dma_start3A_1386 = arith.constant 8 : i32
      %dma_start3A_1387 = arith.constant 0 : i32
      %dma_start3A_1388 = tpu.memref_slice %arg8[%dma_start3A_1386, %dma_start3A_1387] : memref<16x128xi32, #tpu.memory_space<vmem>> -> memref<1x128xi32, #tpu.memory_space<vmem>>
      %dma_start3A_1389 = tpu.memref_squeeze %dma_start3A_1388 : memref<1x128xi32, #tpu.memory_space<vmem>> -> memref<128xi32, #tpu.memory_space<vmem>>
      %dma_start3A_1390 = arith.constant 0 : i32
      %dma_start3A_1391 = arith.constant 0 : i32
      %dma_start3A_1392 = tpu.memref_slice %arg5[%dma_start3A_1390, %dma_start3A_1391] : memref<262144x128xf32, #tpu.memory_space<hbm>> -> memref<262144x128xf32, #tpu.memory_space<hbm>>
      tpu.enqueue_indirect_dma source(%arg9 : memref<128x128xf32, #tpu.memory_space<vmem>>) target(%dma_start3A_1392 : memref<262144x128xf32, #tpu.memory_space<hbm>>) offsets(%dma_start3A_1389 : memref<128xi32, #tpu.memory_space<vmem>>) semaphore(%arg20 : memref<!tpu.dma_semaphore, #tpu.memory_space<semaphore_mem>>)
      %dma_wait3A_1393 = arith.constant 8 : i32
      %dma_wait3A_1394 = arith.constant 0 : i32
      %dma_wait3A_1395 = tpu.memref_slice %arg8[%dma_wait3A_1393, %dma_wait3A_1394] : memref<16x128xi32, #tpu.memory_space<vmem>> -> memref<1x128xi32, #tpu.memory_space<vmem>>
      %dma_wait3A_1396 = tpu.memref_squeeze %dma_wait3A_1395 : memref<1x128xi32, #tpu.memory_space<vmem>> -> memref<128xi32, #tpu.memory_space<vmem>>
      %dma_wait3A_1397 = arith.constant 0 : i32
      %dma_wait3A_1398 = arith.constant 0 : i32
      %dma_wait3A_1399 = tpu.memref_slice %arg5[%dma_wait3A_1397, %dma_wait3A_1398] : memref<262144x128xf32, #tpu.memory_space<hbm>> -> memref<262144x128xf32, #tpu.memory_space<hbm>>
      tpu.wait_indirect_dma semaphore(%arg20 : memref<!tpu.dma_semaphore, #tpu.memory_space<semaphore_mem>>) src(%arg9 : memref<128x128xf32, #tpu.memory_space<vmem>>) dst(%dma_wait3A_1399 : memref<262144x128xf32, #tpu.memory_space<hbm>>)
    } else {
    }
    %gt3A_1337 = arith.constant 128 : i32
    %gt3A_1338 = arith.cmpi sgt, %mul3A_375, %gt3A_1337 : i32
    %convert_element_type3A_1339 = arith.extui %gt3A_1338 : i1 to i32
    %cond3A_1340 = arith.constant 0 : i32
    %cond3A_1341 = arith.cmpi ne, %convert_element_type3A_1339, %cond3A_1340 : i32
    scf.if %cond3A_1341 {
      %dma_start3A_1372 = arith.constant 9 : i32
      %dma_start3A_1373 = arith.constant 0 : i32
      %dma_start3A_1374 = tpu.memref_slice %arg7[%dma_start3A_1372, %dma_start3A_1373] : memref<16x128xi32, #tpu.memory_space<vmem>> -> memref<1x128xi32, #tpu.memory_space<vmem>>
      %dma_start3A_1375 = tpu.memref_squeeze %dma_start3A_1374 : memref<1x128xi32, #tpu.memory_space<vmem>> -> memref<128xi32, #tpu.memory_space<vmem>>
      %dma_start3A_1376 = arith.constant 0 : i32
      %dma_start3A_1377 = arith.constant 0 : i32
      %dma_start3A_1378 = tpu.memref_slice %arg2[%dma_start3A_1376, %dma_start3A_1377] : memref<1024x128xf32, #tpu.memory_space<hbm>> -> memref<1024x128xf32, #tpu.memory_space<hbm>>
      tpu.enqueue_indirect_dma source(%dma_start3A_1378 : memref<1024x128xf32, #tpu.memory_space<hbm>>) target(%arg9 : memref<128x128xf32, #tpu.memory_space<vmem>>) offsets(%dma_start3A_1375 : memref<128xi32, #tpu.memory_space<vmem>>) semaphore(%arg19 : memref<!tpu.dma_semaphore, #tpu.memory_space<semaphore_mem>>)
      %dma_wait3A_1379 = arith.constant 9 : i32
      %dma_wait3A_1380 = arith.constant 0 : i32
      %dma_wait3A_1381 = tpu.memref_slice %arg7[%dma_wait3A_1379, %dma_wait3A_1380] : memref<16x128xi32, #tpu.memory_space<vmem>> -> memref<1x128xi32, #tpu.memory_space<vmem>>
      %dma_wait3A_1382 = tpu.memref_squeeze %dma_wait3A_1381 : memref<1x128xi32, #tpu.memory_space<vmem>> -> memref<128xi32, #tpu.memory_space<vmem>>
      %dma_wait3A_1383 = arith.constant 0 : i32
      %dma_wait3A_1384 = arith.constant 0 : i32
      %dma_wait3A_1385 = tpu.memref_slice %arg2[%dma_wait3A_1383, %dma_wait3A_1384] : memref<1024x128xf32, #tpu.memory_space<hbm>> -> memref<1024x128xf32, #tpu.memory_space<hbm>>
      tpu.wait_indirect_dma semaphore(%arg19 : memref<!tpu.dma_semaphore, #tpu.memory_space<semaphore_mem>>) src(%dma_wait3A_1385 : memref<1024x128xf32, #tpu.memory_space<hbm>>) dst(%arg9 : memref<128x128xf32, #tpu.memory_space<vmem>>)
      %dma_start3A_1386 = arith.constant 9 : i32
      %dma_start3A_1387 = arith.constant 0 : i32
      %dma_start3A_1388 = tpu.memref_slice %arg8[%dma_start3A_1386, %dma_start3A_1387] : memref<16x128xi32, #tpu.memory_space<vmem>> -> memref<1x128xi32, #tpu.memory_space<vmem>>
      %dma_start3A_1389 = tpu.memref_squeeze %dma_start3A_1388 : memref<1x128xi32, #tpu.memory_space<vmem>> -> memref<128xi32, #tpu.memory_space<vmem>>
      %dma_start3A_1390 = arith.constant 0 : i32
      %dma_start3A_1391 = arith.constant 0 : i32
      %dma_start3A_1392 = tpu.memref_slice %arg5[%dma_start3A_1390, %dma_start3A_1391] : memref<262144x128xf32, #tpu.memory_space<hbm>> -> memref<262144x128xf32, #tpu.memory_space<hbm>>
      tpu.enqueue_indirect_dma source(%arg9 : memref<128x128xf32, #tpu.memory_space<vmem>>) target(%dma_start3A_1392 : memref<262144x128xf32, #tpu.memory_space<hbm>>) offsets(%dma_start3A_1389 : memref<128xi32, #tpu.memory_space<vmem>>) semaphore(%arg20 : memref<!tpu.dma_semaphore, #tpu.memory_space<semaphore_mem>>)
      %dma_wait3A_1393 = arith.constant 9 : i32
      %dma_wait3A_1394 = arith.constant 0 : i32
      %dma_wait3A_1395 = tpu.memref_slice %arg8[%dma_wait3A_1393, %dma_wait3A_1394] : memref<16x128xi32, #tpu.memory_space<vmem>> -> memref<1x128xi32, #tpu.memory_space<vmem>>
      %dma_wait3A_1396 = tpu.memref_squeeze %dma_wait3A_1395 : memref<1x128xi32, #tpu.memory_space<vmem>> -> memref<128xi32, #tpu.memory_space<vmem>>
      %dma_wait3A_1397 = arith.constant 0 : i32
      %dma_wait3A_1398 = arith.constant 0 : i32
      %dma_wait3A_1399 = tpu.memref_slice %arg5[%dma_wait3A_1397, %dma_wait3A_1398] : memref<262144x128xf32, #tpu.memory_space<hbm>> -> memref<262144x128xf32, #tpu.memory_space<hbm>>
      tpu.wait_indirect_dma semaphore(%arg20 : memref<!tpu.dma_semaphore, #tpu.memory_space<semaphore_mem>>) src(%arg9 : memref<128x128xf32, #tpu.memory_space<vmem>>) dst(%dma_wait3A_1399 : memref<262144x128xf32, #tpu.memory_space<hbm>>)
    } else {
    }
    %gt3A_1342 = arith.constant 256 : i32
    %gt3A_1343 = arith.cmpi sgt, %mul3A_375, %gt3A_1342 : i32
    %convert_element_type3A_1344 = arith.extui %gt3A_1343 : i1 to i32
    %cond3A_1345 = arith.constant 0 : i32
    %cond3A_1346 = arith.cmpi ne, %convert_element_type3A_1344, %cond3A_1345 : i32
    scf.if %cond3A_1346 {
      %dma_start3A_1372 = arith.constant 10 : i32
      %dma_start3A_1373 = arith.constant 0 : i32
      %dma_start3A_1374 = tpu.memref_slice %arg7[%dma_start3A_1372, %dma_start3A_1373] : memref<16x128xi32, #tpu.memory_space<vmem>> -> memref<1x128xi32, #tpu.memory_space<vmem>>
      %dma_start3A_1375 = tpu.memref_squeeze %dma_start3A_1374 : memref<1x128xi32, #tpu.memory_space<vmem>> -> memref<128xi32, #tpu.memory_space<vmem>>
      %dma_start3A_1376 = arith.constant 0 : i32
      %dma_start3A_1377 = arith.constant 0 : i32
      %dma_start3A_1378 = tpu.memref_slice %arg2[%dma_start3A_1376, %dma_start3A_1377] : memref<1024x128xf32, #tpu.memory_space<hbm>> -> memref<1024x128xf32, #tpu.memory_space<hbm>>
      tpu.enqueue_indirect_dma source(%dma_start3A_1378 : memref<1024x128xf32, #tpu.memory_space<hbm>>) target(%arg9 : memref<128x128xf32, #tpu.memory_space<vmem>>) offsets(%dma_start3A_1375 : memref<128xi32, #tpu.memory_space<vmem>>) semaphore(%arg19 : memref<!tpu.dma_semaphore, #tpu.memory_space<semaphore_mem>>)
      %dma_wait3A_1379 = arith.constant 10 : i32
      %dma_wait3A_1380 = arith.constant 0 : i32
      %dma_wait3A_1381 = tpu.memref_slice %arg7[%dma_wait3A_1379, %dma_wait3A_1380] : memref<16x128xi32, #tpu.memory_space<vmem>> -> memref<1x128xi32, #tpu.memory_space<vmem>>
      %dma_wait3A_1382 = tpu.memref_squeeze %dma_wait3A_1381 : memref<1x128xi32, #tpu.memory_space<vmem>> -> memref<128xi32, #tpu.memory_space<vmem>>
      %dma_wait3A_1383 = arith.constant 0 : i32
      %dma_wait3A_1384 = arith.constant 0 : i32
      %dma_wait3A_1385 = tpu.memref_slice %arg2[%dma_wait3A_1383, %dma_wait3A_1384] : memref<1024x128xf32, #tpu.memory_space<hbm>> -> memref<1024x128xf32, #tpu.memory_space<hbm>>
      tpu.wait_indirect_dma semaphore(%arg19 : memref<!tpu.dma_semaphore, #tpu.memory_space<semaphore_mem>>) src(%dma_wait3A_1385 : memref<1024x128xf32, #tpu.memory_space<hbm>>) dst(%arg9 : memref<128x128xf32, #tpu.memory_space<vmem>>)
      %dma_start3A_1386 = arith.constant 10 : i32
      %dma_start3A_1387 = arith.constant 0 : i32
      %dma_start3A_1388 = tpu.memref_slice %arg8[%dma_start3A_1386, %dma_start3A_1387] : memref<16x128xi32, #tpu.memory_space<vmem>> -> memref<1x128xi32, #tpu.memory_space<vmem>>
      %dma_start3A_1389 = tpu.memref_squeeze %dma_start3A_1388 : memref<1x128xi32, #tpu.memory_space<vmem>> -> memref<128xi32, #tpu.memory_space<vmem>>
      %dma_start3A_1390 = arith.constant 0 : i32
      %dma_start3A_1391 = arith.constant 0 : i32
      %dma_start3A_1392 = tpu.memref_slice %arg5[%dma_start3A_1390, %dma_start3A_1391] : memref<262144x128xf32, #tpu.memory_space<hbm>> -> memref<262144x128xf32, #tpu.memory_space<hbm>>
      tpu.enqueue_indirect_dma source(%arg9 : memref<128x128xf32, #tpu.memory_space<vmem>>) target(%dma_start3A_1392 : memref<262144x128xf32, #tpu.memory_space<hbm>>) offsets(%dma_start3A_1389 : memref<128xi32, #tpu.memory_space<vmem>>) semaphore(%arg20 : memref<!tpu.dma_semaphore, #tpu.memory_space<semaphore_mem>>)
      %dma_wait3A_1393 = arith.constant 10 : i32
      %dma_wait3A_1394 = arith.constant 0 : i32
      %dma_wait3A_1395 = tpu.memref_slice %arg8[%dma_wait3A_1393, %dma_wait3A_1394] : memref<16x128xi32, #tpu.memory_space<vmem>> -> memref<1x128xi32, #tpu.memory_space<vmem>>
      %dma_wait3A_1396 = tpu.memref_squeeze %dma_wait3A_1395 : memref<1x128xi32, #tpu.memory_space<vmem>> -> memref<128xi32, #tpu.memory_space<vmem>>
      %dma_wait3A_1397 = arith.constant 0 : i32
      %dma_wait3A_1398 = arith.constant 0 : i32
      %dma_wait3A_1399 = tpu.memref_slice %arg5[%dma_wait3A_1397, %dma_wait3A_1398] : memref<262144x128xf32, #tpu.memory_space<hbm>> -> memref<262144x128xf32, #tpu.memory_space<hbm>>
      tpu.wait_indirect_dma semaphore(%arg20 : memref<!tpu.dma_semaphore, #tpu.memory_space<semaphore_mem>>) src(%arg9 : memref<128x128xf32, #tpu.memory_space<vmem>>) dst(%dma_wait3A_1399 : memref<262144x128xf32, #tpu.memory_space<hbm>>)
    } else {
    }
    %gt3A_1347 = arith.constant 384 : i32
    %gt3A_1348 = arith.cmpi sgt, %mul3A_375, %gt3A_1347 : i32
    %convert_element_type3A_1349 = arith.extui %gt3A_1348 : i1 to i32
    %cond3A_1350 = arith.constant 0 : i32
    %cond3A_1351 = arith.cmpi ne, %convert_element_type3A_1349, %cond3A_1350 : i32
    scf.if %cond3A_1351 {
      %dma_start3A_1372 = arith.constant 11 : i32
      %dma_start3A_1373 = arith.constant 0 : i32
      %dma_start3A_1374 = tpu.memref_slice %arg7[%dma_start3A_1372, %dma_start3A_1373] : memref<16x128xi32, #tpu.memory_space<vmem>> -> memref<1x128xi32, #tpu.memory_space<vmem>>
      %dma_start3A_1375 = tpu.memref_squeeze %dma_start3A_1374 : memref<1x128xi32, #tpu.memory_space<vmem>> -> memref<128xi32, #tpu.memory_space<vmem>>
      %dma_start3A_1376 = arith.constant 0 : i32
      %dma_start3A_1377 = arith.constant 0 : i32
      %dma_start3A_1378 = tpu.memref_slice %arg2[%dma_start3A_1376, %dma_start3A_1377] : memref<1024x128xf32, #tpu.memory_space<hbm>> -> memref<1024x128xf32, #tpu.memory_space<hbm>>
      tpu.enqueue_indirect_dma source(%dma_start3A_1378 : memref<1024x128xf32, #tpu.memory_space<hbm>>) target(%arg9 : memref<128x128xf32, #tpu.memory_space<vmem>>) offsets(%dma_start3A_1375 : memref<128xi32, #tpu.memory_space<vmem>>) semaphore(%arg19 : memref<!tpu.dma_semaphore, #tpu.memory_space<semaphore_mem>>)
      %dma_wait3A_1379 = arith.constant 11 : i32
      %dma_wait3A_1380 = arith.constant 0 : i32
      %dma_wait3A_1381 = tpu.memref_slice %arg7[%dma_wait3A_1379, %dma_wait3A_1380] : memref<16x128xi32, #tpu.memory_space<vmem>> -> memref<1x128xi32, #tpu.memory_space<vmem>>
      %dma_wait3A_1382 = tpu.memref_squeeze %dma_wait3A_1381 : memref<1x128xi32, #tpu.memory_space<vmem>> -> memref<128xi32, #tpu.memory_space<vmem>>
      %dma_wait3A_1383 = arith.constant 0 : i32
      %dma_wait3A_1384 = arith.constant 0 : i32
      %dma_wait3A_1385 = tpu.memref_slice %arg2[%dma_wait3A_1383, %dma_wait3A_1384] : memref<1024x128xf32, #tpu.memory_space<hbm>> -> memref<1024x128xf32, #tpu.memory_space<hbm>>
      tpu.wait_indirect_dma semaphore(%arg19 : memref<!tpu.dma_semaphore, #tpu.memory_space<semaphore_mem>>) src(%dma_wait3A_1385 : memref<1024x128xf32, #tpu.memory_space<hbm>>) dst(%arg9 : memref<128x128xf32, #tpu.memory_space<vmem>>)
      %dma_start3A_1386 = arith.constant 11 : i32
      %dma_start3A_1387 = arith.constant 0 : i32
      %dma_start3A_1388 = tpu.memref_slice %arg8[%dma_start3A_1386, %dma_start3A_1387] : memref<16x128xi32, #tpu.memory_space<vmem>> -> memref<1x128xi32, #tpu.memory_space<vmem>>
      %dma_start3A_1389 = tpu.memref_squeeze %dma_start3A_1388 : memref<1x128xi32, #tpu.memory_space<vmem>> -> memref<128xi32, #tpu.memory_space<vmem>>
      %dma_start3A_1390 = arith.constant 0 : i32
      %dma_start3A_1391 = arith.constant 0 : i32
      %dma_start3A_1392 = tpu.memref_slice %arg5[%dma_start3A_1390, %dma_start3A_1391] : memref<262144x128xf32, #tpu.memory_space<hbm>> -> memref<262144x128xf32, #tpu.memory_space<hbm>>
      tpu.enqueue_indirect_dma source(%arg9 : memref<128x128xf32, #tpu.memory_space<vmem>>) target(%dma_start3A_1392 : memref<262144x128xf32, #tpu.memory_space<hbm>>) offsets(%dma_start3A_1389 : memref<128xi32, #tpu.memory_space<vmem>>) semaphore(%arg20 : memref<!tpu.dma_semaphore, #tpu.memory_space<semaphore_mem>>)
      %dma_wait3A_1393 = arith.constant 11 : i32
      %dma_wait3A_1394 = arith.constant 0 : i32
      %dma_wait3A_1395 = tpu.memref_slice %arg8[%dma_wait3A_1393, %dma_wait3A_1394] : memref<16x128xi32, #tpu.memory_space<vmem>> -> memref<1x128xi32, #tpu.memory_space<vmem>>
      %dma_wait3A_1396 = tpu.memref_squeeze %dma_wait3A_1395 : memref<1x128xi32, #tpu.memory_space<vmem>> -> memref<128xi32, #tpu.memory_space<vmem>>
      %dma_wait3A_1397 = arith.constant 0 : i32
      %dma_wait3A_1398 = arith.constant 0 : i32
      %dma_wait3A_1399 = tpu.memref_slice %arg5[%dma_wait3A_1397, %dma_wait3A_1398] : memref<262144x128xf32, #tpu.memory_space<hbm>> -> memref<262144x128xf32, #tpu.memory_space<hbm>>
      tpu.wait_indirect_dma semaphore(%arg20 : memref<!tpu.dma_semaphore, #tpu.memory_space<semaphore_mem>>) src(%arg9 : memref<128x128xf32, #tpu.memory_space<vmem>>) dst(%dma_wait3A_1399 : memref<262144x128xf32, #tpu.memory_space<hbm>>)
    } else {
    }
    %gt3A_1352 = arith.constant 512 : i32
    %gt3A_1353 = arith.cmpi sgt, %mul3A_375, %gt3A_1352 : i32
    %convert_element_type3A_1354 = arith.extui %gt3A_1353 : i1 to i32
    %cond3A_1355 = arith.constant 0 : i32
    %cond3A_1356 = arith.cmpi ne, %convert_element_type3A_1354, %cond3A_1355 : i32
    scf.if %cond3A_1356 {
      %dma_start3A_1372 = arith.constant 12 : i32
      %dma_start3A_1373 = arith.constant 0 : i32
      %dma_start3A_1374 = tpu.memref_slice %arg7[%dma_start3A_1372, %dma_start3A_1373] : memref<16x128xi32, #tpu.memory_space<vmem>> -> memref<1x128xi32, #tpu.memory_space<vmem>>
      %dma_start3A_1375 = tpu.memref_squeeze %dma_start3A_1374 : memref<1x128xi32, #tpu.memory_space<vmem>> -> memref<128xi32, #tpu.memory_space<vmem>>
      %dma_start3A_1376 = arith.constant 0 : i32
      %dma_start3A_1377 = arith.constant 0 : i32
      %dma_start3A_1378 = tpu.memref_slice %arg2[%dma_start3A_1376, %dma_start3A_1377] : memref<1024x128xf32, #tpu.memory_space<hbm>> -> memref<1024x128xf32, #tpu.memory_space<hbm>>
      tpu.enqueue_indirect_dma source(%dma_start3A_1378 : memref<1024x128xf32, #tpu.memory_space<hbm>>) target(%arg9 : memref<128x128xf32, #tpu.memory_space<vmem>>) offsets(%dma_start3A_1375 : memref<128xi32, #tpu.memory_space<vmem>>) semaphore(%arg19 : memref<!tpu.dma_semaphore, #tpu.memory_space<semaphore_mem>>)
      %dma_wait3A_1379 = arith.constant 12 : i32
      %dma_wait3A_1380 = arith.constant 0 : i32
      %dma_wait3A_1381 = tpu.memref_slice %arg7[%dma_wait3A_1379, %dma_wait3A_1380] : memref<16x128xi32, #tpu.memory_space<vmem>> -> memref<1x128xi32, #tpu.memory_space<vmem>>
      %dma_wait3A_1382 = tpu.memref_squeeze %dma_wait3A_1381 : memref<1x128xi32, #tpu.memory_space<vmem>> -> memref<128xi32, #tpu.memory_space<vmem>>
      %dma_wait3A_1383 = arith.constant 0 : i32
      %dma_wait3A_1384 = arith.constant 0 : i32
      %dma_wait3A_1385 = tpu.memref_slice %arg2[%dma_wait3A_1383, %dma_wait3A_1384] : memref<1024x128xf32, #tpu.memory_space<hbm>> -> memref<1024x128xf32, #tpu.memory_space<hbm>>
      tpu.wait_indirect_dma semaphore(%arg19 : memref<!tpu.dma_semaphore, #tpu.memory_space<semaphore_mem>>) src(%dma_wait3A_1385 : memref<1024x128xf32, #tpu.memory_space<hbm>>) dst(%arg9 : memref<128x128xf32, #tpu.memory_space<vmem>>)
      %dma_start3A_1386 = arith.constant 12 : i32
      %dma_start3A_1387 = arith.constant 0 : i32
      %dma_start3A_1388 = tpu.memref_slice %arg8[%dma_start3A_1386, %dma_start3A_1387] : memref<16x128xi32, #tpu.memory_space<vmem>> -> memref<1x128xi32, #tpu.memory_space<vmem>>
      %dma_start3A_1389 = tpu.memref_squeeze %dma_start3A_1388 : memref<1x128xi32, #tpu.memory_space<vmem>> -> memref<128xi32, #tpu.memory_space<vmem>>
      %dma_start3A_1390 = arith.constant 0 : i32
      %dma_start3A_1391 = arith.constant 0 : i32
      %dma_start3A_1392 = tpu.memref_slice %arg5[%dma_start3A_1390, %dma_start3A_1391] : memref<262144x128xf32, #tpu.memory_space<hbm>> -> memref<262144x128xf32, #tpu.memory_space<hbm>>
      tpu.enqueue_indirect_dma source(%arg9 : memref<128x128xf32, #tpu.memory_space<vmem>>) target(%dma_start3A_1392 : memref<262144x128xf32, #tpu.memory_space<hbm>>) offsets(%dma_start3A_1389 : memref<128xi32, #tpu.memory_space<vmem>>) semaphore(%arg20 : memref<!tpu.dma_semaphore, #tpu.memory_space<semaphore_mem>>)
      %dma_wait3A_1393 = arith.constant 12 : i32
      %dma_wait3A_1394 = arith.constant 0 : i32
      %dma_wait3A_1395 = tpu.memref_slice %arg8[%dma_wait3A_1393, %dma_wait3A_1394] : memref<16x128xi32, #tpu.memory_space<vmem>> -> memref<1x128xi32, #tpu.memory_space<vmem>>
      %dma_wait3A_1396 = tpu.memref_squeeze %dma_wait3A_1395 : memref<1x128xi32, #tpu.memory_space<vmem>> -> memref<128xi32, #tpu.memory_space<vmem>>
      %dma_wait3A_1397 = arith.constant 0 : i32
      %dma_wait3A_1398 = arith.constant 0 : i32
      %dma_wait3A_1399 = tpu.memref_slice %arg5[%dma_wait3A_1397, %dma_wait3A_1398] : memref<262144x128xf32, #tpu.memory_space<hbm>> -> memref<262144x128xf32, #tpu.memory_space<hbm>>
      tpu.wait_indirect_dma semaphore(%arg20 : memref<!tpu.dma_semaphore, #tpu.memory_space<semaphore_mem>>) src(%arg9 : memref<128x128xf32, #tpu.memory_space<vmem>>) dst(%dma_wait3A_1399 : memref<262144x128xf32, #tpu.memory_space<hbm>>)
    } else {
    }
    %gt3A_1357 = arith.constant 640 : i32
    %gt3A_1358 = arith.cmpi sgt, %mul3A_375, %gt3A_1357 : i32
    %convert_element_type3A_1359 = arith.extui %gt3A_1358 : i1 to i32
    %cond3A_1360 = arith.constant 0 : i32
    %cond3A_1361 = arith.cmpi ne, %convert_element_type3A_1359, %cond3A_1360 : i32
    scf.if %cond3A_1361 {
      %dma_start3A_1372 = arith.constant 13 : i32
      %dma_start3A_1373 = arith.constant 0 : i32
      %dma_start3A_1374 = tpu.memref_slice %arg7[%dma_start3A_1372, %dma_start3A_1373] : memref<16x128xi32, #tpu.memory_space<vmem>> -> memref<1x128xi32, #tpu.memory_space<vmem>>
      %dma_start3A_1375 = tpu.memref_squeeze %dma_start3A_1374 : memref<1x128xi32, #tpu.memory_space<vmem>> -> memref<128xi32, #tpu.memory_space<vmem>>
      %dma_start3A_1376 = arith.constant 0 : i32
      %dma_start3A_1377 = arith.constant 0 : i32
      %dma_start3A_1378 = tpu.memref_slice %arg2[%dma_start3A_1376, %dma_start3A_1377] : memref<1024x128xf32, #tpu.memory_space<hbm>> -> memref<1024x128xf32, #tpu.memory_space<hbm>>
      tpu.enqueue_indirect_dma source(%dma_start3A_1378 : memref<1024x128xf32, #tpu.memory_space<hbm>>) target(%arg9 : memref<128x128xf32, #tpu.memory_space<vmem>>) offsets(%dma_start3A_1375 : memref<128xi32, #tpu.memory_space<vmem>>) semaphore(%arg19 : memref<!tpu.dma_semaphore, #tpu.memory_space<semaphore_mem>>)
      %dma_wait3A_1379 = arith.constant 13 : i32
      %dma_wait3A_1380 = arith.constant 0 : i32
      %dma_wait3A_1381 = tpu.memref_slice %arg7[%dma_wait3A_1379, %dma_wait3A_1380] : memref<16x128xi32, #tpu.memory_space<vmem>> -> memref<1x128xi32, #tpu.memory_space<vmem>>
      %dma_wait3A_1382 = tpu.memref_squeeze %dma_wait3A_1381 : memref<1x128xi32, #tpu.memory_space<vmem>> -> memref<128xi32, #tpu.memory_space<vmem>>
      %dma_wait3A_1383 = arith.constant 0 : i32
      %dma_wait3A_1384 = arith.constant 0 : i32
      %dma_wait3A_1385 = tpu.memref_slice %arg2[%dma_wait3A_1383, %dma_wait3A_1384] : memref<1024x128xf32, #tpu.memory_space<hbm>> -> memref<1024x128xf32, #tpu.memory_space<hbm>>
      tpu.wait_indirect_dma semaphore(%arg19 : memref<!tpu.dma_semaphore, #tpu.memory_space<semaphore_mem>>) src(%dma_wait3A_1385 : memref<1024x128xf32, #tpu.memory_space<hbm>>) dst(%arg9 : memref<128x128xf32, #tpu.memory_space<vmem>>)
      %dma_start3A_1386 = arith.constant 13 : i32
      %dma_start3A_1387 = arith.constant 0 : i32
      %dma_start3A_1388 = tpu.memref_slice %arg8[%dma_start3A_1386, %dma_start3A_1387] : memref<16x128xi32, #tpu.memory_space<vmem>> -> memref<1x128xi32, #tpu.memory_space<vmem>>
      %dma_start3A_1389 = tpu.memref_squeeze %dma_start3A_1388 : memref<1x128xi32, #tpu.memory_space<vmem>> -> memref<128xi32, #tpu.memory_space<vmem>>
      %dma_start3A_1390 = arith.constant 0 : i32
      %dma_start3A_1391 = arith.constant 0 : i32
      %dma_start3A_1392 = tpu.memref_slice %arg5[%dma_start3A_1390, %dma_start3A_1391] : memref<262144x128xf32, #tpu.memory_space<hbm>> -> memref<262144x128xf32, #tpu.memory_space<hbm>>
      tpu.enqueue_indirect_dma source(%arg9 : memref<128x128xf32, #tpu.memory_space<vmem>>) target(%dma_start3A_1392 : memref<262144x128xf32, #tpu.memory_space<hbm>>) offsets(%dma_start3A_1389 : memref<128xi32, #tpu.memory_space<vmem>>) semaphore(%arg20 : memref<!tpu.dma_semaphore, #tpu.memory_space<semaphore_mem>>)
      %dma_wait3A_1393 = arith.constant 13 : i32
      %dma_wait3A_1394 = arith.constant 0 : i32
      %dma_wait3A_1395 = tpu.memref_slice %arg8[%dma_wait3A_1393, %dma_wait3A_1394] : memref<16x128xi32, #tpu.memory_space<vmem>> -> memref<1x128xi32, #tpu.memory_space<vmem>>
      %dma_wait3A_1396 = tpu.memref_squeeze %dma_wait3A_1395 : memref<1x128xi32, #tpu.memory_space<vmem>> -> memref<128xi32, #tpu.memory_space<vmem>>
      %dma_wait3A_1397 = arith.constant 0 : i32
      %dma_wait3A_1398 = arith.constant 0 : i32
      %dma_wait3A_1399 = tpu.memref_slice %arg5[%dma_wait3A_1397, %dma_wait3A_1398] : memref<262144x128xf32, #tpu.memory_space<hbm>> -> memref<262144x128xf32, #tpu.memory_space<hbm>>
      tpu.wait_indirect_dma semaphore(%arg20 : memref<!tpu.dma_semaphore, #tpu.memory_space<semaphore_mem>>) src(%arg9 : memref<128x128xf32, #tpu.memory_space<vmem>>) dst(%dma_wait3A_1399 : memref<262144x128xf32, #tpu.memory_space<hbm>>)
    } else {
    }
    %gt3A_1362 = arith.constant 768 : i32
    %gt3A_1363 = arith.cmpi sgt, %mul3A_375, %gt3A_1362 : i32
    %convert_element_type3A_1364 = arith.extui %gt3A_1363 : i1 to i32
    %cond3A_1365 = arith.constant 0 : i32
    %cond3A_1366 = arith.cmpi ne, %convert_element_type3A_1364, %cond3A_1365 : i32
    scf.if %cond3A_1366 {
      %dma_start3A_1372 = arith.constant 14 : i32
      %dma_start3A_1373 = arith.constant 0 : i32
      %dma_start3A_1374 = tpu.memref_slice %arg7[%dma_start3A_1372, %dma_start3A_1373] : memref<16x128xi32, #tpu.memory_space<vmem>> -> memref<1x128xi32, #tpu.memory_space<vmem>>
      %dma_start3A_1375 = tpu.memref_squeeze %dma_start3A_1374 : memref<1x128xi32, #tpu.memory_space<vmem>> -> memref<128xi32, #tpu.memory_space<vmem>>
      %dma_start3A_1376 = arith.constant 0 : i32
      %dma_start3A_1377 = arith.constant 0 : i32
      %dma_start3A_1378 = tpu.memref_slice %arg2[%dma_start3A_1376, %dma_start3A_1377] : memref<1024x128xf32, #tpu.memory_space<hbm>> -> memref<1024x128xf32, #tpu.memory_space<hbm>>
      tpu.enqueue_indirect_dma source(%dma_start3A_1378 : memref<1024x128xf32, #tpu.memory_space<hbm>>) target(%arg9 : memref<128x128xf32, #tpu.memory_space<vmem>>) offsets(%dma_start3A_1375 : memref<128xi32, #tpu.memory_space<vmem>>) semaphore(%arg19 : memref<!tpu.dma_semaphore, #tpu.memory_space<semaphore_mem>>)
      %dma_wait3A_1379 = arith.constant 14 : i32
      %dma_wait3A_1380 = arith.constant 0 : i32
      %dma_wait3A_1381 = tpu.memref_slice %arg7[%dma_wait3A_1379, %dma_wait3A_1380] : memref<16x128xi32, #tpu.memory_space<vmem>> -> memref<1x128xi32, #tpu.memory_space<vmem>>
      %dma_wait3A_1382 = tpu.memref_squeeze %dma_wait3A_1381 : memref<1x128xi32, #tpu.memory_space<vmem>> -> memref<128xi32, #tpu.memory_space<vmem>>
      %dma_wait3A_1383 = arith.constant 0 : i32
      %dma_wait3A_1384 = arith.constant 0 : i32
      %dma_wait3A_1385 = tpu.memref_slice %arg2[%dma_wait3A_1383, %dma_wait3A_1384] : memref<1024x128xf32, #tpu.memory_space<hbm>> -> memref<1024x128xf32, #tpu.memory_space<hbm>>
      tpu.wait_indirect_dma semaphore(%arg19 : memref<!tpu.dma_semaphore, #tpu.memory_space<semaphore_mem>>) src(%dma_wait3A_1385 : memref<1024x128xf32, #tpu.memory_space<hbm>>) dst(%arg9 : memref<128x128xf32, #tpu.memory_space<vmem>>)
      %dma_start3A_1386 = arith.constant 14 : i32
      %dma_start3A_1387 = arith.constant 0 : i32
      %dma_start3A_1388 = tpu.memref_slice %arg8[%dma_start3A_1386, %dma_start3A_1387] : memref<16x128xi32, #tpu.memory_space<vmem>> -> memref<1x128xi32, #tpu.memory_space<vmem>>
      %dma_start3A_1389 = tpu.memref_squeeze %dma_start3A_1388 : memref<1x128xi32, #tpu.memory_space<vmem>> -> memref<128xi32, #tpu.memory_space<vmem>>
      %dma_start3A_1390 = arith.constant 0 : i32
      %dma_start3A_1391 = arith.constant 0 : i32
      %dma_start3A_1392 = tpu.memref_slice %arg5[%dma_start3A_1390, %dma_start3A_1391] : memref<262144x128xf32, #tpu.memory_space<hbm>> -> memref<262144x128xf32, #tpu.memory_space<hbm>>
      tpu.enqueue_indirect_dma source(%arg9 : memref<128x128xf32, #tpu.memory_space<vmem>>) target(%dma_start3A_1392 : memref<262144x128xf32, #tpu.memory_space<hbm>>) offsets(%dma_start3A_1389 : memref<128xi32, #tpu.memory_space<vmem>>) semaphore(%arg20 : memref<!tpu.dma_semaphore, #tpu.memory_space<semaphore_mem>>)
      %dma_wait3A_1393 = arith.constant 14 : i32
      %dma_wait3A_1394 = arith.constant 0 : i32
      %dma_wait3A_1395 = tpu.memref_slice %arg8[%dma_wait3A_1393, %dma_wait3A_1394] : memref<16x128xi32, #tpu.memory_space<vmem>> -> memref<1x128xi32, #tpu.memory_space<vmem>>
      %dma_wait3A_1396 = tpu.memref_squeeze %dma_wait3A_1395 : memref<1x128xi32, #tpu.memory_space<vmem>> -> memref<128xi32, #tpu.memory_space<vmem>>
      %dma_wait3A_1397 = arith.constant 0 : i32
      %dma_wait3A_1398 = arith.constant 0 : i32
      %dma_wait3A_1399 = tpu.memref_slice %arg5[%dma_wait3A_1397, %dma_wait3A_1398] : memref<262144x128xf32, #tpu.memory_space<hbm>> -> memref<262144x128xf32, #tpu.memory_space<hbm>>
      tpu.wait_indirect_dma semaphore(%arg20 : memref<!tpu.dma_semaphore, #tpu.memory_space<semaphore_mem>>) src(%arg9 : memref<128x128xf32, #tpu.memory_space<vmem>>) dst(%dma_wait3A_1399 : memref<262144x128xf32, #tpu.memory_space<hbm>>)
    } else {
    }
    %gt3A_1367 = arith.constant 896 : i32
    %gt3A_1368 = arith.cmpi sgt, %mul3A_375, %gt3A_1367 : i32
    %convert_element_type3A_1369 = arith.extui %gt3A_1368 : i1 to i32
    %cond3A_1370 = arith.constant 0 : i32
    %cond3A_1371 = arith.cmpi ne, %convert_element_type3A_1369, %cond3A_1370 : i32
    scf.if %cond3A_1371 {
      %dma_start3A_1372 = arith.constant 15 : i32
      %dma_start3A_1373 = arith.constant 0 : i32
      %dma_start3A_1374 = tpu.memref_slice %arg7[%dma_start3A_1372, %dma_start3A_1373] : memref<16x128xi32, #tpu.memory_space<vmem>> -> memref<1x128xi32, #tpu.memory_space<vmem>>
      %dma_start3A_1375 = tpu.memref_squeeze %dma_start3A_1374 : memref<1x128xi32, #tpu.memory_space<vmem>> -> memref<128xi32, #tpu.memory_space<vmem>>
      %dma_start3A_1376 = arith.constant 0 : i32
      %dma_start3A_1377 = arith.constant 0 : i32
      %dma_start3A_1378 = tpu.memref_slice %arg2[%dma_start3A_1376, %dma_start3A_1377] : memref<1024x128xf32, #tpu.memory_space<hbm>> -> memref<1024x128xf32, #tpu.memory_space<hbm>>
      tpu.enqueue_indirect_dma source(%dma_start3A_1378 : memref<1024x128xf32, #tpu.memory_space<hbm>>) target(%arg9 : memref<128x128xf32, #tpu.memory_space<vmem>>) offsets(%dma_start3A_1375 : memref<128xi32, #tpu.memory_space<vmem>>) semaphore(%arg19 : memref<!tpu.dma_semaphore, #tpu.memory_space<semaphore_mem>>)
      %dma_wait3A_1379 = arith.constant 15 : i32
      %dma_wait3A_1380 = arith.constant 0 : i32
      %dma_wait3A_1381 = tpu.memref_slice %arg7[%dma_wait3A_1379, %dma_wait3A_1380] : memref<16x128xi32, #tpu.memory_space<vmem>> -> memref<1x128xi32, #tpu.memory_space<vmem>>
      %dma_wait3A_1382 = tpu.memref_squeeze %dma_wait3A_1381 : memref<1x128xi32, #tpu.memory_space<vmem>> -> memref<128xi32, #tpu.memory_space<vmem>>
      %dma_wait3A_1383 = arith.constant 0 : i32
      %dma_wait3A_1384 = arith.constant 0 : i32
      %dma_wait3A_1385 = tpu.memref_slice %arg2[%dma_wait3A_1383, %dma_wait3A_1384] : memref<1024x128xf32, #tpu.memory_space<hbm>> -> memref<1024x128xf32, #tpu.memory_space<hbm>>
      tpu.wait_indirect_dma semaphore(%arg19 : memref<!tpu.dma_semaphore, #tpu.memory_space<semaphore_mem>>) src(%dma_wait3A_1385 : memref<1024x128xf32, #tpu.memory_space<hbm>>) dst(%arg9 : memref<128x128xf32, #tpu.memory_space<vmem>>)
      %dma_start3A_1386 = arith.constant 15 : i32
      %dma_start3A_1387 = arith.constant 0 : i32
      %dma_start3A_1388 = tpu.memref_slice %arg8[%dma_start3A_1386, %dma_start3A_1387] : memref<16x128xi32, #tpu.memory_space<vmem>> -> memref<1x128xi32, #tpu.memory_space<vmem>>
      %dma_start3A_1389 = tpu.memref_squeeze %dma_start3A_1388 : memref<1x128xi32, #tpu.memory_space<vmem>> -> memref<128xi32, #tpu.memory_space<vmem>>
      %dma_start3A_1390 = arith.constant 0 : i32
      %dma_start3A_1391 = arith.constant 0 : i32
      %dma_start3A_1392 = tpu.memref_slice %arg5[%dma_start3A_1390, %dma_start3A_1391] : memref<262144x128xf32, #tpu.memory_space<hbm>> -> memref<262144x128xf32, #tpu.memory_space<hbm>>
      tpu.enqueue_indirect_dma source(%arg9 : memref<128x128xf32, #tpu.memory_space<vmem>>) target(%dma_start3A_1392 : memref<262144x128xf32, #tpu.memory_space<hbm>>) offsets(%dma_start3A_1389 : memref<128xi32, #tpu.memory_space<vmem>>) semaphore(%arg20 : memref<!tpu.dma_semaphore, #tpu.memory_space<semaphore_mem>>)
      %dma_wait3A_1393 = arith.constant 15 : i32
      %dma_wait3A_1394 = arith.constant 0 : i32
      %dma_wait3A_1395 = tpu.memref_slice %arg8[%dma_wait3A_1393, %dma_wait3A_1394] : memref<16x128xi32, #tpu.memory_space<vmem>> -> memref<1x128xi32, #tpu.memory_space<vmem>>
      %dma_wait3A_1396 = tpu.memref_squeeze %dma_wait3A_1395 : memref<1x128xi32, #tpu.memory_space<vmem>> -> memref<128xi32, #tpu.memory_space<vmem>>
      %dma_wait3A_1397 = arith.constant 0 : i32
      %dma_wait3A_1398 = arith.constant 0 : i32
      %dma_wait3A_1399 = tpu.memref_slice %arg5[%dma_wait3A_1397, %dma_wait3A_1398] : memref<262144x128xf32, #tpu.memory_space<hbm>> -> memref<262144x128xf32, #tpu.memory_space<hbm>>
      tpu.wait_indirect_dma semaphore(%arg20 : memref<!tpu.dma_semaphore, #tpu.memory_space<semaphore_mem>>) src(%arg9 : memref<128x128xf32, #tpu.memory_space<vmem>>) dst(%dma_wait3A_1399 : memref<262144x128xf32, #tpu.memory_space<hbm>>)
    } else {
    }
    return
  }
}

</mosaic_0001>

<sc_bundles>
// kernel: kernel.3.cloned.1.call-start
scs
__scs_entry_jumppad:
0x0: {  	(pc) =	sbr.rel $0x88, $3  }
0x1: {  	(tag) =	ssettag $0x0;
	lr =	simm.s32 $0x1  }
0x2: {  	[smem:$0x3F9E] =	sst lr;
	_ =	strace $0xD0000000  }
0x3: {  	_ = 	snop  }
0x4: {  	_ = 	snop  }
0x5: {  	_ = 	snop  }
0x6: {  	_ = 	snop  }
0x7: {  	_ = 	snop  }
__scs_overlays_trampoline_lowered:
0x8: {  	[smem:$0x3FAD] =	sst s0  }
0x9: {  	[smem:$0x3FAE] =	sst s1  }
0xa: {  	[smem:$0x3FAF] =	sst s2  }
0xb: {  	[smem:$0x3FB0] =	sst s3  }
0xc: {  	[smem:$0x3FB1] =	sst s4  }
0xd: {  	[smem:$0x3FB2] =	sst s5  }
0xe: {  	[smem:$0x3FB3] =	sst s6  }
0xf: {  	[smem:$0x3FB4] =	sst s7  }
0x10: {  	[smem:$0x3FB5] =	sst s8  }
0x11: {  	[smem:$0x3FB6] =	sst s9;
	s0 =	simm.s32 @!p0 $0x0  }
0x12: {  	s1 =	sld [smem:$0x3F9C];
	s0 =	simm.s32 @p0 $0x1  }
0x13: {  	[smem:$0x3FB7] =	sst s0;
	s0 =	simm.s32 @!p1 $0x0  }
0x14: {  	s2 =	sld [smem:$0x3F9B];
	s0 =	simm.s32 @p1 $0x1  }
0x15: {  	[smem:$0x3FB8] =	sst s0;
	s0 =	simm.s32 @!p2 $0x0  }
0x16: {  	s3 =	sld [smem:$0x3FDB];
	s0 =	simm.s32 @p2 $0x1  }
0x17: {  	s4 =	simm.s32 $0x1BF5;
	[smem:$0x3FBA] =	sst s0  }
0x18: {  	s0 =	sld [smem:$0x3F9D];
	_ =	swait.ge [sflag:s4], $0x0  }
0x19: {  	s7 =	sld [smem:$0x3F9E]  }
0x1a: {  	s8 =	sadd.s32 $0xFFFFE003, lr  }
0x1b: {  	s9 =	sadd.s32 $0xFFFFFEF7, lr;
	s5 =	simm.s32 $0xFFFFFFFF;
	p2 =	slt.u32 s8, $0xFFFFF086  }
0x1c: {  	p1 =	slt.u32 s9, $0xF7A;
	s5 =	simm.s32 @!p2 $0x0  }
0x1d: {  	s5 =	simm.s32 @p1 $0x1;
	p0 =	seq.s32 s7, s2  }
0x1e: {  	s7 =	smul.u32 @!p0 $0xF7A, s2;
	p2 =	seq.s32 @!p0 s5, $0x0  }
0x1f: {  	s9 =	smul.u32 $0xF7A, s1;
	s8 =	simm.s32 @!p0 $0x1BF5;
	p2 =	por !p2, p0  }
0x20: {  	[sflag:s8] =	ssyncset.s32 @!p0 $0xFFFFF086;
	s6 =	sadd.s32 @!p0 s3, s7;
	s7 =	simm.s32 @!p0 $0x108  }
0x21: {  	s3 =	sadd.s32 s3, s9;
	s6 =	sadd.s32 @!p0 $0x88, s6;
	s7 =	simm.s32 @p2 $0x1082  }
0x22: {  	[simem:s7], [sflag:s8] =	dma.local @!p0 [hbm:s6], $0xF7A  }
0x23: {  	s9 =	sor.u32 $0xD0000000, s2;
	s6 =	simm.s32 $0x108;
	_ =	swait.ge @!p0 [sflag:s8], $0x0  }
0x24: {  	s3 =	sadd.s32 $0x88, s3;
	s6 =	simm.s32 @!p1 $0x1082;
	[sflag:s4] =	ssyncset.s32 $0xFFFFF086  }
0x25: {  	[simem:s6], [sflag:s4] =	dma.local [hbm:s3], $0xF7A  }
0x26: {  	[smem:$0x3F9E] =	sst s1;
	(tag) =	ssettag s2;
	_ =	strace s9  }
0x27: {  	s1 =	sld [smem:$0x3FAE]  }
0x28: {  	s2 =	sld [smem:$0x3FAF]  }
0x29: {  	s4 =	sld [smem:$0x3FB1]  }
0x2a: {  	p0 =	seq.s32 s5, $0x0;
	s5 =	sld [smem:$0x3FB2]  }
0x2b: {  	s6 =	sld [smem:$0x3FB3]  }
0x2c: {  	s7 =	sld [smem:$0x3FB4]  }
0x2d: {  	s3 =	simm.s32 $0x108;
	s8 =	sld [smem:$0x3FB5]  }
0x2e: {  	s3 =	simm.s32 @!p0 $0x1082;
	s9 =	sld [smem:$0x3FB6]  }
0x2f: {  	lr =	sadd.s32 s0, s3;
	s0 =	sld [smem:$0x3FAD]  }
0x30: {  	s3 =	sld [smem:$0x3FB0]  }
0x31: {  	[smem:$0x3FB9] =	sst s10  }
0x32: {  	s10 =	sld [smem:$0x3FB7];
	_ =	sdelay $0x3  }
0x33: {  	p0 =	seq.s32 s10, $0x1;
	s10 =	sld [smem:$0x3FB9];
	_ =	sdelay $0x3  }
0x34: {  	[smem:$0x3FB9] =	sst s10  }
0x35: {  	s10 =	sld [smem:$0x3FB8];
	_ =	sdelay $0x3  }
0x36: {  	p1 =	seq.s32 s10, $0x1;
	s10 =	sld [smem:$0x3FB9];
	_ =	sdelay $0x3  }
0x37: {  	[smem:$0x3FB9] =	sst s10  }
0x38: {  	s10 =	sld [smem:$0x3FBA]  }
0x39: {  	_ = 	snop;
	(pc) =	sbr.ind lr, $3  }
0x3a: {  	_ = 	snop  }
0x3b: {  	_ = 	snop  }
0x3c: {  	p2 =	seq.s32 s10, $0x1;
	s10 =	sld [smem:$0x3FB9]  }
0x3d: {  	_ =	shalt  }
0x3e: {  	_ =	shalt  }
0x3f: {  	_ =	shalt  }
0x40: {  	_ =	shalt  }
0x41: {  	_ =	shalt  }
0x42: {  	_ =	shalt  }
0x43: {  	_ =	shalt  }
0x44: {  	_ =	shalt  }
0x45: {  	_ =	shalt  }
0x46: {  	_ =	shalt  }
0x47: {  	_ =	shalt  }
0x48: {  	_ =	shalt  }
0x49: {  	_ =	shalt  }
0x4a: {  	_ =	shalt  }
0x4b: {  	_ =	shalt  }
0x4c: {  	_ =	shalt  }
0x4d: {  	_ =	shalt  }
0x4e: {  	_ =	shalt  }
0x4f: {  	_ =	shalt  }
0x50: {  	_ =	shalt  }
0x51: {  	_ =	shalt  }
0x52: {  	_ =	shalt  }
0x53: {  	_ =	shalt  }
0x54: {  	_ =	shalt  }
0x55: {  	_ =	shalt  }
0x56: {  	_ =	shalt  }
0x57: {  	_ =	shalt  }
0x58: {  	_ =	shalt  }
0x59: {  	_ =	shalt  }
0x5a: {  	_ =	shalt  }
0x5b: {  	_ =	shalt  }
0x5c: {  	_ =	shalt  }
0x5d: {  	_ =	shalt  }
0x5e: {  	_ =	shalt  }
0x5f: {  	_ =	shalt  }
0x60: {  	_ =	shalt  }
0x61: {  	_ =	shalt  }
0x62: {  	_ =	shalt  }
0x63: {  	_ =	shalt  }
0x64: {  	_ =	shalt  }
0x65: {  	_ =	shalt  }
0x66: {  	_ =	shalt  }
0x67: {  	_ =	shalt  }
0x68: {  	_ =	shalt  }
0x69: {  	_ =	shalt  }
0x6a: {  	_ =	shalt  }
0x6b: {  	_ =	shalt  }
0x6c: {  	_ =	shalt  }
0x6d: {  	_ =	shalt  }
0x6e: {  	_ =	shalt  }
0x6f: {  	_ =	shalt  }
0x70: {  	_ =	shalt  }
0x71: {  	_ =	shalt  }
0x72: {  	_ =	shalt  }
0x73: {  	_ =	shalt  }
0x74: {  	_ =	shalt  }
0x75: {  	_ =	shalt  }
0x76: {  	_ =	shalt  }
0x77: {  	_ =	shalt  }
0x78: {  	_ =	shalt  }
0x79: {  	_ =	shalt  }
0x7a: {  	_ =	shalt  }
0x7b: {  	_ =	shalt  }
0x7c: {  	_ =	shalt  }
0x7d: {  	_ =	shalt  }
0x7e: {  	_ =	shalt  }
0x7f: {  	_ =	shalt  }
0x80: {  	_ =	shalt  }
0x81: {  	_ =	shalt  }
0x82: {  	_ =	shalt  }
0x83: {  	_ =	shalt  }
0x84: {  	_ =	shalt  }
0x85: {  	_ =	shalt  }
0x86: {  	_ =	shalt  }
0x87: {  	_ =	shalt  }
.Lfunc_end0:
.L_simem_size_0:
called_computation_lowered:
.L_overlay_start_0:
0x88: {  	s2 =	sld [smem:$0x3FD9]  }
0x89: {  	s3 =	sld [smem:$0x3FFE];
	_ =	sdelay $0x1  }
0x8a: {  	s1 =	srdreg.scid  }
0x8b: {  	s0 =	sand.u32 $0x1, s1  }
0x8c: {  	s17 =	sshll.u32 s0, $0xA;
	s2 =	sadd.s32 s3, s2  }
0x8d: {  	s2 =	sadd.s32 s2, s17  }
0x8e: {  	[smem:$0x3FC5] =	sst s2  }
0x8f: {  	_ = 	snop  }
0x90: {  	s2 =	sld [smem:$0x3FC9]  }
0x91: {  	s18 =	sld [smem:$0x3FC8]  }
0x92: {  	s4 =	sld [smem:$0x3FD0];
	(tm) =	ssettm $0x1  }
0x93: {  	s5 =	sld [smem:$0x3FFB];
	_ =	sdelay $0x3  }
0x94: {  	_ =	strace s5  }
0x95: {  	s5 =	sld [smem:$0x3FFC];
	_ =	sdelay $0x3  }
0x96: {  	_ =	strace s5  }
0x97: {  	s5 =	sld [smem:$0x3FFD];
	_ =	sdelay $0x3  }
0x98: {  	_ =	strace s5  }
0x99: {  	_ =	strace $0x8FFFFFFF  }
0x9a: {  	s19 =	sld [smem:$0x3FDB];
	_ =	sdelay $0x1  }
0x9b: {  	s6 =	simm.s32 $_scs_section_size  }
0x9c: {  	s7 =	simm.s32 $_size__tile_overlayer_lowered;
	s8 =	simm.s32 $_tile_overlayer_lowered  }
0x9d: {  	s22 =	simm.s32 $0x1BFF;
	s21 =	sshll.u32 s8, $0x1;
	s5 =	sadd.s32 s6, s19  }
0x9e: {  	s9 =	simm.s32 $0x0;
	s20 =	sshll.u32 s7, $0x1;
	s7 =	sadd.s32 s21, s5  }
0x9f: {  	[timem:s9], [sflag:s22] =	dma.local [hbm:s7], s20  }
0xa0: {  	_ =	swait.ge [sflag:s22], s20  }
0xa1: {  	s6 =	ssub.s32 $0x0, s20;
	[sflag:s22] =	ssyncset.done $0x0  }
0xa2: {  	[sflag:s22] =	ssyncadd.s32 s6;
	_ =	sdelay $0x1  }
0xa3: {  	s23 =	simm.s32 $0x1B8B  }
0xa4: {  	_ =	swait.ge [sflag:s23], $0x1  }
0xa5: {  	[sflag:s23] =	ssyncset.done $0x0  }
0xa6: {  	s25 =	simm.s32 $0x1B8E;
	s24 =	sld [smem:$0x3FFE];
	[sflag:s23] =	ssyncadd.s32 $0xFFFFFFFF  }
0xa7: {  	s26 =	simm.s32 $execute0_lowered;
	[smem:$0x3FD2] =	sst s25  }
0xa8: {  	s7 =	sshll.u32 s26, $0x1;
	_ =	strace $0x80000046;
	[dreg:$0x1] =	wrdreg $0xFFFFFFFF  }
0xa9: {  	s28 =	simm.s32 $_size_execute0_lowered;
	s5 =	sadd.s32 s5, s7;
	[dreg:$0x0] =	wrdreg $0x0  }
0xaa: {  	s7 =	sshll.u32 s28, $0x1;
	[dreg:$0x2] =	wrdreg s5  }
0xab: {  	[dreg:$0x3] =	wrdreg s7  }
0xac: {  	[dreg:$0x4] =	wrdreg $0xC0  }
0xad: {  	_ =	task [dreg:s9], $0x5FFFF  }
0xae: {  	[dreg:$0x1] =	wrdreg $0xFFFFFFFF  }
0xaf: {  	[dreg:$0x0] =	wrdreg $0x60  }
0xb0: {  	[dreg:$0x2] =	wrdreg s2  }
0xb1: {  	[dreg:$0x3] =	wrdreg s18  }
0xb2: {  	[dreg:$0x4] =	wrdreg s24  }
0xb3: {  	[dreg:$0x5] =	wrdreg s4  }
0xb4: {  	[dreg:$0x6] =	wrdreg $0x9  }
0xb5: {  	_ =	task.clear_ibuf [dreg:s9], $0x7FFFF;
	_ =	strace $0x90000046  }
0xb6: {  	s29 =	simm.s32 $0x9;
	_ =	strace $0x80000048  }
0xb7: {  	_ =	swait.ge [sflag:s29], $0x1  }
0xb8: {  	[sflag:s29] =	ssyncadd.s32 $0xFFFFFFFF  }
0xb9: {  	_ =	strace $0x90000048  }
0xba: {  	_ =	sfence  }
0xbb: {  	s30 =	sld [smem:$0x0];
	_ =	sdelay $0x2  }
0xbc: {  	s31 =	sshll.u32 s1, $0xD;
	s1 =	sshrl.u32 s1, $0x2  }
0xbd: {  	s3 =	sand.u32 $0x4000, s31;
	s1 =	sadd.s32 s1, s30  }
0xbe: {  	s0 =	sor.u32 s3, s0;
	s1 =	sshll.u32 s1, $0x11  }
0xbf: {  	s0 =	sor.u32 s1, s0  }
0xc0: {  	s0 =	sadd.s32 $0x8F2B, s0  }
0xc1: {  	[sflag:s0] =	ssyncadd.remote.s32 $0x1  }
0xc2: {  	_ =	sfence.sel $0xFFFF  }
0xc3: {  	[dreg:$0x0] =	wrdreg $0xFFFFFFFF;
	(pc) =	sbr.abs _section_cstart, $3  }
0xc4: {  	[dreg:$0x1] =	wrdreg $0xFFFFFFFF  }
0xc5: {  	_ =	task.clear_ibuf [dreg:s9], $0x2FFFF;
	_ =	strace $0x9FFFFFFF  }
0xc6: {  	(tm) =	ssettm $0x7FFFFFFF  }
0xc7: {  	_ =	shalt  }
tec
execute0_lowered:
.L_overlay_start_1:
0x0: {  	(tag) =	ssettag $0x1  }
0x1: {  	s0 =	rddreg [dreg:$0x1]  }
0x2: {  	s1 =	rddreg [dreg:$0x2]  }
0x3: {  	s7 =	rddreg [dreg:$0x3];
	s8 =	simm.s32 $0x0  }
0x4: {  	[smem:$0x7FF] =	sst s8;
	s1 =	sadd.s32 $0x400, s1  }
0x5: {  	s11 =	sadd.s32 $0x1000, s7;
	_ =	strace $0x80000047;
	[smem:$0x7CD] =	sst s1  }
0x6: {  	s13 =	sadd.s32 $0x2000, s7;
	[smem:$0x7D1] =	sst s11  }
0x7: {  	s15 =	sadd.s32 $0x3000, s7;
	[smem:$0x7D3] =	sst s13  }
0x8: {  	s17 =	sadd.s32 $0x4000, s7;
	[smem:$0x7D5] =	sst s15  }
0x9: {  	s2 =	srdreg.scid;
	s19 =	sadd.s32 $0x5000, s7;
	[smem:$0x7D7] =	sst s17  }
0xa: {  	s4 =	stileid.u32;
	s21 =	sadd.s32 $0x6000, s7;
	[smem:$0x7D9] =	sst s19  }
0xb: {  	s2 =	sand.u32 $0x1, s2;
	s24 =	sadd.s32 $0x7000, s7;
	[smem:$0x7DB] =	sst s21  }
0xc: {  	s3 =	sshll.u32 s4, $0x1;
	s26 =	sadd.s32 $0x8000, s7;
	[smem:$0x7DE] =	sst s24  }
0xd: {  	s29 =	sadd.s32 $0x9000, s7;
	s30 =	sor.u32 s2, s3;
	[smem:$0x7E0] =	sst s26  }
0xe: {  	s3 =	sshrl.u32 s4, $0x2;
	[smem:$0x7E2] =	sst s29;
	s11 =	sadd.s32 $0xC000, s7  }
0xf: {  	s13 =	sadd.s32 $0xD000, s7;
	s15 =	sadd.s32 $0xE000, s7;
	[smem:$0x7E8] =	sst s11  }
0x10: {  	s17 =	sadd.s32 $0xF000, s7;
	s31 =	sshll.u32 s30, $0x1;
	[smem:$0x7EA] =	sst s13  }
0x11: {  	s5 =	sshll.u32 s3, $0x4;
	s1 =	sshll.u32 s30, $0x11;
	[smem:$0x7EC] =	sst s15  }
0x12: {  	[smem:$0x7EE] =	sst s17;
	s4 =	ssub.s32 s31, s5;
	s31 =	sadd.s32 $0xA000, s7  }
0x13: {  	s0 =	sadd.s32 s0, s1;
	[smem:$0x7E4] =	sst s31  }
0x14: {  	s1 =	sadd.s32 $0x1000, s0;
	[smem:$0x7FC] =	sst s0  }
0x15: {  	s9 =	sadd.s32 $0x2000, s0;
	[smem:$0x7CE] =	sst s1  }
0x16: {  	s10 =	sadd.s32 $0x3000, s0;
	[smem:$0x7CF] =	sst s9  }
0x17: {  	s12 =	sadd.s32 $0x4000, s0;
	[smem:$0x7D0] =	sst s10  }
0x18: {  	s14 =	sadd.s32 $0x5000, s0;
	[smem:$0x7D2] =	sst s12  }
0x19: {  	s2 =	ssub.s32 $0x2, s2;
	s16 =	sadd.s32 $0x6000, s0;
	[smem:$0x7D4] =	sst s14  }
0x1a: {  	s6 =	sshrl.u32 s2, $0x1;
	s18 =	sadd.s32 $0x7000, s0;
	[smem:$0x7D6] =	sst s16  }
0x1b: {  	s2 =	ssub.s32 s2, s6;
	s20 =	sadd.s32 $0x8000, s0;
	[smem:$0x7D8] =	sst s18  }
0x1c: {  	s22 =	smax.u32 s2, $0x1;
	[smem:$0x7DA] =	sst s20  }
0x1d: {  	s23 =	sadd.s32 $0x9000, s0;
	[smem:$0x7DC] =	sst s22  }
0x1e: {  	s25 =	sadd.s32 $0xA000, s0;
	[smem:$0x7DD] =	sst s23  }
0x1f: {  	s28 =	sadd.s32 $0xB000, s0;
	[smem:$0x7DF] =	sst s25  }
0x20: {  	s30 =	sadd.s32 $0xC000, s0;
	[smem:$0x7E1] =	sst s28  }
0x21: {  	s2 =	sadd.s32 $0xD000, s0;
	[smem:$0x7E3] =	sst s30  }
0x22: {  	s19 =	sadd.s32 $0x13000, s0;
	[smem:$0x7E5] =	sst s2  }
0x23: {  	s21 =	sadd.s32 $0x15000, s0;
	[smem:$0x7F0] =	sst s19  }
0x24: {  	s24 =	sadd.s32 $0x18000, s0;
	[smem:$0x7F2] =	sst s21  }
0x25: {  	s26 =	sadd.s32 $0x1A000, s0;
	[smem:$0x7F5] =	sst s24  }
0x26: {  	v0 =	vlaneseq.u32;
	s29 =	sadd.s32 $0x1C000, s0;
	[smem:$0x7F7] =	sst s26  }
0x27: {  	vm4 =	vcmask $0x300;
	vm5 =	vcmask $0x704;
	vm6 =	vcmask $0xB08;
	s31 =	sadd.s32 $0x1E000, s0;
	[smem:$0x7F9] =	sst s29  }
0x28: {  	vm7 =	vcmask $0xF0C;
	vm8 =	vcmask $0x1310;
	vm9 =	vcmask $0x1714;
	s9 =	sadd.s32 $0xB000, s7;
	[smem:$0x7FB] =	sst s31  }
0x29: {  	vm10 =	vcmask $0x1B18;
	vm11 =	vcmask $0x1F1C;
	vm12 =	vcmask $0x2320;
	s10 =	sadd.s32 $0xE000, s0;
	[smem:$0x7E6] =	sst s9  }
0x2a: {  	vm13 =	vcmask $0x2724;
	vm14 =	vcmask $0x2B28;
	v1 =	vmul.u32 $0x4, v0;
	s12 =	sadd.s32 $0xF000, s0;
	[smem:$0x7E7] =	sst s10  }
0x2b: {  	vm15 =	vcmask $0x2F2C;
	vm1 =	vcmask $0x3330;
	vm2 =	vcmask $0x3734;
	s14 =	sadd.s32 $0x10000, s0;
	[smem:$0x7E9] =	sst s12  }
0x2c: {  	vm3 =	vcmask $0x3B38;
	v7 =	vmov s3;
	v9 =	vor.u32 $0x40, v1;
	s16 =	sadd.s32 $0x11000, s0;
	[smem:$0x7EB] =	sst s14  }
0x2d: {  	v10 =	vor.u32 $0x42, v1;
	v11 =	vor.u32 $0x80, v1;
	v8 =	vmov s4;
	s18 =	sadd.s32 $0x12000, s0;
	[smem:$0x7ED] =	sst s16  }
0x2e: {  	v12 =	vor.u32 $0x82, v1;
	s20 =	sadd.s32 $0x14000, s0;
	vm0 =	veq.s32 v8, v0;
	v8 =	vimm.s32 $0x0;
	[smem:$0x7EF] =	sst s18  }
0x2f: {  	v13 =	vor.u32 $0xC0, v1;
	v14 =	vor.u32 $0xC2, v1;
	s22 =	sadd.s32 $0x16000, s0;
	[smem:$0x7F1] =	sst s20;
	v8 =	vsel vm0, $0xFFFFFFFF, v8  }
0x30: {  	v2 =	vmov s5;
	s6 =	sor.u32 $0x1, s4;
	s23 =	sadd.s32 $0x17000, s0;
	[smem:$0x7F3] =	sst s22;
	vm0 =	veq.s32 v7, $0x0;
	[tilespmem:$0x1FFC0] =	vst v8;
	v8 =	vimm.s32 $0x0  }
.Ltmp0:
0x31: {  	v3 =	vshll.u32 v2, $0x2;
	v2 =	vmov s6;
	s25 =	sadd.s32 $0x19000, s0;
	[smem:$0x7F4] =	sst s23;
	v8 =	vsel vm0, $0xFFFFFFFF, v8;
	(pc) =	sbr.rel .LBB2_1-.Ltmp0, $4  }
0x32: {  	v3 =	vor.u32 v1, v3;
	s28 =	sadd.s32 $0x1B000, s0;
	[smem:$0x7F6] =	sst s25;
	vm0 =	veq.s32 v7, $0x1;
	[tilespmem:$0x1FFD0] =	vst v8;
	v8 =	vimm.s32 $0x0  }
0x33: {  	s30 =	sadd.s32 $0x1D000, s0;
	[smem:$0x7F8] =	sst s28;
	v8 =	vsel vm0, $0xFFFFFFFF, v8;
	vm0 =	veq.s32 v7, $0x2;
	v7 =	vimm.s32 $0x0  }
0x34: {  	s0 =	sadd.s32 $0x1F000, s0;
	v4 =	vor.u32 $0x1, v3;
	v5 =	vor.u32 $0x2, v3;
	[smem:$0x7FA] =	sst s30;
	[tilespmem:$0x1FFE0] =	vst v8;
	v7 =	vsel vm0, $0xFFFFFFFF, v7  }
0x35: {  	s5 =	simm.s32 $0x0;
	v6 =	vor.u32 $0x3, v3;
	[smem:$0x7FD] =	sst s0;
	v8 =	vimm.s32 $0x0;
	[tilespmem:$0x1FFF0] =	vst v7;
	v7 =	vor.u32 $0x2, v1  }
.LBB2_9:
0x36: {  	s0 =	sld [smem:$0x7DC];
	_ =	sdelay $0x1  }
0x37: {  	s5 =	sadd.s32 $0x1, s5  }
0x38: {  	p0 =	sne.s32 s5, s0  }
.Ltmp1:
0x39: {  	_ = 	snop;
	(pc) =	sbr.rel @!p0 .LBB2_10-.Ltmp1, $1  }
0x3a: {  	_ =	sdelay $0x3  }
.LBB2_1:
0x3b: {  	s0 =	sld [smem:$0x7CD];
	_ =	sdelay $0x1  }
0x3c: {  	[smem:$0x781] =	sst s5;
	s11 =	simm.s32 $0x9  }
0x3d: {  	[tilespmem:s8], [sflag:$0x9] =	stream.linear.gather [hbm4b:s0+s8], $0x100, $0x38;
	[tilespmem:$0x1D100] =	vst v63  }
0x3e: {  	_ =	swait.ge [sflag:s11], $0x100  }
0x3f: {  	[sflag:s11] =	ssyncset.done $0x0  }
0x40: {  	[sflag:s11] =	ssyncadd.s32 $0xFFFFFF00  }
0x41: {  	v15 =	vld.idx.msk [tilespmem:v1+s8+$0x0], $0xffff  }
0x42: {  	v16 =	vld.idx.msk [tilespmem:v7+s8+$0x0], $0xffff;
	_ =	sdelay $0x1  }
0x43: {  	v17 =	vld.idx.msk [tilespmem:v9+s8+$0x0], $0xffff  }
0x44: {  	v18 =	vld.idx.msk [tilespmem:v10+s8+$0x0], $0xffff;
	_ =	sdelay $0x1  }
0x45: {  	v19 =	vld.idx.msk [tilespmem:v11+s8+$0x0], $0xffff;
	v15 =	vor.u32 v15, v16  }
0x46: {  	v20 =	vld.idx.msk [tilespmem:v12+s8+$0x0], $0xffff;
	v16 =	vimm.s32 $0x0;
	vm0 =	vne.s32 v15, $0x0  }
0x47: {  	v16 =	vsel vm0, $0xFFFFFFFF, v16  }
0x48: {  	v21 =	vld.idx.msk [tilespmem:v13+s8+$0x0], $0xffff;
	[tilespmem:$0x1FFB0] =	vst v16;
	v16 =	vor.u32 v17, v18  }
0x49: {  	v22 =	vld.idx.msk [tilespmem:v14+s8+$0x0], $0xffff;
	v17 =	vsel vm0, $0x1, v8;
	v18 =	vimm.s32 $0x0;
	vm0 =	vne.s32 v16, $0x0  }
0x4a: {  	v18 =	vsel vm0, $0xFFFFFFFF, v18  }
0x4b: {  	[tilespmem:$0x1FF50] =	vst v18;
	v18 =	vor.u32 v19, v20  }
0x4c: {  	v19 =	vsel vm0, $0x1, v8;
	v20 =	vimm.s32 $0x0;
	vm0 =	vne.s32 v18, $0x0  }
0x4d: {  	v20 =	vsel vm0, $0xFFFFFFFF, v20  }
0x4e: {  	[tilespmem:$0x1FF90] =	vst v20;
	v20 =	vor.u32 v21, v22  }
0x4f: {  	v21 =	vsel vm0, $0x1, v8;
	v22 =	vimm.s32 $0x0;
	vm0 =	vne.s32 v20, $0x0  }
0x50: {  	(xrf0) =	vadd.scan.msk.s32 $0xffff, v17;
	v22 =	vsel vm0, $0xFFFFFFFF, v22  }
0x51: {  	(xrf0) =	vadd.scan.msk.s32 $0xffff, v19;
	v19 =	vsel vm0, $0x1, v8;
	vm0 =	veq.s32 v15, $0x0;
	v15 =	vimm.s32 $0x0  }
0x52: {  	v15 =	vsel vm0, $0xFFFFFFFF, v15  }
0x53: {  	vm0 =	veq.s32 v16, $0x0;
	[tilespmem:$0x1FF60] =	vst v15;
	v15 =	vimm.s32 $0x0  }
0x54: {  	v15 =	vsel vm0, $0xFFFFFFFF, v15  }
0x55: {  	[tilespmem:$0x1FF40] =	vst v15;
	v15 =	vld [tilespmem:$0x1FF60];
	_ =	sdelay $0x4  }
0x56: {  	(xrf0) =	vadd.scan.msk.s32 $0xffff, v21;
	vm0 =	vnez.u8 v15  }
0x57: {  	(xrf0) =	vadd.scan.msk.s32 $0xffff, v19;
	v15 =	vsel vm0, $0x1, v8  }
0x58: {  	v24, _, _ =	vpop (xrf0);
	(xrf0) =	vadd.scan.msk.s32 $0xffff, v15;
	v15 =	vld [tilespmem:$0x1FF40];
	_ =	sdelay $0x3  }
0x59: {  	v16 =	vimm.s32 $0x0;
	vm0 =	veq.s32 v18, $0x0  }
0x5a: {  	v16 =	vsel vm0, $0xFFFFFFFF, v16;
	vm0 =	vnez.u8 v15  }
0x5b: {  	[tilespmem:$0x1FF70] =	vst v16;
	v15 =	vsel vm0, $0x1, v8  }
0x5c: {  	v25, _, _ =	vpop (xrf0);
	(xrf0) =	vadd.scan.msk.s32 $0xffff, v15;
	v15 =	vld [tilespmem:$0x1FF70];
	_ =	sdelay $0x3  }
0x5d: {  	v16 =	vimm.s32 $0x0;
	vm0 =	veq.s32 v20, $0x0  }
0x5e: {  	v16 =	vsel vm0, $0xFFFFFFFF, v16;
	vm0 =	vnez.u8 v15  }
0x5f: {  	[tilespmem:$0x1FF80] =	vst v16;
	v15 =	vsel vm0, $0x1, v8  }
0x60: {  	v26, _, _ =	vpop (xrf0);
	(xrf0) =	vadd.scan.msk.s32 $0xffff, v15;
	v15 =	vld [tilespmem:$0x1FF80];
	_ =	sdelay $0x4  }
0x61: {  	vm0 =	vnez.u8 v15  }
0x62: {  	v15 =	vsel vm0, $0x1, v8  }
0x63: {  	v27, _, _ =	vpop (xrf0);
	(xrf0) =	vadd.scan.msk.s32 $0xffff, v15;
	v15 =	vld [tilespmem:$0x1FFC0]  }
0x64: {  	v23 =	vld.idx.msk [tilespmem:v3+s8+$0x0], $0xffff  }
0x65: {  	v21 =	vld.idx.msk [tilespmem:v4+s8+$0x0], $0xffff  }
0x66: {  	(v2sf) =	vpush v24, $0xF;
	[tilespmem:$0x1FFA0] =	vst v22;
	v22 =	vld.idx.msk [tilespmem:v5+s8+$0x0], $0xffff  }
0x67: {  	v19 =	vld.idx.msk [tilespmem:v6+s8+$0x0], $0xffff;
	(v2sf) =	vpush v25, $0xF  }
0x68: {  	(v2sf) =	vpush v26, $0xF;
	vm0 =	vnez.u8 v15  }
0x69: {  	(v2sf) =	vpush v27, $0xF;
	v15 =	vnsel vm0, $0x0, v23  }
0x6a: {  	(xrf0) =	vadd.scan.msk.s32 $0xffff, v15;
	v15 =	vnsel vm0, $0x0, v21  }
0x6b: {  	(xrf0) =	vadd.scan.msk.s32 $0xffff, v15;
	v15 =	vnsel vm0, $0x0, v22  }
0x6c: {  	v16, _, _ =	vpop (xrf0);
	(xrf0) =	vadd.scan.msk.s32 $0xffff, v15;
	v15 =	vnsel vm0, $0x0, v19;
	_ =	sdelay $0x1  }
0x6d: {  	v18, _, _ =	vpop (xrf0)  }
0x6e: {  	(xrf0) =	vadd.scan.msk.s32 $0xffff, v15;
	v15, _, _ =	vpop (xrf0)  }
0x6f: {  	v20, _, _ =	vpop (xrf0)  }
0x70: {  	v28, _, _ =	vpop (xrf0)  }
0x71: {  	v29, _, _ =	vpop (xrf0);
	(v2sf) =	vpush v28, $0xF  }
0x72: {  	(v2sf) =	vpush v29, $0xF;
	v29 =	vld [tilespmem:$0x1FF40]  }
0x73: {  	v31 =	vld [tilespmem:$0x1FF50]  }
0x74: {  	s12 =	spop (v2sf)  }
0x75: {  	s1 =	spop (v2sf)  }
0x76: {  	s1 =	sadd.s32 s12, s1;
	s2 =	spop (v2sf)  }
0x77: {  	s4 =	sadd.s32 s1, s2;
	s3 =	spop (v2sf);
	vm0 =	vnez.u8 v29  }
0x78: {  	v30 =	vbroadcast v24, $0xF;
	s13 =	sadd.s32 s4, s3;
	v29 =	vsel vm0, $0xFFFFFFFF, v8;
	vm0 =	vnez.u8 v31  }
0x79: {  	s0 =	ssub.s32 s13, s12;
	v31 =	vsel vm0, $0xFFFFFFFF, v8  }
0x7a: {  	s0 =	sadd.s32 $0x10, s0;
	v18 =	vadd.s32 v29, v18;
	v29 =	vadd.s32 v31, v30  }
0x7b: {  	v28, _, _ =	vpop (xrf0);
	v18 =	vadd.s32 s0, v18;
	v25 =	vadd.s32 v25, v29  }
0x7c: {  	(v2sf) =	vpush v28, $0xF;
	v28, _, _ =	vpop (xrf0);
	v18 =	vsel vm0, v25, v18;
	v25 =	vld [tilespmem:$0x1FF60]  }
0x7d: {  	(v2sf) =	vpush v28, $0xF;
	v28 =	vld [tilespmem:$0x1FF70];
	_ =	sdelay $0x3  }
0x7e: {  	vm0 =	vnez.u8 v25  }
0x7f: {  	v29 =	vld [tilespmem:$0x1FF80];
	v25 =	vsel vm0, $0xFFFFFFFF, v8;
	vm0 =	vnez.u8 v28  }
0x80: {  	v30 =	vld [tilespmem:$0x1FF90];
	v28 =	vsel vm0, $0xFFFFFFFF, v8  }
0x81: {  	v15 =	vadd.s32 v28, v15;
	v28 =	vld [tilespmem:$0x1FFA0];
	_ =	sdelay $0x2  }
0x82: {  	vm0 =	vnez.u8 v29  }
0x83: {  	v29 =	vsel vm0, $0xFFFFFFFF, v8;
	vm0 =	vnez.u8 v30  }
0x84: {  	v30 =	vsel vm0, $0xFFFFFFFF, v8;
	vm0 =	vnez.u8 v28  }
0x85: {  	v28 =	vsel vm0, $0xFFFFFFFF, v8  }
0x86: {  	v27 =	vadd.s32 v28, v27;
	v28 =	vld [tilespmem:$0x1FF90];
	_ =	sdelay $0x2  }
0x87: {  	s14 =	sadd.s32 s2, s3  }
0x88: {  	s0 =	sadd.s32 $0x20, s14;
	v26 =	vadd.s32 v30, v26  }
0x89: {  	v15 =	vadd.s32 s0, v15;
	v26 =	vadd.s32 s1, v26;
	vm0 =	vnez.u8 v28  }
0x8a: {  	v15 =	vsel vm0, v26, v15;
	v26 =	vld [tilespmem:$0x1FFA0]  }
0x8b: {  	v17 =	vsub.s32 v24, v17;
	v24 =	vld [tilespmem:$0x1FFF0];
	_ =	sdelay $0x2  }
0x8c: {  	s15 =	sadd.s32 $0x30, s3;
	v20 =	vadd.s32 v29, v20  }
0x8d: {  	v20 =	vadd.s32 s15, v20;
	v27 =	vadd.s32 s4, v27;
	vm0 =	vnez.u8 v26  }
0x8e: {  	v20 =	vsel vm0, v27, v20;
	vm0 =	vnez.u8 v24  }
0x8f: {  	v15 =	vsel vm0, v15, v20;
	v20 =	vld [tilespmem:$0x1FFB0];
	_ =	sdelay $0x3  }
0x90: {  	v16 =	vadd.s32 v25, v16  }
0x91: {  	v16 =	vadd.s32 s13, v16;
	vm0 =	vnez.u8 v20  }
0x92: {  	v16 =	vsel vm0, v17, v16;
	v17 =	vld [tilespmem:$0x1FFE0];
	_ =	sdelay $0x4  }
0x93: {  	vm0 =	vnez.u8 v17;
	v17 =	vld [tilespmem:$0x1FFD0];
	_ =	sdelay $0x4  }
0x94: {  	v15 =	vsel vm0, v18, v15;
	vm0 =	vnez.u8 v17  }
0x95: {  	v20 =	vsel vm0, v16, v15;
	v15 =	vld [tilespmem:$0x1FFC0];
	_ =	sdelay $0x4  }
0x96: {  	vm0 =	vnez.u8 v15  }
0x97: {  	v15 =	vnsel vm0, $0x0, v20  }
0x98: {  	(xrf0) =	vadd.scan.msk.s32 $0xffff, v15  }
0x99: {  	s16 =	spop (v2sf)  }
0x9a: {  	s17 =	spop (v2sf)  }
0x9b: {  	s18 =	spop (v2sf)  }
0x9c: {  	s19 =	spop (v2sf);
	s0 =	ssub.s32 s18, s16  }
0x9d: {  	s5 =	ssub.s32 s19, s17;
	p0 =	sgt.s32 s0, $0x1  }
0x9e: {  	s1 =	smul.u32 s0, s5;
	s0 =	simm.s32 @!p0 $0x1;
	v15, _, _ =	vpop (xrf0)  }
0x9f: {  	v25 =	vmov s0;
	(v2sf) =	vpush v15, $0xF  }
0xa0: {  	(v2sf) =	vpush v25, $0xE  }
0xa1: {  	(v2sf) =	vpush v25, $0xD  }
0xa2: {  	(v2sf) =	vpush v25, $0xC  }
0xa3: {  	(v2sf) =	vpush v25, $0xB  }
0xa4: {  	(v2sf) =	vpush v25, $0xA  }
0xa5: {  	(v2sf) =	vpush v25, $0x9  }
0xa6: {  	(v2sf) =	vpush v25, $0x8  }
0xa7: {  	(v2sf) =	vpush v25, $0x7  }
0xa8: {  	(v2sf) =	vpush v25, $0x6  }
0xa9: {  	(v2sf) =	vpush v25, $0x5  }
0xaa: {  	(v2sf) =	vpush v25, $0x4  }
0xab: {  	(v2sf) =	vpush v25, $0x3  }
0xac: {  	(v2sf) =	vpush v25, $0x2  }
0xad: {  	(v2sf) =	vpush v25, $0x1  }
0xae: {  	s20 =	spop (v2sf);
	(v2sf) =	vpush v25, $0x0  }
0xaf: {  	s2 =	spop (v2sf)  }
0xb0: {  	v24 =	vor.u32 s8, v0;
	(v2sf) =	vpush v25, $0xF;
	s18 =	spop (v2sf)  }
0xb1: {  	(v2sf) =	vpush v24, $0xE;
	s3 =	spop (v2sf)  }
0xb2: {  	(v2sf) =	vpush v24, $0xD;
	s4 =	spop (v2sf)  }
0xb3: {  	(v2sf) =	vpush v24, $0xC;
	s13 =	spop (v2sf)  }
0xb4: {  	[smem:$0x786] =	sst s17;
	(v2sf) =	vpush v24, $0xB;
	s17 =	spop (v2sf)  }
0xb5: {  	(v2sf) =	vpush v24, $0xA;
	s23 =	spop (v2sf)  }
0xb6: {  	(v2sf) =	vpush v24, $0x9;
	s24 =	spop (v2sf)  }
0xb7: {  	[smem:$0x787] =	sst s16;
	(v2sf) =	vpush v24, $0xF;
	s0 =	spop (v2sf)  }
0xb8: {  	[smem:$0x7C5] =	sst s1;
	(v2sf) =	vpush v24, $0x0;
	s1 =	spop (v2sf)  }
0xb9: {  	[smem:$0x788] =	sst s20;
	(v2sf) =	vpush v24, $0x1;
	s19 =	spop (v2sf)  }
0xba: {  	[smem:$0x785] =	sst s0;
	(v2sf) =	vpush v24, $0x2;
	s20 =	spop (v2sf)  }
0xbb: {  	[smem:$0x784] =	sst s1;
	(v2sf) =	vpush v24, $0x3;
	s29 =	spop (v2sf)  }
0xbc: {  	[smem:$0x783] =	sst s19;
	(v2sf) =	vpush v24, $0x4;
	s16 =	spop (v2sf)  }
0xbd: {  	[smem:$0x782] =	sst s20;
	(v2sf) =	vpush v24, $0x5;
	s9 =	spop (v2sf)  }
0xbe: {  	(v2sf) =	vpush v24, $0x6  }
0xbf: {  	s12 =	spop (v2sf);
	(v2sf) =	vpush v24, $0x7  }
0xc0: {  	(v2sf) =	vpush v24, $0x8;
	s6 =	spop (v2sf)  }
0xc1: {  	s7 =	spop (v2sf)  }
0xc2: {  	s8 =	spop (v2sf)  }
0xc3: {  	s10 =	spop (v2sf)  }
0xc4: {  	s11 =	spop (v2sf)  }
0xc5: {  	s14 =	spop (v2sf)  }
0xc6: {  	s15 =	spop (v2sf)  }
0xc7: {  	(drf) =	sdiv.u32 s15, s12;
	s21 =	spop (v2sf)  }
0xc8: {  	(drf) =	sdiv.u32 s21, s9;
	s22 =	spop (v2sf)  }
0xc9: {  	(drf) =	sdiv.u32 s22, s16;
	s25 =	spop (v2sf)  }
0xca: {  	(drf) =	sdiv.u32 s25, s29;
	s26 =	spop (v2sf)  }
0xcb: {  	(drf) =	sdiv.u32 s26, s20;
	s31 =	spop (v2sf)  }
0xcc: {  	(drf) =	sdiv.u32 s31, s19;
	s19 =	spop (v2sf)  }
0xcd: {  	(drf) =	sdiv.u32 s19, s1;
	s20 =	spop (v2sf)  }
0xce: {  	(drf) =	sdiv.u32 s20, s0;
	s21 =	spop (v2sf)  }
0xcf: {  	p0 =	sgt.s32 s5, $0x1;
	(drf) =	sdiv.u32 s21, s24;
	s22 =	spop (v2sf)  }
0xd0: {  	s5 =	simm.s32 @!p0 $0x1;
	(drf) =	sdiv.u32 s22, s23;
	s25 =	spop (drf)  }
0xd1: {  	v26 =	vmov s5;
	v15 =	vmov s25;
	(drf) =	sdiv.u32 s14, s17;
	s26 =	spop (drf)  }
0xd2: {  	(v2sf) =	vpush v26, $0xE;
	v15 =	vsel vm4, s26, v15;
	s31 =	spop (drf);
	(drf) =	sdiv.u32 s11, s13  }
0xd3: {  	(v2sf) =	vpush v26, $0xD;
	v15 =	vsel vm5, s31, v15;
	s0 =	spop (drf);
	(drf) =	sdiv.u32 s10, s4  }
0xd4: {  	(v2sf) =	vpush v26, $0xC;
	v15 =	vsel vm6, s0, v15;
	s1 =	spop (drf);
	(drf) =	sdiv.u32 s8, s3  }
0xd5: {  	(v2sf) =	vpush v26, $0xB;
	v15 =	vsel vm7, s1, v15;
	s8 =	spop (drf);
	(drf) =	sdiv.u32 s7, s18  }
0xd6: {  	(v2sf) =	vpush v26, $0xA;
	v15 =	vsel vm8, s8, v15;
	s10 =	spop (drf);
	(drf) =	sdiv.u32 s6, s2  }
0xd7: {  	(v2sf) =	vpush v26, $0x9;
	v15 =	vsel vm9, s10, v15;
	s11 =	spop (drf)  }
0xd8: {  	(v2sf) =	vpush v26, $0x8;
	v15 =	vsel vm10, s11, v15;
	s14 =	spop (drf)  }
0xd9: {  	(v2sf) =	vpush v26, $0x7;
	v15 =	vsel vm11, s14, v15;
	s15 =	spop (drf)  }
0xda: {  	(v2sf) =	vpush v26, $0x6;
	v15 =	vsel vm12, s15, v15;
	s19 =	spop (drf)  }
0xdb: {  	(v2sf) =	vpush v26, $0x5;
	v15 =	vsel vm13, s19, v15;
	s20 =	spop (drf)  }
0xdc: {  	(v2sf) =	vpush v26, $0x4;
	v15 =	vsel vm14, s20, v15;
	s21 =	spop (drf)  }
0xdd: {  	(v2sf) =	vpush v26, $0x3;
	v15 =	vsel vm15, s21, v15;
	s22 =	spop (drf)  }
0xde: {  	(v2sf) =	vpush v26, $0x2;
	v15 =	vsel vm1, s22, v15;
	s25 =	spop (drf)  }
0xdf: {  	(v2sf) =	vpush v26, $0x1;
	v15 =	vsel vm2, s25, v15;
	s26 =	spop (drf)  }
0xe0: {  	(v2sf) =	vpush v26, $0x0;
	v27 =	vsel vm3, s26, v15  }
0xe1: {  	(v2sf) =	vpush v26, $0xF;
	s5 =	spop (v2sf);
	v15 =	vshll.u32 v27, $0x5  }
0xe2: {  	s6 =	spop (v2sf);
	(v2sf) =	vpush v15, $0xE  }
0xe3: {  	s7 =	spop (v2sf);
	(v2sf) =	vpush v15, $0xD  }
0xe4: {  	s8 =	spop (v2sf);
	(v2sf) =	vpush v15, $0xC  }
0xe5: {  	s10 =	spop (v2sf);
	(v2sf) =	vpush v15, $0xB  }
0xe6: {  	s11 =	spop (v2sf);
	(v2sf) =	vpush v15, $0xA  }
0xe7: {  	s14 =	spop (v2sf);
	(v2sf) =	vpush v15, $0x9  }
0xe8: {  	s15 =	spop (v2sf);
	(v2sf) =	vpush v15, $0x8  }
0xe9: {  	s19 =	spop (v2sf);
	(v2sf) =	vpush v15, $0x7  }
0xea: {  	s20 =	spop (v2sf);
	(v2sf) =	vpush v15, $0x6  }
0xeb: {  	s21 =	spop (v2sf);
	(v2sf) =	vpush v15, $0x5  }
0xec: {  	s22 =	spop (v2sf);
	(v2sf) =	vpush v15, $0x4  }
0xed: {  	s25 =	spop (v2sf);
	(v2sf) =	vpush v15, $0x3  }
0xee: {  	s26 =	spop (v2sf);
	(v2sf) =	vpush v15, $0x2  }
0xef: {  	s28 =	spop (v2sf)  }
0xf0: {  	v16 =	vmul.u32 v25, v27;
	s30 =	spop (v2sf);
	(v2sf) =	vpush v15, $0x1  }
0xf1: {  	s31 =	spop (v2sf)  }
0xf2: {  	v28 =	vsub.s32 v24, v16;
	(v2sf) =	vpush v15, $0x0;
	s0 =	spop (v2sf);
	(drf) =	sdiv.u32 s31, s5  }
0xf3: {  	v16 =	vshll.u32 v28, $0x5;
	(v2sf) =	vpush v15, $0xF;
	s1 =	spop (v2sf);
	(drf) =	sdiv.u32 s0, s6  }
0xf4: {  	(v2sf) =	vpush v16, $0xE;
	s31 =	spop (v2sf);
	(drf) =	sdiv.u32 s1, s7  }
0xf5: {  	s6 =	spop (v2sf);
	(drf) =	sdiv.u32 s31, s8  }
0xf6: {  	(v2sf) =	vpush v16, $0xD;
	s7 =	spop (v2sf);
	(drf) =	sdiv.u32 s6, s10  }
0xf7: {  	(v2sf) =	vpush v16, $0xC;
	s8 =	spop (v2sf);
	(drf) =	sdiv.u32 s7, s11  }
0xf8: {  	s10 =	spop (v2sf);
	(drf) =	sdiv.u32 s8, s14  }
0xf9: {  	(v2sf) =	vpush v16, $0xB;
	s11 =	spop (v2sf);
	(drf) =	sdiv.u32 s10, s15  }
0xfa: {  	(v2sf) =	vpush v16, $0xA;
	s10 =	sshra.s32 s2, $0x1F;
	s14 =	spop (v2sf);
	(drf) =	sdiv.u32 s11, s19  }
0xfb: {  	[smem:$0x7BC] =	sst s10;
	s15 =	spop (v2sf)  }
0xfc: {  	(drf) =	sdiv.u32 s14, s20;
	s19 =	spop (v2sf)  }
0xfd: {  	(v2sf) =	vpush v16, $0x9;
	(drf) =	sdiv.u32 s15, s21;
	s31 =	spop (v2sf)  }
0xfe: {  	s21 =	sshra.s32 s18, $0x1F;
	(drf) =	sdiv.u32 s19, s22;
	s19 =	spop (drf)  }
0xff: {  	[smem:$0x7B9] =	sst s21;
	s6 =	spop (v2sf)  }
0x100: {  	(drf) =	sdiv.u32 s31, s25;
	s31 =	spop (drf)  }
0x101: {  	(v2sf) =	vpush v16, $0x8;
	[smem:$0x7C3] =	sst s19;
	s7 =	spop (v2sf)  }
0x102: {  	s2 =	sxor.u32 s10, s2;
	(drf) =	sdiv.u32 s6, s26;
	s8 =	spop (v2sf)  }
0x103: {  	s2 =	ssub.s32 s2, s10;
	(drf) =	sdiv.u32 s7, s28;
	s11 =	spop (v2sf)  }
0x104: {  	(v2sf) =	vpush v16, $0x7;
	[smem:$0x7C0] =	sst s31;
	(drf) =	sdiv.u32 s8, s30;
	s15 =	sshra.s32 s11, $0x1F  }
0x105: {  	s26 =	sxor.u32 s21, s18;
	s14 =	spop (v2sf);
	[smem:$0x7BD] =	sst s15  }
0x106: {  	s0 =	sxor.u32 s15, s11;
	s20 =	spop (v2sf);
	s25 =	sshra.s32 s14, $0x1F  }
0x107: {  	(v2sf) =	vpush v16, $0x6;
	s11 =	spop (drf);
	s0 =	ssub.s32 s0, s15;
	[smem:$0x7BA] =	sst s25  }
0x108: {  	(v2sf) =	vpush v16, $0x5;
	s22 =	spop (v2sf);
	s1 =	sxor.u32 s25, s14;
	[smem:$0x7BB] =	sst s11  }
0x109: {  	(v2sf) =	vpush v16, $0x4;
	s14 =	sshra.s32 s4, $0x1F;
	(drf) =	sdiv.u32 s0, s2;
	s6 =	spop (v2sf)  }
0x10a: {  	(v2sf) =	vpush v16, $0x3;
	s2 =	ssub.s32 s26, s21;
	s1 =	ssub.s32 s1, s25;
	[smem:$0x7B0] =	sst s14  }
0x10b: {  	(v2sf) =	vpush v16, $0x2;
	s15 =	sshra.s32 s22, $0x1F;
	s19 =	sxor.u32 s14, s4;
	(drf) =	sdiv.u32 s1, s2  }
0x10c: {  	(v2sf) =	vpush v16, $0x1;
	s25 =	sshra.s32 s13, $0x1F;
	s21 =	spop (v2sf);
	[smem:$0x7B1] =	sst s15  }
0x10d: {  	(v2sf) =	vpush v16, $0x0;
	s1 =	sshra.s32 s3, $0x1F;
	s2 =	sshra.s32 s20, $0x1F;
	[smem:$0x7AA] =	sst s25  }
0x10e: {  	(v2sf) =	vpush v16, $0xF;
	s0 =	sxor.u32 s15, s22;
	s22 =	spop (drf);
	[smem:$0x7B3] =	sst s1  }
0x10f: {  	s26 =	sshra.s32 s6, $0x1F;
	s31 =	sxor.u32 s25, s13;
	[smem:$0x7B4] =	sst s2  }
0x110: {  	s18 =	spop (v2sf);
	s3 =	sxor.u32 s1, s3;
	[smem:$0x7B8] =	sst s22  }
0x111: {  	s10 =	sxor.u32 s2, s20;
	s0 =	ssub.s32 s0, s15;
	[smem:$0x7AB] =	sst s26  }
0x112: {  	s6 =	sxor.u32 s26, s6;
	s5 =	ssub.s32 s31, s25;
	s8 =	spop (drf)  }
0x113: {  	s20 =	spop (v2sf);
	s1 =	ssub.s32 s3, s1;
	s2 =	ssub.s32 s10, s2  }
0x114: {  	s3 =	ssub.s32 s19, s14;
	s6 =	ssub.s32 s6, s26;
	[smem:$0x7B6] =	sst s8  }
0x115: {  	s14 =	sshra.s32 s9, $0x1F;
	s26 =	sshra.s32 s12, $0x1F;
	(drf) =	sdiv.u32 s2, s1  }
0x116: {  	s8 =	sshra.s32 s16, $0x1F;
	s1 =	spop (v2sf);
	[smem:$0x789] =	sst s14  }
0x117: {  	[smem:$0x78D] =	sst s26;
	s11 =	sxor.u32 s14, s9;
	s2 =	spop (v2sf)  }
0x118: {  	s19 =	sxor.u32 s26, s12;
	[smem:$0x78B] =	sst s8;
	s4 =	spop (v2sf)  }
0x119: {  	s7 =	sshra.s32 s20, $0x1F;
	(drf) =	sdiv.u32 s0, s3;
	s0 =	spop (v2sf)  }
0x11a: {  	s14 =	ssub.s32 s11, s14;
	s11 =	sxor.u32 s8, s16;
	s3 =	spop (v2sf)  }
0x11b: {  	s16 =	sshra.s32 s29, $0x1F;
	(drf) =	sdiv.u32 s6, s5;
	s13 =	spop (v2sf)  }
0x11c: {  	s25 =	ssub.s32 s19, s26;
	[smem:$0x796] =	sst s16;
	s10 =	spop (v2sf)  }
0x11d: {  	s19 =	sxor.u32 s16, s29;
	s31 =	spop (v2sf);
	s26 =	sshra.s32 s10, $0x1F  }
0x11e: {  	s22 =	sshra.s32 s31, $0x1F;
	[smem:$0x78A] =	sst s26;
	s5 =	sxor.u32 s26, s10  }
0x11f: {  	s10 =	sshra.s32 s13, $0x1F;
	[smem:$0x78E] =	sst s22;
	s6 =	sxor.u32 s22, s31  }
0x120: {  	s31 =	spop (drf);
	s5 =	ssub.s32 s5, s26;
	[smem:$0x78C] =	sst s10  }
0x121: {  	s12 =	sxor.u32 s10, s13;
	s26 =	sshra.s32 s0, $0x1F;
	[smem:$0x7B2] =	sst s31  }
0x122: {  	s6 =	ssub.s32 s6, s22;
	s9 =	spop (drf);
	[smem:$0x799] =	sst s26  }
0x123: {  	s22 =	sshra.s32 s3, $0x1F;
	s0 =	sxor.u32 s26, s0;
	[smem:$0x7AF] =	sst s9  }
0x124: {  	(drf) =	sdiv.u32 s6, s25;
	s9 =	ssub.s32 s12, s10;
	[smem:$0x797] =	sst s22  }
0x125: {  	s13 =	spop (drf);
	s25 =	smov.u32 s22;
	s10 =	sld [smem:$0x783]  }
0x126: {  	s3 =	sxor.u32 s22, s3;
	s0 =	ssub.s32 s0, s26;
	[smem:$0x7AD] =	sst s13  }
0x127: {  	s26 =	sshra.s32 s2, $0x1F;
	(drf) =	sdiv.u32 s5, s14;
	s14 =	sld [smem:$0x782]  }
0x128: {  	s6 =	sxor.u32 s7, s20;
	s3 =	ssub.s32 s3, s25;
	s25 =	sld [smem:$0x785]  }
0x129: {  	s5 =	ssub.s32 s11, s8;
	s31 =	spop (drf);
	[smem:$0x7A0] =	sst s26  }
0x12a: {  	s13 =	sshra.s32 s4, $0x1F;
	s2 =	sxor.u32 s26, s2;
	[smem:$0x7A9] =	sst s31  }
0x12b: {  	s8 =	sshra.s32 s24, $0x1F;
	(drf) =	sdiv.u32 s9, s5;
	[smem:$0x79D] =	sst s13  }
0x12c: {  	s9 =	ssub.s32 s19, s16;
	s12 =	spop (drf);
	s19 =	sld [smem:$0x784]  }
0x12d: {  	s2 =	ssub.s32 s2, s26;
	s11 =	sshra.s32 s10, $0x1F;
	[smem:$0x7A5] =	sst s12  }
0x12e: {  	s26 =	sshra.s32 s23, $0x1F;
	s16 =	spop (drf);
	[smem:$0x79C] =	sst s11  }
0x12f: {  	(v2sf) =	vpush v25, $0xE;
	(drf) =	sdiv.u32 s3, s9;
	s15 =	sshra.s32 s14, $0x1F;
	[smem:$0x7A2] =	sst s16  }
0x130: {  	s31 =	spop (drf);
	[smem:$0x79A] =	sst s15;
	s5 =	sxor.u32 s15, s14  }
0x131: {  	(v2sf) =	vpush v25, $0xD;
	s14 =	sxor.u32 s11, s10;
	s22 =	sshra.s32 s19, $0x1F;
	[smem:$0x79E] =	sst s31  }
0x132: {  	s9 =	ssub.s32 s5, s15;
	s15 =	sxor.u32 s13, s4;
	[smem:$0x79F] =	sst s22  }
0x133: {  	s4 =	spop (drf);
	s5 =	sxor.u32 s8, s24;
	(drf) =	sdiv.u32 s0, s9  }
0x134: {  	s0 =	ssub.s32 s14, s11;
	s3 =	ssub.s32 s15, s13;
	s15 =	sshra.s32 s25, $0x1F  }
0x135: {  	s9 =	sshra.s32 s1, $0x1F;
	[smem:$0x798] =	sst s4;
	s10 =	spop (drf)  }
0x136: {  	s14 =	sshra.s32 s18, $0x1F;
	s13 =	sxor.u32 s26, s23;
	(drf) =	sdiv.u32 s3, s0  }
0x137: {  	s0 =	sxor.u32 s15, s25;
	s3 =	sxor.u32 s22, s19;
	s1 =	sxor.u32 s9, s1  }
0x138: {  	s11 =	spop (drf);
	s16 =	sxor.u32 s14, s18;
	s3 =	ssub.s32 s3, s22  }
0x139: {  	s0 =	ssub.s32 s0, s15;
	s12 =	spop (drf);
	(drf) =	sdiv.u32 s2, s3  }
0x13a: {  	s2 =	ssub.s32 s1, s9;
	s3 =	ssub.s32 s6, s7;
	s18 =	spop (drf)  }
0x13b: {  	(drf) =	sdiv.u32 s2, s0;
	s0 =	ssub.s32 s5, s8;
	s19 =	spop (drf)  }
0x13c: {  	s2 =	sshra.s32 s21, $0x1F;
	(drf) =	sdiv.u32 s3, s0;
	s20 =	spop (drf)  }
0x13d: {  	(v2sf) =	vpush v25, $0xC;
	s0 =	ssub.s32 s13, s26;
	s3 =	ssub.s32 s16, s14;
	s22 =	spop (drf)  }
0x13e: {  	(v2sf) =	vpush v25, $0xB;
	s24 =	sxor.u32 s2, s21;
	[smem:$0x7B7] =	sst s20;
	s20 =	spop (v2sf)  }
0x13f: {  	(v2sf) =	vpush v25, $0xA;
	(drf) =	sdiv.u32 s3, s0;
	s3 =	sshra.s32 s17, $0x1F;
	s25 =	spop (drf)  }
0x140: {  	(v2sf) =	vpush v25, $0x9;
	[smem:$0x7B5] =	sst s22;
	s23 =	sxor.u32 s3, s17;
	s22 =	spop (v2sf)  }
0x141: {  	(v2sf) =	vpush v25, $0x8;
	s31 =	ssub.s32 s24, s2;
	s5 =	ssub.s32 s23, s3;
	s1 =	spop (drf)  }
0x142: {  	(v2sf) =	vpush v25, $0x7;
	(drf) =	sdiv.u32 s31, s5;
	s4 =	spop (drf)  }
0x143: {  	(v2sf) =	vpush v25, $0x6;
	s5 =	spop (drf)  }
0x144: {  	(v2sf) =	vpush v25, $0x5;
	s6 =	spop (drf)  }
0x145: {  	(v2sf) =	vpush v25, $0x4;
	[smem:$0x793] =	sst s10;
	s10 =	spop (drf)  }
0x146: {  	(v2sf) =	vpush v25, $0x3;
	[smem:$0x791] =	sst s11;
	s11 =	spop (drf)  }
0x147: {  	(v2sf) =	vpush v25, $0x2;
	[smem:$0x78F] =	sst s12;
	s12 =	spop (drf)  }
0x148: {  	(v2sf) =	vpush v25, $0x1;
	s13 =	spop (drf)  }
0x149: {  	(v2sf) =	vpush v25, $0x0;
	[smem:$0x7C1] =	sst s18;
	s18 =	simm.s32 $0x10;
	s16 =	spop (drf)  }
0x14a: {  	(v2sf) =	vpush v25, $0xF;
	v15 =	vor.u32 s18, v0;
	s17 =	spop (drf)  }
0x14b: {  	[smem:$0x7BE] =	sst s19;
	(v2sf) =	vpush v15, $0xE;
	s19 =	spop (drf)  }
0x14c: {  	(v2sf) =	vpush v15, $0xD;
	[smem:$0x7A8] =	sst s17;
	s17 =	spop (v2sf)  }
0x14d: {  	(v2sf) =	vpush v15, $0xC;
	s28 =	spop (v2sf)  }
0x14e: {  	[smem:$0x7AE] =	sst s25;
	(v2sf) =	vpush v15, $0xB;
	s25 =	spop (v2sf)  }
0x14f: {  	(v2sf) =	vpush v15, $0xA;
	s24 =	spop (v2sf)  }
0x150: {  	[smem:$0x7A1] =	sst s10;
	(v2sf) =	vpush v15, $0x9;
	s10 =	spop (v2sf)  }
0x151: {  	[smem:$0x7A3] =	sst s11;
	(v2sf) =	vpush v15, $0xF;
	s11 =	spop (v2sf)  }
0x152: {  	s30 =	spop (v2sf)  }
0x153: {  	(v2sf) =	vpush v15, $0x0;
	s29 =	spop (v2sf)  }
0x154: {  	[smem:$0x7A7] =	sst s16;
	(v2sf) =	vpush v15, $0x1;
	s16 =	spop (v2sf)  }
0x155: {  	[smem:$0x7A6] =	sst s13;
	s13 =	spop (v2sf)  }
0x156: {  	s18 =	spop (v2sf)  }
0x157: {  	[smem:$0x794] =	sst s20;
	s20 =	spop (v2sf)  }
0x158: {  	[smem:$0x790] =	sst s1;
	s1 =	spop (v2sf)  }
0x159: {  	(v2sf) =	vpush v15, $0x2;
	s21 =	spop (v2sf)  }
0x15a: {  	(v2sf) =	vpush v15, $0x3;
	s31 =	spop (v2sf)  }
0x15b: {  	[smem:$0x7AC] =	sst s19;
	(v2sf) =	vpush v15, $0x4;
	s19 =	spop (v2sf)  }
0x15c: {  	[smem:$0x7A4] =	sst s12;
	(v2sf) =	vpush v15, $0x5;
	s12 =	spop (v2sf)  }
0x15d: {  	[smem:$0x79B] =	sst s6;
	s6 =	spop (v2sf)  }
0x15e: {  	[smem:$0x795] =	sst s5;
	(v2sf) =	vpush v15, $0x6;
	s5 =	spop (v2sf)  }
0x15f: {  	[smem:$0x792] =	sst s4;
	(v2sf) =	vpush v15, $0x7;
	s4 =	spop (v2sf)  }
0x160: {  	s23 =	spop (v2sf)  }
0x161: {  	(v2sf) =	vpush v15, $0x8;
	(drf) =	sdiv.u32 s23, s21;
	s23 =	sld [smem:$0x786]  }
0x162: {  	[dreg:$0xe] =	wrdreg s1;
	s0 =	spop (v2sf)  }
0x163: {  	(drf) =	sdiv.u32 s0, s1;
	s1 =	spop (v2sf)  }
0x164: {  	(drf) =	sdiv.u32 s1, s20;
	s1 =	sshll.u32 s23, $0x6;
	s23 =	sld [smem:$0x787]  }
0x165: {  	_ = 	snop  }
0x166: {  	[dreg:$0xa] =	wrdreg s21  }
0x167: {  	s21 =	sadd.s32 s23, s1;
	s1 =	sld [smem:$0x788]  }
0x168: {  	[dreg:$0xd] =	wrdreg s24;
	s0 =	spop (v2sf)  }
0x169: {  	s3 =	sxor.u32 s3, s2;
	(drf) =	sdiv.u32 s0, s18;
	s23 =	spop (v2sf)  }
0x16a: {  	(drf) =	sdiv.u32 s23, s13;
	s23 =	spop (v2sf);
	s0 =	sshll.u32 s1, $0xC  }
0x16b: {  	(drf) =	sdiv.u32 s23, s16;
	s1 =	spop (v2sf);
	s21 =	sadd.s32 s0, s21  }
0x16c: {  	(drf) =	sdiv.u32 s1, s29;
	s0 =	sxor.u32 s8, s7;
	s8 =	sld [smem:$0x789]  }
0x16d: {  	s2 =	spop (v2sf);
	s1 =	sxor.u32 s15, s9;
	s9 =	sld [smem:$0x78A]  }
0x16e: {  	(drf) =	sdiv.u32 s2, s30;
	s15 =	spop (v2sf)  }
0x16f: {  	v16 =	vmov s21;
	s21 =	sld [smem:$0x78E];
	(drf) =	sdiv.u32 s15, s11  }
0x170: {  	s23 =	spop (v2sf);
	s15 =	sld [smem:$0x78B]  }
0x171: {  	(drf) =	sdiv.u32 s23, s10;
	s23 =	sld [smem:$0x78C]  }
0x172: {  	s2 =	spop (drf);
	s7 =	sxor.u32 s8, s9;
	s9 =	sld [smem:$0x791]  }
0x173: {  	v17 =	vmov s2;
	(drf) =	sdiv.u32 s4, s24;
	s24 =	spop (drf)  }
0x174: {  	v17 =	vsel vm4, s24, v17;
	s24 =	sld [smem:$0x78F]  }
0x175: {  	(drf) =	sdiv.u32 s5, s25;
	s5 =	sld [smem:$0x790]  }
0x176: {  	s8 =	sxor.u32 s15, s23;
	s15 =	sld [smem:$0x78D];
	s23 =	spop (drf)  }
0x177: {  	(drf) =	sdiv.u32 s6, s28;
	s6 =	spop (drf)  }
0x178: {  	(drf) =	sdiv.u32 s12, s17;
	s12 =	smov.u32 s11;
	s11 =	spop (drf)  }
0x179: {  	(drf) =	sdiv.u32 s19, s22;
	s19 =	sld [smem:$0x793]  }
0x17a: {  	s4 =	sxor.u32 s15, s21;
	s15 =	sld [smem:$0x792]  }
0x17b: {  	v17 =	vsel vm5, s23, v17;
	v18 =	vmov s24;
	s21 =	smov.u32 s10;
	s10 =	sld [smem:$0x794]  }
0x17c: {  	v17 =	vsel vm6, s6, v17;
	v18 =	vsel vm4, s9, v18;
	s9 =	sld [smem:$0x797]  }
0x17d: {  	s24 =	smov.u32 s17;
	v17 =	vsel vm7, s11, v17;
	s17 =	spop (drf);
	s11 =	sld [smem:$0x798]  }
0x17e: {  	s2 =	sxor.u32 s4, s5;
	s5 =	sxor.u32 s26, s14;
	s26 =	sld [smem:$0x795]  }
0x17f: {  	s23 =	smov.u32 s28;
	s28 =	smov.u32 s20;
	v17 =	vsel vm8, s17, v17;
	s17 =	sld [smem:$0x79A]  }
0x180: {  	s20 =	spop (drf);
	s2 =	ssub.s32 s2, s4;
	v18 =	vsel vm5, s19, v18;
	s19 =	sld [smem:$0x79B]  }
0x181: {  	v29 =	vmov s2;
	s2 =	sxor.u32 s7, s15;
	(drf) =	sdiv.u32 s31, s10;
	s15 =	sld [smem:$0x799]  }
0x182: {  	v17 =	vsel vm9, s20, v17;
	s31 =	spop (drf);
	s2 =	ssub.s32 s2, s7;
	s7 =	sld [smem:$0x796]  }
0x183: {  	v17 =	vsel vm10, s31, v17;
	s31 =	sld [smem:$0x79D]  }
0x184: {  	(v2sf) =	vpush v26, $0xE;
	s14 =	spop (drf);
	v29 =	vsel vm4, s2, v29;
	s2 =	sxor.u32 s8, s26;
	s26 =	sld [smem:$0x79C]  }
0x185: {  	v17 =	vsel vm11, s14, v17;
	s20 =	spop (drf);
	s14 =	sld [smem:$0x79F]  }
0x186: {  	v17 =	vsel vm12, s20, v17;
	s20 =	sld [smem:$0x7A2]  }
0x187: {  	s6 =	sxor.u32 s7, s9;
	s9 =	sld [smem:$0x79E]  }
0x188: {  	s7 =	sxor.u32 s17, s15;
	s15 =	sld [smem:$0x7A0]  }
0x189: {  	v18 =	vsel vm6, s11, v18;
	s11 =	spop (drf);
	s17 =	sld [smem:$0x7A1]  }
0x18a: {  	s2 =	ssub.s32 s2, s8;
	v17 =	vsel vm13, s11, v17;
	s11 =	sld [smem:$0x7A4]  }
0x18b: {  	(v2sf) =	vpush v26, $0xD;
	v29 =	vsel vm5, s2, v29;
	s2 =	sxor.u32 s6, s19;
	s8 =	sxor.u32 s26, s31;
	s26 =	sld [smem:$0x7A3]  }
0x18c: {  	s2 =	ssub.s32 s2, s6;
	s6 =	sxor.u32 s14, s15;
	s15 =	sld [smem:$0x7A5]  }
0x18d: {  	s19 =	spop (drf);
	v18 =	vsel vm7, s9, v18;
	v29 =	vsel vm6, s2, v29;
	s2 =	sxor.u32 s7, s17;
	s17 =	sld [smem:$0x7A6]  }
0x18e: {  	v17 =	vsel vm14, s19, v17;
	s31 =	spop (drf);
	v18 =	vsel vm8, s20, v18;
	s20 =	sld [smem:$0x7A7]  }
0x18f: {  	(v2sf) =	vpush v26, $0xC;
	v17 =	vsel vm15, s31, v17;
	s14 =	spop (drf);
	s4 =	sxor.u32 s8, s26;
	s26 =	sld [smem:$0x7A8]  }
0x190: {  	v17 =	vsel vm1, s14, v17;
	s14 =	sld [smem:$0x7AA]  }
0x191: {  	s9 =	ssub.s32 s4, s8;
	s4 =	sxor.u32 s6, s11;
	s11 =	sld [smem:$0x7A9]  }
0x192: {  	s19 =	spop (drf);
	s8 =	sld [smem:$0x7B1]  }
0x193: {  	v17 =	vsel vm2, s19, v17;
	s19 =	spop (v2sf);
	v18 =	vsel vm9, s15, v18;
	s15 =	sld [smem:$0x7AB]  }
0x194: {  	(v2sf) =	vpush v26, $0xB;
	s4 =	ssub.s32 s4, s6;
	s6 =	sxor.u32 s1, s17;
	s17 =	sld [smem:$0x7AC]  }
0x195: {  	s2 =	ssub.s32 s2, s7;
	[dreg:$0x15] =	wrdreg s19  }
0x196: {  	v29 =	vsel vm7, s2, v29;
	s2 =	sxor.u32 s0, s20;
	s20 =	sld [smem:$0x7AD]  }
0x197: {  	s7 =	sxor.u32 s5, s26;
	s26 =	sld [smem:$0x7AE]  }
0x198: {  	(v2sf) =	vpush v26, $0xA;
	s31 =	spop (drf);
	s1 =	ssub.s32 s6, s1;
	s6 =	sld [smem:$0x7AF]  }
0x199: {  	s0 =	ssub.s32 s2, s0;
	s2 =	ssub.s32 s7, s5;
	s7 =	sld [smem:$0x7B0]  }
0x19a: {  	v30 =	vsel vm10, s11, v18;
	v18 =	vsel vm3, s31, v17;
	s31 =	spop (v2sf);
	s11 =	sld [smem:$0x7B2]  }
0x19b: {  	v29 =	vsel vm8, s9, v29;
	[dreg:$0x16] =	wrdreg s31  }
0x19c: {  	(v2sf) =	vpush v26, $0x9;
	v17 =	vsel vm9, s4, v29;
	s4 =	sxor.u32 s14, s15;
	s14 =	sld [smem:$0x7B3]  }
0x19d: {  	s15 =	sld [smem:$0x7B4]  }
0x19e: {  	s5 =	sxor.u32 s3, s17;
	s9 =	spop (v2sf);
	s17 =	sld [smem:$0x7B5]  }
0x19f: {  	(v2sf) =	vpush v26, $0x8;
	[dreg:$0x17] =	wrdreg s9  }
0x1a0: {  	v30 =	vsel vm11, s20, v30;
	s20 =	sld [smem:$0x7B6]  }
0x1a1: {  	(v2sf) =	vpush v26, $0x7;
	v17 =	vsel vm10, s1, v17;
	s1 =	ssub.s32 s5, s3;
	s3 =	sxor.u32 s4, s26;
	s26 =	sld [smem:$0x7B7]  }
0x1a2: {  	s5 =	sld [smem:$0x7B8]  }
0x1a3: {  	(v2sf) =	vpush v26, $0x6;
	s19 =	spop (v2sf);
	s9 =	sld [smem:$0x7BB]  }
0x1a4: {  	(v2sf) =	vpush v26, $0x5;
	[dreg:$0x1a] =	wrdreg s19  }
0x1a5: {  	v30 =	vsel vm12, s6, v30;
	s6 =	sld [smem:$0x7B9]  }
0x1a6: {  	(v2sf) =	vpush v26, $0x4;
	v17 =	vsel vm11, s0, v17;
	s0 =	sxor.u32 s7, s8;
	s7 =	sld [smem:$0x7BA]  }
0x1a7: {  	(v2sf) =	vpush v26, $0x3;
	s31 =	spop (v2sf);
	s19 =	sld [smem:$0x7C0]  }
0x1a8: {  	(v2sf) =	vpush v26, $0x2;
	[dreg:$0x1c] =	wrdreg s31  }
0x1a9: {  	(v2sf) =	vpush v26, $0x1;
	v30 =	vsel vm13, s11, v30;
	s11 =	sld [smem:$0x7BC]  }
0x1aa: {  	(v2sf) =	vpush v26, $0x0;
	v17 =	vsel vm12, s2, v17;
	s2 =	sxor.u32 s14, s15;
	s14 =	sld [smem:$0x7BD]  }
0x1ab: {  	(v2sf) =	vpush v26, $0xF;
	s8 =	spop (v2sf);
	s15 =	sld [smem:$0x7BE]  }
0x1ac: {  	v29 =	vshll.u32 v18, $0x5;
	s3 =	ssub.s32 s3, s4;
	[dreg:$0x1d] =	wrdreg s8  }
0x1ad: {  	(v2sf) =	vpush v29, $0xE;
	s4 =	sxor.u32 s0, s17;
	v17 =	vsel vm13, s1, v17;
	s1 =	sxor.u32 s2, s26;
	s26 =	sld [smem:$0x7C1]  }
0x1ae: {  	(v2sf) =	vpush v29, $0xD;
	s0 =	ssub.s32 s4, s0;
	s17 =	spop (v2sf);
	s4 =	sld [smem:$0x7C3]  }
0x1af: {  	(v2sf) =	vpush v29, $0xC;
	v17 =	vsel vm14, s3, v17;
	s3 =	sxor.u32 s6, s7;
	[smem:$0x7BF] =	sst s17  }
0x1b0: {  	(v2sf) =	vpush v29, $0xB;
	s1 =	ssub.s32 s1, s2;
	s31 =	spop (v2sf);
	s6 =	sld [smem:$0x7C5]  }
0x1b1: {  	v30 =	vsel vm14, s20, v30;
	(v2sf) =	vpush v29, $0xA;
	v17 =	vsel vm15, s0, v17;
	s17 =	simm.s32 $0x100;
	s0 =	sxor.u32 s11, s14;
	[smem:$0x7C2] =	sst s31  }
0x1b2: {  	v27 =	vshll.u32 v27, $0x6;
	v30 =	vsel vm15, s5, v30;
	s2 =	sxor.u32 s3, s15;
	(v2sf) =	vpush v29, $0x9;
	s5 =	spop (v2sf);
	[dreg:$0x5] =	wrdreg s17  }
0x1b3: {  	v27 =	vadd.s32 v16, v27;
	v30 =	vsel vm1, s9, v30;
	s20 =	ssub.s32 s2, s3;
	(v2sf) =	vpush v29, $0x8;
	[smem:$0x7C4] =	sst s5;
	s7 =	spop (v2sf)  }
0x1b4: {  	v17 =	vsel vm1, s1, v17;
	v30 =	vsel vm2, s19, v30;
	s2 =	sxor.u32 s0, s26;
	s26 =	simm.s32 $0x900;
	(v2sf) =	vpush v29, $0x7;
	[smem:$0x7C6] =	sst s7  }
0x1b5: {  	v30 =	vsel vm3, s4, v30;
	v17 =	vsel vm2, s20, v17;
	s0 =	ssub.s32 s2, s0;
	s8 =	spop (v2sf);
	[dreg:$0x6] =	wrdreg s26;
	(v2sf) =	vpush v29, $0x6  }
0x1b6: {  	v31 =	vsel vm3, s0, v17;
	v17 =	vmov s6;
	[smem:$0x7C7] =	sst s8;
	s9 =	spop (v2sf);
	(v2sf) =	vpush v29, $0x5  }
0x1b7: {  	vm0 =	vlt.s32 v24, v17;
	v24 =	vshll.u32 v30, $0x5;
	[smem:$0x7C8] =	sst s9;
	s11 =	spop (v2sf);
	(v2sf) =	vpush v29, $0x4  }
0x1b8: {  	v27 =	vadd.s32 v28, v27;
	v24 =	vadd.s32 v31, v24;
	[smem:$0x7C9] =	sst s11;
	s15 =	spop (v2sf);
	(v2sf) =	vpush v29, $0x3  }
0x1b9: {  	v28 =	vmul.u32 v25, v18;
	s14 =	simm.s32 $0x100;
	v24 =	vnsel vm0, $0x0, v24;
	[smem:$0x7CA] =	sst s15;
	s20 =	spop (v2sf);
	(v2sf) =	vpush v29, $0x2  }
0x1ba: {  	s19 =	simm.s32 $0x900;
	v27 =	vsel vm0, v27, v16;
	[tilespmem:s14+$0x0] =	vst v24;
	[smem:$0x7CB] =	sst s20;
	s31 =	spop (v2sf);
	(v2sf) =	vpush v29, $0x1  }
0x1bb: {  	s0 =	simm.s32 $0x20;
	v24 =	vsub.s32 v15, v28;
	[tilespmem:s19+$0x0] =	vst v27;
	[smem:$0x7CC] =	sst s31;
	(v2sf) =	vpush v29, $0x0  }
.LBB2_2:
0x1bc: {  	[smem:$0x733] =	sst s28  }
0x1bd: {  	[dreg:$0xb] =	wrdreg s0;
	s7 =	spop (v2sf)  }
0x1be: {  	p0 =	sne.s32 s0, $0x3F0;
	s0 =	sshra.s32 s22, $0x1F;
	s15 =	spop (v2sf)  }
0x1bf: {  	[dreg:$0x1f] =	wrdreg s0;
	s8 =	spop (v2sf)  }
0x1c0: {  	[smem:$0x728] =	sst s8;
	s9 =	spop (v2sf)  }
0x1c1: {  	[smem:$0x729] =	sst s9;
	s11 =	spop (v2sf)  }
0x1c2: {  	[smem:$0x72A] =	sst s11  }
0x1c3: {  	(v2sf) =	vpush v29, $0xF;
	s9 =	sshra.s32 s10, $0x1F;
	s11 =	rddreg [dreg:$0xd]  }
0x1c4: {  	s14 =	spop (v2sf);
	[dreg:$0x1b] =	wrdreg s9  }
0x1c5: {  	s10 =	sxor.u32 s9, s10;
	[smem:$0x72B] =	sst s14  }
0x1c6: {  	v27 =	vshll.u32 v24, $0x5;
	[smem:$0x738] =	sst s10  }
0x1c7: {  	(v2sf) =	vpush v27, $0xE;
	s17 =	spop (v2sf);
	s10 =	rddreg [dreg:$0x15]  }
0x1c8: {  	(v2sf) =	vpush v27, $0xD;
	[smem:$0x72C] =	sst s17;
	s19 =	spop (v2sf)  }
0x1c9: {  	[smem:$0x72D] =	sst s19;
	s20 =	spop (v2sf)  }
0x1ca: {  	(v2sf) =	vpush v27, $0xC;
	[smem:$0x72E] =	sst s20;
	s26 =	spop (v2sf)  }
0x1cb: {  	s20 =	sshra.s32 s12, $0x1F;
	[smem:$0x72F] =	sst s26  }
0x1cc: {  	(v2sf) =	vpush v27, $0xB;
	s31 =	spop (v2sf);
	[smem:$0x748] =	sst s20  }
0x1cd: {  	[smem:$0x730] =	sst s31;
	s1 =	spop (v2sf)  }
0x1ce: {  	[smem:$0x731] =	sst s1;
	s2 =	spop (v2sf)  }
0x1cf: {  	(v2sf) =	vpush v27, $0xA;
	[smem:$0x732] =	sst s2;
	s3 =	spop (v2sf)  }
0x1d0: {  	[smem:$0x734] =	sst s3;
	s4 =	spop (v2sf)  }
0x1d1: {  	(v2sf) =	vpush v27, $0x9;
	s3 =	sshra.s32 s25, $0x1F;
	[smem:$0x735] =	sst s4  }
0x1d2: {  	s1 =	spop (v2sf);
	[smem:$0x77A] =	sst s3  }
0x1d3: {  	s2 =	smov.u32 s23;
	[smem:$0x736] =	sst s1  }
0x1d4: {  	s4 =	sshra.s32 s23, $0x1F;
	s23 =	sshra.s32 s24, $0x1F;
	s1 =	rddreg [dreg:$0xe]  }
0x1d5: {  	(v2sf) =	vpush v27, $0x8;
	[smem:$0x77E] =	sst s23  }
0x1d6: {  	(v2sf) =	vpush v27, $0x7;
	s5 =	spop (v2sf);
	[smem:$0x77C] =	sst s4  }
0x1d7: {  	[smem:$0x73C] =	sst s5;
	s6 =	spop (v2sf)  }
0x1d8: {  	s5 =	sshra.s32 s21, $0x1F;
	[smem:$0x73B] =	sst s6  }
0x1d9: {  	s8 =	spop (v2sf);
	[smem:$0x749] =	sst s5  }
0x1da: {  	(v2sf) =	vpush v27, $0x6;
	s6 =	sshra.s32 s16, $0x1F;
	[smem:$0x73F] =	sst s8  }
0x1db: {  	s17 =	spop (v2sf);
	[smem:$0x74B] =	sst s6  }
0x1dc: {  	s8 =	sshra.s32 s29, $0x1F;
	[smem:$0x73E] =	sst s17  }
0x1dd: {  	(v2sf) =	vpush v27, $0x5;
	s17 =	sshra.s32 s28, $0x1F;
	s28 =	smov.u32 s2;
	s2 =	rddreg [dreg:$0xa]  }
0x1de: {  	s26 =	spop (v2sf);
	[smem:$0x74C] =	sst s8  }
0x1df: {  	[smem:$0x73D] =	sst s26  }
0x1e0: {  	(v2sf) =	vpush v27, $0x4;
	[smem:$0x74F] =	sst s17;
	s26 =	spop (v2sf)  }
0x1e1: {  	s17 =	sshra.s32 s18, $0x1F;
	[smem:$0x742] =	sst s26  }
0x1e2: {  	s26 =	sshra.s32 s1, $0x1F;
	[smem:$0x74D] =	sst s17  }
0x1e3: {  	(drf) =	sdiv.u32 s7, s10;
	[smem:$0x74E] =	sst s26;
	s26 =	sshra.s32 s2, $0x1F  }
0x1e4: {  	[smem:$0x750] =	sst s26;
	s26 =	spop (v2sf)  }
0x1e5: {  	[smem:$0x741] =	sst s26;
	s10 =	spop (v2sf)  }
0x1e6: {  	(v2sf) =	vpush v27, $0x3;
	s26 =	sxor.u32 s0, s22;
	[smem:$0x740] =	sst s10  }
0x1e7: {  	[smem:$0x737] =	sst s26  }
0x1e8: {  	s10 =	rddreg [dreg:$0x16]  }
0x1e9: {  	s22 =	spop (v2sf);
	s26 =	sld [smem:$0x728]  }
0x1ea: {  	(v2sf) =	vpush v27, $0x2;
	(drf) =	sdiv.u32 s15, s10;
	[smem:$0x744] =	sst s22  }
0x1eb: {  	s22 =	smov.u32 s23;
	s23 =	sxor.u32 s23, s24;
	s24 =	rddreg [dreg:$0x17]  }
0x1ec: {  	s15 =	spop (v2sf);
	[smem:$0x739] =	sst s23  }
0x1ed: {  	(v2sf) =	vpush v27, $0x1;
	[smem:$0x743] =	sst s15  }
0x1ee: {  	(v2sf) =	vpush v27, $0x0;
	s23 =	rddreg [dreg:$0x1a]  }
0x1ef: {  	s10 =	spop (v2sf);
	s15 =	rddreg [dreg:$0x1c]  }
0x1f0: {  	(drf) =	sdiv.u32 s26, s24;
	s26 =	sld [smem:$0x729]  }
0x1f1: {  	[smem:$0x75C] =	sst s10  }
0x1f2: {  	s7 =	sxor.u32 s4, s28;
	s24 =	smov.u32 s4;
	s4 =	rddreg [dreg:$0x1d]  }
0x1f3: {  	s10 =	sld [smem:$0x72B];
	(drf) =	sdiv.u32 s26, s23  }
0x1f4: {  	s23 =	smov.u32 s3;
	s3 =	sxor.u32 s3, s25;
	s25 =	sld [smem:$0x72A]  }
0x1f5: {  	s26 =	spop (v2sf);
	[smem:$0x73A] =	sst s3  }
0x1f6: {  	[smem:$0x75A] =	sst s26  }
0x1f7: {  	s14 =	sshra.s32 s11, $0x1F;
	s26 =	sld [smem:$0x72C];
	s3 =	sxor.u32 s6, s16  }
0x1f8: {  	s16 =	sld [smem:$0x7C7];
	(drf) =	sdiv.u32 s25, s15;
	s15 =	sxor.u32 s14, s11  }
0x1f9: {  	s11 =	spop (v2sf);
	s25 =	sxor.u32 s5, s21;
	s21 =	sld [smem:$0x7BF]  }
0x1fa: {  	[smem:$0x758] =	sst s11  }
0x1fb: {  	(drf) =	sdiv.u32 s10, s4;
	s10 =	sld [smem:$0x7C2]  }
0x1fc: {  	s28 =	smov.u32 s5;
	s5 =	spop (v2sf);
	s11 =	sld [smem:$0x72D]  }
0x1fd: {  	[smem:$0x745] =	sst s5;
	s5 =	sxor.u32 s20, s12;
	s12 =	spop (v2sf)  }
0x1fe: {  	[smem:$0x746] =	sst s12  }
0x1ff: {  	(drf) =	sdiv.u32 s26, s21;
	s21 =	sld [smem:$0x7C4]  }
0x200: {  	s26 =	sld [smem:$0x72E];
	s12 =	sxor.u32 s8, s29  }
0x201: {  	s29 =	smov.u32 s6;
	s6 =	sld [smem:$0x74F];
	(drf) =	sdiv.u32 s11, s10  }
0x202: {  	s10 =	sld [smem:$0x72F];
	s11 =	spop (drf)  }
0x203: {  	[dreg:$0xf] =	wrdreg s11  }
0x204: {  	(drf) =	sdiv.u32 s26, s21;
	s21 =	smov.u32 s8;
	s8 =	sld [smem:$0x7C6]  }
0x205: {  	s31 =	sshra.s32 s13, $0x1F;
	s26 =	sld [smem:$0x730]  }
0x206: {  	s11 =	sxor.u32 s31, s13;
	s13 =	sld [smem:$0x731]  }
0x207: {  	(drf) =	sdiv.u32 s10, s8;
	s10 =	sld [smem:$0x7C8]  }
0x208: {  	s8 =	spop (drf);
	(drf) =	sdiv.u32 s26, s16  }
0x209: {  	[dreg:$0x11] =	wrdreg s8;
	s16 =	spop (drf)  }
0x20a: {  	(v2sf) =	vpush v27, $0xF;
	s26 =	sld [smem:$0x732];
	(drf) =	sdiv.u32 s13, s10  }
0x20b: {  	s10 =	smov.u32 s17;
	s17 =	sxor.u32 s17, s18;
	s18 =	sld [smem:$0x7C9]  }
0x20c: {  	[dreg:$0x13] =	wrdreg s16  }
0x20d: {  	s8 =	spop (drf);
	s16 =	sld [smem:$0x7CA]  }
0x20e: {  	(drf) =	sdiv.u32 s26, s18;
	s18 =	sld [smem:$0x734]  }
0x20f: {  	[dreg:$0x18] =	wrdreg s8  }
0x210: {  	s13 =	sld [smem:$0x733]  }
0x211: {  	(drf) =	sdiv.u32 s18, s16;
	s16 =	sld [smem:$0x7CB]  }
0x212: {  	s18 =	sld [smem:$0x735]  }
0x213: {  	s8 =	sld [smem:$0x750];
	s26 =	sxor.u32 s6, s13;
	s13 =	spop (drf)  }
0x214: {  	[smem:$0x77D] =	sst s13  }
0x215: {  	s13 =	sld [smem:$0x74E];
	(drf) =	sdiv.u32 s18, s16  }
0x216: {  	s16 =	spop (drf);
	s18 =	sld [smem:$0x7CC]  }
0x217: {  	[smem:$0x77B] =	sst s16  }
0x218: {  	s16 =	sld [smem:$0x736]  }
0x219: {  	[smem:$0x74A] =	sst s31;
	s4 =	spop (v2sf)  }
0x21a: {  	[smem:$0x747] =	sst s4;
	s4 =	sxor.u32 s13, s1  }
0x21b: {  	s1 =	sxor.u32 s8, s2;
	s2 =	sld [smem:$0x738];
	(drf) =	sdiv.u32 s16, s18  }
0x21c: {  	s16 =	spop (drf);
	s18 =	sld [smem:$0x737]  }
0x21d: {  	[smem:$0x778] =	sst s16;
	s16 =	spop (drf)  }
0x21e: {  	[smem:$0x776] =	sst s16;
	s16 =	ssub.s32 s25, s28  }
0x21f: {  	s0 =	ssub.s32 s18, s0;
	s18 =	ssub.s32 s7, s24;
	s24 =	sld [smem:$0x739]  }
0x220: {  	[smem:$0x764] =	sst s16  }
0x221: {  	s16 =	sld [smem:$0x73F]  }
0x222: {  	[smem:$0x753] =	sst s0  }
0x223: {  	s7 =	ssub.s32 s15, s14;
	[smem:$0x755] =	sst s18  }
0x224: {  	s19 =	sshra.s32 s30, $0x1F;
	[smem:$0x765] =	sst s7  }
0x225: {  	s15 =	ssub.s32 s5, s20;
	s0 =	ssub.s32 s2, s9;
	s9 =	sld [smem:$0x73A]  }
0x226: {  	s30 =	sxor.u32 s19, s30;
	s20 =	ssub.s32 s12, s21;
	[smem:$0x762] =	sst s15  }
0x227: {  	s21 =	ssub.s32 s30, s19;
	[smem:$0x760] =	sst s20  }
0x228: {  	[smem:$0x761] =	sst s21  }
0x229: {  	s21 =	sld [smem:$0x73E]  }
0x22a: {  	s15 =	sld [smem:$0x758]  }
0x22b: {  	s20 =	smov.u32 s19;
	s19 =	sld [smem:$0x75A]  }
0x22c: {  	s2 =	spop (drf);
	[smem:$0x752] =	sst s0  }
0x22d: {  	s7 =	ssub.s32 s1, s8;
	[smem:$0x774] =	sst s2  }
0x22e: {  	s2 =	smov.u32 s14;
	s14 =	spop (drf);
	[smem:$0x757] =	sst s7  }
0x22f: {  	[smem:$0x772] =	sst s14  }
0x230: {  	s0 =	ssub.s32 s24, s22;
	s14 =	sld [smem:$0x740]  }
0x231: {  	s24 =	ssub.s32 s3, s29;
	s3 =	ssub.s32 s17, s10;
	s17 =	sld [smem:$0x743]  }
0x232: {  	s18 =	spop (drf);
	[smem:$0x754] =	sst s0  }
0x233: {  	[smem:$0x770] =	sst s18  }
0x234: {  	[smem:$0x75F] =	sst s24  }
0x235: {  	s0 =	ssub.s32 s9, s23;
	s23 =	ssub.s32 s11, s31;
	[smem:$0x75D] =	sst s3  }
0x236: {  	s31 =	ssub.s32 s26, s6;
	s6 =	ssub.s32 s4, s13;
	s13 =	sld [smem:$0x73B]  }
0x237: {  	s18 =	sld [smem:$0x73D]  }
0x238: {  	s24 =	sld [smem:$0x742]  }
0x239: {  	s11 =	sld [smem:$0x75C]  }
0x23a: {  	s22 =	spop (drf);
	[smem:$0x756] =	sst s0  }
0x23b: {  	[smem:$0x76E] =	sst s22  }
0x23c: {  	[smem:$0x75E] =	sst s23;
	s25 =	spop (drf)  }
0x23d: {  	[smem:$0x75B] =	sst s31;
	s5 =	spop (drf)  }
0x23e: {  	s10 =	sshra.s32 s21, $0x1F;
	[smem:$0x759] =	sst s6;
	s8 =	spop (drf)  }
0x23f: {  	[smem:$0x751] =	sst s10;
	s9 =	spop (drf)  }
0x240: {  	[smem:$0x766] =	sst s9  }
0x241: {  	s9 =	sld [smem:$0x744]  }
0x242: {  	s31 =	sld [smem:$0x745];
	s10 =	sshra.s32 s15, $0x1F  }
0x243: {  	s15 =	sshra.s32 s19, $0x1F;
	s19 =	sld [smem:$0x746];
	s0 =	sshra.s32 s24, $0x1F  }
0x244: {  	[smem:$0x768] =	sst s8;
	s2 =	sxor.u32 s2, s0;
	s29 =	sshra.s32 s9, $0x1F  }
0x245: {  	s1 =	smov.u32 s0;
	s0 =	sxor.u32 s20, s29;
	s20 =	sld [smem:$0x748]  }
0x246: {  	s8 =	sld [smem:$0x741]  }
0x247: {  	s4 =	sshra.s32 s14, $0x1F;
	[smem:$0x773] =	sst s0  }
0x248: {  	s0 =	sxor.u32 s20, s4;
	s20 =	smov.u32 s4;
	s4 =	sld [smem:$0x749]  }
0x249: {  	[smem:$0x76C] =	sst s25  }
0x24a: {  	s23 =	sshra.s32 s16, $0x1F;
	s3 =	sshra.s32 s8, $0x1F;
	[smem:$0x775] =	sst s0  }
0x24b: {  	s0 =	sxor.u32 s4, s3;
	s4 =	smov.u32 s3;
	s3 =	sld [smem:$0x74A]  }
0x24c: {  	[smem:$0x77F] =	sst s23  }
0x24d: {  	[smem:$0x777] =	sst s0  }
0x24e: {  	s0 =	sxor.u32 s3, s15;
	s3 =	sld [smem:$0x74B]  }
0x24f: {  	[smem:$0x76A] =	sst s5  }
0x250: {  	s22 =	sshra.s32 s11, $0x1F;
	[smem:$0x76D] =	sst s0  }
0x251: {  	s0 =	sxor.u32 s3, s22;
	s3 =	sld [smem:$0x74C]  }
0x252: {  	s5 =	sld [smem:$0x73C]  }
0x253: {  	s25 =	sshra.s32 s17, $0x1F;
	[smem:$0x76F] =	sst s0  }
0x254: {  	s0 =	sxor.u32 s3, s25;
	s3 =	sld [smem:$0x74D]  }
0x255: {  	[smem:$0x779] =	sst s2  }
0x256: {  	[smem:$0x771] =	sst s0  }
0x257: {  	s12 =	sshra.s32 s5, $0x1F;
	s0 =	sxor.u32 s3, s10;
	s3 =	sld [smem:$0x74E]  }
0x258: {  	s2 =	sxor.u32 s12, s5;
	s5 =	sld [smem:$0x74F]  }
0x259: {  	s11 =	sld [smem:$0x747];
	s7 =	sshra.s32 s19, $0x1F  }
0x25a: {  	s26 =	sshra.s32 s31, $0x1F;
	[smem:$0x76B] =	sst s0;
	s0 =	sxor.u32 s3, s7  }
0x25b: {  	[smem:$0x767] =	sst s0;
	s0 =	sxor.u32 s5, s26  }
0x25c: {  	s28 =	sshra.s32 s13, $0x1F;
	[smem:$0x769] =	sst s0  }
0x25d: {  	s30 =	sshra.s32 s18, $0x1F;
	s13 =	sxor.u32 s28, s13;
	s0 =	sld [smem:$0x751]  }
0x25e: {  	s18 =	sxor.u32 s30, s18;
	s24 =	sxor.u32 s1, s24;
	s13 =	ssub.s32 s13, s28  }
0x25f: {  	[smem:$0x780] =	sst s12;
	s2 =	ssub.s32 s2, s12;
	s12 =	sxor.u32 s20, s14  }
0x260: {  	s14 =	smov.u32 s20;
	s20 =	sld [smem:$0x752];
	s3 =	sxor.u32 s0, s21  }
0x261: {  	s21 =	sxor.u32 s4, s8;
	s8 =	smov.u32 s4;
	s4 =	sld [smem:$0x753]  }
0x262: {  	s6 =	sshra.s32 s11, $0x1F;
	[smem:$0x763] =	sst s24;
	s24 =	smov.u32 s1  }
0x263: {  	(drf) =	sdiv.u32 s2, s20;
	s2 =	sxor.u32 s29, s9;
	s9 =	sld [smem:$0x754]  }
0x264: {  	s5 =	sxor.u32 s23, s16;
	s16 =	sld [smem:$0x750];
	(drf) =	sdiv.u32 s13, s4  }
0x265: {  	s13 =	sxor.u32 s25, s17;
	s17 =	sxor.u32 s6, s11;
	s11 =	sld [smem:$0x757]  }
0x266: {  	s1 =	ssub.s32 s5, s23;
	s4 =	sxor.u32 s7, s19;
	s19 =	sld [smem:$0x759]  }
0x267: {  	s18 =	ssub.s32 s18, s30;
	(drf) =	sdiv.u32 s1, s9;
	s1 =	sld [smem:$0x755]  }
0x268: {  	s16 =	sxor.u32 s16, s6;
	s5 =	ssub.s32 s17, s6;
	s6 =	sld [smem:$0x756]  }
0x269: {  	s3 =	ssub.s32 s3, s0;
	s9 =	sxor.u32 s26, s31;
	s31 =	sld [smem:$0x75B]  }
0x26a: {  	s17 =	ssub.s32 s9, s26;
	s26 =	sld [smem:$0x75A];
	(drf) =	sdiv.u32 s3, s1  }
0x26b: {  	(drf) =	sdiv.u32 s18, s6;
	s18 =	sld [smem:$0x758]  }
0x26c: {  	s6 =	sld [smem:$0x75C]  }
0x26d: {  	(drf) =	sdiv.u32 s5, s11;
	s11 =	ssub.s32 s13, s25;
	s13 =	sld [smem:$0x75F]  }
0x26e: {  	s7 =	ssub.s32 s4, s7;
	s25 =	sld [smem:$0x764]  }
0x26f: {  	(drf) =	sdiv.u32 s7, s19;
	s7 =	sld [smem:$0x75D]  }
0x270: {  	s4 =	spop (drf);
	s19 =	sld [smem:$0x761];
	s3 =	sxor.u32 s10, s18  }
0x271: {  	(drf) =	sdiv.u32 s17, s31;
	s17 =	sld [smem:$0x760];
	s18 =	ssub.s32 s12, s14  }
0x272: {  	s14 =	sld [smem:$0x768];
	s20 =	ssub.s32 s3, s10;
	s3 =	sxor.u32 s15, s26  }
0x273: {  	s10 =	sld [smem:$0x75E];
	s5 =	ssub.s32 s3, s15;
	s3 =	sxor.u32 s22, s6  }
0x274: {  	(drf) =	sdiv.u32 s20, s7;
	s20 =	ssub.s32 s21, s8;
	s21 =	sld [smem:$0x762]  }
0x275: {  	s9 =	ssub.s32 s3, s22;
	s3 =	spop (drf);
	s22 =	sld [smem:$0x763]  }
0x276: {  	s15 =	ssub.s32 s2, s29;
	(drf) =	sdiv.u32 s5, s10;
	s2 =	spop (drf)  }
0x277: {  	s10 =	sld [smem:$0x766];
	(drf) =	sdiv.u32 s9, s13  }
0x278: {  	s1 =	spop (drf);
	s9 =	sld [smem:$0x765]  }
0x279: {  	s23 =	smov.u32 s0;
	(drf) =	sdiv.u32 s11, s17;
	s11 =	sld [smem:$0x767]  }
0x27a: {  	s0 =	spop (drf);
	s6 =	ssub.s32 s22, s24;
	s22 =	sld [smem:$0x76C]  }
0x27b: {  	(drf) =	sdiv.u32 s15, s19;
	s15 =	sld [smem:$0x769]  }
0x27c: {  	s24 =	spop (drf);
	s19 =	sld [smem:$0x76B]  }
0x27d: {  	v27 =	vmov s10;
	s10 =	sld [smem:$0x76E];
	(drf) =	sdiv.u32 s18, s21  }
0x27e: {  	s26 =	sxor.u32 s16, s24;
	s31 =	spop (drf);
	s18 =	sld [smem:$0x76A]  }
0x27f: {  	(drf) =	sdiv.u32 s20, s25;
	s12 =	sxor.u32 s11, s31;
	s13 =	spop (drf)  }
0x280: {  	s5 =	ssub.s32 s26, s16;
	s25 =	sld [smem:$0x76D];
	(drf) =	sdiv.u32 s6, s9  }
0x281: {  	s6 =	ssub.s32 s12, s11;
	s16 =	sxor.u32 s15, s13;
	s12 =	sld [smem:$0x76F]  }
0x282: {  	v28 =	vmov s5;
	s5 =	ssub.s32 s16, s15;
	s15 =	sld [smem:$0x770]  }
0x283: {  	v27 =	vsel vm4, s14, v27;
	s17 =	spop (drf);
	v28 =	vsel vm4, s6, v28;
	s6 =	sld [smem:$0x775]  }
0x284: {  	v27 =	vsel vm5, s18, v27;
	s20 =	sxor.u32 s19, s17;
	s17 =	sld [smem:$0x771]  }
0x285: {  	v27 =	vsel vm6, s22, v27;
	s22 =	sld [smem:$0x773];
	s21 =	spop (drf)  }
0x286: {  	v28 =	vsel vm5, s5, v28;
	s24 =	ssub.s32 s20, s19;
	s20 =	sld [smem:$0x772];
	s26 =	sxor.u32 s25, s21  }
0x287: {  	(v2sf) =	vpush v25, $0xE;
	s31 =	spop (drf);
	v28 =	vsel vm6, s24, v28;
	s11 =	ssub.s32 s26, s25;
	s26 =	sld [smem:$0x774]  }
0x288: {  	(v2sf) =	vpush v25, $0xD;
	v27 =	vsel vm7, s10, v27;
	s13 =	sxor.u32 s12, s31;
	v28 =	vsel vm7, s11, v28;
	s11 =	sld [smem:$0x776]  }
0x289: {  	(v2sf) =	vpush v25, $0xC;
	v27 =	vsel vm8, s15, v27;
	s16 =	ssub.s32 s13, s12;
	s13 =	sld [smem:$0x777]  }
0x28a: {  	(v2sf) =	vpush v25, $0xB;
	s14 =	spop (drf);
	v27 =	vsel vm9, s20, v27;
	s20 =	sld [smem:$0x77A]  }
0x28b: {  	(v2sf) =	vpush v25, $0xA;
	s18 =	sxor.u32 s17, s14;
	v28 =	vsel vm8, s16, v28;
	s16 =	sld [smem:$0x778]  }
0x28c: {  	(v2sf) =	vpush v25, $0x9;
	s19 =	spop (drf);
	s21 =	ssub.s32 s18, s17;
	s18 =	sld [smem:$0x779]  }
0x28d: {  	(v2sf) =	vpush v25, $0x8;
	s24 =	sxor.u32 s22, s19;
	v28 =	vsel vm9, s21, v28;
	s21 =	sld [smem:$0x77B]  }
0x28e: {  	(v2sf) =	vpush v25, $0x7;
	s25 =	spop (drf);
	s31 =	ssub.s32 s24, s22;
	s24 =	sld [smem:$0x77C]  }
0x28f: {  	(v2sf) =	vpush v25, $0x6;
	s7 =	sxor.u32 s6, s25;
	s25 =	sld [smem:$0x77D]  }
0x290: {  	(v2sf) =	vpush v25, $0x5;
	v27 =	vsel vm10, s26, v27;
	s26 =	sld [smem:$0x77E]  }
0x291: {  	(v2sf) =	vpush v25, $0x4;
	s10 =	spop (drf);
	v28 =	vsel vm10, s31, v28;
	s31 =	sld [smem:$0x77F]  }
0x292: {  	(v2sf) =	vpush v25, $0x3;
	v27 =	vsel vm11, s11, v27;
	s12 =	ssub.s32 s7, s6;
	s14 =	sxor.u32 s13, s10;
	s11 =	rddreg [dreg:$0x1f]  }
0x293: {  	(v2sf) =	vpush v25, $0x2;
	s15 =	spop (drf);
	v27 =	vsel vm12, s16, v27;
	s17 =	ssub.s32 s14, s13;
	s16 =	sld [smem:$0x780]  }
0x294: {  	(v2sf) =	vpush v25, $0x1;
	s19 =	sxor.u32 s18, s15;
	s15 =	rddreg [dreg:$0x1b];
	s5 =	sxor.u32 s26, s31  }
0x295: {  	(v2sf) =	vpush v25, $0x0;
	v28 =	vsel vm11, s12, v28;
	s22 =	ssub.s32 s19, s18;
	s10 =	sxor.u32 s5, s2;
	s2 =	sxor.u32 s11, s28  }
0x296: {  	(v2sf) =	vpush v25, $0xF;
	v28 =	vsel vm12, s17, v28;
	s14 =	sxor.u32 s2, s3;
	s3 =	sxor.u32 s15, s16;
	s15 =	spop (v2sf)  }
0x297: {  	s7 =	sxor.u32 s20, s30;
	s20 =	rddreg [dreg:$0xb];
	v28 =	vsel vm13, s22, v28;
	s22 =	spop (v2sf)  }
0x298: {  	v29 =	vor.u32 s20, v0;
	s18 =	ssub.s32 s14, s2;
	s19 =	sxor.u32 s3, s4;
	s14 =	spop (v2sf)  }
0x299: {  	vm0 =	vlt.s32 v15, v17;
	v27 =	vsel vm13, s21, v27;
	s6 =	sxor.u32 s24, s23;
	v15 =	vmov v29;
	s23 =	ssub.s32 s19, s3;
	s19 =	spop (v2sf)  }
0x29a: {  	s8 =	rddreg [dreg:$0x18];
	s0 =	sxor.u32 s7, s0;
	v27 =	vsel vm14, s25, v27;
	s25 =	spop (v2sf);
	(v2sf) =	vpush v15, $0xE  }
0x29b: {  	s0 =	ssub.s32 s0, s7;
	s1 =	sxor.u32 s6, s1;
	v27 =	vsel vm15, s8, v27;
	s8 =	spop (v2sf);
	(v2sf) =	vpush v15, $0xD  }
0x29c: {  	v28 =	vsel vm14, s0, v28;
	s9 =	ssub.s32 s1, s6;
	s13 =	ssub.s32 s10, s5;
	s10 =	spop (v2sf);
	(v2sf) =	vpush v15, $0xC  }
0x29d: {  	s12 =	rddreg [dreg:$0x13];
	v28 =	vsel vm15, s9, v28;
	s9 =	spop (v2sf);
	(v2sf) =	vpush v15, $0xB  }
0x29e: {  	v27 =	vsel vm1, s12, v27;
	s12 =	spop (v2sf);
	(v2sf) =	vpush v15, $0xA  }
0x29f: {  	s29 =	spop (v2sf);
	(v2sf) =	vpush v15, $0x9  }
0x2a0: {  	(v2sf) =	vpush v15, $0xF;
	s16 =	spop (v2sf)  }
0x2a1: {  	v28 =	vsel vm1, s13, v28;
	(v2sf) =	vpush v15, $0x0;
	s13 =	spop (v2sf)  }
0x2a2: {  	s17 =	rddreg [dreg:$0x11];
	v28 =	vsel vm2, s18, v28;
	(v2sf) =	vpush v15, $0x1;
	s18 =	spop (v2sf)  }
0x2a3: {  	s21 =	rddreg [dreg:$0xf];
	v27 =	vsel vm2, s17, v27;
	s28 =	spop (v2sf);
	(v2sf) =	vpush v15, $0x2  }
0x2a4: {  	v18 =	vshll.u32 v18, $0x6;
	v27 =	vsel vm3, s21, v27;
	s31 =	spop (v2sf);
	(v2sf) =	vpush v15, $0x3  }
0x2a5: {  	v28 =	vsel vm3, s23, v28;
	v27 =	vshll.u32 v27, $0x5;
	s7 =	spop (v2sf);
	(v2sf) =	vpush v15, $0x4  }
0x2a6: {  	v18 =	vadd.s32 v16, v18;
	s24 =	rddreg [dreg:$0x5];
	v27 =	vadd.s32 v28, v27;
	(v2sf) =	vpush v15, $0x5  }
0x2a7: {  	v18 =	vadd.s32 v24, v18;
	s26 =	rddreg [dreg:$0x6];
	s0 =	sadd.s32 $0x10, s24;
	v27 =	vnsel vm0, $0x0, v27;
	(v2sf) =	vpush v15, $0x6  }
0x2a8: {  	v18 =	vsel vm0, v18, v16;
	[dreg:$0x5] =	wrdreg s0;
	[tilespmem:s0+$0x0] =	vst v27;
	s0 =	sadd.s32 $0x10, s26;
	(v2sf) =	vpush v15, $0x7  }
0x2a9: {  	[dreg:$0x6] =	wrdreg s0;
	[tilespmem:s0+$0x0] =	vst v18;
	(v2sf) =	vpush v15, $0x8;
	s0 =	spop (v2sf)  }
0x2aa: {  	s1 =	spop (v2sf)  }
0x2ab: {  	s2 =	spop (v2sf)  }
0x2ac: {  	s3 =	spop (v2sf)  }
0x2ad: {  	s4 =	spop (v2sf)  }
0x2ae: {  	[dreg:$0xe] =	wrdreg s31;
	s5 =	spop (v2sf)  }
0x2af: {  	[dreg:$0xa] =	wrdreg s7;
	s20 =	spop (v2sf)  }
0x2b0: {  	s21 =	spop (v2sf);
	(drf) =	sdiv.u32 s20, s7  }
0x2b1: {  	(drf) =	sdiv.u32 s21, s31;
	s23 =	spop (v2sf)  }
0x2b2: {  	(drf) =	sdiv.u32 s23, s28;
	s24 =	spop (v2sf)  }
0x2b3: {  	(drf) =	sdiv.u32 s24, s18;
	s26 =	spop (v2sf)  }
0x2b4: {  	(drf) =	sdiv.u32 s26, s13;
	s31 =	spop (v2sf)  }
0x2b5: {  	(drf) =	sdiv.u32 s31, s16;
	s7 =	spop (v2sf)  }
0x2b6: {  	(drf) =	sdiv.u32 s7, s29;
	s11 =	spop (v2sf)  }
0x2b7: {  	(drf) =	sdiv.u32 s11, s12;
	s17 =	spop (v2sf)  }
0x2b8: {  	(drf) =	sdiv.u32 s17, s9;
	s20 =	spop (v2sf)  }
0x2b9: {  	(v2sf) =	vpush v26, $0xE;
	s23 =	spop (drf);
	(drf) =	sdiv.u32 s20, s10  }
0x2ba: {  	s24 =	spop (drf);
	(drf) =	sdiv.u32 s5, s8  }
0x2bb: {  	(v2sf) =	vpush v26, $0xD;
	v18 =	vmov s23;
	s26 =	spop (drf);
	(drf) =	sdiv.u32 s4, s25  }
0x2bc: {  	(v2sf) =	vpush v26, $0xC;
	v18 =	vsel vm4, s24, v18;
	s31 =	spop (drf);
	(drf) =	sdiv.u32 s3, s19  }
0x2bd: {  	(v2sf) =	vpush v26, $0xB;
	v18 =	vsel vm5, s26, v18;
	s5 =	spop (drf);
	(drf) =	sdiv.u32 s2, s14  }
0x2be: {  	(v2sf) =	vpush v26, $0xA;
	v18 =	vsel vm6, s31, v18;
	s6 =	spop (drf);
	(drf) =	sdiv.u32 s1, s22  }
0x2bf: {  	[dreg:$0xd] =	wrdreg s8;
	(v2sf) =	vpush v26, $0x9;
	v18 =	vsel vm7, s5, v18;
	s7 =	spop (drf)  }
0x2c0: {  	(v2sf) =	vpush v26, $0x8;
	v18 =	vsel vm8, s6, v18;
	(drf) =	sdiv.u32 s0, s15;
	s8 =	spop (drf)  }
0x2c1: {  	s30 =	smov.u32 s12;
	s12 =	smov.u32 s9;
	(v2sf) =	vpush v26, $0x7;
	v18 =	vsel vm9, s7, v18;
	s9 =	spop (drf)  }
0x2c2: {  	(v2sf) =	vpush v26, $0x6;
	v18 =	vsel vm10, s8, v18;
	s11 =	spop (drf)  }
0x2c3: {  	s24 =	smov.u32 s14;
	(v2sf) =	vpush v26, $0x5;
	v18 =	vsel vm11, s9, v18;
	s14 =	spop (drf)  }
0x2c4: {  	s21 =	smov.u32 s10;
	s10 =	smov.u32 s15;
	(v2sf) =	vpush v26, $0x4;
	v18 =	vsel vm12, s11, v18;
	s15 =	spop (drf)  }
0x2c5: {  	(v2sf) =	vpush v26, $0x3;
	v18 =	vsel vm13, s14, v18;
	s17 =	spop (drf)  }
0x2c6: {  	s23 =	smov.u32 s19;
	v18 =	vsel vm14, s15, v18;
	s19 =	spop (drf)  }
0x2c7: {  	(v2sf) =	vpush v26, $0x2;
	v18 =	vsel vm15, s17, v18;
	s20 =	spop (drf)  }
0x2c8: {  	(v2sf) =	vpush v26, $0x1;
	v18 =	vsel vm1, s19, v18;
	s2 =	spop (v2sf)  }
0x2c9: {  	s31 =	rddreg [dreg:$0xb];
	(v2sf) =	vpush v26, $0x0;
	v18 =	vsel vm2, s20, v18;
	s26 =	spop (drf)  }
0x2ca: {  	(v2sf) =	vpush v26, $0xF;
	[dreg:$0x15] =	wrdreg s2;
	s3 =	spop (v2sf);
	v18 =	vsel vm3, s26, v18  }
0x2cb: {  	[dreg:$0x16] =	wrdreg s3;
	s4 =	spop (v2sf);
	v29 =	vshll.u32 v18, $0x5  }
0x2cc: {  	[dreg:$0x17] =	wrdreg s4;
	s5 =	spop (v2sf);
	(v2sf) =	vpush v29, $0xE  }
0x2cd: {  	[dreg:$0x1a] =	wrdreg s5;
	s6 =	spop (v2sf);
	(v2sf) =	vpush v29, $0xD  }
0x2ce: {  	[dreg:$0x1c] =	wrdreg s6;
	s7 =	spop (v2sf);
	(v2sf) =	vpush v29, $0xC  }
0x2cf: {  	[dreg:$0x1d] =	wrdreg s7;
	s8 =	spop (v2sf);
	(v2sf) =	vpush v29, $0xB  }
0x2d0: {  	[smem:$0x7BF] =	sst s8;
	s9 =	spop (v2sf);
	(v2sf) =	vpush v29, $0xA  }
0x2d1: {  	[smem:$0x7C2] =	sst s9;
	s11 =	spop (v2sf);
	(v2sf) =	vpush v29, $0x9  }
0x2d2: {  	[smem:$0x7C4] =	sst s11;
	s14 =	spop (v2sf);
	(v2sf) =	vpush v29, $0x8  }
0x2d3: {  	[smem:$0x7C6] =	sst s14;
	s15 =	spop (v2sf);
	(v2sf) =	vpush v29, $0x7  }
0x2d4: {  	[smem:$0x7C7] =	sst s15;
	s17 =	spop (v2sf);
	(v2sf) =	vpush v29, $0x6  }
0x2d5: {  	[smem:$0x7C8] =	sst s17;
	(v2sf) =	vpush v29, $0x5  }
.Ltmp2:
0x2d6: {  	s19 =	spop (v2sf);
	(v2sf) =	vpush v29, $0x4;
	(pc) =	sbr.rel @p0 .LBB2_2-.Ltmp2, $4  }
0x2d7: {  	[smem:$0x7C9] =	sst s19;
	s20 =	spop (v2sf);
	(v2sf) =	vpush v29, $0x3  }
0x2d8: {  	v24 =	vmul.u32 v25, v18;
	[smem:$0x7CA] =	sst s20;
	s26 =	spop (v2sf);
	(v2sf) =	vpush v29, $0x2  }
0x2d9: {  	s0 =	sadd.s32 $0x10, s31;
	[smem:$0x7CB] =	sst s26;
	s31 =	spop (v2sf);
	(v2sf) =	vpush v29, $0x1  }
0x2da: {  	v24 =	vsub.s32 v15, v24;
	[smem:$0x7CC] =	sst s31;
	(v2sf) =	vpush v29, $0x0  }
0x2db: {  	[smem:$0x692] =	sst s21  }
0x2dc: {  	[smem:$0x691] =	sst s12  }
0x2dd: {  	[smem:$0x68F] =	sst s13  }
0x2de: {  	[smem:$0x690] =	sst s16  }
0x2df: {  	s6 =	rddreg [dreg:$0x15]  }
0x2e0: {  	s31 =	spop (v2sf);
	s11 =	smov.u32 s24;
	s24 =	rddreg [dreg:$0x1d]  }
0x2e1: {  	(drf) =	sdiv.u32 s31, s6;
	s6 =	rddreg [dreg:$0x16]  }
0x2e2: {  	s1 =	spop (v2sf);
	s31 =	rddreg [dreg:$0x17]  }
0x2e3: {  	s2 =	spop (v2sf);
	(drf) =	sdiv.u32 s1, s6  }
0x2e4: {  	s6 =	rddreg [dreg:$0x1c];
	s3 =	spop (v2sf)  }
0x2e5: {  	(drf) =	sdiv.u32 s2, s31;
	s2 =	rddreg [dreg:$0x1a]  }
0x2e6: {  	s31 =	sld [smem:$0x7BF];
	s5 =	spop (v2sf)  }
0x2e7: {  	(drf) =	sdiv.u32 s3, s2;
	s2 =	sld [smem:$0x7C2]  }
0x2e8: {  	s3 =	sld [smem:$0x7C4];
	s7 =	spop (v2sf)  }
0x2e9: {  	(v2sf) =	vpush v29, $0xF;
	(drf) =	sdiv.u32 s5, s6;
	s5 =	sld [smem:$0x7C6]  }
0x2ea: {  	v25 =	vshll.u32 v24, $0x5;
	s6 =	sld [smem:$0x7C7];
	s8 =	spop (v2sf)  }
0x2eb: {  	(v2sf) =	vpush v25, $0xE;
	(drf) =	sdiv.u32 s7, s24;
	s7 =	sld [smem:$0x7C8]  }
0x2ec: {  	s9 =	spop (v2sf);
	(drf) =	sdiv.u32 s8, s31  }
0x2ed: {  	(v2sf) =	vpush v25, $0xD;
	s8 =	sld [smem:$0x7C9];
	s4 =	spop (v2sf)  }
0x2ee: {  	(drf) =	sdiv.u32 s9, s2;
	s0 =	spop (v2sf)  }
0x2ef: {  	(v2sf) =	vpush v25, $0xC;
	s9 =	sld [smem:$0x7CA];
	s12 =	spop (v2sf)  }
0x2f0: {  	(drf) =	sdiv.u32 s4, s3;
	s24 =	spop (drf)  }
0x2f1: {  	(v2sf) =	vpush v25, $0xB;
	(drf) =	sdiv.u32 s0, s5;
	s13 =	spop (v2sf)  }
0x2f2: {  	(drf) =	sdiv.u32 s12, s6;
	s12 =	sld [smem:$0x7CB]  }
0x2f3: {  	[smem:$0x6EA] =	sst s24;
	s14 =	spop (v2sf)  }
0x2f4: {  	(drf) =	sdiv.u32 s13, s7;
	s15 =	spop (v2sf)  }
0x2f5: {  	s13 =	sshra.s32 s10, $0x1F;
	(drf) =	sdiv.u32 s14, s8;
	s14 =	sld [smem:$0x7CC]  }
0x2f6: {  	(v2sf) =	vpush v25, $0xA;
	[smem:$0x6CA] =	sst s13;
	s8 =	spop (drf)  }
0x2f7: {  	s16 =	spop (v2sf);
	(drf) =	sdiv.u32 s15, s9  }
0x2f8: {  	[smem:$0x6E8] =	sst s8;
	s17 =	spop (v2sf)  }
0x2f9: {  	(v2sf) =	vpush v25, $0x9;
	(drf) =	sdiv.u32 s16, s12;
	s16 =	sshra.s32 s22, $0x1F;
	s12 =	spop (drf)  }
0x2fa: {  	s26 =	smov.u32 s18;
	s18 =	spop (v2sf);
	[smem:$0x6C7] =	sst s16  }
0x2fb: {  	(drf) =	sdiv.u32 s17, s14;
	s17 =	sxor.u32 s13, s10;
	[smem:$0x6E6] =	sst s12  }
0x2fc: {  	(v2sf) =	vpush v25, $0x8;
	s4 =	sxor.u32 s16, s22;
	s22 =	rddreg [dreg:$0xa];
	s19 =	spop (v2sf)  }
0x2fd: {  	s15 =	sshra.s32 s18, $0x1F;
	s0 =	ssub.s32 s17, s13;
	s17 =	spop (drf)  }
0x2fe: {  	(v2sf) =	vpush v25, $0x7;
	s13 =	sshra.s32 s23, $0x1F;
	s20 =	spop (v2sf);
	[smem:$0x6CB] =	sst s15  }
0x2ff: {  	[smem:$0x6BE] =	sst s13;
	s24 =	spop (drf)  }
0x300: {  	(v2sf) =	vpush v25, $0x6;
	s18 =	sxor.u32 s15, s18;
	[smem:$0x6E4] =	sst s17;
	s21 =	spop (v2sf)  }
0x301: {  	(v2sf) =	vpush v25, $0x5;
	s1 =	ssub.s32 s18, s15;
	s9 =	sshra.s32 s20, $0x1F;
	[smem:$0x6E1] =	sst s24  }
0x302: {  	(v2sf) =	vpush v25, $0x4;
	s15 =	sxor.u32 s13, s23;
	s18 =	sshra.s32 s25, $0x1F;
	[smem:$0x6C0] =	sst s9  }
0x303: {  	(v2sf) =	vpush v25, $0x3;
	s23 =	sshra.s32 s22, $0x1F;
	s17 =	spop (drf);
	[smem:$0x6B8] =	sst s18  }
0x304: {  	(v2sf) =	vpush v25, $0x2;
	(drf) =	sdiv.u32 s1, s0;
	[smem:$0x6AB] =	sst s23  }
0x305: {  	(v2sf) =	vpush v25, $0x1;
	s31 =	spop (v2sf);
	[smem:$0x6DE] =	sst s17  }
0x306: {  	(v2sf) =	vpush v25, $0x0;
	s1 =	sshra.s32 s19, $0x1F;
	s0 =	ssub.s32 s4, s16;
	s17 =	sld [smem:$0x690]  }
0x307: {  	(v2sf) =	vpush v25, $0xF;
	s14 =	sshra.s32 s21, $0x1F;
	s8 =	ssub.s32 s15, s13;
	[smem:$0x6C8] =	sst s1  }
0x308: {  	s6 =	sxor.u32 s1, s19;
	s3 =	spop (v2sf);
	[smem:$0x6BF] =	sst s14  }
0x309: {  	s16 =	sxor.u32 s14, s21;
	s19 =	sshra.s32 s31, $0x1F;
	s1 =	ssub.s32 s6, s1  }
0x30a: {  	s6 =	sshra.s32 s11, $0x1F;
	[smem:$0x6B9] =	sst s19;
	(drf) =	sdiv.u32 s1, s0  }
0x30b: {  	s7 =	sxor.u32 s19, s31;
	s0 =	spop (v2sf);
	[smem:$0x6C1] =	sst s6  }
0x30c: {  	s10 =	sxor.u32 s6, s11;
	s11 =	sxor.u32 s9, s20;
	s20 =	sxor.u32 s18, s25  }
0x30d: {  	s7 =	ssub.s32 s7, s19;
	s19 =	rddreg [dreg:$0xe];
	s1 =	spop (v2sf)  }
0x30e: {  	s4 =	ssub.s32 s10, s6;
	s5 =	ssub.s32 s11, s9;
	s10 =	ssub.s32 s20, s18  }
0x30f: {  	s18 =	sshra.s32 s28, $0x1F;
	s2 =	spop (v2sf);
	(drf) =	sdiv.u32 s5, s4  }
0x310: {  	s20 =	sshra.s32 s19, $0x1F;
	[smem:$0x6AA] =	sst s18;
	s4 =	spop (v2sf)  }
0x311: {  	vm0 =	veq.s32 v2, v0;
	s9 =	ssub.s32 s16, s14;
	[smem:$0x6A7] =	sst s20;
	s5 =	spop (v2sf)  }
0x312: {  	v23 =	vnsel vm0, $0x0, v23;
	s15 =	sxor.u32 s23, s22;
	(drf) =	sdiv.u32 s9, s8;
	s6 =	spop (v2sf)  }
0x313: {  	(xrf0) =	vadd.scan.msk.s32 $0xffff, v23;
	(drf) =	sdiv.u32 s7, s10;
	s7 =	ssub.s32 s15, s23;
	s8 =	spop (v2sf)  }
0x314: {  	s15 =	sld [smem:$0x68F];
	s9 =	spop (v2sf);
	s12 =	sshra.s32 s8, $0x1F  }
0x315: {  	v21 =	vnsel vm0, $0x0, v21;
	s11 =	spop (v2sf);
	s24 =	sshra.s32 s9, $0x1F;
	[smem:$0x6A6] =	sst s12  }
0x316: {  	v19 =	vnsel vm0, $0x0, v19;
	(xrf0) =	vadd.scan.msk.s32 $0xffff, v21;
	s8 =	sxor.u32 s12, s8;
	s21 =	spop (v2sf);
	s22 =	sshra.s32 s11, $0x1F  }
0x317: {  	v21 =	vnsel vm0, $0x0, v22;
	[smem:$0x6A9] =	sst s24;
	s9 =	sxor.u32 s24, s9;
	s8 =	ssub.s32 s8, s12  }
0x318: {  	(xrf0) =	vadd.scan.msk.s32 $0xffff, v21;
	s12 =	sld [smem:$0x691];
	s25 =	sshra.s32 s21, $0x1F;
	s23 =	smov.u32 s22  }
0x319: {  	(xrf0) =	vadd.scan.msk.s32 $0xffff, v19;
	v19, _, _ =	vpop (xrf0);
	[smem:$0x6A8] =	sst s22;
	s11 =	sxor.u32 s22, s11;
	s9 =	ssub.s32 s9, s24  }
0x31a: {  	(v2sf) =	vpush v19, $0xF;
	s24 =	sshra.s32 s29, $0x1F;
	[smem:$0x6AC] =	sst s25;
	s16 =	sxor.u32 s25, s21  }
0x31b: {  	s21 =	sxor.u32 s18, s28;
	s11 =	ssub.s32 s11, s23;
	s28 =	sshra.s32 s26, $0x1F  }
0x31c: {  	v21, _, _ =	vpop (xrf0);
	[smem:$0x6A3] =	sst s24;
	s10 =	ssub.s32 s16, s25;
	s25 =	spop (drf)  }
0x31d: {  	(v2sf) =	vpush v21, $0xF;
	[smem:$0x6A5] =	sst s28;
	s13 =	sxor.u32 s28, s26;
	s16 =	sshra.s32 s15, $0x1F  }
0x31e: {  	v19, _, _ =	vpop (xrf0);
	s26 =	sshra.s32 s4, $0x1F;
	(drf) =	sdiv.u32 s10, s7;
	[smem:$0x6DB] =	sst s25  }
0x31f: {  	(v2sf) =	vpush v19, $0xF;
	s10 =	sxor.u32 s20, s19;
	s7 =	ssub.s32 s21, s18;
	[smem:$0x69F] =	sst s16  }
0x320: {  	s31 =	spop (drf);
	s18 =	sshra.s32 s17, $0x1F;
	[smem:$0x6A4] =	sst s26  }
0x321: {  	v19, _, _ =	vpop (xrf0);
	s19 =	sshra.s32 s6, $0x1F;
	s21 =	sshra.s32 s5, $0x1F;
	[smem:$0x6D8] =	sst s31  }
0x322: {  	(v2sf) =	vpush v19, $0xF;
	s4 =	sxor.u32 s26, s4;
	s10 =	ssub.s32 s10, s20;
	[smem:$0x6A2] =	sst s18  }
0x323: {  	s14 =	spop (drf);
	s20 =	smov.u32 s19;
	[smem:$0x6A0] =	sst s19  }
0x324: {  	v19 =	vnsel vm0, $0x0, v20;
	s6 =	sxor.u32 s19, s6;
	[smem:$0x6A1] =	sst s21;
	s5 =	sxor.u32 s21, s5  }
0x325: {  	(xrf0) =	vadd.scan.msk.s32 $0xffff, v19;
	s4 =	ssub.s32 s4, s26;
	s26 =	sshra.s32 s0, $0x1F;
	(drf) =	sdiv.u32 s11, s10  }
0x326: {  	[smem:$0x6D6] =	sst s14;
	s6 =	ssub.s32 s6, s20;
	s22 =	spop (drf)  }
0x327: {  	s5 =	ssub.s32 s5, s21;
	s0 =	sxor.u32 s26, s0;
	(drf) =	sdiv.u32 s9, s7  }
0x328: {  	s7 =	ssub.s32 s13, s28;
	[smem:$0x6D4] =	sst s22;
	s25 =	spop (drf)  }
0x329: {  	s28 =	sxor.u32 s24, s29;
	s10 =	spop (v2sf);
	s13 =	sshra.s32 s12, $0x1F  }
0x32a: {  	s0 =	ssub.s32 s0, s26;
	(drf) =	sdiv.u32 s8, s7;
	s7 =	sxor.u32 s18, s17  }
0x32b: {  	v20, _, _ =	vpop (xrf0);
	s8 =	sxor.u32 s16, s15;
	[smem:$0x6D1] =	sst s25;
	s31 =	spop (drf)  }
0x32c: {  	(v2sf) =	vpush v20, $0xF;
	s11 =	spop (v2sf);
	s8 =	ssub.s32 s8, s16;
	[smem:$0x6CF] =	sst s31  }
0x32d: {  	s23 =	ssub.s32 s7, s18;
	s7 =	spop (drf);
	(drf) =	sdiv.u32 s6, s8  }
0x32e: {  	s14 =	spop (v2sf);
	(drf) =	sdiv.u32 s5, s23;
	s5 =	ssub.s32 s28, s24  }
0x32f: {  	s8 =	sshra.s32 s2, $0x1F;
	(drf) =	sdiv.u32 s4, s5;
	s5 =	sshra.s32 s30, $0x1F  }
0x330: {  	[smem:$0x6CD] =	sst s7;
	s2 =	sxor.u32 s8, s2;
	s9 =	sxor.u32 s5, s30  }
0x331: {  	s15 =	spop (v2sf);
	s2 =	ssub.s32 s2, s8;
	s4 =	ssub.s32 s9, s5  }
0x332: {  	s16 =	spop (drf);
	(drf) =	sdiv.u32 s2, s4;
	s2 =	ssub.s32 s14, s10  }
0x333: {  	s6 =	ssub.s32 s15, s11;
	s17 =	spop (drf);
	p0 =	sgt.s32 s2, $0x1  }
0x334: {  	s20 =	spop (drf);
	s19 =	smul.u32 s2, s6;
	s2 =	simm.s32 @!p0 $0x1  }
0x335: {  	s18 =	sshra.s32 s1, $0x1F;
	s24 =	sld [smem:$0x692];
	s22 =	spop (drf);
	v19 =	vmov s2  }
0x336: {  	[smem:$0x69B] =	sst s18;
	s1 =	sxor.u32 s18, s1;
	s23 =	spop (drf);
	(v2sf) =	vpush v19, $0xE  }
0x337: {  	[smem:$0x69A] =	sst s8;
	s1 =	ssub.s32 s1, s18;
	s28 =	spop (drf);
	(v2sf) =	vpush v19, $0xD  }
0x338: {  	s25 =	sshra.s32 s24, $0x1F;
	s4 =	sxor.u32 s13, s12;
	s31 =	spop (drf);
	(v2sf) =	vpush v19, $0xC  }
0x339: {  	s30 =	sxor.u32 s25, s24;
	s21 =	ssub.s32 s4, s13;
	s7 =	spop (drf);
	(v2sf) =	vpush v19, $0xB  }
0x33a: {  	(drf) =	sdiv.u32 s1, s21;
	s1 =	ssub.s32 s30, s25;
	s8 =	spop (drf);
	(v2sf) =	vpush v19, $0xA  }
0x33b: {  	(drf) =	sdiv.u32 s0, s1;
	s18 =	spop (v2sf);
	(v2sf) =	vpush v19, $0x9  }
0x33c: {  	[smem:$0x69E] =	sst s26;
	s9 =	spop (drf);
	(v2sf) =	vpush v19, $0x8  }
0x33d: {  	[smem:$0x6D2] =	sst s10;
	s10 =	spop (drf);
	(v2sf) =	vpush v19, $0x7  }
0x33e: {  	[smem:$0x6D0] =	sst s11;
	s11 =	spop (drf);
	(v2sf) =	vpush v19, $0x6  }
0x33f: {  	[smem:$0x69C] =	sst s13;
	s12 =	spop (drf);
	(v2sf) =	vpush v19, $0x5  }
0x340: {  	[smem:$0x6C9] =	sst s16;
	s13 =	spop (drf);
	(v2sf) =	vpush v19, $0x4  }
0x341: {  	[smem:$0x6C6] =	sst s17;
	s14 =	spop (drf);
	(v2sf) =	vpush v19, $0x3  }
0x342: {  	[smem:$0x699] =	sst s5;
	s15 =	spop (drf);
	(v2sf) =	vpush v19, $0x2  }
0x343: {  	[smem:$0x6C4] =	sst s20;
	s16 =	spop (drf);
	(v2sf) =	vpush v19, $0x1  }
0x344: {  	[smem:$0x724] =	sst s19;
	s19 =	simm.s32 $0x0;
	s17 =	spop (drf);
	(v2sf) =	vpush v19, $0x0  }
0x345: {  	v62 =	vor.u32 s19, v0;
	[smem:$0x6B1] =	sst s12;
	(v2sf) =	vpush v19, $0xF;
	s12 =	spop (v2sf)  }
0x346: {  	[smem:$0x6AF] =	sst s10;
	(v2sf) =	vpush v62, $0xE;
	s10 =	spop (v2sf)  }
0x347: {  	[smem:$0x6B0] =	sst s11;
	(v2sf) =	vpush v62, $0xD;
	s11 =	spop (v2sf)  }
0x348: {  	[smem:$0x6B3] =	sst s14;
	(v2sf) =	vpush v62, $0xC;
	s14 =	spop (v2sf)  }
0x349: {  	[smem:$0x6B4] =	sst s15;
	(v2sf) =	vpush v62, $0xB;
	s15 =	spop (v2sf)  }
0x34a: {  	s20 =	rddreg [dreg:$0xd];
	(v2sf) =	vpush v62, $0xA;
	s2 =	spop (v2sf)  }
0x34b: {  	[smem:$0x6BC] =	sst s7;
	(v2sf) =	vpush v62, $0x9;
	s7 =	spop (v2sf)  }
0x34c: {  	[smem:$0x6AE] =	sst s9;
	(v2sf) =	vpush v62, $0xF;
	s9 =	spop (v2sf)  }
0x34d: {  	[smem:$0x69D] =	sst s25;
	(v2sf) =	vpush v62, $0x0;
	s25 =	spop (v2sf)  }
0x34e: {  	[smem:$0x6C2] =	sst s31;
	(v2sf) =	vpush v62, $0x1;
	s31 =	spop (v2sf)  }
0x34f: {  	[smem:$0x6CE] =	sst s22;
	(v2sf) =	vpush v62, $0x2;
	s26 =	spop (v2sf)  }
0x350: {  	[smem:$0x6CC] =	sst s23;
	(v2sf) =	vpush v62, $0x3;
	s21 =	spop (v2sf)  }
0x351: {  	s23 =	sshra.s32 s20, $0x1F;
	[smem:$0x6C5] =	sst s28;
	s22 =	spop (v2sf)  }
0x352: {  	[smem:$0x697] =	sst s23;
	s28 =	sshra.s32 s3, $0x1F;
	(v2sf) =	vpush v62, $0x4;
	s19 =	spop (v2sf)  }
0x353: {  	s30 =	sxor.u32 s23, s20;
	[smem:$0x6B2] =	sst s13;
	(v2sf) =	vpush v62, $0x5;
	s13 =	spop (v2sf)  }
0x354: {  	s3 =	sxor.u32 s28, s3;
	[smem:$0x6B6] =	sst s17;
	(v2sf) =	vpush v62, $0x6;
	s17 =	spop (v2sf)  }
0x355: {  	s3 =	ssub.s32 s3, s28;
	[smem:$0x6AD] =	sst s8;
	(v2sf) =	vpush v62, $0x7;
	s4 =	spop (v2sf)  }
0x356: {  	[smem:$0x6D3] =	sst s18;
	s18 =	ssub.s32 s30, s23;
	(v2sf) =	vpush v62, $0x8;
	s5 =	spop (v2sf)  }
0x357: {  	(drf) =	sdiv.u32 s3, s18;
	s8 =	spop (v2sf)  }
0x358: {  	[smem:$0x6B5] =	sst s16;
	s16 =	spop (v2sf)  }
0x359: {  	[smem:$0x698] =	sst s28;
	s20 =	spop (v2sf)  }
0x35a: {  	[smem:$0x696] =	sst s2;
	s23 =	spop (v2sf)  }
0x35b: {  	[smem:$0x695] =	sst s7;
	s1 =	spop (v2sf)  }
0x35c: {  	[smem:$0x693] =	sst s25;
	s18 =	spop (v2sf)  }
0x35d: {  	(drf) =	sdiv.u32 s1, s17;
	s24 =	spop (v2sf)  }
0x35e: {  	(drf) =	sdiv.u32 s18, s13;
	s28 =	spop (v2sf)  }
0x35f: {  	(drf) =	sdiv.u32 s24, s19;
	s30 =	spop (v2sf)  }
0x360: {  	(drf) =	sdiv.u32 s28, s22;
	s28 =	spop (drf)  }
0x361: {  	(drf) =	sdiv.u32 s30, s21;
	s0 =	spop (v2sf)  }
0x362: {  	(drf) =	sdiv.u32 s0, s26;
	s1 =	spop (v2sf)  }
0x363: {  	(drf) =	sdiv.u32 s1, s31;
	s18 =	spop (v2sf)  }
0x364: {  	(drf) =	sdiv.u32 s18, s25;
	s24 =	spop (v2sf)  }
0x365: {  	p0 =	sgt.s32 s6, $0x1;
	(drf) =	sdiv.u32 s24, s9;
	s25 =	spop (v2sf)  }
0x366: {  	s6 =	simm.s32 @!p0 $0x1;
	(drf) =	sdiv.u32 s25, s7;
	s30 =	spop (drf)  }
0x367: {  	v20 =	vmov s6;
	v21 =	vmov s30;
	(drf) =	sdiv.u32 s23, s2;
	s0 =	spop (drf)  }
0x368: {  	(v2sf) =	vpush v20, $0xE;
	v21 =	vsel vm4, s0, v21;
	(drf) =	sdiv.u32 s20, s15;
	s1 =	spop (drf)  }
0x369: {  	(v2sf) =	vpush v20, $0xD;
	v21 =	vsel vm5, s1, v21;
	(drf) =	sdiv.u32 s16, s14;
	s2 =	spop (drf)  }
0x36a: {  	(v2sf) =	vpush v20, $0xC;
	v21 =	vsel vm6, s2, v21;
	(drf) =	sdiv.u32 s8, s11;
	s6 =	spop (drf)  }
0x36b: {  	(v2sf) =	vpush v20, $0xB;
	v21 =	vsel vm7, s6, v21;
	(drf) =	sdiv.u32 s5, s10;
	s7 =	spop (drf)  }
0x36c: {  	(v2sf) =	vpush v20, $0xA;
	v21 =	vsel vm8, s7, v21;
	(drf) =	sdiv.u32 s4, s12;
	s8 =	spop (drf)  }
0x36d: {  	[smem:$0x694] =	sst s9;
	(v2sf) =	vpush v20, $0x9;
	v21 =	vsel vm9, s8, v21;
	s9 =	spop (drf)  }
0x36e: {  	(v2sf) =	vpush v20, $0x8;
	v21 =	vsel vm10, s9, v21;
	s16 =	spop (drf)  }
0x36f: {  	(v2sf) =	vpush v20, $0x7;
	v21 =	vsel vm11, s16, v21;
	s18 =	spop (drf)  }
0x370: {  	(v2sf) =	vpush v20, $0x6;
	v21 =	vsel vm12, s18, v21;
	s20 =	spop (drf)  }
0x371: {  	(v2sf) =	vpush v20, $0x5;
	v21 =	vsel vm13, s20, v21;
	s23 =	spop (drf)  }
0x372: {  	(v2sf) =	vpush v20, $0x4;
	v21 =	vsel vm14, s23, v21;
	s24 =	spop (drf)  }
0x373: {  	(v2sf) =	vpush v20, $0x3;
	v21 =	vsel vm15, s24, v21;
	s25 =	spop (drf)  }
0x374: {  	[smem:$0x6BA] =	sst s28;
	(v2sf) =	vpush v20, $0x2;
	v21 =	vsel vm1, s25, v21;
	s28 =	spop (drf)  }
0x375: {  	(v2sf) =	vpush v20, $0x1;
	v21 =	vsel vm2, s28, v21;
	s30 =	spop (drf)  }
0x376: {  	(v2sf) =	vpush v20, $0x0;
	v26 =	vsel vm3, s30, v21  }
0x377: {  	(v2sf) =	vpush v20, $0xF;
	s0 =	spop (v2sf);
	v21 =	vshll.u32 v26, $0x5  }
0x378: {  	s4 =	spop (v2sf);
	(v2sf) =	vpush v21, $0xE  }
0x379: {  	s5 =	spop (v2sf);
	(v2sf) =	vpush v21, $0xD  }
0x37a: {  	s6 =	spop (v2sf);
	(v2sf) =	vpush v21, $0xC  }
0x37b: {  	s8 =	spop (v2sf);
	(v2sf) =	vpush v21, $0xB  }
0x37c: {  	s16 =	spop (v2sf);
	(v2sf) =	vpush v21, $0xA  }
0x37d: {  	s18 =	spop (v2sf);
	(v2sf) =	vpush v21, $0x9  }
0x37e: {  	s20 =	spop (v2sf);
	(v2sf) =	vpush v21, $0x8  }
0x37f: {  	(v2sf) =	vpush v21, $0x7  }
0x380: {  	s23 =	spop (v2sf)  }
0x381: {  	(v2sf) =	vpush v21, $0x6;
	s24 =	spop (v2sf)  }
0x382: {  	(v2sf) =	vpush v21, $0x5;
	s28 =	spop (v2sf)  }
0x383: {  	(v2sf) =	vpush v21, $0x4;
	s29 =	spop (v2sf)  }
0x384: {  	(v2sf) =	vpush v21, $0x3;
	s30 =	spop (v2sf)  }
0x385: {  	s2 =	spop (v2sf)  }
0x386: {  	(v2sf) =	vpush v21, $0x2;
	s9 =	spop (v2sf)  }
0x387: {  	v22 =	vmul.u32 v19, v26;
	(v2sf) =	vpush v21, $0x1;
	s7 =	spop (v2sf)  }
0x388: {  	s1 =	spop (v2sf)  }
0x389: {  	v27 =	vsub.s32 v62, v22;
	(v2sf) =	vpush v21, $0x0;
	s25 =	spop (v2sf)  }
0x38a: {  	v22 =	vshll.u32 v27, $0x5;
	(v2sf) =	vpush v21, $0xF;
	(drf) =	sdiv.u32 s1, s0;
	s3 =	spop (v2sf)  }
0x38b: {  	(v2sf) =	vpush v22, $0xE;
	(drf) =	sdiv.u32 s25, s4;
	s4 =	spop (v2sf)  }
0x38c: {  	(drf) =	sdiv.u32 s3, s5;
	s5 =	spop (v2sf)  }
0x38d: {  	(v2sf) =	vpush v22, $0xD;
	(drf) =	sdiv.u32 s4, s6;
	s6 =	spop (v2sf)  }
0x38e: {  	(drf) =	sdiv.u32 s5, s8;
	s8 =	spop (v2sf)  }
0x38f: {  	(v2sf) =	vpush v22, $0xC;
	(drf) =	sdiv.u32 s6, s16;
	s16 =	spop (v2sf)  }
0x390: {  	(drf) =	sdiv.u32 s8, s18;
	s18 =	spop (v2sf)  }
0x391: {  	(drf) =	sdiv.u32 s16, s20;
	s20 =	spop (v2sf)  }
0x392: {  	(v2sf) =	vpush v22, $0xB;
	(drf) =	sdiv.u32 s18, s23;
	s23 =	spop (v2sf)  }
0x393: {  	(drf) =	sdiv.u32 s20, s24;
	s25 =	spop (v2sf)  }
0x394: {  	(v2sf) =	vpush v22, $0xA;
	(drf) =	sdiv.u32 s23, s28;
	s23 =	spop (drf)  }
0x395: {  	s3 =	spop (v2sf);
	(drf) =	sdiv.u32 s25, s29  }
0x396: {  	[smem:$0x723] =	sst s23;
	s25 =	sshra.s32 s10, $0x1F;
	s4 =	spop (v2sf)  }
0x397: {  	(v2sf) =	vpush v22, $0x9;
	(drf) =	sdiv.u32 s3, s30;
	[smem:$0x71B] =	sst s25  }
0x398: {  	s5 =	spop (v2sf);
	(drf) =	sdiv.u32 s4, s2  }
0x399: {  	s6 =	spop (v2sf);
	(drf) =	sdiv.u32 s5, s9  }
0x39a: {  	(v2sf) =	vpush v22, $0x8;
	s9 =	sshra.s32 s12, $0x1F;
	s8 =	spop (v2sf);
	(drf) =	sdiv.u32 s6, s7  }
0x39b: {  	[smem:$0x71E] =	sst s9;
	s18 =	sxor.u32 s9, s12;
	s7 =	sxor.u32 s25, s10  }
0x39c: {  	s16 =	sshra.s32 s8, $0x1F;
	s20 =	spop (v2sf);
	s1 =	ssub.s32 s18, s9  }
0x39d: {  	s3 =	ssub.s32 s7, s25;
	s9 =	sshra.s32 s11, $0x1F;
	s18 =	sshra.s32 s14, $0x1F  }
0x39e: {  	(v2sf) =	vpush v22, $0x7;
	[smem:$0x71F] =	sst s16;
	s0 =	sxor.u32 s16, s8;
	s24 =	spop (v2sf)  }
0x39f: {  	s30 =	sshra.s32 s20, $0x1F;
	s8 =	spop (drf);
	[smem:$0x716] =	sst s9  }
0x3a0: {  	s12 =	sxor.u32 s9, s11;
	[smem:$0x712] =	sst s18;
	s23 =	sxor.u32 s18, s14  }
0x3a1: {  	(v2sf) =	vpush v22, $0x6;
	s0 =	ssub.s32 s0, s16;
	s28 =	spop (v2sf);
	[smem:$0x71C] =	sst s30  }
0x3a2: {  	s2 =	sxor.u32 s30, s20;
	[smem:$0x721] =	sst s8;
	s16 =	spop (drf)  }
0x3a3: {  	s10 =	sshra.s32 s24, $0x1F;
	(drf) =	sdiv.u32 s0, s1;
	s6 =	spop (v2sf)  }
0x3a4: {  	(v2sf) =	vpush v22, $0x5;
	s2 =	ssub.s32 s2, s30;
	[smem:$0x717] =	sst s10;
	s0 =	sxor.u32 s10, s24  }
0x3a5: {  	(v2sf) =	vpush v22, $0x4;
	[smem:$0x71D] =	sst s16;
	s20 =	sshra.s32 s28, $0x1F;
	s25 =	spop (drf)  }
0x3a6: {  	(v2sf) =	vpush v22, $0x3;
	s16 =	sshra.s32 s17, $0x1F;
	(drf) =	sdiv.u32 s2, s3;
	s8 =	spop (v2sf)  }
0x3a7: {  	(v2sf) =	vpush v22, $0x2;
	s2 =	ssub.s32 s12, s9;
	s0 =	ssub.s32 s0, s10;
	[smem:$0x713] =	sst s20  }
0x3a8: {  	(v2sf) =	vpush v22, $0x1;
	s1 =	sxor.u32 s20, s28;
	[smem:$0x71A] =	sst s25;
	s12 =	spop (drf)  }
0x3a9: {  	(v2sf) =	vpush v22, $0x0;
	s28 =	sshra.s32 s15, $0x1F;
	[smem:$0x6E2] =	sst s16;
	s5 =	spop (v2sf)  }
0x3aa: {  	(v2sf) =	vpush v22, $0xF;
	s30 =	sshra.s32 s6, $0x1F;
	(drf) =	sdiv.u32 s0, s2;
	[smem:$0x70F] =	sst s28  }
0x3ab: {  	s0 =	ssub.s32 s23, s18;
	s1 =	ssub.s32 s1, s20;
	[smem:$0x710] =	sst s30  }
0x3ac: {  	s11 =	sxor.u32 s28, s15;
	s6 =	sxor.u32 s30, s6;
	[smem:$0x715] =	sst s12  }
0x3ad: {  	s15 =	sshra.s32 s13, $0x1F;
	s23 =	sxor.u32 s16, s17;
	s24 =	spop (v2sf)  }
0x3ae: {  	(drf) =	sdiv.u32 s1, s0;
	s3 =	ssub.s32 s11, s28;
	s6 =	ssub.s32 s6, s30  }
0x3af: {  	[smem:$0x6DC] =	sst s15;
	s20 =	sxor.u32 s15, s13;
	s30 =	spop (drf)  }
0x3b0: {  	s10 =	ssub.s32 s23, s16;
	s13 =	sshra.s32 s19, $0x1F;
	s29 =	spop (v2sf)  }
0x3b1: {  	(drf) =	sdiv.u32 s6, s3;
	[smem:$0x711] =	sst s30;
	s12 =	ssub.s32 s20, s15  }
0x3b2: {  	[smem:$0x6DF] =	sst s13;
	s16 =	sxor.u32 s13, s19;
	s19 =	sshra.s32 s21, $0x1F  }
0x3b3: {  	s20 =	sshra.s32 s22, $0x1F;
	s4 =	spop (v2sf);
	[smem:$0x6D5] =	sst s19  }
0x3b4: {  	s30 =	sshra.s32 s26, $0x1F;
	[smem:$0x6D9] =	sst s20;
	s2 =	spop (v2sf)  }
0x3b5: {  	s21 =	sxor.u32 s19, s21;
	s22 =	sxor.u32 s20, s22;
	s0 =	spop (v2sf)  }
0x3b6: {  	[smem:$0x6D7] =	sst s30;
	s9 =	sxor.u32 s30, s26;
	s1 =	spop (v2sf)  }
0x3b7: {  	s26 =	sld [smem:$0x694];
	s7 =	spop (v2sf);
	s23 =	sshra.s32 s1, $0x1F  }
0x3b8: {  	s14 =	spop (v2sf);
	s15 =	sshra.s32 s7, $0x1F;
	[smem:$0x6DA] =	sst s23  }
0x3b9: {  	s1 =	sxor.u32 s23, s1;
	s18 =	spop (v2sf);
	s28 =	sshra.s32 s14, $0x1F  }
0x3ba: {  	[smem:$0x6E0] =	sst s15;
	s17 =	sxor.u32 s15, s7;
	s7 =	ssub.s32 s22, s20  }
0x3bb: {  	s1 =	ssub.s32 s1, s23;
	s23 =	sshra.s32 s31, $0x1F;
	s25 =	sshra.s32 s18, $0x1F  }
0x3bc: {  	[smem:$0x6DD] =	sst s28;
	s3 =	sxor.u32 s28, s14;
	s14 =	spop (drf)  }
0x3bd: {  	[smem:$0x6E3] =	sst s25;
	s6 =	sxor.u32 s25, s18;
	s3 =	ssub.s32 s3, s28  }
0x3be: {  	[smem:$0x70C] =	sst s14;
	s18 =	spop (drf);
	s28 =	ssub.s32 s21, s19  }
0x3bf: {  	s19 =	sshra.s32 s29, $0x1F;
	s6 =	ssub.s32 s6, s25;
	[smem:$0x708] =	sst s18  }
0x3c0: {  	s25 =	spop (drf);
	[smem:$0x701] =	sst s19;
	s20 =	sxor.u32 s19, s29  }
0x3c1: {  	(drf) =	sdiv.u32 s6, s10;
	s6 =	ssub.s32 s17, s15;
	s17 =	sshra.s32 s0, $0x1F  }
0x3c2: {  	[smem:$0x702] =	sst s25;
	s25 =	sshra.s32 s2, $0x1F;
	(drf) =	sdiv.u32 s3, s12  }
0x3c3: {  	s3 =	ssub.s32 s16, s13;
	s0 =	sxor.u32 s17, s0;
	s10 =	sxor.u32 s25, s2  }
0x3c4: {  	s13 =	sld [smem:$0x693];
	s16 =	sshra.s32 s4, $0x1F;
	(drf) =	sdiv.u32 s6, s3  }
0x3c5: {  	s18 =	sxor.u32 s16, s4;
	s4 =	sshra.s32 s24, $0x1F;
	(drf) =	sdiv.u32 s1, s7  }
0x3c6: {  	s12 =	smov.u32 s31;
	s7 =	spop (drf);
	[smem:$0x707] =	sst s4  }
0x3c7: {  	s0 =	ssub.s32 s0, s17;
	s1 =	ssub.s32 s10, s25;
	[smem:$0x6FD] =	sst s7  }
0x3c8: {  	s11 =	spop (drf);
	s7 =	sxor.u32 s4, s24;
	s24 =	sld [smem:$0x696]  }
0x3c9: {  	(drf) =	sdiv.u32 s0, s28;
	s14 =	sshra.s32 s13, $0x1F;
	[smem:$0x6F9] =	sst s11  }
0x3ca: {  	s0 =	ssub.s32 s9, s30;
	s28 =	sshra.s32 s26, $0x1F;
	[smem:$0x700] =	sst s14  }
0x3cb: {  	s2 =	ssub.s32 s18, s16;
	(drf) =	sdiv.u32 s1, s0;
	[smem:$0x706] =	sst s28  }
0x3cc: {  	s1 =	sxor.u32 s23, s12;
	s21 =	spop (drf);
	s12 =	sld [smem:$0x695]  }
0x3cd: {  	s15 =	sxor.u32 s14, s13;
	s1 =	ssub.s32 s1, s23;
	[smem:$0x6F5] =	sst s21  }
0x3ce: {  	s30 =	spop (drf);
	s23 =	sxor.u32 s23, s16;
	s16 =	sld [smem:$0x6D9]  }
0x3cf: {  	s0 =	ssub.s32 s15, s14;
	s14 =	sshra.s32 s5, $0x1F;
	[smem:$0x6F1] =	sst s30  }
0x3d0: {  	s6 =	sxor.u32 s28, s26;
	s9 =	spop (drf);
	[smem:$0x70A] =	sst s14  }
0x3d1: {  	(drf) =	sdiv.u32 s2, s1;
	s26 =	sshra.s32 s24, $0x1F;
	[smem:$0x6EE] =	sst s9  }
0x3d2: {  	s22 =	ssub.s32 s20, s19;
	s10 =	spop (drf);
	[smem:$0x703] =	sst s26  }
0x3d3: {  	(drf) =	sdiv.u32 s22, s0;
	s13 =	sshra.s32 s12, $0x1F;
	[smem:$0x6EC] =	sst s10  }
0x3d4: {  	s0 =	ssub.s32 s6, s28;
	s28 =	sshra.s32 s8, $0x1F;
	[smem:$0x709] =	sst s13  }
0x3d5: {  	s1 =	ssub.s32 s7, s4;
	s18 =	sxor.u32 s14, s5;
	[smem:$0x704] =	sst s28  }
0x3d6: {  	(drf) =	sdiv.u32 s1, s0;
	s15 =	sxor.u32 s13, s12;
	s12 =	sld [smem:$0x697]  }
0x3d7: {  	s11 =	spop (drf);
	s1 =	ssub.s32 s18, s14;
	s14 =	sld [smem:$0x699]  }
0x3d8: {  	[smem:$0x6EB] =	sst s11  }
0x3d9: {  	s0 =	ssub.s32 s15, s13;
	s13 =	sld [smem:$0x698]  }
0x3da: {  	s19 =	spop (drf);
	s15 =	sld [smem:$0x69A]  }
0x3db: {  	[smem:$0x722] =	sst s19  }
0x3dc: {  	(v2sf) =	vpush v19, $0xE;
	s30 =	sxor.u32 s26, s24;
	s31 =	sxor.u32 s28, s8;
	s19 =	sld [smem:$0x69B]  }
0x3dd: {  	(drf) =	sdiv.u32 s1, s0;
	s0 =	ssub.s32 s30, s26;
	s26 =	sld [smem:$0x69F]  }
0x3de: {  	s1 =	ssub.s32 s31, s28;
	s28 =	sld [smem:$0x6A0]  }
0x3df: {  	s30 =	sld [smem:$0x6A1]  }
0x3e0: {  	s20 =	spop (drf);
	s31 =	sld [smem:$0x6A2]  }
0x3e1: {  	[smem:$0x720] =	sst s20  }
0x3e2: {  	s21 =	spop (drf);
	s20 =	sld [smem:$0x69C]  }
0x3e3: {  	[smem:$0x719] =	sst s21  }
0x3e4: {  	s21 =	sld [smem:$0x69D]  }
0x3e5: {  	(drf) =	sdiv.u32 s1, s0;
	s1 =	sxor.u32 s12, s13;
	s13 =	sld [smem:$0x6A7]  }
0x3e6: {  	s22 =	spop (drf);
	s3 =	sxor.u32 s14, s15;
	s14 =	sld [smem:$0x6A8]  }
0x3e7: {  	[smem:$0x718] =	sst s22  }
0x3e8: {  	s22 =	sld [smem:$0x69E]  }
0x3e9: {  	s5 =	spop (drf);
	s2 =	sxor.u32 s31, s30;
	s30 =	sld [smem:$0x6AD]  }
0x3ea: {  	s0 =	sxor.u32 s26, s28;
	[smem:$0x714] =	sst s5  }
0x3eb: {  	s28 =	spop (v2sf);
	s4 =	sxor.u32 s20, s19;
	s20 =	sld [smem:$0x6A9]  }
0x3ec: {  	s6 =	spop (drf);
	[smem:$0x6F2] =	sst s28  }
0x3ed: {  	[smem:$0x6E5] =	sst s6  }
0x3ee: {  	s7 =	spop (drf);
	s5 =	sxor.u32 s13, s14;
	s14 =	sld [smem:$0x6AF]  }
0x3ef: {  	[smem:$0x6E9] =	sst s7  }
0x3f0: {  	s8 =	spop (drf);
	s7 =	sld [smem:$0x6A3]  }
0x3f1: {  	[smem:$0x6ED] =	sst s8  }
0x3f2: {  	(v2sf) =	vpush v19, $0xD;
	s9 =	spop (drf);
	s8 =	sld [smem:$0x6A4]  }
0x3f3: {  	[smem:$0x6F3] =	sst s9  }
0x3f4: {  	s10 =	spop (drf);
	s9 =	sld [smem:$0x6A5]  }
0x3f5: {  	(v2sf) =	vpush v19, $0xC;
	[smem:$0x6F8] =	sst s10  }
0x3f6: {  	s11 =	spop (drf);
	s10 =	sld [smem:$0x6A6]  }
0x3f7: {  	(v2sf) =	vpush v19, $0xB;
	[smem:$0x6FC] =	sst s11  }
0x3f8: {  	s11 =	sxor.u32 s21, s22;
	s21 =	sld [smem:$0x6AA]  }
0x3f9: {  	(v2sf) =	vpush v19, $0xA;
	s22 =	sld [smem:$0x6AB]  }
0x3fa: {  	s18 =	spop (drf);
	s15 =	sxor.u32 s7, s8;
	s7 =	sld [smem:$0x6AE]  }
0x3fb: {  	(v2sf) =	vpush v19, $0x9;
	[smem:$0x6FF] =	sst s18;
	s24 =	spop (drf)  }
0x3fc: {  	[smem:$0x705] =	sst s24  }
0x3fd: {  	s6 =	spop (drf);
	s24 =	sld [smem:$0x6AC]  }
0x3fe: {  	[smem:$0x70B] =	sst s6;
	s12 =	spop (drf)  }
0x3ff: {  	(v2sf) =	vpush v19, $0x8;
	s8 =	sxor.u32 s9, s10;
	s9 =	sxor.u32 s5, s7;
	[smem:$0x70D] =	sst s12  }
0x400: {  	s19 =	spop (drf);
	s6 =	ssub.s32 s9, s5;
	s9 =	sld [smem:$0x6B2]  }
0x401: {  	s12 =	spop (v2sf);
	[smem:$0x70E] =	sst s19  }
0x402: {  	s18 =	simm.s32 $0x10;
	s21 =	sxor.u32 s21, s20;
	[smem:$0x6F6] =	sst s12  }
0x403: {  	v21 =	vor.u32 s18, v0;
	s18 =	sxor.u32 s21, s14;
	s19 =	sld [smem:$0x6B0]  }
0x404: {  	s13 =	spop (v2sf);
	s5 =	ssub.s32 s18, s21;
	s18 =	sld [smem:$0x6B3]  }
0x405: {  	s26 =	sxor.u32 s22, s24;
	[smem:$0x6F0] =	sst s13  }
0x406: {  	s31 =	sxor.u32 s26, s30;
	s24 =	spop (v2sf);
	s30 =	sld [smem:$0x6B1]  }
0x407: {  	(v2sf) =	vpush v19, $0x7;
	[smem:$0x6F7] =	sst s24  }
0x408: {  	(v2sf) =	vpush v19, $0x6;
	s28 =	spop (v2sf);
	s24 =	sld [smem:$0x6B5]  }
0x409: {  	(v2sf) =	vpush v19, $0x5;
	[smem:$0x6F4] =	sst s28  }
0x40a: {  	(v2sf) =	vpush v19, $0x4;
	s20 =	sxor.u32 s8, s19;
	s13 =	spop (v2sf);
	s19 =	sld [smem:$0x6B4]  }
0x40b: {  	s12 =	sxor.u32 s2, s9;
	[smem:$0x6EF] =	sst s13  }
0x40c: {  	s22 =	ssub.s32 s31, s26;
	s13 =	ssub.s32 s12, s2;
	s2 =	sld [smem:$0x6B8]  }
0x40d: {  	v23 =	vmov s22;
	s12 =	sld [smem:$0x6BC]  }
0x40e: {  	(v2sf) =	vpush v19, $0x3;
	s14 =	spop (v2sf);
	v23 =	vsel vm4, s6, v23;
	s6 =	sld [smem:$0x6CA]  }
0x40f: {  	(v2sf) =	vpush v19, $0x2;
	s31 =	sxor.u32 s0, s30;
	[smem:$0x6E7] =	sst s14  }
0x410: {  	(v2sf) =	vpush v19, $0x1;
	s10 =	ssub.s32 s31, s0;
	s31 =	sld [smem:$0x6B6]  }
0x411: {  	(v2sf) =	vpush v19, $0x0;
	s0 =	sxor.u32 s15, s18;
	s26 =	sxor.u32 s4, s24;
	v23 =	vsel vm5, s5, v23;
	s5 =	sld [smem:$0x6CE]  }
0x412: {  	(v2sf) =	vpush v19, $0xF;
	s9 =	ssub.s32 s0, s15;
	s15 =	ssub.s32 s26, s4;
	s4 =	sld [smem:$0x6BA]  }
0x413: {  	(v2sf) =	vpush v21, $0xE;
	s7 =	ssub.s32 s20, s8;
	s26 =	sld [smem:$0x6BE]  }
0x414: {  	s20 =	sxor.u32 s3, s19;
	v23 =	vsel vm6, s7, v23;
	s7 =	sld [smem:$0x6D1]  }
0x415: {  	s14 =	ssub.s32 s20, s3;
	s3 =	sld [smem:$0x6B9]  }
0x416: {  	s30 =	spop (v2sf);
	v23 =	vsel vm7, s10, v23;
	s10 =	sld [smem:$0x6D2]  }
0x417: {  	s28 =	spop (v2sf);
	s0 =	sxor.u32 s11, s31;
	s31 =	sld [smem:$0x6BF]  }
0x418: {  	(v2sf) =	vpush v21, $0xD;
	s24 =	spop (v2sf);
	v23 =	vsel vm8, s13, v23;
	s13 =	sld [smem:$0x6D6];
	s3 =	sxor.u32 s2, s3  }
0x419: {  	s19 =	spop (v2sf);
	s2 =	sld [smem:$0x6C0];
	s20 =	sxor.u32 s3, s12  }
0x41a: {  	s29 =	sxor.u32 s26, s31;
	s26 =	ssub.s32 s20, s3;
	s3 =	sld [smem:$0x6C1]  }
0x41b: {  	[smem:$0x6B7] =	sst s19;
	s8 =	sxor.u32 s1, s4  }
0x41c: {  	s21 =	ssub.s32 s8, s1;
	s8 =	sld [smem:$0x6C2]  }
0x41d: {  	(v2sf) =	vpush v21, $0xC;
	s18 =	spop (v2sf);
	s1 =	sxor.u32 s3, s2;
	s2 =	sld [smem:$0x6C4]  }
0x41e: {  	s4 =	spop (v2sf);
	s3 =	sld [smem:$0x6C5]  }
0x41f: {  	s20 =	spop (v2sf);
	s12 =	sxor.u32 s29, s8;
	s8 =	sld [smem:$0x6C6]  }
0x420: {  	v23 =	vsel vm9, s9, v23;
	s9 =	sld [smem:$0x6D8];
	s31 =	spop (v2sf);
	s12 =	ssub.s32 s12, s29  }
0x421: {  	v22 =	vmov s2;
	s29 =	sxor.u32 s1, s3;
	s2 =	spop (v2sf);
	s3 =	sld [smem:$0x6C7]  }
0x422: {  	v22 =	vsel vm4, s8, v22;
	s8 =	sld [smem:$0x6C8];
	s22 =	spop (v2sf)  }
0x423: {  	[smem:$0x6FE] =	sst s22  }
0x424: {  	s22 =	sld [smem:$0x6CB]  }
0x425: {  	(v2sf) =	vpush v21, $0xB;
	[smem:$0x6BB] =	sst s18  }
0x426: {  	(v2sf) =	vpush v21, $0xA;
	s11 =	ssub.s32 s0, s11;
	[smem:$0x6BD] =	sst s4;
	s0 =	sxor.u32 s3, s8  }
0x427: {  	s3 =	sld [smem:$0x6C9];
	s6 =	sxor.u32 s6, s22;
	s22 =	spop (v2sf)  }
0x428: {  	(v2sf) =	vpush v21, $0x9;
	v23 =	vsel vm10, s14, v23;
	[smem:$0x6FB] =	sst s22  }
0x429: {  	(v2sf) =	vpush v21, $0xF;
	v23 =	vsel vm11, s15, v23;
	s22 =	sld [smem:$0x6CD]  }
0x42a: {  	v23 =	vsel vm12, s11, v23;
	s11 =	sld [smem:$0x6E0]  }
0x42b: {  	v22 =	vsel vm5, s3, v22;
	s3 =	sld [smem:$0x6CC]  }
0x42c: {  	(v2sf) =	vpush v21, $0x0;
	[smem:$0x6C3] =	sst s31;
	v22 =	vsel vm6, s22, v22;
	s22 =	spop (v2sf)  }
0x42d: {  	(v2sf) =	vpush v21, $0x1;
	[smem:$0x6FA] =	sst s22  }
0x42e: {  	s8 =	ssub.s32 s29, s1;
	s1 =	sxor.u32 s0, s3;
	s22 =	sld [smem:$0x6D3]  }
0x42f: {  	(v2sf) =	vpush v21, $0x2;
	s1 =	ssub.s32 s1, s0;
	s0 =	sxor.u32 s6, s5;
	s5 =	sld [smem:$0x6CF]  }
0x430: {  	s3 =	ssub.s32 s0, s6;
	s6 =	sld [smem:$0x6D0]  }
0x431: {  	[dreg:$0x9] =	wrdreg s2  }
0x432: {  	(v2sf) =	vpush v21, $0x3;
	v23 =	vsel vm13, s21, v23;
	v22 =	vsel vm7, s5, v22;
	s5 =	sld [smem:$0x6D4]  }
0x433: {  	v23 =	vsel vm14, s26, v23;
	s0 =	sshll.u32 s6, $0x6;
	s6 =	sshll.u32 s22, $0xC;
	s22 =	sld [smem:$0x6D7]  }
0x434: {  	v23 =	vsel vm15, s12, v23;
	s29 =	spop (v2sf);
	v22 =	vsel vm8, s7, v22;
	s7 =	sld [smem:$0x6D5]  }
0x435: {  	v23 =	vsel vm1, s8, v23;
	s8 =	sld [smem:$0x6ED];
	s0 =	sadd.s32 s10, s0;
	s10 =	spop (v2sf)  }
0x436: {  	(v2sf) =	vpush v21, $0x4;
	v22 =	vsel vm9, s5, v22;
	s0 =	sadd.s32 s6, s0;
	s5 =	sxor.u32 s22, s25;
	s22 =	sld [smem:$0x6DA]  }
0x437: {  	s6 =	sxor.u32 s7, s17;
	s17 =	spop (v2sf);
	v22 =	vsel vm10, s13, v22;
	s7 =	sld [smem:$0x6DF]  }
0x438: {  	(v2sf) =	vpush v21, $0x5;
	s25 =	spop (v2sf);
	v22 =	vsel vm11, s9, v22;
	s9 =	sld [smem:$0x6DB]  }
0x439: {  	(drf) =	sdiv.u32 s25, s2;
	s2 =	sld [smem:$0x6F5]  }
0x43a: {  	s14 =	sxor.u32 s16, s22;
	s16 =	sld [smem:$0x6DC]  }
0x43b: {  	(v2sf) =	vpush v21, $0x6;
	s25 =	spop (v2sf);
	s22 =	sld [smem:$0x6DD]  }
0x43c: {  	(v2sf) =	vpush v21, $0x7;
	(drf) =	sdiv.u32 s25, s31;
	s25 =	spop (v2sf)  }
0x43d: {  	s31 =	sld [smem:$0x6DE];
	(drf) =	sdiv.u32 s25, s20  }
0x43e: {  	(v2sf) =	vpush v21, $0x8;
	s15 =	spop (v2sf);
	s25 =	sld [smem:$0x6E3]  }
0x43f: {  	(drf) =	sdiv.u32 s15, s4;
	s15 =	sld [smem:$0x6E8]  }
0x440: {  	s11 =	sxor.u32 s7, s11;
	v22 =	vsel vm12, s9, v22;
	s9 =	sxor.u32 s16, s22;
	s16 =	sld [smem:$0x6E1]  }
0x441: {  	s7 =	spop (v2sf);
	s22 =	smov.u32 s24;
	s24 =	sld [smem:$0x6E2]  }
0x442: {  	(drf) =	sdiv.u32 s7, s18;
	s18 =	sld [smem:$0x6E5]  }
0x443: {  	v22 =	vsel vm13, s31, v22;
	s7 =	sld [smem:$0x6F6]  }
0x444: {  	v22 =	vsel vm14, s16, v22;
	s16 =	sld [smem:$0x6E4]  }
0x445: {  	s31 =	sxor.u32 s24, s25;
	s24 =	spop (v2sf);
	s25 =	sld [smem:$0x6E6]  }
0x446: {  	s21 =	sxor.u32 s31, s18;
	(drf) =	sdiv.u32 s24, s19;
	s24 =	sld [smem:$0x6E7]  }
0x447: {  	s4 =	spop (v2sf);
	s26 =	ssub.s32 s21, s31;
	s21 =	sld [smem:$0x6EA]  }
0x448: {  	s12 =	smov.u32 s22;
	(drf) =	sdiv.u32 s4, s22;
	s22 =	sld [smem:$0x6EB]  }
0x449: {  	s4 =	sld [smem:$0x6F2]  }
0x44a: {  	s19 =	spop (v2sf);
	v22 =	vsel vm15, s16, v22;
	s16 =	sld [smem:$0x6E9]  }
0x44b: {  	(drf) =	sdiv.u32 s19, s28;
	s31 =	spop (v2sf)  }
0x44c: {  	s19 =	sld [smem:$0x6EF];
	v22 =	vsel vm1, s25, v22;
	(drf) =	sdiv.u32 s31, s30  }
0x44d: {  	s13 =	spop (v2sf);
	v22 =	vsel vm2, s15, v22;
	s15 =	smov.u32 s28;
	s28 =	sld [smem:$0x6F3]  }
0x44e: {  	(drf) =	sdiv.u32 s13, s24;
	s13 =	sld [smem:$0x6F9]  }
0x44f: {  	s18 =	sxor.u32 s9, s16;
	s16 =	sld [smem:$0x6EE]  }
0x450: {  	v28 =	vsel vm3, s21, v22;
	v22 =	vsel vm2, s1, v23;
	v23 =	vmov s22;
	s22 =	smov.u32 s24;
	s24 =	sld [smem:$0x6F0]  }
0x451: {  	s21 =	spop (drf);
	v29 =	vsel vm3, s3, v22;
	s3 =	sld [smem:$0x6EC]  }
0x452: {  	v30 =	vmov s26;
	s25 =	ssub.s32 s18, s9;
	v31 =	vmov s21;
	s21 =	smov.u32 s20;
	s20 =	sld [smem:$0x6FC]  }
0x453: {  	(drf) =	sdiv.u32 s17, s19;
	s9 =	sxor.u32 s11, s8;
	v30 =	vsel vm4, s25, v30;
	s25 =	sld [smem:$0x6F1]  }
0x454: {  	s18 =	ssub.s32 s9, s11;
	s11 =	smov.u32 s19;
	s19 =	sld [smem:$0x6F7]  }
0x455: {  	s31 =	spop (drf);
	s9 =	sld [smem:$0x6F8]  }
0x456: {  	s26 =	smov.u32 s30;
	s30 =	sxor.u32 s14, s28;
	v31 =	vsel vm4, s31, v31;
	s31 =	sld [smem:$0x6FE]  }
0x457: {  	s1 =	ssub.s32 s30, s14;
	s14 =	sld [smem:$0x6F4]  }
0x458: {  	v30 =	vsel vm5, s18, v30;
	s18 =	sld [smem:$0x6FB]  }
0x459: {  	s30 =	sld [smem:$0x6FD]  }
0x45a: {  	v23 =	vsel vm4, s3, v23;
	s3 =	sld [smem:$0x6FF]  }
0x45b: {  	v23 =	vsel vm5, s16, v23;
	s16 =	sld [smem:$0x6FA]  }
0x45c: {  	s8 =	spop (drf);
	v30 =	vsel vm6, s1, v30;
	s1 =	sxor.u32 s6, s9;
	s9 =	sld [smem:$0x701]  }
0x45d: {  	(drf) =	sdiv.u32 s10, s14;
	s10 =	spop (drf)  }
0x45e: {  	v23 =	vsel vm6, s25, v23;
	s1 =	ssub.s32 s1, s6;
	s25 =	sxor.u32 s5, s20;
	s20 =	sld [smem:$0x705]  }
0x45f: {  	v31 =	vsel vm5, s8, v31;
	v23 =	vsel vm7, s2, v23;
	(drf) =	sdiv.u32 s29, s19;
	v30 =	vsel vm7, s1, v30;
	s1 =	ssub.s32 s25, s5;
	s25 =	sld [smem:$0x706]  }
0x460: {  	v31 =	vsel vm6, s10, v31;
	s17 =	spop (drf);
	v23 =	vsel vm8, s13, v23;
	s13 =	sld [smem:$0x702]  }
0x461: {  	(drf) =	sdiv.u32 s16, s24;
	v31 =	vsel vm7, s17, v31;
	s17 =	sld [smem:$0x703]  }
0x462: {  	s6 =	smov.u32 s7;
	(drf) =	sdiv.u32 s18, s7;
	s7 =	sld [smem:$0x700]  }
0x463: {  	s28 =	spop (drf);
	s18 =	sld [smem:$0x704]  }
0x464: {  	v22 =	vmov s0;
	v31 =	vsel vm8, s28, v31;
	s0 =	spop (drf);
	s28 =	sld [smem:$0x707]  }
0x465: {  	s8 =	smov.u32 s4;
	v23 =	vsel vm9, s30, v23;
	s30 =	sld [smem:$0x708];
	(drf) =	sdiv.u32 s31, s4  }
0x466: {  	s4 =	sxor.u32 s23, s3;
	s3 =	sxor.u32 s7, s9;
	s7 =	sld [smem:$0x709]  }
0x467: {  	v30 =	vsel vm8, s1, v30;
	v31 =	vsel vm9, s0, v31;
	s5 =	spop (drf);
	s10 =	ssub.s32 s4, s23;
	s9 =	sld [smem:$0x70A]  }
0x468: {  	v31 =	vsel vm10, s5, v31;
	s16 =	spop (drf);
	v30 =	vsel vm9, s10, v30;
	s10 =	sld [smem:$0x70B]  }
0x469: {  	v31 =	vsel vm11, s16, v31;
	s16 =	sld [smem:$0x70C]  }
0x46a: {  	s2 =	sxor.u32 s17, s18;
	s17 =	sld [smem:$0x70D]  }
0x46b: {  	v23 =	vsel vm10, s13, v23;
	s4 =	sxor.u32 s25, s28;
	s28 =	sld [smem:$0x70F]  }
0x46c: {  	s23 =	spop (drf);
	v23 =	vsel vm11, s30, v23;
	s30 =	sld [smem:$0x710]  }
0x46d: {  	v31 =	vsel vm12, s23, v31;
	s31 =	spop (drf);
	s23 =	sld [smem:$0x70E]  }
0x46e: {  	(v2sf) =	vpush v20, $0xE;
	s0 =	sxor.u32 s3, s20;
	v31 =	vsel vm13, s31, v31;
	s31 =	sld [smem:$0x711]  }
0x46f: {  	(v2sf) =	vpush v20, $0xD;
	s0 =	ssub.s32 s0, s3;
	s3 =	sxor.u32 s7, s9;
	s7 =	sld [smem:$0x712]  }
0x470: {  	(v2sf) =	vpush v20, $0xC;
	s9 =	sld [smem:$0x713]  }
0x471: {  	(v2sf) =	vpush v20, $0xB;
	v30 =	vsel vm10, s0, v30;
	s0 =	sxor.u32 s4, s10;
	s10 =	sld [smem:$0x714]  }
0x472: {  	(v2sf) =	vpush v20, $0xA;
	v23 =	vsel vm12, s16, v23;
	s16 =	sld [smem:$0x715]  }
0x473: {  	(v2sf) =	vpush v20, $0x9;
	s13 =	spop (drf);
	s1 =	sxor.u32 s3, s17;
	s17 =	sld [smem:$0x716]  }
0x474: {  	(v2sf) =	vpush v20, $0x8;
	s0 =	ssub.s32 s0, s4;
	s4 =	sxor.u32 s28, s30;
	s28 =	sld [smem:$0x71B]  }
0x475: {  	(v2sf) =	vpush v20, $0x7;
	v31 =	vsel vm14, s13, v31;
	s18 =	spop (drf);
	s30 =	sld [smem:$0x71C]  }
0x476: {  	(v2sf) =	vpush v20, $0x6;
	v31 =	vsel vm15, s18, v31;
	s18 =	sld [smem:$0x717]  }
0x477: {  	(v2sf) =	vpush v20, $0x5;
	s20 =	ssub.s32 s1, s3;
	s1 =	sxor.u32 s2, s23;
	s23 =	sld [smem:$0x719]  }
0x478: {  	(v2sf) =	vpush v20, $0x4;
	v30 =	vsel vm11, s0, v30;
	v23 =	vsel vm13, s31, v23;
	s31 =	sld [smem:$0x71D]  }
0x479: {  	(v2sf) =	vpush v20, $0x3;
	s25 =	spop (drf);
	v30 =	vsel vm12, s20, v30;
	s20 =	sld [smem:$0x718]  }
0x47a: {  	(v2sf) =	vpush v20, $0x2;
	s1 =	ssub.s32 s1, s2;
	v31 =	vsel vm1, s25, v31;
	s5 =	spop (drf);
	s25 =	sld [smem:$0x71A]  }
0x47b: {  	(v2sf) =	vpush v20, $0x1;
	s0 =	sxor.u32 s7, s9;
	s2 =	sxor.u32 s4, s10;
	s9 =	sld [smem:$0x71F]  }
0x47c: {  	(v2sf) =	vpush v20, $0x0;
	v31 =	vsel vm2, s5, v31;
	s13 =	spop (drf);
	s2 =	ssub.s32 s2, s4;
	s4 =	sxor.u32 s17, s18  }
0x47d: {  	v32 =	vsel vm14, s16, v23;
	s10 =	sld [smem:$0x720];
	s5 =	spop (v2sf);
	v23 =	vsel vm3, s13, v31;
	v31 =	vsel vm13, s1, v30;
	s1 =	sxor.u32 s4, s23  }
0x47e: {  	v18 =	vshll.u32 v18, $0x6;
	vm0 =	vlt.s32 v15, v17;
	(v2sf) =	vpush v20, $0xF;
	s7 =	spop (v2sf);
	s1 =	ssub.s32 s1, s4;
	s4 =	sld [smem:$0x71E]  }
0x47f: {  	v15 =	vadd.s32 v16, v18;
	s13 =	sld [smem:$0x721];
	s3 =	sxor.u32 s0, s20;
	v30 =	vshll.u32 v23, $0x5;
	v31 =	vsel vm14, s2, v31;
	s2 =	sxor.u32 s28, s30  }
0x480: {  	v15 =	vadd.s32 v24, v15;
	s0 =	ssub.s32 s3, s0;
	(v2sf) =	vpush v30, $0xE;
	s3 =	sxor.u32 s2, s10;
	s10 =	spop (v2sf)  }
0x481: {  	s17 =	sld [smem:$0x722];
	v32 =	vsel vm15, s25, v32;
	v31 =	vsel vm15, s0, v31;
	(v2sf) =	vpush v30, $0xD;
	s0 =	sxor.u32 s4, s9;
	s4 =	spop (v2sf)  }
0x482: {  	v17 =	vshll.u32 v28, $0x5;
	s18 =	sld [smem:$0x723];
	v32 =	vsel vm1, s31, v32;
	s16 =	ssub.s32 s3, s2;
	(v2sf) =	vpush v30, $0xC;
	s3 =	spop (v2sf)  }
0x483: {  	s20 =	sld [smem:$0x724];
	v32 =	vsel vm2, s13, v32;
	v31 =	vsel vm1, s1, v31;
	(v2sf) =	vpush v30, $0xB;
	s13 =	spop (v2sf)  }
0x484: {  	v17 =	vadd.s32 v29, v17;
	v31 =	vsel vm2, s16, v31;
	(v2sf) =	vpush v30, $0xA;
	s16 =	spop (v2sf)  }
0x485: {  	v16 =	vsel vm0, v15, v16;
	v17 =	vnsel vm0, $0x0, v17;
	s2 =	sxor.u32 s0, s17;
	(v2sf) =	vpush v30, $0x9;
	s29 =	spop (v2sf)  }
0x486: {  	s23 =	rddreg [dreg:$0x5];
	v32 =	vsel vm3, s18, v32;
	v15 =	vmov s20;
	s0 =	ssub.s32 s2, s0;
	(v2sf) =	vpush v30, $0x8;
	s18 =	spop (v2sf)  }
0x487: {  	s28 =	rddreg [dreg:$0x6];
	v18 =	vshll.u32 v32, $0x5;
	v31 =	vsel vm3, s0, v31;
	s0 =	sadd.s32 $0x10, s23;
	(v2sf) =	vpush v30, $0x7;
	s9 =	spop (v2sf)  }
0x488: {  	vm0 =	vlt.s32 v62, v15;
	v18 =	vadd.s32 v31, v18;
	[tilespmem:s0+$0x0] =	vst v17;
	s0 =	sadd.s32 $0x10, s28;
	(v2sf) =	vpush v30, $0x6;
	s25 =	spop (v2sf)  }
0x489: {  	s30 =	simm.s32 $0x500;
	s2 =	simm.s32 $0x500;
	v18 =	vnsel vm0, $0x0, v18;
	[tilespmem:s0+$0x0] =	vst v16;
	(v2sf) =	vpush v30, $0x5;
	s20 =	spop (v2sf)  }
0x48a: {  	v63 =	vshll.u32 v26, $0x6;
	[dreg:$0x7] =	wrdreg s2;
	[tilespmem:s30+$0x0] =	vst v18;
	s30 =	simm.s32 $0xD00;
	(v2sf) =	vpush v30, $0x4;
	s23 =	spop (v2sf)  }
0x48b: {  	v17 =	vadd.s32 v22, v63;
	[dreg:$0x8] =	wrdreg s30;
	(v2sf) =	vpush v30, $0x3;
	s31 =	spop (v2sf)  }
0x48c: {  	v16 =	vadd.s32 v27, v17;
	v17 =	vmul.u32 v19, v23;
	(v2sf) =	vpush v30, $0x2;
	[smem:$0x725] =	sst s31;
	s28 =	spop (v2sf)  }
0x48d: {  	s17 =	simm.s32 $0xD00;
	v16 =	vsel vm0, v16, v22;
	(v2sf) =	vpush v30, $0x1;
	[smem:$0x726] =	sst s28;
	s31 =	spop (v2sf)  }
0x48e: {  	s0 =	simm.s32 $0x20;
	[tilespmem:s17+$0x0] =	vst v16;
	v16 =	vsub.s32 v21, v17;
	(v2sf) =	vpush v30, $0x0;
	[smem:$0x727] =	sst s31  }
.LBB2_4:
0x48f: {  	[smem:$0x634] =	sst s16  }
0x490: {  	[smem:$0x63B] =	sst s25  }
0x491: {  	[smem:$0x637] =	sst s18  }
0x492: {  	[smem:$0x641] =	sst s21  }
0x493: {  	[smem:$0x63D] =	sst s20  }
0x494: {  	[smem:$0x639] =	sst s9  }
0x495: {  	[smem:$0x62C] =	sst s5  }
0x496: {  	[smem:$0x63F] =	sst s23  }
0x497: {  	[dreg:$0xc] =	wrdreg s0;
	p0 =	sne.s32 s0, $0x3F0;
	s0 =	sshra.s32 s8, $0x1F  }
0x498: {  	[smem:$0x68D] =	sst s0  }
0x499: {  	s2 =	spop (v2sf);
	s0 =	sxor.u32 s0, s8;
	s8 =	sld [smem:$0x62C]  }
0x49a: {  	[smem:$0x62D] =	sst s2  }
0x49b: {  	s5 =	spop (v2sf);
	[smem:$0x646] =	sst s0  }
0x49c: {  	[smem:$0x62E] =	sst s5;
	s9 =	spop (v2sf)  }
0x49d: {  	[smem:$0x62F] =	sst s9;
	s16 =	spop (v2sf)  }
0x49e: {  	[smem:$0x630] =	sst s16;
	s17 =	spop (v2sf)  }
0x49f: {  	s16 =	smov.u32 s4;
	s4 =	sshra.s32 s19, $0x1F;
	[smem:$0x631] =	sst s17  }
0x4a0: {  	s18 =	spop (v2sf);
	[smem:$0x689] =	sst s4  }
0x4a1: {  	[smem:$0x632] =	sst s18;
	s20 =	spop (v2sf);
	s18 =	smov.u32 s13  }
0x4a2: {  	(v2sf) =	vpush v30, $0xF;
	s13 =	smov.u32 s3;
	s3 =	sshra.s32 s14, $0x1F;
	[smem:$0x633] =	sst s20  }
0x4a3: {  	s23 =	spop (v2sf);
	[smem:$0x687] =	sst s3  }
0x4a4: {  	v17 =	vshll.u32 v16, $0x5;
	[smem:$0x635] =	sst s23;
	s25 =	spop (v2sf)  }
0x4a5: {  	(v2sf) =	vpush v17, $0xE;
	[smem:$0x636] =	sst s25;
	s28 =	spop (v2sf)  }
0x4a6: {  	s25 =	sshra.s32 s12, $0x1F;
	[smem:$0x638] =	sst s28  }
0x4a7: {  	(v2sf) =	vpush v17, $0xD;
	[smem:$0x658] =	sst s25  }
0x4a8: {  	s30 =	spop (v2sf);
	s25 =	sshra.s32 s21, $0x1F;
	s21 =	sld [smem:$0x6BD]  }
0x4a9: {  	(v2sf) =	vpush v17, $0xC;
	[smem:$0x63A] =	sst s30  }
0x4aa: {  	(v2sf) =	vpush v17, $0xB;
	s30 =	sld [smem:$0x6BB]  }
0x4ab: {  	(v2sf) =	vpush v17, $0xA;
	s31 =	spop (v2sf);
	[smem:$0x65A] =	sst s25  }
0x4ac: {  	(v2sf) =	vpush v17, $0x9;
	[smem:$0x63C] =	sst s31;
	s1 =	spop (v2sf)  }
0x4ad: {  	[smem:$0x640] =	sst s1;
	s2 =	spop (v2sf)  }
0x4ae: {  	[smem:$0x642] =	sst s2  }
0x4af: {  	s5 =	spop (v2sf);
	[smem:$0x6BB] =	sst s30  }
0x4b0: {  	s2 =	sshra.s32 s6, $0x1F;
	[smem:$0x643] =	sst s5  }
0x4b1: {  	s1 =	spop (v2sf);
	[dreg:$0x1e] =	wrdreg s2  }
0x4b2: {  	s5 =	sshra.s32 s30, $0x1F;
	[smem:$0x644] =	sst s1  }
0x4b3: {  	(v2sf) =	vpush v17, $0x8;
	[smem:$0x656] =	sst s5  }
0x4b4: {  	s9 =	spop (v2sf);
	s5 =	rddreg [dreg:$0x9]  }
0x4b5: {  	s1 =	sshra.s32 s24, $0x1F;
	[smem:$0x649] =	sst s9  }
0x4b6: {  	s17 =	spop (v2sf);
	[smem:$0x68B] =	sst s1  }
0x4b7: {  	s24 =	sxor.u32 s1, s24;
	[smem:$0x648] =	sst s17  }
0x4b8: {  	s20 =	spop (v2sf);
	[smem:$0x647] =	sst s24  }
0x4b9: {  	(v2sf) =	vpush v17, $0x7;
	s24 =	sxor.u32 s3, s14;
	s14 =	sld [smem:$0x632];
	s28 =	spop (v2sf)  }
0x4ba: {  	[smem:$0x64C] =	sst s20;
	s31 =	spop (v2sf)  }
0x4bb: {  	[smem:$0x64B] =	sst s28;
	s25 =	spop (v2sf)  }
0x4bc: {  	(v2sf) =	vpush v17, $0x6;
	[smem:$0x64F] =	sst s25  }
0x4bd: {  	s25 =	sld [smem:$0x6C3]  }
0x4be: {  	(v2sf) =	vpush v17, $0x5;
	s28 =	sld [smem:$0x6B7]  }
0x4bf: {  	[smem:$0x64A] =	sst s31;
	s31 =	sshra.s32 s21, $0x1F  }
0x4c0: {  	(v2sf) =	vpush v17, $0x4;
	[smem:$0x63E] =	sst s31;
	s31 =	sshra.s32 s25, $0x1F  }
0x4c1: {  	[smem:$0x659] =	sst s31;
	s31 =	sshra.s32 s5, $0x1F  }
0x4c2: {  	[smem:$0x65B] =	sst s31;
	s31 =	spop (v2sf)  }
0x4c3: {  	(v2sf) =	vpush v17, $0x3;
	[smem:$0x64E] =	sst s31  }
0x4c4: {  	s17 =	sshra.s32 s22, $0x1F;
	s31 =	sld [smem:$0x62D]  }
0x4c5: {  	s20 =	sshra.s32 s15, $0x1F;
	[smem:$0x655] =	sst s17  }
0x4c6: {  	[smem:$0x654] =	sst s20;
	s30 =	sshra.s32 s28, $0x1F  }
0x4c7: {  	(v2sf) =	vpush v17, $0x2;
	[smem:$0x657] =	sst s30;
	(drf) =	sdiv.u32 s31, s8  }
0x4c8: {  	(v2sf) =	vpush v17, $0x1;
	s8 =	spop (v2sf);
	s31 =	sxor.u32 s2, s6;
	s6 =	sld [smem:$0x62E]  }
0x4c9: {  	[smem:$0x64D] =	sst s8  }
0x4ca: {  	(v2sf) =	vpush v17, $0x0;
	[smem:$0x645] =	sst s31  }
0x4cb: {  	s8 =	spop (v2sf);
	s31 =	sld [smem:$0x62F]  }
0x4cc: {  	[smem:$0x651] =	sst s8;
	(drf) =	sdiv.u32 s6, s7  }
0x4cd: {  	(v2sf) =	vpush v17, $0xF;
	s6 =	spop (v2sf);
	s7 =	sld [smem:$0x630]  }
0x4ce: {  	(drf) =	sdiv.u32 s31, s10;
	[smem:$0x650] =	sst s6  }
0x4cf: {  	s9 =	sshra.s32 s11, $0x1F;
	s8 =	spop (v2sf);
	s10 =	sld [smem:$0x631]  }
0x4d0: {  	s31 =	sxor.u32 s9, s11;
	s11 =	smov.u32 s9;
	s9 =	sld [smem:$0x635]  }
0x4d1: {  	[smem:$0x669] =	sst s8;
	(drf) =	sdiv.u32 s7, s16  }
0x4d2: {  	(drf) =	sdiv.u32 s10, s13;
	s13 =	spop (v2sf)  }
0x4d3: {  	[smem:$0x667] =	sst s13  }
0x4d4: {  	(drf) =	sdiv.u32 s14, s18;
	s18 =	sld [smem:$0x633]  }
0x4d5: {  	s14 =	sxor.u32 s17, s22;
	s22 =	sld [smem:$0x634]  }
0x4d6: {  	s8 =	smov.u32 s17;
	s16 =	spop (v2sf);
	s17 =	sld [smem:$0x637]  }
0x4d7: {  	s23 =	sshra.s32 s26, $0x1F;
	[smem:$0x665] =	sst s16;
	s7 =	spop (v2sf)  }
0x4d8: {  	s13 =	sxor.u32 s23, s26;
	s26 =	spop (drf);
	[smem:$0x663] =	sst s7  }
0x4d9: {  	s10 =	spop (v2sf);
	[dreg:$0x10] =	wrdreg s26  }
0x4da: {  	[smem:$0x652] =	sst s10  }
0x4db: {  	(drf) =	sdiv.u32 s18, s22;
	s22 =	smov.u32 s23;
	s23 =	sld [smem:$0x639]  }
0x4dc: {  	s18 =	spop (v2sf);
	s10 =	sld [smem:$0x6BB]  }
0x4dd: {  	(drf) =	sdiv.u32 s9, s29;
	s29 =	sxor.u32 s20, s15;
	s15 =	sld [smem:$0x636]  }
0x4de: {  	[smem:$0x653] =	sst s18  }
0x4df: {  	s16 =	smov.u32 s20;
	s20 =	sld [smem:$0x638]  }
0x4e0: {  	s9 =	spop (drf);
	s18 =	sld [smem:$0x63D]  }
0x4e1: {  	[dreg:$0x12] =	wrdreg s9  }
0x4e2: {  	(drf) =	sdiv.u32 s15, s17;
	s17 =	sld [smem:$0x658]  }
0x4e3: {  	s15 =	sld [smem:$0x63C];
	(drf) =	sdiv.u32 s20, s23  }
0x4e4: {  	s20 =	spop (drf);
	s23 =	sld [smem:$0x640]  }
0x4e5: {  	[dreg:$0x14] =	wrdreg s20  }
0x4e6: {  	s6 =	sxor.u32 s17, s12;
	s12 =	sxor.u32 s30, s28;
	s28 =	sld [smem:$0x63A]  }
0x4e7: {  	s26 =	smov.u32 s30;
	s30 =	sld [smem:$0x63B];
	s17 =	ssub.s32 s6, s17  }
0x4e8: {  	[smem:$0x66D] =	sst s17  }
0x4e9: {  	s17 =	sld [smem:$0x650]  }
0x4ea: {  	(drf) =	sdiv.u32 s28, s30;
	s28 =	sld [smem:$0x656]  }
0x4eb: {  	s30 =	sld [smem:$0x63E]  }
0x4ec: {  	(drf) =	sdiv.u32 s15, s18;
	s15 =	sld [smem:$0x641]  }
0x4ed: {  	s18 =	sld [smem:$0x725];
	s9 =	sxor.u32 s28, s10  }
0x4ee: {  	s20 =	sxor.u32 s30, s21;
	s21 =	sld [smem:$0x63F];
	s10 =	spop (drf)  }
0x4ef: {  	[dreg:$0x19] =	wrdreg s10;
	s10 =	spop (drf)  }
0x4f0: {  	[smem:$0x68A] =	sst s10  }
0x4f1: {  	(drf) =	sdiv.u32 s23, s21;
	s21 =	sld [smem:$0x65A]  }
0x4f2: {  	s23 =	sld [smem:$0x642]  }
0x4f3: {  	s10 =	sld [smem:$0x727]  }
0x4f4: {  	s0 =	sxor.u32 s21, s15;
	s15 =	sld [smem:$0x726]  }
0x4f5: {  	(drf) =	sdiv.u32 s23, s18;
	s18 =	sld [smem:$0x643]  }
0x4f6: {  	s23 =	sld [smem:$0x659]  }
0x4f7: {  	s0 =	ssub.s32 s0, s21;
	s21 =	sld [smem:$0x64B]  }
0x4f8: {  	(drf) =	sdiv.u32 s18, s15;
	s18 =	sld [smem:$0x644]  }
0x4f9: {  	s15 =	sld [smem:$0x65B]  }
0x4fa: {  	[smem:$0x668] =	sst s0;
	s7 =	sxor.u32 s23, s25;
	s25 =	spop (drf)  }
0x4fb: {  	[smem:$0x688] =	sst s25;
	(drf) =	sdiv.u32 s18, s10  }
0x4fc: {  	s25 =	sxor.u32 s15, s5;
	s10 =	spop (drf);
	s18 =	sld [smem:$0x645]  }
0x4fd: {  	s5 =	ssub.s32 s24, s3;
	s3 =	ssub.s32 s7, s23;
	s23 =	sld [smem:$0x667]  }
0x4fe: {  	[smem:$0x685] =	sst s10  }
0x4ff: {  	s10 =	sld [smem:$0x68D]  }
0x500: {  	s24 =	ssub.s32 s9, s28;
	[smem:$0x662] =	sst s5  }
0x501: {  	s28 =	ssub.s32 s12, s26;
	[smem:$0x66B] =	sst s24  }
0x502: {  	[smem:$0x66C] =	sst s28  }
0x503: {  	s9 =	sshra.s32 s21, $0x1F;
	[smem:$0x666] =	sst s3  }
0x504: {  	[smem:$0x65D] =	sst s9  }
0x505: {  	s9 =	sld [smem:$0x651]  }
0x506: {  	s5 =	ssub.s32 s25, s15;
	s15 =	sld [smem:$0x665]  }
0x507: {  	[smem:$0x664] =	sst s5  }
0x508: {  	s2 =	ssub.s32 s18, s2;
	s18 =	sld [smem:$0x646]  }
0x509: {  	s5 =	sld [smem:$0x64E]  }
0x50a: {  	s19 =	sxor.u32 s4, s19;
	[smem:$0x65F] =	sst s2  }
0x50b: {  	s2 =	ssub.s32 s18, s10;
	s18 =	ssub.s32 s19, s4;
	s19 =	sld [smem:$0x647]  }
0x50c: {  	s10 =	spop (drf);
	[smem:$0x65E] =	sst s2  }
0x50d: {  	[smem:$0x683] =	sst s10  }
0x50e: {  	s4 =	ssub.s32 s31, s11;
	[smem:$0x661] =	sst s18  }
0x50f: {  	s2 =	spop (drf);
	[smem:$0x673] =	sst s4  }
0x510: {  	s18 =	smov.u32 s11;
	s11 =	ssub.s32 s13, s22;
	[smem:$0x681] =	sst s2  }
0x511: {  	s13 =	ssub.s32 s14, s8;
	[smem:$0x670] =	sst s11  }
0x512: {  	[smem:$0x672] =	sst s13  }
0x513: {  	s13 =	sld [smem:$0x64D]  }
0x514: {  	s10 =	spop (drf);
	s11 =	sld [smem:$0x663]  }
0x515: {  	[smem:$0x67F] =	sst s10  }
0x516: {  	s1 =	ssub.s32 s19, s1;
	s10 =	sld [smem:$0x669]  }
0x517: {  	s14 =	spop (drf);
	[smem:$0x660] =	sst s1  }
0x518: {  	s19 =	ssub.s32 s29, s16;
	[smem:$0x67D] =	sst s14  }
0x519: {  	[smem:$0x66E] =	sst s19  }
0x51a: {  	s1 =	ssub.s32 s20, s30;
	s20 =	sld [smem:$0x648]  }
0x51b: {  	s14 =	sld [smem:$0x649]  }
0x51c: {  	s4 =	smov.u32 s22;
	s22 =	spop (drf);
	s19 =	sld [smem:$0x64C]  }
0x51d: {  	[smem:$0x67B] =	sst s22  }
0x51e: {  	[smem:$0x66A] =	sst s1  }
0x51f: {  	s22 =	sld [smem:$0x64A]  }
0x520: {  	s31 =	spop (drf);
	s16 =	sshra.s32 s11, $0x1F;
	s11 =	sld [smem:$0x653]  }
0x521: {  	[smem:$0x679] =	sst s31;
	s2 =	spop (drf);
	s24 =	sshra.s32 s10, $0x1F  }
0x522: {  	s10 =	sshra.s32 s15, $0x1F;
	s15 =	sshra.s32 s23, $0x1F;
	s23 =	sld [smem:$0x652]  }
0x523: {  	[smem:$0x677] =	sst s2  }
0x524: {  	s2 =	sld [smem:$0x654];
	s8 =	sshra.s32 s22, $0x1F  }
0x525: {  	[smem:$0x65C] =	sst s8  }
0x526: {  	s6 =	spop (drf);
	s8 =	sld [smem:$0x64F]  }
0x527: {  	s12 =	sshra.s32 s14, $0x1F;
	[smem:$0x675] =	sst s6  }
0x528: {  	s26 =	sshra.s32 s19, $0x1F;
	[smem:$0x68E] =	sst s12  }
0x529: {  	s7 =	spop (drf);
	[smem:$0x68C] =	sst s26;
	s28 =	sshra.s32 s8, $0x1F  }
0x52a: {  	s31 =	sshra.s32 s9, $0x1F;
	[smem:$0x674] =	sst s7;
	s0 =	sxor.u32 s18, s28  }
0x52b: {  	s18 =	sxor.u32 s2, s31;
	s2 =	sxor.u32 s12, s14;
	s14 =	sld [smem:$0x659]  }
0x52c: {  	[smem:$0x686] =	sst s0  }
0x52d: {  	s3 =	sshra.s32 s13, $0x1F;
	s1 =	sshra.s32 s5, $0x1F;
	[smem:$0x680] =	sst s18  }
0x52e: {  	s8 =	sxor.u32 s28, s8;
	s0 =	sxor.u32 s4, s3;
	s18 =	sld [smem:$0x655]  }
0x52f: {  	s4 =	smov.u32 s3;
	s3 =	smov.u32 s1;
	[smem:$0x671] =	sst s8  }
0x530: {  	s2 =	ssub.s32 s2, s12;
	[smem:$0x682] =	sst s0;
	s5 =	sxor.u32 s3, s5  }
0x531: {  	s12 =	sxor.u32 s4, s13;
	s8 =	smov.u32 s4;
	s4 =	sld [smem:$0x65E]  }
0x532: {  	[smem:$0x66F] =	sst s5  }
0x533: {  	s0 =	sxor.u32 s18, s1;
	s18 =	sld [smem:$0x656]  }
0x534: {  	s5 =	sld [smem:$0x65F]  }
0x535: {  	[smem:$0x684] =	sst s0  }
0x536: {  	s1 =	sxor.u32 s18, s15;
	s18 =	sld [smem:$0x657]  }
0x537: {  	(drf) =	sdiv.u32 s2, s4;
	s2 =	sxor.u32 s31, s9;
	s9 =	sld [smem:$0x660]  }
0x538: {  	[smem:$0x67A] =	sst s1  }
0x539: {  	s29 =	smov.u32 s30;
	s1 =	sxor.u32 s18, s24;
	s18 =	sld [smem:$0x658]  }
0x53a: {  	[smem:$0x67C] =	sst s1;
	s1 =	sxor.u32 s29, s10  }
0x53b: {  	s30 =	sshra.s32 s17, $0x1F;
	[smem:$0x678] =	sst s1  }
0x53c: {  	s25 =	sshra.s32 s20, $0x1F;
	s6 =	sshra.s32 s11, $0x1F;
	s1 =	sld [smem:$0x65B]  }
0x53d: {  	s7 =	sshra.s32 s23, $0x1F;
	s0 =	sxor.u32 s18, s30;
	s18 =	sld [smem:$0x65A]  }
0x53e: {  	s4 =	sxor.u32 s7, s23;
	s23 =	sld [smem:$0x665];
	s29 =	sxor.u32 s25, s20  }
0x53f: {  	s20 =	sxor.u32 s14, s7;
	s14 =	sxor.u32 s26, s19;
	[smem:$0x67E] =	sst s0  }
0x540: {  	s19 =	sxor.u32 s1, s6;
	s1 =	sld [smem:$0x65C];
	s0 =	sxor.u32 s18, s16  }
0x541: {  	s29 =	ssub.s32 s29, s25;
	s14 =	ssub.s32 s14, s26;
	[smem:$0x676] =	sst s0  }
0x542: {  	(drf) =	sdiv.u32 s29, s5;
	s29 =	sxor.u32 s30, s17;
	s0 =	sld [smem:$0x65D]  }
0x543: {  	s17 =	sxor.u32 s6, s11;
	s11 =	ssub.s32 s4, s7;
	s4 =	sxor.u32 s10, s23  }
0x544: {  	s23 =	ssub.s32 s2, s31;
	s31 =	sld [smem:$0x66E];
	s18 =	sxor.u32 s1, s22  }
0x545: {  	s22 =	sxor.u32 s0, s21;
	s21 =	smov.u32 s3;
	s3 =	sld [smem:$0x661]  }
0x546: {  	(drf) =	sdiv.u32 s14, s9;
	s9 =	sld [smem:$0x662]  }
0x547: {  	s14 =	sld [smem:$0x663];
	s7 =	ssub.s32 s4, s10;
	s22 =	ssub.s32 s22, s0  }
0x548: {  	s10 =	sld [smem:$0x668];
	s18 =	ssub.s32 s18, s1;
	(drf) =	sdiv.u32 s22, s3  }
0x549: {  	(drf) =	sdiv.u32 s18, s9;
	s18 =	sld [smem:$0x664]  }
0x54a: {  	s9 =	sld [smem:$0x667]  }
0x54b: {  	s6 =	ssub.s32 s17, s6;
	s17 =	sxor.u32 s16, s14;
	s14 =	sld [smem:$0x669]  }
0x54c: {  	(drf) =	sdiv.u32 s6, s18;
	s6 =	sld [smem:$0x666]  }
0x54d: {  	s22 =	ssub.s32 s17, s16;
	s17 =	sld [smem:$0x66B];
	s3 =	sxor.u32 s15, s9  }
0x54e: {  	s18 =	ssub.s32 s29, s30;
	s30 =	ssub.s32 s12, s8;
	s8 =	sld [smem:$0x671]  }
0x54f: {  	(drf) =	sdiv.u32 s11, s6;
	s11 =	ssub.s32 s3, s15;
	s15 =	sld [smem:$0x66A]  }
0x550: {  	s6 =	sld [smem:$0x66F]  }
0x551: {  	s3 =	sxor.u32 s24, s14;
	s14 =	sld [smem:$0x673]  }
0x552: {  	(drf) =	sdiv.u32 s22, s10;
	s22 =	sld [smem:$0x66C]  }
0x553: {  	s4 =	spop (drf);
	s16 =	ssub.s32 s3, s24;
	s24 =	sld [smem:$0x66D]  }
0x554: {  	s3 =	spop (drf);
	s10 =	sld [smem:$0x672]  }
0x555: {  	s2 =	spop (drf);
	(drf) =	sdiv.u32 s7, s15  }
0x556: {  	s26 =	smov.u32 s1;
	s1 =	spop (drf);
	s7 =	sld [smem:$0x670]  }
0x557: {  	s15 =	sld [smem:$0x674];
	(drf) =	sdiv.u32 s11, s17  }
0x558: {  	s13 =	smov.u32 s0;
	s0 =	spop (drf);
	(drf) =	sdiv.u32 s16, s22  }
0x559: {  	s22 =	sld [smem:$0x677];
	(drf) =	sdiv.u32 s18, s24  }
0x55a: {  	s9 =	spop (drf);
	s18 =	sld [smem:$0x675]  }
0x55b: {  	(drf) =	sdiv.u32 s23, s31;
	s23 =	sld [smem:$0x678]  }
0x55c: {  	s11 =	sxor.u32 s19, s9;
	s9 =	sld [smem:$0x68B]  }
0x55d: {  	s5 =	ssub.s32 s6, s21;
	(drf) =	sdiv.u32 s30, s7;
	s30 =	sld [smem:$0x679]  }
0x55e: {  	(drf) =	sdiv.u32 s5, s10;
	s5 =	ssub.s32 s11, s19;
	s19 =	sld [smem:$0x676]  }
0x55f: {  	s6 =	ssub.s32 s8, s28;
	v17 =	vmov s15;
	s12 =	spop (drf);
	s11 =	sld [smem:$0x67B]  }
0x560: {  	v17 =	vsel vm4, s18, v17;
	(drf) =	sdiv.u32 s6, s14;
	s16 =	sxor.u32 s20, s12;
	s14 =	sld [smem:$0x67C]  }
0x561: {  	v18 =	vmov s5;
	v17 =	vsel vm5, s22, v17;
	s22 =	sld [smem:$0x67F];
	s6 =	ssub.s32 s16, s20  }
0x562: {  	s17 =	spop (drf);
	v18 =	vsel vm4, s6, v18;
	s6 =	sld [smem:$0x67A]  }
0x563: {  	v17 =	vsel vm6, s30, v17;
	s20 =	sxor.u32 s19, s17;
	s17 =	sld [smem:$0x67D]  }
0x564: {  	s21 =	spop (drf);
	v17 =	vsel vm7, s11, v17;
	s11 =	sld [smem:$0x682]  }
0x565: {  	s5 =	ssub.s32 s20, s19;
	s24 =	sxor.u32 s23, s21;
	s19 =	sld [smem:$0x67E]  }
0x566: {  	s28 =	spop (drf);
	v18 =	vsel vm5, s5, v18;
	s31 =	ssub.s32 s24, s23;
	s24 =	sld [smem:$0x680]  }
0x567: {  	s10 =	spop (drf);
	s7 =	sxor.u32 s6, s28;
	v18 =	vsel vm6, s31, v18;
	s31 =	sld [smem:$0x681]  }
0x568: {  	s15 =	sxor.u32 s14, s10;
	s16 =	spop (drf);
	v17 =	vsel vm8, s17, v17;
	s17 =	sld [smem:$0x684]  }
0x569: {  	s12 =	ssub.s32 s7, s6;
	s18 =	ssub.s32 s15, s14;
	s15 =	sld [smem:$0x683]  }
0x56a: {  	s20 =	sxor.u32 s19, s16;
	s21 =	spop (drf);
	v17 =	vsel vm9, s22, v17;
	s22 =	sld [smem:$0x686]  }
0x56b: {  	(v2sf) =	vpush v19, $0xE;
	s23 =	ssub.s32 s20, s19;
	s28 =	sxor.u32 s24, s21;
	s20 =	sld [smem:$0x685]  }
0x56c: {  	(v2sf) =	vpush v19, $0xD;
	s30 =	spop (drf);
	s10 =	ssub.s32 s28, s24;
	s24 =	sld [smem:$0x687]  }
0x56d: {  	(v2sf) =	vpush v19, $0xC;
	v18 =	vsel vm7, s12, v18;
	s12 =	sxor.u32 s11, s30;
	s30 =	sld [smem:$0x689]  }
0x56e: {  	(v2sf) =	vpush v19, $0xB;
	v17 =	vsel vm10, s31, v17;
	s31 =	sld [smem:$0x68A]  }
0x56f: {  	(v2sf) =	vpush v19, $0xA;
	s14 =	spop (drf);
	s16 =	ssub.s32 s12, s11;
	s11 =	rddreg [dreg:$0x19]  }
0x570: {  	(v2sf) =	vpush v19, $0x9;
	v18 =	vsel vm8, s18, v18;
	s18 =	sxor.u32 s17, s14;
	s14 =	rddreg [dreg:$0x1e]  }
0x571: {  	(v2sf) =	vpush v19, $0x8;
	v18 =	vsel vm9, s23, v18;
	v17 =	vsel vm11, s15, v17;
	s15 =	rddreg [dreg:$0x14]  }
0x572: {  	(v2sf) =	vpush v19, $0x7;
	v18 =	vsel vm10, s10, v18;
	s10 =	sld [smem:$0x68C]  }
0x573: {  	(v2sf) =	vpush v19, $0x6;
	s21 =	ssub.s32 s18, s17;
	s18 =	sld [smem:$0x68D]  }
0x574: {  	(v2sf) =	vpush v19, $0x5;
	s19 =	spop (drf);
	s7 =	sxor.u32 s24, s26;
	s26 =	sld [smem:$0x688]  }
0x575: {  	(v2sf) =	vpush v19, $0x4;
	s23 =	sxor.u32 s22, s19;
	s19 =	sld [smem:$0x68E]  }
0x576: {  	(v2sf) =	vpush v19, $0x3;
	v17 =	vsel vm12, s20, v17;
	s20 =	rddreg [dreg:$0x12];
	v18 =	vsel vm11, s16, v18;
	s28 =	ssub.s32 s23, s22;
	s6 =	sxor.u32 s30, s13  }
0x577: {  	(v2sf) =	vpush v19, $0x2;
	s23 =	rddreg [dreg:$0xc];
	v18 =	vsel vm12, s21, v18;
	s0 =	sxor.u32 s7, s0;
	s5 =	sxor.u32 s9, s10;
	v17 =	vsel vm13, s26, v17  }
0x578: {  	(v2sf) =	vpush v19, $0x1;
	s1 =	sxor.u32 s6, s1;
	v18 =	vsel vm13, s28, v18;
	s0 =	ssub.s32 s0, s7;
	s13 =	sxor.u32 s5, s2;
	v17 =	vsel vm14, s31, v17  }
0x579: {  	(v2sf) =	vpush v19, $0x0;
	s12 =	ssub.s32 s1, s6;
	v18 =	vsel vm14, s0, v18;
	s2 =	sxor.u32 s14, s25;
	s16 =	ssub.s32 s13, s5;
	v17 =	vsel vm15, s11, v17  }
0x57a: {  	(v2sf) =	vpush v19, $0xF;
	v18 =	vsel vm15, s12, v18;
	s17 =	sxor.u32 s2, s3;
	s3 =	sxor.u32 s18, s19;
	s18 =	spop (v2sf);
	v17 =	vsel vm1, s15, v17  }
0x57b: {  	s24 =	rddreg [dreg:$0x10];
	v18 =	vsel vm1, s16, v18;
	s16 =	spop (v2sf);
	v17 =	vsel vm2, s20, v17  }
0x57c: {  	v24 =	vor.u32 s23, v0;
	v17 =	vsel vm3, s24, v17;
	s24 =	spop (v2sf)  }
0x57d: {  	vm0 =	vlt.s32 v21, v15;
	v21 =	vmov v24;
	s19 =	spop (v2sf)  }
0x57e: {  	s14 =	spop (v2sf);
	(v2sf) =	vpush v21, $0xE  }
0x57f: {  	s20 =	spop (v2sf);
	(v2sf) =	vpush v21, $0xD  }
0x580: {  	s8 =	spop (v2sf);
	(v2sf) =	vpush v21, $0xC  }
0x581: {  	s13 =	spop (v2sf);
	(v2sf) =	vpush v21, $0xB  }
0x582: {  	s10 =	spop (v2sf);
	(v2sf) =	vpush v21, $0xA  }
0x583: {  	s9 =	spop (v2sf);
	(v2sf) =	vpush v21, $0x9  }
0x584: {  	s22 =	sxor.u32 s3, s4;
	(v2sf) =	vpush v21, $0xF;
	s11 =	spop (v2sf)  }
0x585: {  	s25 =	ssub.s32 s22, s3;
	(v2sf) =	vpush v21, $0x0;
	s22 =	spop (v2sf)  }
0x586: {  	s21 =	ssub.s32 s17, s2;
	(v2sf) =	vpush v21, $0x1;
	s30 =	spop (v2sf)  }
0x587: {  	v18 =	vsel vm2, s21, v18;
	s21 =	spop (v2sf);
	(v2sf) =	vpush v21, $0x2  }
0x588: {  	v23 =	vshll.u32 v23, $0x6;
	s31 =	spop (v2sf);
	(v2sf) =	vpush v21, $0x3  }
0x589: {  	v18 =	vsel vm3, s25, v18;
	v17 =	vshll.u32 v17, $0x5;
	s7 =	spop (v2sf);
	(v2sf) =	vpush v21, $0x4  }
0x58a: {  	s26 =	rddreg [dreg:$0x7];
	v17 =	vadd.s32 v18, v17;
	v18 =	vadd.s32 v22, v23;
	(v2sf) =	vpush v21, $0x5  }
0x58b: {  	s28 =	rddreg [dreg:$0x8];
	s0 =	sadd.s32 $0x10, s26;
	v17 =	vnsel vm0, $0x0, v17;
	v16 =	vadd.s32 v16, v18;
	(v2sf) =	vpush v21, $0x6  }
0x58c: {  	[dreg:$0x7] =	wrdreg s0;
	v16 =	vsel vm0, v16, v22;
	[tilespmem:s0+$0x0] =	vst v17;
	s0 =	sadd.s32 $0x10, s28;
	(v2sf) =	vpush v21, $0x7  }
0x58d: {  	[dreg:$0x8] =	wrdreg s0;
	[tilespmem:s0+$0x0] =	vst v16;
	(v2sf) =	vpush v21, $0x8;
	s0 =	spop (v2sf)  }
0x58e: {  	s1 =	spop (v2sf)  }
0x58f: {  	s2 =	spop (v2sf)  }
0x590: {  	[smem:$0x6B7] =	sst s11;
	s3 =	spop (v2sf)  }
0x591: {  	[smem:$0x6BD] =	sst s30;
	s4 =	spop (v2sf)  }
0x592: {  	[smem:$0x6C3] =	sst s31;
	s5 =	spop (v2sf)  }
0x593: {  	[dreg:$0x9] =	wrdreg s7;
	s23 =	spop (v2sf)  }
0x594: {  	s25 =	spop (v2sf);
	(drf) =	sdiv.u32 s23, s7  }
0x595: {  	(drf) =	sdiv.u32 s25, s31;
	s26 =	spop (v2sf)  }
0x596: {  	(drf) =	sdiv.u32 s26, s21;
	s28 =	spop (v2sf)  }
0x597: {  	(drf) =	sdiv.u32 s28, s30;
	s30 =	spop (v2sf)  }
0x598: {  	(drf) =	sdiv.u32 s30, s22;
	s31 =	spop (v2sf)  }
0x599: {  	(drf) =	sdiv.u32 s31, s11;
	s7 =	spop (v2sf)  }
0x59a: {  	s12 =	smov.u32 s9;
	(drf) =	sdiv.u32 s7, s9;
	s9 =	spop (v2sf)  }
0x59b: {  	s15 =	smov.u32 s10;
	(drf) =	sdiv.u32 s9, s10;
	s10 =	spop (v2sf)  }
0x59c: {  	(drf) =	sdiv.u32 s10, s13;
	s11 =	spop (v2sf)  }
0x59d: {  	s26 =	smov.u32 s13;
	s13 =	spop (drf);
	(drf) =	sdiv.u32 s11, s8  }
0x59e: {  	(v2sf) =	vpush v20, $0xE;
	v16 =	vmov s13;
	s17 =	spop (drf);
	(drf) =	sdiv.u32 s5, s20  }
0x59f: {  	(v2sf) =	vpush v20, $0xD;
	v16 =	vsel vm4, s17, v16;
	s23 =	spop (drf);
	(drf) =	sdiv.u32 s4, s14  }
0x5a0: {  	(v2sf) =	vpush v20, $0xC;
	v16 =	vsel vm5, s23, v16;
	s25 =	spop (drf);
	(drf) =	sdiv.u32 s3, s19  }
0x5a1: {  	(v2sf) =	vpush v20, $0xB;
	v16 =	vsel vm6, s25, v16;
	s28 =	spop (drf);
	(drf) =	sdiv.u32 s2, s24  }
0x5a2: {  	(v2sf) =	vpush v20, $0xA;
	v16 =	vsel vm7, s28, v16;
	s30 =	spop (drf);
	(drf) =	sdiv.u32 s1, s16  }
0x5a3: {  	(v2sf) =	vpush v20, $0x9;
	v16 =	vsel vm8, s30, v16;
	s31 =	spop (drf);
	(drf) =	sdiv.u32 s0, s18  }
0x5a4: {  	(v2sf) =	vpush v20, $0x8;
	v16 =	vsel vm9, s31, v16;
	s2 =	spop (drf)  }
0x5a5: {  	(v2sf) =	vpush v20, $0x7;
	v16 =	vsel vm10, s2, v16;
	s3 =	spop (drf)  }
0x5a6: {  	(v2sf) =	vpush v20, $0x6;
	v16 =	vsel vm11, s3, v16;
	s4 =	spop (drf)  }
0x5a7: {  	(v2sf) =	vpush v20, $0x5;
	v16 =	vsel vm12, s4, v16;
	s5 =	spop (drf)  }
0x5a8: {  	(v2sf) =	vpush v20, $0x4;
	v16 =	vsel vm13, s5, v16;
	s7 =	spop (drf)  }
0x5a9: {  	(v2sf) =	vpush v20, $0x3;
	v16 =	vsel vm14, s7, v16;
	s9 =	spop (drf)  }
0x5aa: {  	(v2sf) =	vpush v20, $0x2;
	v16 =	vsel vm15, s9, v16;
	s10 =	spop (drf)  }
0x5ab: {  	(v2sf) =	vpush v20, $0x1;
	v16 =	vsel vm1, s10, v16;
	s13 =	spop (drf)  }
0x5ac: {  	s6 =	smov.u32 s16;
	(v2sf) =	vpush v20, $0x0;
	v16 =	vsel vm2, s13, v16;
	s16 =	spop (drf)  }
0x5ad: {  	(v2sf) =	vpush v20, $0xF;
	s5 =	spop (v2sf);
	v23 =	vsel vm3, s16, v16  }
0x5ae: {  	s7 =	spop (v2sf);
	v30 =	vshll.u32 v23, $0x5  }
0x5af: {  	s10 =	spop (v2sf);
	(v2sf) =	vpush v30, $0xE  }
0x5b0: {  	s4 =	spop (v2sf);
	(v2sf) =	vpush v30, $0xD  }
0x5b1: {  	s3 =	spop (v2sf);
	(v2sf) =	vpush v30, $0xC  }
0x5b2: {  	s13 =	spop (v2sf);
	(v2sf) =	vpush v30, $0xB  }
0x5b3: {  	s16 =	spop (v2sf);
	(v2sf) =	vpush v30, $0xA  }
0x5b4: {  	[smem:$0x6BB] =	sst s22;
	s29 =	spop (v2sf);
	(v2sf) =	vpush v30, $0x9  }
0x5b5: {  	s22 =	smov.u32 s8;
	s8 =	smov.u32 s18;
	s18 =	spop (v2sf);
	(v2sf) =	vpush v30, $0x8  }
0x5b6: {  	s9 =	spop (v2sf);
	(v2sf) =	vpush v30, $0x7  }
0x5b7: {  	s25 =	spop (v2sf);
	(v2sf) =	vpush v30, $0x6  }
0x5b8: {  	s11 =	smov.u32 s20;
	s20 =	spop (v2sf);
	(v2sf) =	vpush v30, $0x5  }
.Ltmp3:
0x5b9: {  	s23 =	spop (v2sf);
	(v2sf) =	vpush v30, $0x4;
	(pc) =	sbr.rel @p0 .LBB2_4-.Ltmp3, $4  }
0x5ba: {  	s17 =	rddreg [dreg:$0xc];
	s28 =	spop (v2sf);
	(v2sf) =	vpush v30, $0x3  }
0x5bb: {  	v16 =	vmul.u32 v19, v23;
	[smem:$0x725] =	sst s28;
	s30 =	spop (v2sf);
	(v2sf) =	vpush v30, $0x2  }
0x5bc: {  	[smem:$0x726] =	sst s30;
	s31 =	spop (v2sf);
	(v2sf) =	vpush v30, $0x1  }
0x5bd: {  	s0 =	sadd.s32 $0x10, s17;
	v16 =	vsub.s32 v21, v16;
	[smem:$0x727] =	sst s31;
	(v2sf) =	vpush v30, $0x0  }
0x5be: {  	s0 =	spop (v2sf);
	[smem:$0x6EF] =	sst s11  }
0x5bf: {  	s1 =	spop (v2sf);
	(drf) =	sdiv.u32 s0, s5  }
0x5c0: {  	s2 =	spop (v2sf);
	(drf) =	sdiv.u32 s1, s7  }
0x5c1: {  	s28 =	spop (v2sf);
	(drf) =	sdiv.u32 s2, s10  }
0x5c2: {  	v17 =	vshll.u32 v16, $0x5;
	(v2sf) =	vpush v30, $0xF;
	s30 =	spop (v2sf);
	(drf) =	sdiv.u32 s28, s4  }
0x5c3: {  	(v2sf) =	vpush v17, $0xE;
	s31 =	spop (v2sf);
	(drf) =	sdiv.u32 s30, s3  }
0x5c4: {  	s30 =	sld [smem:$0x726];
	s4 =	spop (v2sf)  }
0x5c5: {  	(v2sf) =	vpush v17, $0xD;
	(drf) =	sdiv.u32 s31, s13;
	s5 =	spop (v2sf)  }
0x5c6: {  	(v2sf) =	vpush v17, $0xC;
	(drf) =	sdiv.u32 s4, s16;
	s7 =	spop (v2sf)  }
0x5c7: {  	(drf) =	sdiv.u32 s5, s29;
	s29 =	sshra.s32 s8, $0x1F;
	s10 =	spop (v2sf)  }
0x5c8: {  	(v2sf) =	vpush v17, $0xB;
	(drf) =	sdiv.u32 s7, s18;
	[smem:$0x626] =	sst s29  }
0x5c9: {  	s13 =	spop (v2sf);
	(drf) =	sdiv.u32 s10, s9  }
0x5ca: {  	s9 =	sld [smem:$0x727];
	s16 =	spop (v2sf)  }
0x5cb: {  	(v2sf) =	vpush v17, $0xA;
	(drf) =	sdiv.u32 s13, s25;
	s17 =	spop (v2sf)  }
0x5cc: {  	s13 =	sxor.u32 s29, s8;
	(drf) =	sdiv.u32 s16, s20;
	s16 =	spop (drf)  }
0x5cd: {  	s25 =	sld [smem:$0x725];
	s4 =	ssub.s32 s13, s29;
	s18 =	spop (v2sf)  }
0x5ce: {  	s29 =	sshra.s32 s24, $0x1F;
	(drf) =	sdiv.u32 s17, s23;
	[smem:$0x62B] =	sst s16  }
0x5cf: {  	(v2sf) =	vpush v17, $0x9;
	s17 =	sshra.s32 s6, $0x1F;
	[smem:$0x620] =	sst s29;
	s20 =	spop (v2sf)  }
0x5d0: {  	(drf) =	sdiv.u32 s18, s25;
	[smem:$0x623] =	sst s17  }
0x5d1: {  	(v2sf) =	vpush v17, $0x8;
	s23 =	spop (v2sf);
	(drf) =	sdiv.u32 s20, s30  }
0x5d2: {  	(v2sf) =	vpush v17, $0x7;
	s28 =	spop (v2sf);
	(drf) =	sdiv.u32 s23, s9  }
0x5d3: {  	s23 =	sxor.u32 s17, s6;
	s9 =	sshra.s32 s19, $0x1F;
	s6 =	sld [smem:$0x6B7]  }
0x5d4: {  	(v2sf) =	vpush v17, $0x6;
	s31 =	spop (v2sf);
	s10 =	sshra.s32 s28, $0x1F;
	[smem:$0x61D] =	sst s9  }
0x5d5: {  	s16 =	smov.u32 s26;
	s3 =	spop (v2sf);
	[smem:$0x627] =	sst s10  }
0x5d6: {  	(v2sf) =	vpush v17, $0x5;
	s1 =	sxor.u32 s10, s28;
	s20 =	sshra.s32 s31, $0x1F;
	s28 =	spop (drf)  }
0x5d7: {  	s13 =	sxor.u32 s9, s19;
	s0 =	spop (v2sf);
	[smem:$0x624] =	sst s20  }
0x5d8: {  	(v2sf) =	vpush v17, $0x4;
	s1 =	ssub.s32 s1, s10;
	s2 =	sxor.u32 s20, s31;
	[smem:$0x629] =	sst s28  }
0x5d9: {  	(v2sf) =	vpush v17, $0x3;
	s28 =	smov.u32 s15;
	s30 =	sshra.s32 s3, $0x1F;
	s8 =	spop (drf)  }
0x5da: {  	(v2sf) =	vpush v17, $0x2;
	s31 =	sxor.u32 s29, s24;
	(drf) =	sdiv.u32 s1, s4;
	s1 =	spop (v2sf)  }
0x5db: {  	(v2sf) =	vpush v17, $0x1;
	s4 =	ssub.s32 s23, s17;
	s2 =	ssub.s32 s2, s20;
	[smem:$0x621] =	sst s30  }
0x5dc: {  	(v2sf) =	vpush v17, $0x0;
	s3 =	sxor.u32 s30, s3;
	[smem:$0x625] =	sst s8;
	s10 =	sshra.s32 s0, $0x1F  }
0x5dd: {  	(v2sf) =	vpush v17, $0xF;
	s15 =	spop (drf);
	s17 =	sshra.s32 s14, $0x1F;
	s23 =	rddreg [dreg:$0x9]  }
0x5de: {  	s18 =	spop (v2sf);
	(drf) =	sdiv.u32 s2, s4;
	s2 =	ssub.s32 s31, s29  }
0x5df: {  	[smem:$0x61E] =	sst s10;
	s19 =	sxor.u32 s17, s14;
	s14 =	spop (drf)  }
0x5e0: {  	[smem:$0x622] =	sst s15;
	s31 =	sshra.s32 s1, $0x1F;
	s25 =	spop (v2sf)  }
0x5e1: {  	[smem:$0x61A] =	sst s17;
	s1 =	sxor.u32 s31, s1;
	s20 =	spop (v2sf)  }
0x5e2: {  	[smem:$0x61B] =	sst s31;
	s1 =	ssub.s32 s1, s31;
	s31 =	spop (drf)  }
0x5e3: {  	s4 =	ssub.s32 s3, s30;
	s3 =	sld [smem:$0x6BD];
	s5 =	spop (v2sf)  }
0x5e4: {  	s0 =	sxor.u32 s10, s0;
	[smem:$0x61F] =	sst s14;
	s14 =	spop (drf)  }
0x5e5: {  	s30 =	sshra.s32 s23, $0x1F;
	[smem:$0x615] =	sst s18;
	s11 =	spop (v2sf)  }
0x5e6: {  	(drf) =	sdiv.u32 s4, s2;
	s2 =	ssub.s32 s13, s9;
	s7 =	spop (drf)  }
0x5e7: {  	s0 =	ssub.s32 s0, s10;
	s26 =	sxor.u32 s30, s23;
	s8 =	spop (v2sf)  }
0x5e8: {  	s4 =	smov.u32 s12;
	s12 =	sshra.s32 s12, $0x1F;
	s24 =	spop (v2sf)  }
0x5e9: {  	(drf) =	sdiv.u32 s0, s2;
	s2 =	ssub.s32 s19, s17;
	s18 =	spop (v2sf)  }
0x5ea: {  	s15 =	ssub.s32 s26, s30;
	(drf) =	sdiv.u32 s1, s2;
	s0 =	spop (v2sf)  }
0x5eb: {  	s4 =	sxor.u32 s12, s4;
	[smem:$0x61C] =	sst s31;
	s9 =	spop (v2sf)  }
0x5ec: {  	s31 =	sshra.s32 s3, $0x1F;
	[smem:$0x619] =	sst s14;
	s29 =	spop (v2sf)  }
0x5ed: {  	s3 =	sxor.u32 s31, s3;
	[smem:$0x618] =	sst s7;
	s23 =	sshra.s32 s29, $0x1F  }
0x5ee: {  	s26 =	sshra.s32 s9, $0x1F;
	s13 =	sxor.u32 s23, s29;
	s29 =	sld [smem:$0x6C3]  }
0x5ef: {  	s3 =	ssub.s32 s3, s31;
	s17 =	ssub.s32 s13, s23;
	s13 =	sxor.u32 s26, s9  }
0x5f0: {  	(drf) =	sdiv.u32 s17, s15;
	s2 =	ssub.s32 s13, s26;
	s17 =	sshra.s32 s0, $0x1F  }
0x5f1: {  	s13 =	sshra.s32 s24, $0x1F;
	s19 =	sshra.s32 s29, $0x1F;
	s0 =	sxor.u32 s17, s0  }
0x5f2: {  	s10 =	sxor.u32 s19, s29;
	s29 =	sshra.s32 s21, $0x1F;
	s0 =	ssub.s32 s0, s17  }
0x5f3: {  	s1 =	ssub.s32 s10, s19;
	s15 =	sxor.u32 s29, s21;
	s10 =	sld [smem:$0x6BB]  }
0x5f4: {  	(drf) =	sdiv.u32 s2, s1;
	s21 =	ssub.s32 s15, s29;
	s15 =	sshra.s32 s18, $0x1F  }
0x5f5: {  	s1 =	sxor.u32 s13, s24;
	s18 =	sxor.u32 s15, s18;
	(drf) =	sdiv.u32 s0, s21  }
0x5f6: {  	s9 =	ssub.s32 s18, s15;
	s14 =	sshra.s32 s10, $0x1F;
	s18 =	spop (drf)  }
0x5f7: {  	[smem:$0x617] =	sst s18;
	(drf) =	sdiv.u32 s9, s3;
	s21 =	sxor.u32 s14, s10  }
0x5f8: {  	s3 =	ssub.s32 s1, s13;
	s2 =	spop (drf);
	s10 =	sshra.s32 s6, $0x1F  }
0x5f9: {  	s9 =	sshra.s32 s8, $0x1F;
	s0 =	ssub.s32 s21, s14;
	[smem:$0x616] =	sst s2  }
0x5fa: {  	s7 =	sxor.u32 s10, s6;
	s8 =	sxor.u32 s9, s8;
	s24 =	spop (drf)  }
0x5fb: {  	s6 =	sshra.s32 s5, $0x1F;
	(drf) =	sdiv.u32 s3, s0;
	s18 =	ssub.s32 s7, s10  }
0x5fc: {  	s7 =	sshra.s32 s11, $0x1F;
	s21 =	ssub.s32 s8, s9;
	s3 =	ssub.s32 s4, s12  }
0x5fd: {  	s11 =	sxor.u32 s7, s11;
	(drf) =	sdiv.u32 s21, s18;
	s21 =	spop (drf)  }
0x5fe: {  	s18 =	sxor.u32 s6, s5;
	s4 =	ssub.s32 s11, s7;
	s11 =	sshra.s32 s28, $0x1F  }
0x5ff: {  	s2 =	ssub.s32 s18, s6;
	s18 =	spop (drf);
	(drf) =	sdiv.u32 s4, s3  }
0x600: {  	s8 =	sxor.u32 s11, s28;
	s3 =	sshra.s32 s16, $0x1F;
	s4 =	sshra.s32 s22, $0x1F  }
0x601: {  	s1 =	ssub.s32 s8, s11;
	s28 =	sxor.u32 s4, s22;
	s22 =	sxor.u32 s3, s16  }
0x602: {  	(drf) =	sdiv.u32 s2, s1;
	s2 =	sshra.s32 s20, $0x1F;
	s1 =	sshra.s32 s25, $0x1F  }
0x603: {  	s0 =	ssub.s32 s22, s3;
	s8 =	sxor.u32 s2, s20;
	s16 =	sxor.u32 s1, s25  }
0x604: {  	s25 =	spop (drf);
	s22 =	ssub.s32 s8, s2;
	s8 =	sld [smem:$0x615]  }
0x605: {  	(drf) =	sdiv.u32 s22, s0;
	s0 =	sld [smem:$0x6EF]  }
0x606: {  	_ = 	snop  }
0x607: {  	s5 =	ssub.s32 s28, s4;
	s20 =	ssub.s32 s16, s1  }
0x608: {  	s16 =	spop (drf);
	s28 =	sshra.s32 s8, $0x1F;
	s22 =	sshra.s32 s0, $0x1F  }
0x609: {  	(drf) =	sdiv.u32 s20, s5;
	s8 =	sxor.u32 s28, s8;
	s0 =	sxor.u32 s22, s0  }
0x60a: {  	s20 =	ssub.s32 s8, s28;
	s8 =	spop (drf);
	s5 =	ssub.s32 s0, s22  }
0x60b: {  	s30 =	sxor.u32 s30, s23;
	(drf) =	sdiv.u32 s20, s5;
	s20 =	spop (drf)  }
0x60c: {  	s26 =	sxor.u32 s19, s26;
	s28 =	sxor.u32 s22, s28;
	s22 =	spop (drf)  }
0x60d: {  	s2 =	sxor.u32 s3, s2;
	[smem:$0x628] =	sst s22;
	s22 =	spop (drf)  }
0x60e: {  	s3 =	sxor.u32 s14, s13;
	[smem:$0x62A] =	sst s20;
	s5 =	spop (drf)  }
0x60f: {  	s20 =	sxor.u32 s4, s1;
	s1 =	sxor.u32 s10, s9;
	s10 =	spop (drf)  }
0x610: {  	s0 =	sxor.u32 s11, s6;
	v61 =	vmov s8;
	s9 =	sxor.u32 s31, s15;
	s31 =	spop (drf)  }
0x611: {  	s6 =	sxor.u32 s12, s7;
	v17 =	vsel vm4, s16, v61;
	s4 =	sxor.u32 s29, s17;
	s7 =	spop (drf)  }
0x612: {  	v17 =	vsel vm5, s25, v17;
	s25 =	sld [smem:$0x618];
	s13 =	sxor.u32 s30, s31;
	s17 =	sxor.u32 s26, s7  }
0x613: {  	s15 =	ssub.s32 s13, s30;
	s19 =	spop (drf);
	s11 =	ssub.s32 s17, s26  }
0x614: {  	v18 =	vmov s15;
	s23 =	sxor.u32 s4, s19;
	s26 =	spop (drf);
	s15 =	sld [smem:$0x616]  }
0x615: {  	s19 =	sld [smem:$0x617];
	v18 =	vsel vm4, s11, v18;
	s8 =	ssub.s32 s23, s4;
	s29 =	sxor.u32 s9, s26  }
0x616: {  	s30 =	spop (drf);
	v18 =	vsel vm5, s8, v18;
	s31 =	ssub.s32 s29, s9;
	s8 =	sld [smem:$0x61C]  }
0x617: {  	s4 =	sxor.u32 s3, s30;
	v18 =	vsel vm6, s31, v18;
	s31 =	sld [smem:$0x619]  }
0x618: {  	v17 =	vsel vm6, s18, v17;
	s7 =	spop (drf);
	s3 =	ssub.s32 s4, s3;
	s4 =	sld [smem:$0x62A]  }
0x619: {  	v17 =	vsel vm7, s21, v17;
	s11 =	sxor.u32 s1, s7;
	v18 =	vsel vm7, s3, v18;
	s3 =	sld [smem:$0x61A]  }
0x61a: {  	v17 =	vsel vm8, s24, v17;
	s12 =	spop (drf);
	s13 =	ssub.s32 s11, s1;
	s11 =	sld [smem:$0x61D]  }
0x61b: {  	v17 =	vsel vm9, s15, v17;
	s7 =	sxor.u32 s6, s12;
	s12 =	sld [smem:$0x61E]  }
0x61c: {  	v17 =	vsel vm10, s19, v17;
	s19 =	sld [smem:$0x622]  }
0x61d: {  	s14 =	spop (drf);
	s16 =	ssub.s32 s7, s6;
	s6 =	sld [smem:$0x61B]  }
0x61e: {  	v18 =	vsel vm8, s13, v18;
	s17 =	sxor.u32 s0, s14;
	s14 =	sld [smem:$0x61F]  }
0x61f: {  	v18 =	vsel vm9, s16, v18;
	s16 =	sld [smem:$0x620]  }
0x620: {  	s18 =	spop (drf);
	s21 =	ssub.s32 s17, s0;
	s17 =	sld [smem:$0x621]  }
0x621: {  	s24 =	spop (drf);
	v18 =	vsel vm10, s21, v18;
	s21 =	sld [smem:$0x624]  }
0x622: {  	s23 =	sxor.u32 s2, s18;
	s29 =	sxor.u32 s20, s24;
	s24 =	sld [smem:$0x625]  }
0x623: {  	s26 =	ssub.s32 s23, s2;
	s0 =	ssub.s32 s29, s20;
	s20 =	sld [smem:$0x623]  }
0x624: {  	s30 =	spop (drf);
	v18 =	vsel vm11, s26, v18;
	s26 =	sld [smem:$0x626]  }
0x625: {  	v17 =	vsel vm11, s25, v17;
	s2 =	sxor.u32 s3, s6;
	s7 =	sxor.u32 s28, s30;
	s29 =	sld [smem:$0x628]  }
0x626: {  	v17 =	vsel vm12, s31, v17;
	s3 =	sxor.u32 s11, s12;
	s30 =	sld [smem:$0x629];
	s9 =	ssub.s32 s7, s28  }
0x627: {  	v17 =	vsel vm13, s8, v17;
	v18 =	vsel vm12, s0, v18;
	s13 =	sxor.u32 s2, s10;
	s18 =	sxor.u32 s3, s5;
	s28 =	sld [smem:$0x627]  }
0x628: {  	v17 =	vsel vm14, s14, v17;
	s5 =	sld [smem:$0x62B];
	v18 =	vsel vm13, s9, v18;
	s15 =	ssub.s32 s13, s2;
	s2 =	sxor.u32 s16, s17  }
0x629: {  	v17 =	vsel vm15, s19, v17;
	s0 =	ssub.s32 s18, s3;
	v18 =	vsel vm14, s15, v18;
	s1 =	sxor.u32 s20, s21;
	s23 =	sxor.u32 s2, s22  }
0x62a: {  	v17 =	vsel vm1, s24, v17;
	v18 =	vsel vm15, s0, v18;
	s25 =	ssub.s32 s23, s2;
	s2 =	sxor.u32 s26, s28;
	s3 =	sxor.u32 s1, s29  }
0x62b: {  	v17 =	vsel vm2, s30, v17;
	v18 =	vsel vm1, s25, v18;
	s31 =	ssub.s32 s3, s1;
	s1 =	sxor.u32 s2, s4  }
0x62c: {  	v17 =	vsel vm3, s5, v17;
	v18 =	vsel vm2, s31, v18;
	s6 =	ssub.s32 s1, s2  }
0x62d: {  	v19 =	vshll.u32 v23, $0x6;
	s8 =	rddreg [dreg:$0x8];
	v17 =	vshll.u32 v17, $0x5;
	v18 =	vsel vm3, s6, v18  }
0x62e: {  	vm0 =	vlt.s32 v21, v15;
	v62 =	vadd.s32 v22, v19;
	s7 =	rddreg [dreg:$0x7];
	v15 =	vadd.s32 v18, v17  }
0x62f: {  	v63 =	vadd.s32 v16, v62;
	s9 =	sld [smem:$0x7FC];
	s0 =	sadd.s32 $0x10, s7;
	v15 =	vnsel vm0, $0x0, v15  }
0x630: {  	[tilespmem:s0+$0x0] =	vst v15;
	v15 =	vsel vm0, v63, v22;
	s0 =	sadd.s32 $0x10, s8  }
0x631: {  	s19 =	simm.s32 $0x5100;
	s10 =	sld [smem:$0x7CE];
	s8 =	simm.s32 $0x0;
	[tilespmem:s0+$0x0] =	vst v15  }
0x632: {  	[tilespmem:s19], [sflag:$0x1] =	stream.linear.gather [hbm4b:s9+s8], $0x8000, $0x38;
	[tilespmem:$0x1D100] =	vst v63  }
0x633: {  	s11 =	sld [smem:$0x7CF];
	s20 =	simm.s32 $0xD100  }
0x634: {  	[tilespmem:s20], [sflag:$0x2] =	stream.linear.gather [hbm4b:s10+s8], $0x8000, $0x38;
	[tilespmem:$0x1D100] =	vst v63  }
0x635: {  	s21 =	simm.s32 $0x15100;
	s22 =	simm.s32 $0x1  }
0x636: {  	[tilespmem:s21], [sflag:$0x3] =	stream.linear.gather [hbm4b:s11+s8], $0x8000, $0x38;
	[tilespmem:$0x1D100] =	vst v63  }
0x637: {  	_ =	swait.ge [sflag:s22], $0x8000  }
0x638: {  	s12 =	sld [smem:$0x788];
	_ =	sdelay $0x1  }
0x639: {  	[sflag:s22] =	ssyncset.done $0x0  }
0x63a: {  	[sflag:s22] =	ssyncadd.s32 $0xFFFF8000;
	s0 =	sshll.u32 s12, $0x10  }
0x63b: {  	s4 =	rddreg [dreg:$0x3];
	s0 =	sand.u32 $0x1FFF0000, s0  }
0x63c: {  	s23 =	simm.s32 $0x4;
	s13 =	sadd.s32 s4, s0  }
0x63d: {  	[hbm4b:s13+s8] =	stream.linear.scatter [tilespmem:s19], [sflag:$0x4], $0x8000, $0x38;
	[tilespmem:$0x1D100] =	vst v63  }
0x63e: {  	_ =	swait.ge [sflag:s23], $0x8000  }
0x63f: {  	s14 =	sld [smem:$0x7D0]  }
0x640: {  	[sflag:s23] =	ssyncset.done $0x0  }
0x641: {  	s24 =	simm.s32 $0x2;
	[sflag:s23] =	ssyncadd.s32 $0xFFFF8000  }
0x642: {  	[tilespmem:s19], [sflag:$0x1] =	stream.linear.gather [hbm4b:s14+s8], $0x8000, $0x38;
	[tilespmem:$0x1D100] =	vst v63  }
0x643: {  	_ =	swait.ge [sflag:s24], $0x8000  }
0x644: {  	s2 =	sld [smem:$0x7D1];
	_ =	sdelay $0x1  }
0x645: {  	[sflag:s24] =	ssyncset.done $0x0  }
0x646: {  	s25 =	simm.s32 $0x5;
	[sflag:s24] =	ssyncadd.s32 $0xFFFF8000;
	s15 =	sadd.s32 s0, s2  }
0x647: {  	[hbm4b:s15+s8] =	stream.linear.scatter [tilespmem:s20], [sflag:$0x5], $0x8000, $0x38;
	[tilespmem:$0x1D100] =	vst v63  }
0x648: {  	_ =	swait.ge [sflag:s25], $0x8000  }
0x649: {  	s16 =	sld [smem:$0x7D2]  }
0x64a: {  	[sflag:s25] =	ssyncset.done $0x0  }
0x64b: {  	s26 =	simm.s32 $0x3;
	[sflag:s25] =	ssyncadd.s32 $0xFFFF8000  }
0x64c: {  	[tilespmem:s20], [sflag:$0x2] =	stream.linear.gather [hbm4b:s16+s8], $0x8000, $0x38;
	[tilespmem:$0x1D100] =	vst v63  }
0x64d: {  	_ =	swait.ge [sflag:s26], $0x8000  }
0x64e: {  	s3 =	sld [smem:$0x7D3];
	_ =	sdelay $0x1  }
0x64f: {  	[sflag:s26] =	ssyncset.done $0x0  }
0x650: {  	s28 =	simm.s32 $0x6;
	[sflag:s26] =	ssyncadd.s32 $0xFFFF8000;
	s17 =	sadd.s32 s0, s3  }
0x651: {  	[hbm4b:s17+s8] =	stream.linear.scatter [tilespmem:s21], [sflag:$0x6], $0x8000, $0x38;
	[tilespmem:$0x1D100] =	vst v63  }
0x652: {  	_ =	swait.ge [sflag:s28], $0x8000  }
0x653: {  	s18 =	sld [smem:$0x7D4]  }
0x654: {  	[sflag:s28] =	ssyncset.done $0x0  }
0x655: {  	[sflag:s28] =	ssyncadd.s32 $0xFFFF8000  }
0x656: {  	[tilespmem:s21], [sflag:$0x3] =	stream.linear.gather [hbm4b:s18+s8], $0x8000, $0x38;
	[tilespmem:$0x1D100] =	vst v63  }
0x657: {  	_ =	swait.ge [sflag:s22], $0x8000  }
0x658: {  	s5 =	sld [smem:$0x7D5];
	_ =	sdelay $0x1  }
0x659: {  	[sflag:s22] =	ssyncset.done $0x0  }
0x65a: {  	[sflag:s22] =	ssyncadd.s32 $0xFFFF8000;
	s29 =	sadd.s32 s0, s5  }
0x65b: {  	[hbm4b:s29+s8] =	stream.linear.scatter [tilespmem:s19], [sflag:$0x4], $0x8000, $0x38;
	[tilespmem:$0x1D100] =	vst v63  }
0x65c: {  	_ =	swait.ge [sflag:s23], $0x8000  }
0x65d: {  	s30 =	sld [smem:$0x7D6]  }
0x65e: {  	[sflag:s23] =	ssyncset.done $0x0  }
0x65f: {  	[sflag:s23] =	ssyncadd.s32 $0xFFFF8000  }
0x660: {  	[tilespmem:s19], [sflag:$0x1] =	stream.linear.gather [hbm4b:s30+s8], $0x8000, $0x38;
	[tilespmem:$0x1D100] =	vst v63  }
0x661: {  	_ =	swait.ge [sflag:s24], $0x8000  }
0x662: {  	s6 =	sld [smem:$0x7D7];
	_ =	sdelay $0x1  }
0x663: {  	[sflag:s24] =	ssyncset.done $0x0  }
0x664: {  	[sflag:s24] =	ssyncadd.s32 $0xFFFF8000;
	s31 =	sadd.s32 s0, s6  }
0x665: {  	[hbm4b:s31+s8] =	stream.linear.scatter [tilespmem:s20], [sflag:$0x5], $0x8000, $0x38;
	[tilespmem:$0x1D100] =	vst v63  }
0x666: {  	_ =	swait.ge [sflag:s25], $0x8000  }
0x667: {  	s7 =	sld [smem:$0x7D8]  }
0x668: {  	[sflag:s25] =	ssyncset.done $0x0  }
0x669: {  	[sflag:s25] =	ssyncadd.s32 $0xFFFF8000  }
0x66a: {  	[tilespmem:s20], [sflag:$0x2] =	stream.linear.gather [hbm4b:s7+s8], $0x8000, $0x38;
	[tilespmem:$0x1D100] =	vst v63  }
0x66b: {  	_ =	swait.ge [sflag:s26], $0x8000  }
0x66c: {  	s7 =	sld [smem:$0x7D9];
	_ =	sdelay $0x1  }
0x66d: {  	[sflag:s26] =	ssyncset.done $0x0  }
0x66e: {  	[sflag:s26] =	ssyncadd.s32 $0xFFFF8000;
	s9 =	sadd.s32 s0, s7  }
0x66f: {  	[hbm4b:s9+s8] =	stream.linear.scatter [tilespmem:s21], [sflag:$0x6], $0x8000, $0x38;
	[tilespmem:$0x1D100] =	vst v63  }
0x670: {  	_ =	swait.ge [sflag:s28], $0x8000  }
0x671: {  	s10 =	sld [smem:$0x7DA]  }
0x672: {  	[sflag:s28] =	ssyncset.done $0x0  }
0x673: {  	[sflag:s28] =	ssyncadd.s32 $0xFFFF8000  }
0x674: {  	[tilespmem:s21], [sflag:$0x3] =	stream.linear.gather [hbm4b:s10+s8], $0x8000, $0x38;
	[tilespmem:$0x1D100] =	vst v63  }
0x675: {  	_ =	swait.ge [sflag:s22], $0x8000  }
0x676: {  	s9 =	sld [smem:$0x7DB];
	_ =	sdelay $0x1  }
0x677: {  	[sflag:s22] =	ssyncset.done $0x0  }
0x678: {  	[sflag:s22] =	ssyncadd.s32 $0xFFFF8000;
	s11 =	sadd.s32 s0, s9  }
0x679: {  	[hbm4b:s11+s8] =	stream.linear.scatter [tilespmem:s19], [sflag:$0x4], $0x8000, $0x38;
	[tilespmem:$0x1D100] =	vst v63  }
0x67a: {  	_ =	swait.ge [sflag:s23], $0x8000  }
0x67b: {  	s12 =	sld [smem:$0x7DD]  }
0x67c: {  	[sflag:s23] =	ssyncset.done $0x0  }
0x67d: {  	[sflag:s23] =	ssyncadd.s32 $0xFFFF8000  }
0x67e: {  	[tilespmem:s19], [sflag:$0x1] =	stream.linear.gather [hbm4b:s12+s8], $0x8000, $0x38;
	[tilespmem:$0x1D100] =	vst v63  }
0x67f: {  	_ =	swait.ge [sflag:s24], $0x8000  }
0x680: {  	s10 =	sld [smem:$0x7DE];
	_ =	sdelay $0x1  }
0x681: {  	[sflag:s24] =	ssyncset.done $0x0  }
0x682: {  	[sflag:s24] =	ssyncadd.s32 $0xFFFF8000;
	s13 =	sadd.s32 s0, s10  }
0x683: {  	[hbm4b:s13+s8] =	stream.linear.scatter [tilespmem:s20], [sflag:$0x5], $0x8000, $0x38;
	[tilespmem:$0x1D100] =	vst v63  }
0x684: {  	_ =	swait.ge [sflag:s25], $0x8000  }
0x685: {  	s14 =	sld [smem:$0x7DF]  }
0x686: {  	[sflag:s25] =	ssyncset.done $0x0  }
0x687: {  	[sflag:s25] =	ssyncadd.s32 $0xFFFF8000  }
0x688: {  	[tilespmem:s20], [sflag:$0x2] =	stream.linear.gather [hbm4b:s14+s8], $0x8000, $0x38;
	[tilespmem:$0x1D100] =	vst v63  }
0x689: {  	_ =	swait.ge [sflag:s26], $0x8000  }
0x68a: {  	s11 =	sld [smem:$0x7E0];
	_ =	sdelay $0x1  }
0x68b: {  	[sflag:s26] =	ssyncset.done $0x0  }
0x68c: {  	[sflag:s26] =	ssyncadd.s32 $0xFFFF8000;
	s15 =	sadd.s32 s0, s11  }
0x68d: {  	[hbm4b:s15+s8] =	stream.linear.scatter [tilespmem:s21], [sflag:$0x6], $0x8000, $0x38;
	[tilespmem:$0x1D100] =	vst v63  }
0x68e: {  	_ =	swait.ge [sflag:s28], $0x8000  }
0x68f: {  	s16 =	sld [smem:$0x7E1]  }
0x690: {  	[sflag:s28] =	ssyncset.done $0x0  }
0x691: {  	[sflag:s28] =	ssyncadd.s32 $0xFFFF8000  }
0x692: {  	[tilespmem:s21], [sflag:$0x3] =	stream.linear.gather [hbm4b:s16+s8], $0x8000, $0x38;
	[tilespmem:$0x1D100] =	vst v63  }
0x693: {  	_ =	swait.ge [sflag:s22], $0x8000  }
0x694: {  	s12 =	sld [smem:$0x7E2];
	_ =	sdelay $0x1  }
0x695: {  	[sflag:s22] =	ssyncset.done $0x0  }
0x696: {  	[sflag:s22] =	ssyncadd.s32 $0xFFFF8000;
	s17 =	sadd.s32 s0, s12  }
0x697: {  	[hbm4b:s17+s8] =	stream.linear.scatter [tilespmem:s19], [sflag:$0x4], $0x8000, $0x38;
	[tilespmem:$0x1D100] =	vst v63  }
0x698: {  	_ =	swait.ge [sflag:s23], $0x8000  }
0x699: {  	s18 =	sld [smem:$0x7E3]  }
0x69a: {  	[sflag:s23] =	ssyncset.done $0x0  }
0x69b: {  	[sflag:s23] =	ssyncadd.s32 $0xFFFF8000  }
0x69c: {  	[tilespmem:s19], [sflag:$0x1] =	stream.linear.gather [hbm4b:s18+s8], $0x8000, $0x38;
	[tilespmem:$0x1D100] =	vst v63  }
0x69d: {  	_ =	swait.ge [sflag:s24], $0x8000  }
0x69e: {  	s13 =	sld [smem:$0x7E4];
	_ =	sdelay $0x1  }
0x69f: {  	[sflag:s24] =	ssyncset.done $0x0  }
0x6a0: {  	[sflag:s24] =	ssyncadd.s32 $0xFFFF8000;
	s29 =	sadd.s32 s0, s13  }
0x6a1: {  	[hbm4b:s29+s8] =	stream.linear.scatter [tilespmem:s20], [sflag:$0x5], $0x8000, $0x38;
	[tilespmem:$0x1D100] =	vst v63  }
0x6a2: {  	_ =	swait.ge [sflag:s25], $0x8000  }
0x6a3: {  	s30 =	sld [smem:$0x7E5]  }
0x6a4: {  	[sflag:s25] =	ssyncset.done $0x0  }
0x6a5: {  	[sflag:s25] =	ssyncadd.s32 $0xFFFF8000  }
0x6a6: {  	[tilespmem:s20], [sflag:$0x2] =	stream.linear.gather [hbm4b:s30+s8], $0x8000, $0x38;
	[tilespmem:$0x1D100] =	vst v63  }
0x6a7: {  	_ =	swait.ge [sflag:s26], $0x8000  }
0x6a8: {  	s14 =	sld [smem:$0x7E6];
	_ =	sdelay $0x1  }
0x6a9: {  	[sflag:s26] =	ssyncset.done $0x0  }
0x6aa: {  	[sflag:s26] =	ssyncadd.s32 $0xFFFF8000;
	s31 =	sadd.s32 s0, s14  }
0x6ab: {  	[hbm4b:s31+s8] =	stream.linear.scatter [tilespmem:s21], [sflag:$0x6], $0x8000, $0x38;
	[tilespmem:$0x1D100] =	vst v63  }
0x6ac: {  	_ =	swait.ge [sflag:s28], $0x8000  }
0x6ad: {  	s15 =	sld [smem:$0x7E7]  }
0x6ae: {  	[sflag:s28] =	ssyncset.done $0x0  }
0x6af: {  	[sflag:s28] =	ssyncadd.s32 $0xFFFF8000  }
0x6b0: {  	[tilespmem:s21], [sflag:$0x3] =	stream.linear.gather [hbm4b:s15+s8], $0x8000, $0x38;
	[tilespmem:$0x1D100] =	vst v63  }
0x6b1: {  	_ =	swait.ge [sflag:s22], $0x8000  }
0x6b2: {  	s15 =	sld [smem:$0x7E8];
	_ =	sdelay $0x1  }
0x6b3: {  	[sflag:s22] =	ssyncset.done $0x0  }
0x6b4: {  	[sflag:s22] =	ssyncadd.s32 $0xFFFF8000;
	s16 =	sadd.s32 s0, s15  }
0x6b5: {  	[hbm4b:s16+s8] =	stream.linear.scatter [tilespmem:s19], [sflag:$0x4], $0x8000, $0x38;
	[tilespmem:$0x1D100] =	vst v63  }
0x6b6: {  	_ =	swait.ge [sflag:s23], $0x8000  }
0x6b7: {  	s17 =	sld [smem:$0x7E9]  }
0x6b8: {  	[sflag:s23] =	ssyncset.done $0x0  }
0x6b9: {  	[sflag:s23] =	ssyncadd.s32 $0xFFFF8000  }
0x6ba: {  	[tilespmem:s19], [sflag:$0x1] =	stream.linear.gather [hbm4b:s17+s8], $0x8000, $0x38;
	[tilespmem:$0x1D100] =	vst v63  }
0x6bb: {  	_ =	swait.ge [sflag:s24], $0x8000  }
0x6bc: {  	s16 =	sld [smem:$0x7EA];
	_ =	sdelay $0x1  }
0x6bd: {  	[sflag:s24] =	ssyncset.done $0x0  }
0x6be: {  	[sflag:s24] =	ssyncadd.s32 $0xFFFF8000;
	s18 =	sadd.s32 s0, s16  }
0x6bf: {  	[hbm4b:s18+s8] =	stream.linear.scatter [tilespmem:s20], [sflag:$0x5], $0x8000, $0x38;
	[tilespmem:$0x1D100] =	vst v63  }
0x6c0: {  	_ =	swait.ge [sflag:s25], $0x8000  }
0x6c1: {  	s29 =	sld [smem:$0x7EB]  }
0x6c2: {  	[sflag:s25] =	ssyncset.done $0x0  }
0x6c3: {  	[sflag:s25] =	ssyncadd.s32 $0xFFFF8000  }
0x6c4: {  	[tilespmem:s20], [sflag:$0x2] =	stream.linear.gather [hbm4b:s29+s8], $0x8000, $0x38;
	[tilespmem:$0x1D100] =	vst v63  }
0x6c5: {  	_ =	swait.ge [sflag:s26], $0x8000  }
0x6c6: {  	s17 =	sld [smem:$0x7EC];
	_ =	sdelay $0x1  }
0x6c7: {  	[sflag:s26] =	ssyncset.done $0x0  }
0x6c8: {  	[sflag:s26] =	ssyncadd.s32 $0xFFFF8000;
	s30 =	sadd.s32 s0, s17  }
0x6c9: {  	[hbm4b:s30+s8] =	stream.linear.scatter [tilespmem:s21], [sflag:$0x6], $0x8000, $0x38;
	[tilespmem:$0x1D100] =	vst v63  }
0x6ca: {  	_ =	swait.ge [sflag:s28], $0x8000  }
0x6cb: {  	s31 =	sld [smem:$0x7ED]  }
0x6cc: {  	[sflag:s28] =	ssyncset.done $0x0  }
0x6cd: {  	[sflag:s28] =	ssyncadd.s32 $0xFFFF8000  }
0x6ce: {  	[tilespmem:s21], [sflag:$0x3] =	stream.linear.gather [hbm4b:s31+s8], $0x8000, $0x38;
	[tilespmem:$0x1D100] =	vst v63  }
0x6cf: {  	_ =	swait.ge [sflag:s22], $0x8000  }
0x6d0: {  	s18 =	sld [smem:$0x7EE];
	_ =	sdelay $0x1  }
0x6d1: {  	[sflag:s22] =	ssyncset.done $0x0  }
0x6d2: {  	[sflag:s22] =	ssyncadd.s32 $0xFFFF8000;
	s0 =	sadd.s32 s0, s18  }
0x6d3: {  	[hbm4b:s0+s8] =	stream.linear.scatter [tilespmem:s19], [sflag:$0x4], $0x8000, $0x38;
	[tilespmem:$0x1D100] =	vst v63  }
0x6d4: {  	_ =	swait.ge [sflag:s23], $0x8000  }
0x6d5: {  	s1 =	sld [smem:$0x7EF]  }
0x6d6: {  	[sflag:s23] =	ssyncset.done $0x0  }
0x6d7: {  	[sflag:s23] =	ssyncadd.s32 $0xFFFF8000  }
0x6d8: {  	[tilespmem:s19], [sflag:$0x1] =	stream.linear.gather [hbm4b:s1+s8], $0x8000, $0x38;
	[tilespmem:$0x1D100] =	vst v63  }
0x6d9: {  	_ =	swait.ge [sflag:s24], $0x8000  }
0x6da: {  	s29 =	sld [smem:$0x6D3];
	_ =	sdelay $0x2  }
0x6db: {  	s0 =	sshll.u32 s29, $0x10  }
0x6dc: {  	[sflag:s24] =	ssyncset.done $0x0;
	s0 =	sand.u32 $0x1FFF0000, s0  }
0x6dd: {  	[sflag:s24] =	ssyncadd.s32 $0xFFFF8000;
	s30 =	sadd.s32 s4, s0  }
0x6de: {  	[hbm4b:s30+s8] =	stream.linear.scatter [tilespmem:s20], [sflag:$0x5], $0x8000, $0x38;
	[tilespmem:$0x1D100] =	vst v63  }
0x6df: {  	_ =	swait.ge [sflag:s25], $0x8000  }
0x6e0: {  	s31 =	sld [smem:$0x7F0]  }
0x6e1: {  	[sflag:s25] =	ssyncset.done $0x0  }
0x6e2: {  	[sflag:s25] =	ssyncadd.s32 $0xFFFF8000  }
0x6e3: {  	[tilespmem:s20], [sflag:$0x2] =	stream.linear.gather [hbm4b:s31+s8], $0x8000, $0x38;
	[tilespmem:$0x1D100] =	vst v63  }
0x6e4: {  	_ =	swait.ge [sflag:s26], $0x8000  }
0x6e5: {  	[sflag:s26] =	ssyncset.done $0x0  }
0x6e6: {  	s2 =	sadd.s32 s0, s2;
	[sflag:s26] =	ssyncadd.s32 $0xFFFF8000  }
0x6e7: {  	[hbm4b:s2+s8] =	stream.linear.scatter [tilespmem:s21], [sflag:$0x6], $0x8000, $0x38;
	[tilespmem:$0x1D100] =	vst v63  }
0x6e8: {  	_ =	swait.ge [sflag:s28], $0x8000  }
0x6e9: {  	s29 =	sld [smem:$0x7F1]  }
0x6ea: {  	[sflag:s28] =	ssyncset.done $0x0  }
0x6eb: {  	[sflag:s28] =	ssyncadd.s32 $0xFFFF8000  }
0x6ec: {  	[tilespmem:s21], [sflag:$0x3] =	stream.linear.gather [hbm4b:s29+s8], $0x8000, $0x38;
	[tilespmem:$0x1D100] =	vst v63  }
0x6ed: {  	_ =	swait.ge [sflag:s22], $0x8000  }
0x6ee: {  	[sflag:s22] =	ssyncset.done $0x0  }
0x6ef: {  	s30 =	sadd.s32 s0, s3;
	[sflag:s22] =	ssyncadd.s32 $0xFFFF8000  }
0x6f0: {  	[hbm4b:s30+s8] =	stream.linear.scatter [tilespmem:s19], [sflag:$0x4], $0x8000, $0x38;
	[tilespmem:$0x1D100] =	vst v63  }
0x6f1: {  	_ =	swait.ge [sflag:s23], $0x8000  }
0x6f2: {  	s31 =	sld [smem:$0x7F2]  }
0x6f3: {  	[sflag:s23] =	ssyncset.done $0x0  }
0x6f4: {  	[sflag:s23] =	ssyncadd.s32 $0xFFFF8000  }
0x6f5: {  	[tilespmem:s19], [sflag:$0x1] =	stream.linear.gather [hbm4b:s31+s8], $0x8000, $0x38;
	[tilespmem:$0x1D100] =	vst v63  }
0x6f6: {  	_ =	swait.ge [sflag:s24], $0x8000  }
0x6f7: {  	[sflag:s24] =	ssyncset.done $0x0  }
0x6f8: {  	s2 =	sadd.s32 s0, s5;
	[sflag:s24] =	ssyncadd.s32 $0xFFFF8000  }
0x6f9: {  	[hbm4b:s2+s8] =	stream.linear.scatter [tilespmem:s20], [sflag:$0x5], $0x8000, $0x38;
	[tilespmem:$0x1D100] =	vst v63  }
0x6fa: {  	_ =	swait.ge [sflag:s25], $0x8000  }
0x6fb: {  	s3 =	sld [smem:$0x7F3]  }
0x6fc: {  	[sflag:s25] =	ssyncset.done $0x0  }
0x6fd: {  	[sflag:s25] =	ssyncadd.s32 $0xFFFF8000  }
0x6fe: {  	[tilespmem:s20], [sflag:$0x2] =	stream.linear.gather [hbm4b:s3+s8], $0x8000, $0x38;
	[tilespmem:$0x1D100] =	vst v63  }
0x6ff: {  	_ =	swait.ge [sflag:s26], $0x8000  }
0x700: {  	[sflag:s26] =	ssyncset.done $0x0  }
0x701: {  	s5 =	sadd.s32 s0, s6;
	[sflag:s26] =	ssyncadd.s32 $0xFFFF8000  }
0x702: {  	[hbm4b:s5+s8] =	stream.linear.scatter [tilespmem:s21], [sflag:$0x6], $0x8000, $0x38;
	[tilespmem:$0x1D100] =	vst v63  }
0x703: {  	_ =	swait.ge [sflag:s28], $0x8000  }
0x704: {  	s6 =	sld [smem:$0x7F4]  }
0x705: {  	[sflag:s28] =	ssyncset.done $0x0  }
0x706: {  	[sflag:s28] =	ssyncadd.s32 $0xFFFF8000  }
0x707: {  	[tilespmem:s21], [sflag:$0x3] =	stream.linear.gather [hbm4b:s6+s8], $0x8000, $0x38;
	[tilespmem:$0x1D100] =	vst v63  }
0x708: {  	_ =	swait.ge [sflag:s22], $0x8000  }
0x709: {  	[sflag:s22] =	ssyncset.done $0x0  }
0x70a: {  	s29 =	sadd.s32 s0, s7;
	[sflag:s22] =	ssyncadd.s32 $0xFFFF8000  }
0x70b: {  	[hbm4b:s29+s8] =	stream.linear.scatter [tilespmem:s19], [sflag:$0x4], $0x8000, $0x38;
	[tilespmem:$0x1D100] =	vst v63  }
0x70c: {  	_ =	swait.ge [sflag:s23], $0x8000  }
0x70d: {  	s30 =	sld [smem:$0x7F5]  }
0x70e: {  	[sflag:s23] =	ssyncset.done $0x0  }
0x70f: {  	[sflag:s23] =	ssyncadd.s32 $0xFFFF8000  }
0x710: {  	[tilespmem:s19], [sflag:$0x1] =	stream.linear.gather [hbm4b:s30+s8], $0x8000, $0x38;
	[tilespmem:$0x1D100] =	vst v63  }
0x711: {  	_ =	swait.ge [sflag:s24], $0x8000  }
0x712: {  	[sflag:s24] =	ssyncset.done $0x0  }
0x713: {  	s31 =	sadd.s32 s0, s9;
	[sflag:s24] =	ssyncadd.s32 $0xFFFF8000  }
0x714: {  	[hbm4b:s31+s8] =	stream.linear.scatter [tilespmem:s20], [sflag:$0x5], $0x8000, $0x38;
	[tilespmem:$0x1D100] =	vst v63  }
0x715: {  	_ =	swait.ge [sflag:s25], $0x8000  }
0x716: {  	s2 =	sld [smem:$0x7F6]  }
0x717: {  	[sflag:s25] =	ssyncset.done $0x0  }
0x718: {  	[sflag:s25] =	ssyncadd.s32 $0xFFFF8000  }
0x719: {  	[tilespmem:s20], [sflag:$0x2] =	stream.linear.gather [hbm4b:s2+s8], $0x8000, $0x38;
	[tilespmem:$0x1D100] =	vst v63  }
0x71a: {  	_ =	swait.ge [sflag:s26], $0x8000  }
0x71b: {  	[sflag:s26] =	ssyncset.done $0x0  }
0x71c: {  	s3 =	sadd.s32 s0, s10;
	[sflag:s26] =	ssyncadd.s32 $0xFFFF8000  }
0x71d: {  	[hbm4b:s3+s8] =	stream.linear.scatter [tilespmem:s21], [sflag:$0x6], $0x8000, $0x38;
	[tilespmem:$0x1D100] =	vst v63  }
0x71e: {  	_ =	swait.ge [sflag:s28], $0x8000  }
0x71f: {  	s5 =	sld [smem:$0x7F7]  }
0x720: {  	[sflag:s28] =	ssyncset.done $0x0  }
0x721: {  	[sflag:s28] =	ssyncadd.s32 $0xFFFF8000  }
0x722: {  	[tilespmem:s21], [sflag:$0x3] =	stream.linear.gather [hbm4b:s5+s8], $0x8000, $0x38;
	[tilespmem:$0x1D100] =	vst v63  }
0x723: {  	_ =	swait.ge [sflag:s22], $0x8000  }
0x724: {  	[sflag:s22] =	ssyncset.done $0x0  }
0x725: {  	s6 =	sadd.s32 s0, s11;
	[sflag:s22] =	ssyncadd.s32 $0xFFFF8000  }
0x726: {  	[hbm4b:s6+s8] =	stream.linear.scatter [tilespmem:s19], [sflag:$0x4], $0x8000, $0x38;
	[tilespmem:$0x1D100] =	vst v63  }
0x727: {  	_ =	swait.ge [sflag:s23], $0x8000  }
0x728: {  	s7 =	sld [smem:$0x7F8]  }
0x729: {  	[sflag:s23] =	ssyncset.done $0x0  }
0x72a: {  	[sflag:s23] =	ssyncadd.s32 $0xFFFF8000  }
0x72b: {  	[tilespmem:s19], [sflag:$0x1] =	stream.linear.gather [hbm4b:s7+s8], $0x8000, $0x38;
	[tilespmem:$0x1D100] =	vst v63  }
0x72c: {  	_ =	swait.ge [sflag:s24], $0x8000  }
0x72d: {  	[sflag:s24] =	ssyncset.done $0x0  }
0x72e: {  	s9 =	sadd.s32 s0, s12;
	[sflag:s24] =	ssyncadd.s32 $0xFFFF8000  }
0x72f: {  	[hbm4b:s9+s8] =	stream.linear.scatter [tilespmem:s20], [sflag:$0x5], $0x8000, $0x38;
	[tilespmem:$0x1D100] =	vst v63  }
0x730: {  	_ =	swait.ge [sflag:s25], $0x8000  }
0x731: {  	s10 =	sld [smem:$0x7F9]  }
0x732: {  	[sflag:s25] =	ssyncset.done $0x0  }
0x733: {  	[sflag:s25] =	ssyncadd.s32 $0xFFFF8000  }
0x734: {  	[tilespmem:s20], [sflag:$0x2] =	stream.linear.gather [hbm4b:s10+s8], $0x8000, $0x38;
	[tilespmem:$0x1D100] =	vst v63  }
0x735: {  	_ =	swait.ge [sflag:s26], $0x8000  }
0x736: {  	[sflag:s26] =	ssyncset.done $0x0  }
0x737: {  	s11 =	sadd.s32 s0, s13;
	[sflag:s26] =	ssyncadd.s32 $0xFFFF8000  }
0x738: {  	[hbm4b:s11+s8] =	stream.linear.scatter [tilespmem:s21], [sflag:$0x6], $0x8000, $0x38;
	[tilespmem:$0x1D100] =	vst v63  }
0x739: {  	_ =	swait.ge [sflag:s28], $0x8000  }
0x73a: {  	s12 =	sld [smem:$0x7FA]  }
0x73b: {  	[sflag:s28] =	ssyncset.done $0x0  }
0x73c: {  	[sflag:s28] =	ssyncadd.s32 $0xFFFF8000  }
0x73d: {  	[tilespmem:s21], [sflag:$0x3] =	stream.linear.gather [hbm4b:s12+s8], $0x8000, $0x38;
	[tilespmem:$0x1D100] =	vst v63  }
0x73e: {  	_ =	swait.ge [sflag:s22], $0x8000  }
0x73f: {  	[sflag:s22] =	ssyncset.done $0x0  }
0x740: {  	s13 =	sadd.s32 s0, s14;
	[sflag:s22] =	ssyncadd.s32 $0xFFFF8000  }
0x741: {  	[hbm4b:s13+s8] =	stream.linear.scatter [tilespmem:s19], [sflag:$0x4], $0x8000, $0x38;
	[tilespmem:$0x1D100] =	vst v63  }
0x742: {  	_ =	swait.ge [sflag:s23], $0x8000  }
0x743: {  	s14 =	sld [smem:$0x7FB]  }
0x744: {  	[sflag:s23] =	ssyncset.done $0x0  }
0x745: {  	[sflag:s23] =	ssyncadd.s32 $0xFFFF8000  }
0x746: {  	[tilespmem:s19], [sflag:$0x1] =	stream.linear.gather [hbm4b:s14+s8], $0x8000, $0x38;
	[tilespmem:$0x1D100] =	vst v63  }
0x747: {  	_ =	swait.ge [sflag:s24], $0x8000  }
0x748: {  	[sflag:s24] =	ssyncset.done $0x0  }
0x749: {  	s15 =	sadd.s32 s0, s15;
	[sflag:s24] =	ssyncadd.s32 $0xFFFF8000  }
0x74a: {  	[hbm4b:s15+s8] =	stream.linear.scatter [tilespmem:s20], [sflag:$0x5], $0x8000, $0x38;
	[tilespmem:$0x1D100] =	vst v63  }
0x74b: {  	_ =	swait.ge [sflag:s25], $0x8000  }
0x74c: {  	s29 =	sld [smem:$0x7FD]  }
0x74d: {  	[sflag:s25] =	ssyncset.done $0x0  }
0x74e: {  	[sflag:s25] =	ssyncadd.s32 $0xFFFF8000  }
0x74f: {  	[tilespmem:s20], [sflag:$0x2] =	stream.linear.gather [hbm4b:s29+s8], $0x8000, $0x38;
	[tilespmem:$0x1D100] =	vst v63  }
0x750: {  	_ =	swait.ge [sflag:s26], $0x8000  }
0x751: {  	[sflag:s26] =	ssyncset.done $0x0  }
0x752: {  	s30 =	sadd.s32 s0, s16;
	[sflag:s26] =	ssyncadd.s32 $0xFFFF8000  }
0x753: {  	[hbm4b:s30+s8] =	stream.linear.scatter [tilespmem:s21], [sflag:$0x6], $0x8000, $0x38;
	[tilespmem:$0x1D100] =	vst v63  }
0x754: {  	_ =	swait.ge [sflag:s22], $0x8000  }
0x755: {  	[sflag:s22] =	ssyncset.done $0x0  }
0x756: {  	s31 =	sadd.s32 s0, s17;
	[sflag:s22] =	ssyncadd.s32 $0xFFFF8000  }
0x757: {  	[hbm4b:s31+s8] =	stream.linear.scatter [tilespmem:s19], [sflag:$0x4], $0x8000, $0x38;
	[tilespmem:$0x1D100] =	vst v63  }
0x758: {  	_ =	swait.ge [sflag:s24], $0x8000  }
0x759: {  	[sflag:s24] =	ssyncset.done $0x0  }
0x75a: {  	s0 =	sadd.s32 s0, s18;
	[sflag:s24] =	ssyncadd.s32 $0xFFFF8000  }
0x75b: {  	[hbm4b:s0+s8] =	stream.linear.scatter [tilespmem:s20], [sflag:$0x5], $0x8000, $0x38;
	[tilespmem:$0x1D100] =	vst v63  }
0x75c: {  	_ =	swait.ge [sflag:s28], $0x8000  }
0x75d: {  	[sflag:s28] =	ssyncset.done $0x0  }
0x75e: {  	[sflag:s28] =	ssyncadd.s32 $0xFFFF8000  }
0x75f: {  	_ =	swait.ge [sflag:s23], $0x8000  }
0x760: {  	[sflag:s23] =	ssyncset.done $0x0  }
0x761: {  	[sflag:s23] =	ssyncadd.s32 $0xFFFF8000  }
0x762: {  	_ =	swait.ge [sflag:s25], $0x8000  }
0x763: {  	s5 =	sld [smem:$0x7C5]  }
0x764: {  	[sflag:s25] =	ssyncset.done $0x0  }
0x765: {  	[sflag:s25] =	ssyncadd.s32 $0xFFFF8000  }
0x766: {  	s3 =	rddreg [dreg:$0x0];
	p0 =	slt.s32 s5, $0x1  }
0x767: {  	s0 =	simm.s32 @!p0 $0x80;
	s1 =	simm.s32 @!p0 $0x100;
	s2 =	simm.s32 @!p0 $0x1100  }
0x768: {  	[tilespmem:s2], [sflag:$0x7] =	stream.indirect.gather @!p0 [hbm4b:s3+s0], $0x80, s1, s0, $0xb8;
	[tilespmem:$0x1D100] =	vst v63  }
0x769: {  	s1 =	simm.s32 @!p0 $0x7  }
0x76a: {  	_ =	swait.ge @!p0 [sflag:s1], $0x4000  }
0x76b: {  	[sflag:s1] =	ssyncset.done @!p0 $0x0  }
0x76c: {  	[sflag:s1] =	ssyncadd.s32 @!p0 $0xFFFFC000;
	s1 =	simm.s32 @!p0 $0x900  }
0x76d: {  	[hbm4b:s4+s0] =	stream.indirect.scatter @!p0 [tilespmem:s2], [sflag:$0x8], $0x80, s1, s0, $0xb8;
	[tilespmem:$0x1D100] =	vst v63  }
0x76e: {  	s0 =	simm.s32 @!p0 $0x8  }
0x76f: {  	_ =	swait.ge @!p0 [sflag:s0], $0x4000  }
0x770: {  	p1 =	slt.u32 @!p0 s5, $0x81;
	[sflag:s0] =	ssyncset.done @!p0 $0x0  }
0x771: {  	[sflag:s0] =	ssyncadd.s32 @!p0 $0xFFFFC000;
	p0 =	por p0, p1  }
0x772: {  	s0 =	simm.s32 @!p0 $0x80;
	s1 =	simm.s32 @!p0 $0x180;
	s2 =	simm.s32 @!p0 $0x1100  }
0x773: {  	[tilespmem:s2], [sflag:$0x7] =	stream.indirect.gather @!p0 [hbm4b:s3+s0], $0x80, s1, s0, $0xb8;
	[tilespmem:$0x1D100] =	vst v63  }
0x774: {  	s1 =	simm.s32 @!p0 $0x7  }
0x775: {  	_ =	swait.ge @!p0 [sflag:s1], $0x4000  }
0x776: {  	[sflag:s1] =	ssyncset.done @!p0 $0x0  }
0x777: {  	[sflag:s1] =	ssyncadd.s32 @!p0 $0xFFFFC000;
	s1 =	simm.s32 @!p0 $0x980  }
0x778: {  	[hbm4b:s4+s0] =	stream.indirect.scatter @!p0 [tilespmem:s2], [sflag:$0x8], $0x80, s1, s0, $0xb8;
	[tilespmem:$0x1D100] =	vst v63  }
0x779: {  	s0 =	simm.s32 @!p0 $0x8  }
0x77a: {  	_ =	swait.ge @!p0 [sflag:s0], $0x4000  }
0x77b: {  	p1 =	slt.u32 @!p0 s5, $0x101;
	[sflag:s0] =	ssyncset.done @!p0 $0x0  }
0x77c: {  	[sflag:s0] =	ssyncadd.s32 @!p0 $0xFFFFC000;
	p0 =	por p0, p1  }
0x77d: {  	s0 =	simm.s32 @!p0 $0x80;
	s1 =	simm.s32 @!p0 $0x200;
	s2 =	simm.s32 @!p0 $0x1100  }
0x77e: {  	[tilespmem:s2], [sflag:$0x7] =	stream.indirect.gather @!p0 [hbm4b:s3+s0], $0x80, s1, s0, $0xb8;
	[tilespmem:$0x1D100] =	vst v63  }
0x77f: {  	s1 =	simm.s32 @!p0 $0x7  }
0x780: {  	_ =	swait.ge @!p0 [sflag:s1], $0x4000  }
0x781: {  	[sflag:s1] =	ssyncset.done @!p0 $0x0  }
0x782: {  	[sflag:s1] =	ssyncadd.s32 @!p0 $0xFFFFC000;
	s1 =	simm.s32 @!p0 $0xA00  }
0x783: {  	[hbm4b:s4+s0] =	stream.indirect.scatter @!p0 [tilespmem:s2], [sflag:$0x8], $0x80, s1, s0, $0xb8;
	[tilespmem:$0x1D100] =	vst v63  }
0x784: {  	s0 =	simm.s32 @!p0 $0x8  }
0x785: {  	_ =	swait.ge @!p0 [sflag:s0], $0x4000  }
0x786: {  	p1 =	slt.u32 @!p0 s5, $0x181;
	[sflag:s0] =	ssyncset.done @!p0 $0x0  }
0x787: {  	[sflag:s0] =	ssyncadd.s32 @!p0 $0xFFFFC000;
	p0 =	por p0, p1  }
0x788: {  	s0 =	simm.s32 @!p0 $0x80;
	s1 =	simm.s32 @!p0 $0x280;
	s2 =	simm.s32 @!p0 $0x1100  }
0x789: {  	[tilespmem:s2], [sflag:$0x7] =	stream.indirect.gather @!p0 [hbm4b:s3+s0], $0x80, s1, s0, $0xb8;
	[tilespmem:$0x1D100] =	vst v63  }
0x78a: {  	s1 =	simm.s32 @!p0 $0x7  }
0x78b: {  	_ =	swait.ge @!p0 [sflag:s1], $0x4000  }
0x78c: {  	p1 =	slt.u32 @!p0 s5, $0x201;
	[sflag:s1] =	ssyncset.done @!p0 $0x0  }
0x78d: {  	p1 =	por p0, p1;
	[sflag:s1] =	ssyncadd.s32 @!p0 $0xFFFFC000;
	s1 =	simm.s32 @!p0 $0xA80  }
0x78e: {  	[hbm4b:s4+s0] =	stream.indirect.scatter @!p0 [tilespmem:s2], [sflag:$0x8], $0x80, s1, s0, $0xb8;
	[tilespmem:$0x1D100] =	vst v63  }
.Ltmp4:
0x78f: {  	_ = 	snop;
	(pc) =	sbr.rel @p1 .LBB2_7-.Ltmp4, $4  }
0x790: {  	s0 =	simm.s32 @!p0 $0x8  }
0x791: {  	_ =	swait.ge @!p0 [sflag:s0], $0x4000  }
0x792: {  	[sflag:s0] =	ssyncset.done @!p0 $0x0  }
0x793: {  	[sflag:s0] =	ssyncadd.s32 @!p0 $0xFFFFC000  }
0x794: {  	s0 =	simm.s32 $0x80  }
0x795: {  	s1 =	simm.s32 $0x300;
	s2 =	simm.s32 $0x1100;
	s29 =	simm.s32 $0x7  }
0x796: {  	[tilespmem:s2], [sflag:$0x7] =	stream.indirect.gather [hbm4b:s3+s0], $0x80, s1, s0, $0xb8;
	[tilespmem:$0x1D100] =	vst v63  }
0x797: {  	_ =	swait.ge [sflag:s29], $0x4000  }
0x798: {  	[sflag:s29] =	ssyncset.done $0x0  }
0x799: {  	s30 =	simm.s32 $0xB00;
	s31 =	simm.s32 $0x8;
	[sflag:s29] =	ssyncadd.s32 $0xFFFFC000  }
0x79a: {  	[hbm4b:s4+s0] =	stream.indirect.scatter [tilespmem:s2], [sflag:$0x8], $0x80, s30, s0, $0xb8;
	[tilespmem:$0x1D100] =	vst v63  }
0x79b: {  	p0 =	slt.u32 s5, $0x281;
	_ =	swait.ge [sflag:s31], $0x4000  }
0x79c: {  	s1 =	simm.s32 @!p0 $0x380;
	[sflag:s31] =	ssyncset.done $0x0  }
0x79d: {  	s0 =	simm.s32 @!p0 $0x80;
	s2 =	simm.s32 @!p0 $0x1100;
	[sflag:s31] =	ssyncadd.s32 $0xFFFFC000  }
0x79e: {  	[tilespmem:s2], [sflag:$0x7] =	stream.indirect.gather @!p0 [hbm4b:s3+s0], $0x80, s1, s0, $0xb8;
	[tilespmem:$0x1D100] =	vst v63  }
0x79f: {  	s1 =	simm.s32 @!p0 $0x7  }
0x7a0: {  	_ =	swait.ge @!p0 [sflag:s1], $0x4000  }
0x7a1: {  	[sflag:s1] =	ssyncset.done @!p0 $0x0  }
0x7a2: {  	[sflag:s1] =	ssyncadd.s32 @!p0 $0xFFFFC000;
	s1 =	simm.s32 @!p0 $0xB80  }
0x7a3: {  	[hbm4b:s4+s0] =	stream.indirect.scatter @!p0 [tilespmem:s2], [sflag:$0x8], $0x80, s1, s0, $0xb8;
	[tilespmem:$0x1D100] =	vst v63  }
0x7a4: {  	p1 =	slt.u32 @!p0 s5, $0x301;
	s0 =	simm.s32 @!p0 $0x8  }
0x7a5: {  	p2 =	por p1, p0;
	_ =	swait.ge @!p0 [sflag:s0], $0x4000  }
0x7a6: {  	s1 =	simm.s32 @!p2 $0x400;
	[sflag:s0] =	ssyncset.done @!p0 $0x0  }
0x7a7: {  	s2 =	simm.s32 @!p2 $0x1100;
	[sflag:s0] =	ssyncadd.s32 @!p0 $0xFFFFC000;
	s0 =	simm.s32 @!p2 $0x80  }
0x7a8: {  	[tilespmem:s2], [sflag:$0x7] =	stream.indirect.gather @!p2 [hbm4b:s3+s0], $0x80, s1, s0, $0xb8;
	[tilespmem:$0x1D100] =	vst v63  }
0x7a9: {  	s1 =	simm.s32 @!p2 $0x7  }
0x7aa: {  	_ =	swait.ge @!p2 [sflag:s1], $0x4000  }
0x7ab: {  	[sflag:s1] =	ssyncset.done @!p2 $0x0  }
0x7ac: {  	p3 =	slt.u32 @!p2 s5, $0x381;
	[sflag:s1] =	ssyncadd.s32 @!p2 $0xFFFFC000;
	s1 =	simm.s32 @!p2 $0xC00  }
0x7ad: {  	[hbm4b:s4+s0] =	stream.indirect.scatter @!p2 [tilespmem:s2], [sflag:$0x8], $0x80, s1, s0, $0xb8;
	[tilespmem:$0x1D100] =	vst v63  }
0x7ae: {  	p1 =	por @!p0 p3, p1;
	s0 =	simm.s32 @!p2 $0x8  }
0x7af: {  	p0 =	por p1, p0;
	_ =	swait.ge @!p2 [sflag:s0], $0x4000  }
0x7b0: {  	s1 =	simm.s32 @!p0 $0x480;
	[sflag:s0] =	ssyncset.done @!p2 $0x0  }
0x7b1: {  	s2 =	simm.s32 @!p0 $0x1100;
	[sflag:s0] =	ssyncadd.s32 @!p2 $0xFFFFC000;
	s0 =	simm.s32 @!p0 $0x80  }
0x7b2: {  	[tilespmem:s2], [sflag:$0x7] =	stream.indirect.gather @!p0 [hbm4b:s3+s0], $0x80, s1, s0, $0xb8;
	[tilespmem:$0x1D100] =	vst v63  }
0x7b3: {  	s1 =	simm.s32 @!p0 $0x7  }
0x7b4: {  	_ =	swait.ge @!p0 [sflag:s1], $0x4000  }
0x7b5: {  	[sflag:s1] =	ssyncset.done @!p0 $0x0  }
0x7b6: {  	[sflag:s1] =	ssyncadd.s32 @!p0 $0xFFFFC000;
	s1 =	simm.s32 @!p0 $0xC80  }
0x7b7: {  	[hbm4b:s4+s0] =	stream.indirect.scatter @!p0 [tilespmem:s2], [sflag:$0x8], $0x80, s1, s0, $0xb8;
	[tilespmem:$0x1D100] =	vst v63  }
0x7b8: {  	s0 =	simm.s32 @!p0 $0x8  }
0x7b9: {  	_ =	swait.ge @!p0 [sflag:s0], $0x4000  }
0x7ba: {  	[sflag:s0] =	ssyncset.done @!p0 $0x0  }
0x7bb: {  	[sflag:s0] =	ssyncadd.s32 @!p0 $0xFFFFC000  }
.LBB2_7:
0x7bc: {  	s6 =	sld [smem:$0x724];
	_ =	sdelay $0x2  }
0x7bd: {  	p0 =	slt.s32 s6, $0x1  }
0x7be: {  	s0 =	simm.s32 @!p0 $0x80;
	s1 =	simm.s32 @!p0 $0x500;
	s2 =	simm.s32 @!p0 $0x1100  }
0x7bf: {  	[tilespmem:s2], [sflag:$0x7] =	stream.indirect.gather @!p0 [hbm4b:s3+s0], $0x80, s1, s0, $0xb8;
	[tilespmem:$0x1D100] =	vst v63  }
0x7c0: {  	s1 =	simm.s32 @!p0 $0x7  }
0x7c1: {  	_ =	swait.ge @!p0 [sflag:s1], $0x4000  }
0x7c2: {  	[sflag:s1] =	ssyncset.done @!p0 $0x0  }
0x7c3: {  	[sflag:s1] =	ssyncadd.s32 @!p0 $0xFFFFC000;
	s1 =	simm.s32 @!p0 $0xD00  }
0x7c4: {  	[hbm4b:s4+s0] =	stream.indirect.scatter @!p0 [tilespmem:s2], [sflag:$0x8], $0x80, s1, s0, $0xb8;
	[tilespmem:$0x1D100] =	vst v63  }
0x7c5: {  	s0 =	simm.s32 @!p0 $0x8  }
0x7c6: {  	_ =	swait.ge @!p0 [sflag:s0], $0x4000  }
0x7c7: {  	p1 =	slt.u32 @!p0 s6, $0x81;
	[sflag:s0] =	ssyncset.done @!p0 $0x0  }
0x7c8: {  	[sflag:s0] =	ssyncadd.s32 @!p0 $0xFFFFC000;
	p0 =	por p0, p1  }
0x7c9: {  	s0 =	simm.s32 @!p0 $0x80;
	s1 =	simm.s32 @!p0 $0x580;
	s2 =	simm.s32 @!p0 $0x1100  }
0x7ca: {  	[tilespmem:s2], [sflag:$0x7] =	stream.indirect.gather @!p0 [hbm4b:s3+s0], $0x80, s1, s0, $0xb8;
	[tilespmem:$0x1D100] =	vst v63  }
0x7cb: {  	s1 =	simm.s32 @!p0 $0x7  }
0x7cc: {  	_ =	swait.ge @!p0 [sflag:s1], $0x4000  }
0x7cd: {  	[sflag:s1] =	ssyncset.done @!p0 $0x0  }
0x7ce: {  	[sflag:s1] =	ssyncadd.s32 @!p0 $0xFFFFC000;
	s1 =	simm.s32 @!p0 $0xD80  }
0x7cf: {  	[hbm4b:s4+s0] =	stream.indirect.scatter @!p0 [tilespmem:s2], [sflag:$0x8], $0x80, s1, s0, $0xb8;
	[tilespmem:$0x1D100] =	vst v63  }
0x7d0: {  	s0 =	simm.s32 @!p0 $0x8  }
0x7d1: {  	_ =	swait.ge @!p0 [sflag:s0], $0x4000  }
0x7d2: {  	p1 =	slt.u32 @!p0 s6, $0x101;
	[sflag:s0] =	ssyncset.done @!p0 $0x0  }
0x7d3: {  	[sflag:s0] =	ssyncadd.s32 @!p0 $0xFFFFC000;
	p0 =	por p0, p1  }
0x7d4: {  	s0 =	simm.s32 @!p0 $0x80;
	s1 =	simm.s32 @!p0 $0x600;
	s2 =	simm.s32 @!p0 $0x1100  }
0x7d5: {  	[tilespmem:s2], [sflag:$0x7] =	stream.indirect.gather @!p0 [hbm4b:s3+s0], $0x80, s1, s0, $0xb8;
	[tilespmem:$0x1D100] =	vst v63  }
0x7d6: {  	s1 =	simm.s32 @!p0 $0x7  }
0x7d7: {  	_ =	swait.ge @!p0 [sflag:s1], $0x4000  }
0x7d8: {  	[sflag:s1] =	ssyncset.done @!p0 $0x0  }
0x7d9: {  	[sflag:s1] =	ssyncadd.s32 @!p0 $0xFFFFC000;
	s1 =	simm.s32 @!p0 $0xE00  }
0x7da: {  	[hbm4b:s4+s0] =	stream.indirect.scatter @!p0 [tilespmem:s2], [sflag:$0x8], $0x80, s1, s0, $0xb8;
	[tilespmem:$0x1D100] =	vst v63  }
0x7db: {  	s0 =	simm.s32 @!p0 $0x8  }
0x7dc: {  	_ =	swait.ge @!p0 [sflag:s0], $0x4000  }
0x7dd: {  	p1 =	slt.u32 @!p0 s6, $0x181;
	[sflag:s0] =	ssyncset.done @!p0 $0x0  }
0x7de: {  	[sflag:s0] =	ssyncadd.s32 @!p0 $0xFFFFC000;
	p0 =	por p0, p1  }
0x7df: {  	s0 =	simm.s32 @!p0 $0x80;
	s1 =	simm.s32 @!p0 $0x680;
	s2 =	simm.s32 @!p0 $0x1100  }
0x7e0: {  	[tilespmem:s2], [sflag:$0x7] =	stream.indirect.gather @!p0 [hbm4b:s3+s0], $0x80, s1, s0, $0xb8;
	[tilespmem:$0x1D100] =	vst v63  }
0x7e1: {  	s1 =	simm.s32 @!p0 $0x7  }
0x7e2: {  	_ =	swait.ge @!p0 [sflag:s1], $0x4000  }
0x7e3: {  	p1 =	slt.u32 @!p0 s6, $0x201;
	[sflag:s1] =	ssyncset.done @!p0 $0x0  }
0x7e4: {  	p1 =	por p0, p1;
	[sflag:s1] =	ssyncadd.s32 @!p0 $0xFFFFC000;
	s1 =	simm.s32 @!p0 $0xE80  }
0x7e5: {  	[hbm4b:s4+s0] =	stream.indirect.scatter @!p0 [tilespmem:s2], [sflag:$0x8], $0x80, s1, s0, $0xb8;
	[tilespmem:$0x1D100] =	vst v63  }
.Ltmp5:
0x7e6: {  	_ = 	snop;
	(pc) =	sbr.rel @p1 .LBB2_9-.Ltmp5, $4  }
0x7e7: {  	s0 =	simm.s32 @!p0 $0x8  }
0x7e8: {  	_ =	swait.ge @!p0 [sflag:s0], $0x4000  }
0x7e9: {  	[sflag:s0] =	ssyncset.done @!p0 $0x0  }
0x7ea: {  	s5 =	sld [smem:$0x781];
	[sflag:s0] =	ssyncadd.s32 @!p0 $0xFFFFC000  }
0x7eb: {  	s0 =	simm.s32 $0x80  }
0x7ec: {  	s1 =	simm.s32 $0x1100;
	s2 =	simm.s32 $0x700;
	s29 =	simm.s32 $0x7  }
0x7ed: {  	[tilespmem:s1], [sflag:$0x7] =	stream.indirect.gather [hbm4b:s3+s0], $0x80, s2, s0, $0xb8;
	[tilespmem:$0x1D100] =	vst v63  }
0x7ee: {  	_ =	swait.ge [sflag:s29], $0x4000  }
0x7ef: {  	[sflag:s29] =	ssyncset.done $0x0  }
0x7f0: {  	s30 =	simm.s32 $0xF00;
	s31 =	simm.s32 $0x8;
	[sflag:s29] =	ssyncadd.s32 $0xFFFFC000  }
0x7f1: {  	[hbm4b:s4+s0] =	stream.indirect.scatter [tilespmem:s1], [sflag:$0x8], $0x80, s30, s0, $0xb8;
	[tilespmem:$0x1D100] =	vst v63  }
0x7f2: {  	p0 =	slt.u32 s6, $0x281;
	_ =	swait.ge [sflag:s31], $0x4000  }
0x7f3: {  	s2 =	simm.s32 @!p0 $0x1100;
	[sflag:s31] =	ssyncset.done $0x0  }
0x7f4: {  	s0 =	simm.s32 @!p0 $0x80;
	s1 =	simm.s32 @!p0 $0x780;
	[sflag:s31] =	ssyncadd.s32 $0xFFFFC000  }
0x7f5: {  	[tilespmem:s2], [sflag:$0x7] =	stream.indirect.gather @!p0 [hbm4b:s3+s0], $0x80, s1, s0, $0xb8;
	[tilespmem:$0x1D100] =	vst v63  }
0x7f6: {  	s1 =	simm.s32 @!p0 $0x7  }
0x7f7: {  	_ =	swait.ge @!p0 [sflag:s1], $0x4000  }
0x7f8: {  	[sflag:s1] =	ssyncset.done @!p0 $0x0  }
0x7f9: {  	[sflag:s1] =	ssyncadd.s32 @!p0 $0xFFFFC000;
	s1 =	simm.s32 @!p0 $0xF80  }
0x7fa: {  	[hbm4b:s4+s0] =	stream.indirect.scatter @!p0 [tilespmem:s2], [sflag:$0x8], $0x80, s1, s0, $0xb8;
	[tilespmem:$0x1D100] =	vst v63  }
0x7fb: {  	p1 =	slt.u32 @!p0 s6, $0x301;
	s0 =	simm.s32 @!p0 $0x8  }
0x7fc: {  	p2 =	por p1, p0;
	_ =	swait.ge @!p0 [sflag:s0], $0x4000  }
0x7fd: {  	s1 =	simm.s32 @!p2 $0x800;
	[sflag:s0] =	ssyncset.done @!p0 $0x0  }
0x7fe: {  	s2 =	simm.s32 @!p2 $0x1100;
	[sflag:s0] =	ssyncadd.s32 @!p0 $0xFFFFC000;
	s0 =	simm.s32 @!p2 $0x80  }
0x7ff: {  	[tilespmem:s2], [sflag:$0x7] =	stream.indirect.gather @!p2 [hbm4b:s3+s0], $0x80, s1, s0, $0xb8;
	[tilespmem:$0x1D100] =	vst v63  }
0x800: {  	s1 =	simm.s32 @!p2 $0x7  }
0x801: {  	_ =	swait.ge @!p2 [sflag:s1], $0x4000  }
0x802: {  	[sflag:s1] =	ssyncset.done @!p2 $0x0  }
0x803: {  	p3 =	slt.u32 @!p2 s6, $0x381;
	[sflag:s1] =	ssyncadd.s32 @!p2 $0xFFFFC000;
	s1 =	simm.s32 @!p2 $0x1000  }
0x804: {  	[hbm4b:s4+s0] =	stream.indirect.scatter @!p2 [tilespmem:s2], [sflag:$0x8], $0x80, s1, s0, $0xb8;
	[tilespmem:$0x1D100] =	vst v63  }
0x805: {  	p1 =	por @!p0 p3, p1;
	s0 =	simm.s32 @!p2 $0x8  }
0x806: {  	p0 =	por p1, p0;
	_ =	swait.ge @!p2 [sflag:s0], $0x4000  }
0x807: {  	s1 =	simm.s32 @!p0 $0x880;
	[sflag:s0] =	ssyncset.done @!p2 $0x0  }
0x808: {  	s2 =	simm.s32 @!p0 $0x1100;
	[sflag:s0] =	ssyncadd.s32 @!p2 $0xFFFFC000;
	s0 =	simm.s32 @!p0 $0x80  }
0x809: {  	[tilespmem:s2], [sflag:$0x7] =	stream.indirect.gather @!p0 [hbm4b:s3+s0], $0x80, s1, s0, $0xb8;
	[tilespmem:$0x1D100] =	vst v63  }
0x80a: {  	s1 =	simm.s32 @!p0 $0x7  }
0x80b: {  	_ =	swait.ge @!p0 [sflag:s1], $0x4000  }
0x80c: {  	[sflag:s1] =	ssyncset.done @!p0 $0x0  }
0x80d: {  	[sflag:s1] =	ssyncadd.s32 @!p0 $0xFFFFC000;
	s1 =	simm.s32 @!p0 $0x1080  }
0x80e: {  	[hbm4b:s4+s0] =	stream.indirect.scatter @!p0 [tilespmem:s2], [sflag:$0x8], $0x80, s1, s0, $0xb8;
	[tilespmem:$0x1D100] =	vst v63  }
.Ltmp6:
0x80f: {  	_ = 	snop;
	(pc) =	sbr.rel .LBB2_9-.Ltmp6, $4  }
0x810: {  	s0 =	simm.s32 @!p0 $0x8  }
0x811: {  	_ =	swait.ge @!p0 [sflag:s0], $0x4000  }
0x812: {  	[sflag:s0] =	ssyncset.done @!p0 $0x0  }
0x813: {  	[sflag:s0] =	ssyncadd.s32 @!p0 $0xFFFFC000  }
.LBB2_10:
0x814: {  	_ =	sfence.sel $0x180000  }
0x815: {  	[bflag:$0x0] =	sbarrier.arrive $0xFFFF  }
0x816: {  	_ =	strace $0x90000047  }
0x817: {  	s0 =	stileid.u32;
	[bflag:$0x2] =	sbarrier.arrive $0xFFFF  }
0x818: {  	p0 =	sne.s32 s0, $0x0;
	s0 =	rddreg [dreg:$0x4]  }
0x819: {  	s0 =	sadd.s32 @!p0 $0x100000, s0  }
0x81a: {  	[sflag:s0] =	ssyncadd.tile.s32 @!p0 $0x1;
	_ =	shalt  }
.Lfunc_end2:
_tile_overlayer_lowered:
.L_overlay_start_2:
0x81b: {  	(tag) =	ssettag $0x2  }
0x81c: {  	s0 =	rddreg [dreg:$0x0];
	s2 =	stileid.u32  }
0x81d: {  	s1 =	rddreg [dreg:$0x1];
	p0 =	sne.s32 s2, $0x0  }
0x81e: {  	s3 =	rddreg [dreg:$0x2];
	[bflag:$0x3] =	sbarrier.arrive $0xFFFF;
	s2 =	simm.s32 @!p0 $0x1C09  }
0x81f: {  	[timem:s3], [sflag:s2] =	dma.local @!p0 [hbm:s0], s1  }
0x820: {  	s0 =	simm.s32 @!p0 $0x9  }
0x821: {  	_ =	swait.ge @!p0 [sflag:s0], s1  }
0x822: {  	s1 =	ssub.s32 @!p0 $0x0, s1;
	[sflag:s0] =	ssyncset.done @!p0 $0x0  }
0x823: {  	[sflag:s0] =	ssyncadd.s32 @!p0 s1  }
0x824: {  	[bflag:$0x3] =	sbarrier.arrive $0xFFFF  }
0x825: {  	_ =	shalt  }

</sc_bundles>
